<compile_context>
chip_gen: v7x
topology: tpu7x:2x2x1
jax: 0.10.2.dev20260603
libtpu: 0.0.44.dev20260713+nightly
codegen_flags: <defaults>
</compile_context>

<pallas_src>
import functools

import jax
import jax.numpy as jnp
from jax import lax
from jax.experimental import pallas as pl
from jax.experimental.pallas import tpu as pltpu
from jax.experimental.pallas import tpu_sc as plsc

N = 10000
E = 320000
D_IN, D_HID, D_OUT = 128, 64, 16

NC, NS = 2, 16
NW = NC * NS
KB = 128
EPAD = 7680
EP = E + EPAD
KN = EP // (NW * KB)
DFL = 40
NDUMP = 8
RPT = N // NS
IOCH = (KB, KB, KB, KB, RPT - 4 * KB)


def _mesh():
    return plsc.VectorSubcoreMesh(
        core_axis_name="c", subcore_axis_name="s",
        num_cores=NC, num_subcores=NS)


_SC_PARAMS = pltpu.CompilerParams(use_tc_tiling_on_sc=False)



def _deg_body(dst_hbm, out_hbm, acc, dst_v, ones_v, obuf, dsem):
    cid = lax.axis_index("c")
    sid = lax.axis_index("s")
    wid = sid * NC + cid

    def zfill(i, c):
        obuf[pl.ds(i * 16, 16)] = jnp.zeros((16,), jnp.float32)
        return c
    lax.fori_loop(0, 1000 // 16 + 1, zfill, 0)

    @pl.when(sid < 10)
    def _init():
        pltpu.sync_copy(obuf.at[pl.ds(0, 1000)],
                        acc.at[pl.ds(sid * 1000, 1000)])

    for i in range(KB // 16):
        ones_v[pl.ds(i * 16, 16)] = jnp.ones((16,), jnp.float32)
    plsc.subcore_barrier()

    pltpu.sync_copy(dst_hbm.at[1, wid], dst_v)
    ones = ones_v

    def group(g, c):
        for i in range(DFL):
            pltpu.async_copy(ones, acc.at[dst_v.at[g * DFL + i]],
                             dsem, add=True)
        for i in range(DFL):
            pltpu.make_async_copy(
                ones, acc.at[dst_v.at[g * DFL + i]], dsem).wait()
        return c
    lax.fori_loop(0, KN // DFL, group, 0)
    plsc.subcore_barrier()

    @pl.when(sid < 10)
    def _out():
        pltpu.sync_copy(acc.at[pl.ds(sid * 1000, 1000)],
                        obuf.at[pl.ds(0, 1000)])
        pltpu.sync_copy(obuf.at[pl.ds(0, 1000)],
                        out_hbm.at[pl.ds(cid * N + sid * 1000, 1000)])


_deg = functools.partial(
    pl.kernel,
    out_type=jax.ShapeDtypeStruct((NC * N,), jnp.float32),
    mesh=_mesh(),
    compiler_params=_SC_PARAMS,
    scratch_types=[
        pltpu.VMEM_SHARED((N + NDUMP,), jnp.float32),
        pltpu.VMEM((KN, KB), jnp.int32),
        pltpu.VMEM((KB,), jnp.float32),
        pltpu.VMEM((1008,), jnp.float32),
        pltpu.SemaphoreType.DMA,
    ])(_deg_body)



def _make_agg_body(NBUF, H):
    NG = KN // NBUF

    def _agg_body(h_hbm, e_hbm, out_hbm, acc, src_v, dst_v, *ring):
        rows = ring[:NBUF]
        gsem = ring[NBUF:2 * NBUF]
        ssem = ring[2 * NBUF:3 * NBUF]
        cid = lax.axis_index("c")
        sid = lax.axis_index("s")
        wid = sid * NC + cid
        d = rows[0].shape[1]

        def zfill(i, c):
            for j in range(d // 16):
                rows[0][i, pl.ds(j * 16, 16)] = jnp.zeros((16,), jnp.float32)
            return c
        lax.fori_loop(0, KB, zfill, 0)
        r0 = sid * RPT
        for ch in IOCH:
            pltpu.sync_copy(rows[0].at[pl.ds(0, ch)], acc.at[pl.ds(r0, ch)])
            r0 = r0 + ch
        plsc.subcore_barrier()

        pltpu.sync_copy(e_hbm.at[0, wid], src_v)
        pltpu.sync_copy(e_hbm.at[1, wid], dst_v)

        for b in range(H):
            pltpu.async_copy(h_hbm.at[src_v.at[b]], rows[b], gsem[b])

        def group(g, c):
            for b in range(NBUF):
                j = g * NBUF + b
                pltpu.make_async_copy(
                    h_hbm.at[src_v.at[j]], rows[b], gsem[b]).wait()
                pltpu.async_copy(rows[b], acc.at[dst_v.at[j]],
                                 ssem[b], add=True)
                h = (b + H) % NBUF
                jg = j + H

                @pl.when(jg < KN)
                def _prefetch(h=h, jg=jg):
                    @pl.when(jg >= NBUF)
                    def _wait_scatter():
                        pltpu.make_async_copy(
                            rows[h], acc.at[dst_v.at[jg - NBUF]],
                            ssem[h]).wait()
                    pltpu.async_copy(h_hbm.at[src_v.at[jg]], rows[h], gsem[h])
            return c
        lax.fori_loop(0, NG, group, 0)
        for b in range(NBUF):
            pltpu.make_async_copy(
                rows[b], acc.at[dst_v.at[KN - NBUF + b]], ssem[b]).wait()
        plsc.subcore_barrier()

        r1 = sid * RPT
        for k, ch in enumerate(IOCH):
            pltpu.sync_copy(acc.at[pl.ds(r1, ch)],
                            rows[k % NBUF].at[pl.ds(0, ch)])
            pltpu.sync_copy(rows[k % NBUF].at[pl.ds(0, ch)],
                            out_hbm.at[cid, pl.ds(r1, ch)])
            r1 = r1 + ch

    return _agg_body


def _make_agg(d, nbuf, h):
    return functools.partial(
        pl.kernel,
        out_type=jax.ShapeDtypeStruct((NC, N, d), jnp.float32),
        mesh=_mesh(),
        compiler_params=_SC_PARAMS,
        scratch_types=(
            [pltpu.VMEM_SHARED((N + NDUMP, d), jnp.float32),
             pltpu.VMEM((KN, KB), jnp.int32),
             pltpu.VMEM((KN, KB), jnp.int32)]
            + [pltpu.VMEM((KB, d), jnp.float32) for _ in range(nbuf)]
            + [pltpu.SemaphoreType.DMA for _ in range(2 * nbuf)]
        ))(_make_agg_body(nbuf, h))


_agg64 = _make_agg(D_HID, 8, 7)
_agg16 = _make_agg(D_OUT, 8, 7)



BR = 5000


def _tc1_body(x_ref, w_ref, deg_ref, h_ref, dinv_ref):
    dinv = lax.rsqrt(deg_ref[...] + 1.0)
    h = jnp.dot(x_ref[...], w_ref[...], preferred_element_type=jnp.float32)
    h_ref[...] = h * dinv
    dinv_ref[...] = dinv


_tc1 = pl.pallas_call(
    _tc1_body,
    grid=(N // BR,),
    in_specs=[pl.BlockSpec((BR, D_IN), lambda i: (i, 0)),
              pl.BlockSpec((D_IN, D_HID), lambda i: (0, 0)),
              pl.BlockSpec((BR, 1), lambda i: (i, 0))],
    out_specs=[pl.BlockSpec((BR, D_HID), lambda i: (i, 0)),
               pl.BlockSpec((BR, 1), lambda i: (i, 0))],
    out_shape=[jax.ShapeDtypeStruct((N, D_HID), jnp.float32),
               jax.ShapeDtypeStruct((N, 1), jnp.float32)])


def _tc_mid_body(p_ref, hp_ref, dinv_ref, b_ref, w_ref, out_ref):
    t = p_ref[0] + p_ref[1] + hp_ref[...]
    t = t * dinv_ref[...] + b_ref[...]
    t = jnp.maximum(t, 0.0)
    out_ref[...] = jnp.dot(
        t, w_ref[...], preferred_element_type=jnp.float32) * dinv_ref[...]


_tc_mid = pl.pallas_call(
    _tc_mid_body,
    grid=(N // BR,),
    in_specs=[pl.BlockSpec((NC, BR, D_HID), lambda i: (0, i, 0)),
              pl.BlockSpec((BR, D_HID), lambda i: (i, 0)),
              pl.BlockSpec((BR, 1), lambda i: (i, 0)),
              pl.BlockSpec((1, D_HID), lambda i: (0, 0)),
              pl.BlockSpec((D_HID, D_OUT), lambda i: (0, 0))],
    out_specs=pl.BlockSpec((BR, D_OUT), lambda i: (i, 0)),
    out_shape=jax.ShapeDtypeStruct((N, D_OUT), jnp.float32))


def _tc_out_body(p_ref, hp_ref, dinv_ref, b_ref, out_ref):
    t = (p_ref[0] + p_ref[1] + hp_ref[...]) * dinv_ref[...] + b_ref[...]
    m = jnp.max(t, axis=1, keepdims=True)
    e = jnp.exp(t - m)
    s = jnp.sum(e, axis=1, keepdims=True)
    out_ref[...] = (t - m) - jnp.log(s)


_tc_out = pl.pallas_call(
    _tc_out_body,
    grid=(N // BR,),
    in_specs=[pl.BlockSpec((NC, BR, D_OUT), lambda i: (0, i, 0)),
              pl.BlockSpec((BR, D_OUT), lambda i: (i, 0)),
              pl.BlockSpec((BR, 1), lambda i: (i, 0)),
              pl.BlockSpec((1, D_OUT), lambda i: (0, 0))],
    out_specs=pl.BlockSpec((BR, D_OUT), lambda i: (i, 0)),
    out_shape=jax.ShapeDtypeStruct((N, D_OUT), jnp.float32))



def kernel(x, edge_index, W1, b1, W2, b2):
    ei = edge_index.astype(jnp.int32)
    pad = jnp.arange(EPAD, dtype=jnp.int32)
    epad = jnp.stack([(pad * 8) % N, N + (pad % NDUMP)])
    eslab = jnp.concatenate([ei, epad], axis=1).reshape(2, NW, KN, KB)
    degp = _deg(eslab).reshape(NC, N)
    deg = (degp[0] + degp[1]).reshape(N, 1)
    h1p, dinv = _tc1(x, W1, deg)
    p1 = _agg64(h1p, eslab)
    h2p = _tc_mid(p1, h1p, dinv, b1.reshape(1, D_HID), W2)
    p2 = _agg16(h2p, eslab)
    return _tc_out(p2, h2p, dinv, b2.reshape(1, D_OUT))

# --- scband reference (transcript-rebuilt; emitter-appended) ---
"""Pipeline reference for scband-gcn-45655502357027 (READ-ONLY COPY).

The authoritative reference and input builder live on the scoring server;
editing this copy changes nothing except your own understanding.
"""

import jax, jax.numpy as jnp
import numpy as np

N_NODES = 10000
N_EDGES = 320000
D_IN = 128
D_HID = 64
D_OUT = 16


def _gcn_conv(x, edge_index, W, b):
    N = x.shape[0]
    src = edge_index[0]
    dst = edge_index[1]
    loop = jnp.arange(N, dtype=edge_index.dtype)
    src = jnp.concatenate([src, loop])
    dst = jnp.concatenate([dst, loop])
    deg = jnp.zeros((N,), dtype=x.dtype).at[dst].add(1.0)
    dinv = jnp.where(deg > 0, deg ** -0.5, 0.0)
    norm = dinv[src] * dinv[dst]
    h = x @ W
    msg = h[src] * norm[:, None]
    out = jnp.zeros((N, W.shape[1]), dtype=x.dtype).at[dst].add(msg)
    return out + b


def setup_inputs(seed: int = 0) -> dict:
    key = jax.random.key(seed)
    k1, k2, k3, k4, k5, k6 = jax.random.split(key, 6)
    x = jax.random.normal(k1, (N_NODES, D_IN), dtype=jnp.float32)
    edge_index = jax.random.randint(k2, (2, N_EDGES), 0, N_NODES, dtype=jnp.int64)
    W1 = jax.random.normal(k3, (D_IN, D_HID), dtype=jnp.float32) * 0.05
    b1 = jnp.zeros((D_HID,), dtype=jnp.float32)
    W2 = jax.random.normal(k4, (D_HID, D_OUT), dtype=jnp.float32) * 0.05
    b2 = jnp.zeros((D_OUT,), dtype=jnp.float32)
    return {"x": x, "edge_index": edge_index, "W1": W1, "b1": b1, "W2": W2, "b2": b2}


def reference(x, edge_index, W1, b1, W2, b2):
    h = _gcn_conv(x, edge_index, W1, b1)
    h = jax.nn.relu(h)
    # F.dropout with training=self.training; module is in eval mode -> identity
    h = _gcn_conv(h, edge_index, W2, b2)
    return jax.nn.log_softmax(h, axis=1)

if __name__ == "__main__":
    import jax
    _d = setup_inputs()
    print(jax.jit(kernel)(*tuple(_d.values())))

</pallas_src>

<mosaic_0001>
#map = affine_map<(d0, d1) -> (0, 0)>
#map1 = affine_map<(d0, d1) -> (0, 0, 0, 0)>
#map2 = affine_map<(d0, d1) -> (0, 0, 0)>
module attributes {stable_mosaic.version = 14 : i64} {
  func.func @_agg_body(%arg0: i32, %arg1: i32, %arg2: memref<10000x64xf32, #tpu.memory_space<hbm>>, %arg3: memref<2x32x80x128xi32, #tpu.memory_space<hbm>>, %arg4: memref<2x10000x64xf32, #tpu.memory_space<hbm>>, %arg5: memref<10008x64xf32, #tpu.memory_space<vmem_shared>>, %arg6: memref<80x128xi32, #tpu.memory_space<vmem>>, %arg7: memref<80x128xi32, #tpu.memory_space<vmem>>, %arg8: memref<128x64xf32, #tpu.memory_space<vmem>>, %arg9: memref<128x64xf32, #tpu.memory_space<vmem>>, %arg10: memref<128x64xf32, #tpu.memory_space<vmem>>, %arg11: memref<128x64xf32, #tpu.memory_space<vmem>>, %arg12: memref<128x64xf32, #tpu.memory_space<vmem>>, %arg13: memref<128x64xf32, #tpu.memory_space<vmem>>, %arg14: memref<128x64xf32, #tpu.memory_space<vmem>>, %arg15: memref<128x64xf32, #tpu.memory_space<vmem>>, %arg16: memref<!tpu.dma_semaphore, #tpu.memory_space<semaphore_mem>>, %arg17: memref<!tpu.dma_semaphore, #tpu.memory_space<semaphore_mem>>, %arg18: memref<!tpu.dma_semaphore, #tpu.memory_space<semaphore_mem>>, %arg19: memref<!tpu.dma_semaphore, #tpu.memory_space<semaphore_mem>>, %arg20: memref<!tpu.dma_semaphore, #tpu.memory_space<semaphore_mem>>, %arg21: memref<!tpu.dma_semaphore, #tpu.memory_space<semaphore_mem>>, %arg22: memref<!tpu.dma_semaphore, #tpu.memory_space<semaphore_mem>>, %arg23: memref<!tpu.dma_semaphore, #tpu.memory_space<semaphore_mem>>, %arg24: memref<!tpu.dma_semaphore, #tpu.memory_space<semaphore_mem>>, %arg25: memref<!tpu.dma_semaphore, #tpu.memory_space<semaphore_mem>>, %arg26: memref<!tpu.dma_semaphore, #tpu.memory_space<semaphore_mem>>, %arg27: memref<!tpu.dma_semaphore, #tpu.memory_space<semaphore_mem>>, %arg28: memref<!tpu.dma_semaphore, #tpu.memory_space<semaphore_mem>>, %arg29: memref<!tpu.dma_semaphore, #tpu.memory_space<semaphore_mem>>, %arg30: memref<!tpu.dma_semaphore, #tpu.memory_space<semaphore_mem>>, %arg31: memref<!tpu.dma_semaphore, #tpu.memory_space<semaphore_mem>>) attributes {dimension_semantics = [#tpu.dimension_semantics<core_parallel>, #tpu.dimension_semantics<subcore_parallel>], iteration_bounds = array<i64: 2, 16>, scalar_prefetch = 0 : i64, scratch_operands = 27 : i64, tpu.core_type = #tpu.core_type<sc_vector_subcore>, window_params = [{transform_indices = #map}, {transform_indices = #map1}, {transform_indices = #map2}]} {
    %mul3A = arith.constant 2 : i32
    %mul3A_0 = arith.muli %arg1, %mul3A : i32
    %add3A = arith.addi %mul3A_0, %arg0 : i32
    %scan3A = arith.constant 0 : i32
    %scan3A_1 = arith.constant 0 : i32
    %scan3A_2 = arith.constant 128 : i32
    %scan3A_3 = arith.addi %scan3A_1, %scan3A_2 : i32
    %scan3A_4 = arith.constant 1 : i32
    scf.for %scan3A_141 = %scan3A_1 to %scan3A_3 step %scan3A_4  : i32 {
      %broadcast_in_dim3A = arith.constant 0.000000e+00 : f32
      %broadcast_in_dim3A_142 = vector.broadcast %broadcast_in_dim3A : f32 to vector<16xf32>
      %swap3A = arith.index_cast %scan3A_141 : i32 to index
      %swap3A_143 = arith.constant 0 : index
      %swap3A_144 = tpu.vector_load %arg8[%swap3A, %swap3A_143] {strides = array<i32>} : memref<128x64xf32, #tpu.memory_space<vmem>>, vector<1x16xf32>,
      %swap3A_145 = vector.shape_cast %swap3A_144 : vector<1x16xf32> to vector<16xf32>
      %swap3A_146 = vector.shape_cast %broadcast_in_dim3A_142 : vector<16xf32> to vector<1x16xf32>
      tpu.vector_store %arg8[%swap3A, %swap3A_143], %swap3A_146 {strides = array<i32>} : memref<128x64xf32, #tpu.memory_space<vmem>>, vector<1x16xf32>,
      %broadcast_in_dim3A_147 = arith.constant 0.000000e+00 : f32
      %broadcast_in_dim3A_148 = vector.broadcast %broadcast_in_dim3A_147 : f32 to vector<16xf32>
      %swap3A_149 = arith.index_cast %scan3A_141 : i32 to index
      %swap3A_150 = arith.constant 16 : index
      %swap3A_151 = tpu.vector_load %arg8[%swap3A_149, %swap3A_150] {strides = array<i32>} : memref<128x64xf32, #tpu.memory_space<vmem>>, vector<1x16xf32>,
      %swap3A_152 = vector.shape_cast %swap3A_151 : vector<1x16xf32> to vector<16xf32>
      %swap3A_153 = vector.shape_cast %broadcast_in_dim3A_148 : vector<16xf32> to vector<1x16xf32>
      tpu.vector_store %arg8[%swap3A_149, %swap3A_150], %swap3A_153 {strides = array<i32>} : memref<128x64xf32, #tpu.memory_space<vmem>>, vector<1x16xf32>,
      %broadcast_in_dim3A_154 = arith.constant 0.000000e+00 : f32
      %broadcast_in_dim3A_155 = vector.broadcast %broadcast_in_dim3A_154 : f32 to vector<16xf32>
      %swap3A_156 = arith.index_cast %scan3A_141 : i32 to index
      %swap3A_157 = arith.constant 32 : index
      %swap3A_158 = tpu.vector_load %arg8[%swap3A_156, %swap3A_157] {strides = array<i32>} : memref<128x64xf32, #tpu.memory_space<vmem>>, vector<1x16xf32>,
      %swap3A_159 = vector.shape_cast %swap3A_158 : vector<1x16xf32> to vector<16xf32>
      %swap3A_160 = vector.shape_cast %broadcast_in_dim3A_155 : vector<16xf32> to vector<1x16xf32>
      tpu.vector_store %arg8[%swap3A_156, %swap3A_157], %swap3A_160 {strides = array<i32>} : memref<128x64xf32, #tpu.memory_space<vmem>>, vector<1x16xf32>,
      %broadcast_in_dim3A_161 = arith.constant 0.000000e+00 : f32
      %broadcast_in_dim3A_162 = vector.broadcast %broadcast_in_dim3A_161 : f32 to vector<16xf32>
      %swap3A_163 = arith.index_cast %scan3A_141 : i32 to index
      %swap3A_164 = arith.constant 48 : index
      %swap3A_165 = tpu.vector_load %arg8[%swap3A_163, %swap3A_164] {strides = array<i32>} : memref<128x64xf32, #tpu.memory_space<vmem>>, vector<1x16xf32>,
      %swap3A_166 = vector.shape_cast %swap3A_165 : vector<1x16xf32> to vector<16xf32>
      %swap3A_167 = vector.shape_cast %broadcast_in_dim3A_162 : vector<16xf32> to vector<1x16xf32>
      tpu.vector_store %arg8[%swap3A_163, %swap3A_164], %swap3A_167 {strides = array<i32>} : memref<128x64xf32, #tpu.memory_space<vmem>>, vector<1x16xf32>,
    }
    %scan3A_5 = arith.constant 128 : i32
    %mul3A_6 = arith.constant 625 : i32
    %mul3A_7 = arith.muli %arg1, %mul3A_6 : i32
    "tpu.region"() ({
      %run_scoped3A_141 = tpu.sem_alloc : memref<!tpu.dma_semaphore, #tpu.memory_space<semaphore_mem>>
      %dma_start3A_142 = arith.constant 0 : i32
      %dma_start3A_143 = arith.constant 0 : i32
      %dma_start3A_144 = tpu.memref_slice %arg8[%dma_start3A_142, %dma_start3A_143] : memref<128x64xf32, #tpu.memory_space<vmem>> -> memref<128x64xf32, #tpu.memory_space<vmem>>
      %dma_start3A_145 = arith.constant 0 : i32
      %dma_start3A_146 = tpu.memref_slice %arg5[%mul3A_7, %dma_start3A_145] : memref<10008x64xf32, #tpu.memory_space<vmem_shared>> -> memref<128x64xf32, #tpu.memory_space<vmem_shared>>
      %dma_start3A_147 = arith.constant 0 : i32
      %dma_start3A_148 = tpu.memref_slice %arg5[%mul3A_7, %dma_start3A_147] : memref<10008x64xf32, #tpu.memory_space<vmem_shared>> -> memref<128x64xf32, #tpu.memory_space<vmem_shared>>
      %dma_start3A_149 = arith.constant 0 : i32
      %dma_start3A_150 = arith.constant 0 : i32
      %dma_start3A_151 = tpu.memref_slice %arg8[%dma_start3A_149, %dma_start3A_150] : memref<128x64xf32, #tpu.memory_space<vmem>> -> memref<128x64xf32, #tpu.memory_space<vmem>>
      tpu.enqueue_dma source(%dma_start3A_151 : memref<128x64xf32, #tpu.memory_space<vmem>>) target(%dma_start3A_148 : memref<128x64xf32, #tpu.memory_space<vmem_shared>>) target_semaphore(%run_scoped3A_141 : memref<!tpu.dma_semaphore, #tpu.memory_space<semaphore_mem>>)
      %dma_wait3A_152 = arith.constant 0 : i32
      %dma_wait3A_153 = arith.constant 0 : i32
      %dma_wait3A_154 = tpu.memref_slice %arg8[%dma_wait3A_152, %dma_wait3A_153] : memref<128x64xf32, #tpu.memory_space<vmem>> -> memref<128x64xf32, #tpu.memory_space<vmem>>
      %dma_wait3A_155 = arith.constant 0 : i32
      %dma_wait3A_156 = tpu.memref_slice %arg5[%mul3A_7, %dma_wait3A_155] : memref<10008x64xf32, #tpu.memory_space<vmem_shared>> -> memref<128x64xf32, #tpu.memory_space<vmem_shared>>
      %dma_wait3A_157 = arith.constant 0 : i32
      %dma_wait3A_158 = tpu.memref_slice %arg5[%mul3A_7, %dma_wait3A_157] : memref<10008x64xf32, #tpu.memory_space<vmem_shared>> -> memref<128x64xf32, #tpu.memory_space<vmem_shared>>
      %dma_wait3A_159 = arith.constant 0 : i32
      %dma_wait3A_160 = arith.constant 0 : i32
      %dma_wait3A_161 = tpu.memref_slice %arg8[%dma_wait3A_159, %dma_wait3A_160] : memref<128x64xf32, #tpu.memory_space<vmem>> -> memref<128x64xf32, #tpu.memory_space<vmem>>
      tpu.wait_dma2 semaphore(%run_scoped3A_141 : memref<!tpu.dma_semaphore, #tpu.memory_space<semaphore_mem>>) src(%dma_wait3A_161 : memref<128x64xf32, #tpu.memory_space<vmem>>) dst(%dma_wait3A_158 : memref<128x64xf32, #tpu.memory_space<vmem_shared>>)
      tpu.yield
    }) : () -> ()
    %add3A_8 = arith.constant 128 : i32
    %add3A_9 = arith.addi %mul3A_7, %add3A_8 : i32
    "tpu.region"() ({
      %run_scoped3A_141 = tpu.sem_alloc : memref<!tpu.dma_semaphore, #tpu.memory_space<semaphore_mem>>
      %dma_start3A_142 = arith.constant 0 : i32
      %dma_start3A_143 = arith.constant 0 : i32
      %dma_start3A_144 = tpu.memref_slice %arg8[%dma_start3A_142, %dma_start3A_143] : memref<128x64xf32, #tpu.memory_space<vmem>> -> memref<128x64xf32, #tpu.memory_space<vmem>>
      %dma_start3A_145 = arith.constant 0 : i32
      %dma_start3A_146 = tpu.memref_slice %arg5[%add3A_9, %dma_start3A_145] : memref<10008x64xf32, #tpu.memory_space<vmem_shared>> -> memref<128x64xf32, #tpu.memory_space<vmem_shared>>
      %dma_start3A_147 = arith.constant 0 : i32
      %dma_start3A_148 = tpu.memref_slice %arg5[%add3A_9, %dma_start3A_147] : memref<10008x64xf32, #tpu.memory_space<vmem_shared>> -> memref<128x64xf32, #tpu.memory_space<vmem_shared>>
      %dma_start3A_149 = arith.constant 0 : i32
      %dma_start3A_150 = arith.constant 0 : i32
      %dma_start3A_151 = tpu.memref_slice %arg8[%dma_start3A_149, %dma_start3A_150] : memref<128x64xf32, #tpu.memory_space<vmem>> -> memref<128x64xf32, #tpu.memory_space<vmem>>
      tpu.enqueue_dma source(%dma_start3A_151 : memref<128x64xf32, #tpu.memory_space<vmem>>) target(%dma_start3A_148 : memref<128x64xf32, #tpu.memory_space<vmem_shared>>) target_semaphore(%run_scoped3A_141 : memref<!tpu.dma_semaphore, #tpu.memory_space<semaphore_mem>>)
      %dma_wait3A_152 = arith.constant 0 : i32
      %dma_wait3A_153 = arith.constant 0 : i32
      %dma_wait3A_154 = tpu.memref_slice %arg8[%dma_wait3A_152, %dma_wait3A_153] : memref<128x64xf32, #tpu.memory_space<vmem>> -> memref<128x64xf32, #tpu.memory_space<vmem>>
      %dma_wait3A_155 = arith.constant 0 : i32
      %dma_wait3A_156 = tpu.memref_slice %arg5[%add3A_9, %dma_wait3A_155] : memref<10008x64xf32, #tpu.memory_space<vmem_shared>> -> memref<128x64xf32, #tpu.memory_space<vmem_shared>>
      %dma_wait3A_157 = arith.constant 0 : i32
      %dma_wait3A_158 = tpu.memref_slice %arg5[%add3A_9, %dma_wait3A_157] : memref<10008x64xf32, #tpu.memory_space<vmem_shared>> -> memref<128x64xf32, #tpu.memory_space<vmem_shared>>
      %dma_wait3A_159 = arith.constant 0 : i32
      %dma_wait3A_160 = arith.constant 0 : i32
      %dma_wait3A_161 = tpu.memref_slice %arg8[%dma_wait3A_159, %dma_wait3A_160] : memref<128x64xf32, #tpu.memory_space<vmem>> -> memref<128x64xf32, #tpu.memory_space<vmem>>
      tpu.wait_dma2 semaphore(%run_scoped3A_141 : memref<!tpu.dma_semaphore, #tpu.memory_space<semaphore_mem>>) src(%dma_wait3A_161 : memref<128x64xf32, #tpu.memory_space<vmem>>) dst(%dma_wait3A_158 : memref<128x64xf32, #tpu.memory_space<vmem_shared>>)
      tpu.yield
    }) : () -> ()
    %add3A_10 = arith.constant 128 : i32
    %add3A_11 = arith.addi %add3A_9, %add3A_10 : i32
    "tpu.region"() ({
      %run_scoped3A_141 = tpu.sem_alloc : memref<!tpu.dma_semaphore, #tpu.memory_space<semaphore_mem>>
      %dma_start3A_142 = arith.constant 0 : i32
      %dma_start3A_143 = arith.constant 0 : i32
      %dma_start3A_144 = tpu.memref_slice %arg8[%dma_start3A_142, %dma_start3A_143] : memref<128x64xf32, #tpu.memory_space<vmem>> -> memref<128x64xf32, #tpu.memory_space<vmem>>
      %dma_start3A_145 = arith.constant 0 : i32
      %dma_start3A_146 = tpu.memref_slice %arg5[%add3A_11, %dma_start3A_145] : memref<10008x64xf32, #tpu.memory_space<vmem_shared>> -> memref<128x64xf32, #tpu.memory_space<vmem_shared>>
      %dma_start3A_147 = arith.constant 0 : i32
      %dma_start3A_148 = tpu.memref_slice %arg5[%add3A_11, %dma_start3A_147] : memref<10008x64xf32, #tpu.memory_space<vmem_shared>> -> memref<128x64xf32, #tpu.memory_space<vmem_shared>>
      %dma_start3A_149 = arith.constant 0 : i32
      %dma_start3A_150 = arith.constant 0 : i32
      %dma_start3A_151 = tpu.memref_slice %arg8[%dma_start3A_149, %dma_start3A_150] : memref<128x64xf32, #tpu.memory_space<vmem>> -> memref<128x64xf32, #tpu.memory_space<vmem>>
      tpu.enqueue_dma source(%dma_start3A_151 : memref<128x64xf32, #tpu.memory_space<vmem>>) target(%dma_start3A_148 : memref<128x64xf32, #tpu.memory_space<vmem_shared>>) target_semaphore(%run_scoped3A_141 : memref<!tpu.dma_semaphore, #tpu.memory_space<semaphore_mem>>)
      %dma_wait3A_152 = arith.constant 0 : i32
      %dma_wait3A_153 = arith.constant 0 : i32
      %dma_wait3A_154 = tpu.memref_slice %arg8[%dma_wait3A_152, %dma_wait3A_153] : memref<128x64xf32, #tpu.memory_space<vmem>> -> memref<128x64xf32, #tpu.memory_space<vmem>>
      %dma_wait3A_155 = arith.constant 0 : i32
      %dma_wait3A_156 = tpu.memref_slice %arg5[%add3A_11, %dma_wait3A_155] : memref<10008x64xf32, #tpu.memory_space<vmem_shared>> -> memref<128x64xf32, #tpu.memory_space<vmem_shared>>
      %dma_wait3A_157 = arith.constant 0 : i32
      %dma_wait3A_158 = tpu.memref_slice %arg5[%add3A_11, %dma_wait3A_157] : memref<10008x64xf32, #tpu.memory_space<vmem_shared>> -> memref<128x64xf32, #tpu.memory_space<vmem_shared>>
      %dma_wait3A_159 = arith.constant 0 : i32
      %dma_wait3A_160 = arith.constant 0 : i32
      %dma_wait3A_161 = tpu.memref_slice %arg8[%dma_wait3A_159, %dma_wait3A_160] : memref<128x64xf32, #tpu.memory_space<vmem>> -> memref<128x64xf32, #tpu.memory_space<vmem>>
      tpu.wait_dma2 semaphore(%run_scoped3A_141 : memref<!tpu.dma_semaphore, #tpu.memory_space<semaphore_mem>>) src(%dma_wait3A_161 : memref<128x64xf32, #tpu.memory_space<vmem>>) dst(%dma_wait3A_158 : memref<128x64xf32, #tpu.memory_space<vmem_shared>>)
      tpu.yield
    }) : () -> ()
    %add3A_12 = arith.constant 128 : i32
    %add3A_13 = arith.addi %add3A_11, %add3A_12 : i32
    "tpu.region"() ({
      %run_scoped3A_141 = tpu.sem_alloc : memref<!tpu.dma_semaphore, #tpu.memory_space<semaphore_mem>>
      %dma_start3A_142 = arith.constant 0 : i32
      %dma_start3A_143 = arith.constant 0 : i32
      %dma_start3A_144 = tpu.memref_slice %arg8[%dma_start3A_142, %dma_start3A_143] : memref<128x64xf32, #tpu.memory_space<vmem>> -> memref<128x64xf32, #tpu.memory_space<vmem>>
      %dma_start3A_145 = arith.constant 0 : i32
      %dma_start3A_146 = tpu.memref_slice %arg5[%add3A_13, %dma_start3A_145] : memref<10008x64xf32, #tpu.memory_space<vmem_shared>> -> memref<128x64xf32, #tpu.memory_space<vmem_shared>>
      %dma_start3A_147 = arith.constant 0 : i32
      %dma_start3A_148 = tpu.memref_slice %arg5[%add3A_13, %dma_start3A_147] : memref<10008x64xf32, #tpu.memory_space<vmem_shared>> -> memref<128x64xf32, #tpu.memory_space<vmem_shared>>
      %dma_start3A_149 = arith.constant 0 : i32
      %dma_start3A_150 = arith.constant 0 : i32
      %dma_start3A_151 = tpu.memref_slice %arg8[%dma_start3A_149, %dma_start3A_150] : memref<128x64xf32, #tpu.memory_space<vmem>> -> memref<128x64xf32, #tpu.memory_space<vmem>>
      tpu.enqueue_dma source(%dma_start3A_151 : memref<128x64xf32, #tpu.memory_space<vmem>>) target(%dma_start3A_148 : memref<128x64xf32, #tpu.memory_space<vmem_shared>>) target_semaphore(%run_scoped3A_141 : memref<!tpu.dma_semaphore, #tpu.memory_space<semaphore_mem>>)
      %dma_wait3A_152 = arith.constant 0 : i32
      %dma_wait3A_153 = arith.constant 0 : i32
      %dma_wait3A_154 = tpu.memref_slice %arg8[%dma_wait3A_152, %dma_wait3A_153] : memref<128x64xf32, #tpu.memory_space<vmem>> -> memref<128x64xf32, #tpu.memory_space<vmem>>
      %dma_wait3A_155 = arith.constant 0 : i32
      %dma_wait3A_156 = tpu.memref_slice %arg5[%add3A_13, %dma_wait3A_155] : memref<10008x64xf32, #tpu.memory_space<vmem_shared>> -> memref<128x64xf32, #tpu.memory_space<vmem_shared>>
      %dma_wait3A_157 = arith.constant 0 : i32
      %dma_wait3A_158 = tpu.memref_slice %arg5[%add3A_13, %dma_wait3A_157] : memref<10008x64xf32, #tpu.memory_space<vmem_shared>> -> memref<128x64xf32, #tpu.memory_space<vmem_shared>>
      %dma_wait3A_159 = arith.constant 0 : i32
      %dma_wait3A_160 = arith.constant 0 : i32
      %dma_wait3A_161 = tpu.memref_slice %arg8[%dma_wait3A_159, %dma_wait3A_160] : memref<128x64xf32, #tpu.memory_space<vmem>> -> memref<128x64xf32, #tpu.memory_space<vmem>>
      tpu.wait_dma2 semaphore(%run_scoped3A_141 : memref<!tpu.dma_semaphore, #tpu.memory_space<semaphore_mem>>) src(%dma_wait3A_161 : memref<128x64xf32, #tpu.memory_space<vmem>>) dst(%dma_wait3A_158 : memref<128x64xf32, #tpu.memory_space<vmem_shared>>)
      tpu.yield
    }) : () -> ()
    %add3A_14 = arith.constant 128 : i32
    %add3A_15 = arith.addi %add3A_13, %add3A_14 : i32
    "tpu.region"() ({
      %run_scoped3A_141 = tpu.sem_alloc : memref<!tpu.dma_semaphore, #tpu.memory_space<semaphore_mem>>
      %dma_start3A_142 = arith.constant 0 : i32
      %dma_start3A_143 = arith.constant 0 : i32
      %dma_start3A_144 = tpu.memref_slice %arg8[%dma_start3A_142, %dma_start3A_143] : memref<128x64xf32, #tpu.memory_space<vmem>> -> memref<113x64xf32, #tpu.memory_space<vmem>>
      %dma_start3A_145 = arith.constant 0 : i32
      %dma_start3A_146 = tpu.memref_slice %arg5[%add3A_15, %dma_start3A_145] : memref<10008x64xf32, #tpu.memory_space<vmem_shared>> -> memref<113x64xf32, #tpu.memory_space<vmem_shared>>
      %dma_start3A_147 = arith.constant 0 : i32
      %dma_start3A_148 = tpu.memref_slice %arg5[%add3A_15, %dma_start3A_147] : memref<10008x64xf32, #tpu.memory_space<vmem_shared>> -> memref<113x64xf32, #tpu.memory_space<vmem_shared>>
      %dma_start3A_149 = arith.constant 0 : i32
      %dma_start3A_150 = arith.constant 0 : i32
      %dma_start3A_151 = tpu.memref_slice %arg8[%dma_start3A_149, %dma_start3A_150] : memref<128x64xf32, #tpu.memory_space<vmem>> -> memref<113x64xf32, #tpu.memory_space<vmem>>
      tpu.enqueue_dma source(%dma_start3A_151 : memref<113x64xf32, #tpu.memory_space<vmem>>) target(%dma_start3A_148 : memref<113x64xf32, #tpu.memory_space<vmem_shared>>) target_semaphore(%run_scoped3A_141 : memref<!tpu.dma_semaphore, #tpu.memory_space<semaphore_mem>>)
      %dma_wait3A_152 = arith.constant 0 : i32
      %dma_wait3A_153 = arith.constant 0 : i32
      %dma_wait3A_154 = tpu.memref_slice %arg8[%dma_wait3A_152, %dma_wait3A_153] : memref<128x64xf32, #tpu.memory_space<vmem>> -> memref<113x64xf32, #tpu.memory_space<vmem>>
      %dma_wait3A_155 = arith.constant 0 : i32
      %dma_wait3A_156 = tpu.memref_slice %arg5[%add3A_15, %dma_wait3A_155] : memref<10008x64xf32, #tpu.memory_space<vmem_shared>> -> memref<113x64xf32, #tpu.memory_space<vmem_shared>>
      %dma_wait3A_157 = arith.constant 0 : i32
      %dma_wait3A_158 = tpu.memref_slice %arg5[%add3A_15, %dma_wait3A_157] : memref<10008x64xf32, #tpu.memory_space<vmem_shared>> -> memref<113x64xf32, #tpu.memory_space<vmem_shared>>
      %dma_wait3A_159 = arith.constant 0 : i32
      %dma_wait3A_160 = arith.constant 0 : i32
      %dma_wait3A_161 = tpu.memref_slice %arg8[%dma_wait3A_159, %dma_wait3A_160] : memref<128x64xf32, #tpu.memory_space<vmem>> -> memref<113x64xf32, #tpu.memory_space<vmem>>
      tpu.wait_dma2 semaphore(%run_scoped3A_141 : memref<!tpu.dma_semaphore, #tpu.memory_space<semaphore_mem>>) src(%dma_wait3A_161 : memref<113x64xf32, #tpu.memory_space<vmem>>) dst(%dma_wait3A_158 : memref<113x64xf32, #tpu.memory_space<vmem_shared>>)
      tpu.yield
    }) : () -> ()
    %add3A_16 = arith.constant 113 : i32
    %add3A_17 = arith.addi %add3A_15, %add3A_16 : i32
    %barrier3A = arith.constant 0 : index
    tpu.barrier barrier_id(%barrier3A)
    %run_scoped3A = arith.constant 0 : i32
    "tpu.region"() ({
      %run_scoped3A_141 = tpu.sem_alloc : memref<!tpu.dma_semaphore, #tpu.memory_space<semaphore_mem>>
      %dma_start3A_142 = arith.constant 0 : i32
      %dma_start3A_143 = arith.constant 0 : i32
      %dma_start3A_144 = tpu.memref_slice %arg3[%run_scoped3A, %add3A, %dma_start3A_142, %dma_start3A_143] : memref<2x32x80x128xi32, #tpu.memory_space<hbm>> -> memref<1x1x80x128xi32, #tpu.memory_space<hbm>>
      %dma_start3A_145 = tpu.memref_squeeze %dma_start3A_144 : memref<1x1x80x128xi32, #tpu.memory_space<hbm>> -> memref<80x128xi32, #tpu.memory_space<hbm>>
      %dma_start3A_146 = arith.constant 0 : i32
      %dma_start3A_147 = arith.constant 0 : i32
      %dma_start3A_148 = tpu.memref_slice %arg3[%run_scoped3A, %add3A, %dma_start3A_146, %dma_start3A_147] : memref<2x32x80x128xi32, #tpu.memory_space<hbm>> -> memref<1x1x80x128xi32, #tpu.memory_space<hbm>>
      %dma_start3A_149 = tpu.memref_squeeze %dma_start3A_148 : memref<1x1x80x128xi32, #tpu.memory_space<hbm>> -> memref<80x128xi32, #tpu.memory_space<hbm>>
      tpu.enqueue_dma source(%dma_start3A_149 : memref<80x128xi32, #tpu.memory_space<hbm>>) target(%arg6 : memref<80x128xi32, #tpu.memory_space<vmem>>) target_semaphore(%run_scoped3A_141 : memref<!tpu.dma_semaphore, #tpu.memory_space<semaphore_mem>>)
      %dma_wait3A_150 = arith.constant 0 : i32
      %dma_wait3A_151 = arith.constant 0 : i32
      %dma_wait3A_152 = tpu.memref_slice %arg3[%run_scoped3A, %add3A, %dma_wait3A_150, %dma_wait3A_151] : memref<2x32x80x128xi32, #tpu.memory_space<hbm>> -> memref<1x1x80x128xi32, #tpu.memory_space<hbm>>
      %dma_wait3A_153 = tpu.memref_squeeze %dma_wait3A_152 : memref<1x1x80x128xi32, #tpu.memory_space<hbm>> -> memref<80x128xi32, #tpu.memory_space<hbm>>
      %dma_wait3A_154 = arith.constant 0 : i32
      %dma_wait3A_155 = arith.constant 0 : i32
      %dma_wait3A_156 = tpu.memref_slice %arg3[%run_scoped3A, %add3A, %dma_wait3A_154, %dma_wait3A_155] : memref<2x32x80x128xi32, #tpu.memory_space<hbm>> -> memref<1x1x80x128xi32, #tpu.memory_space<hbm>>
      %dma_wait3A_157 = tpu.memref_squeeze %dma_wait3A_156 : memref<1x1x80x128xi32, #tpu.memory_space<hbm>> -> memref<80x128xi32, #tpu.memory_space<hbm>>
      tpu.wait_dma2 semaphore(%run_scoped3A_141 : memref<!tpu.dma_semaphore, #tpu.memory_space<semaphore_mem>>) src(%dma_wait3A_157 : memref<80x128xi32, #tpu.memory_space<hbm>>) dst(%arg6 : memref<80x128xi32, #tpu.memory_space<vmem>>)
      tpu.yield
    }) : () -> ()
    %run_scoped3A_18 = arith.constant 1 : i32
    "tpu.region"() ({
      %run_scoped3A_141 = tpu.sem_alloc : memref<!tpu.dma_semaphore, #tpu.memory_space<semaphore_mem>>
      %dma_start3A_142 = arith.constant 0 : i32
      %dma_start3A_143 = arith.constant 0 : i32
      %dma_start3A_144 = tpu.memref_slice %arg3[%run_scoped3A_18, %add3A, %dma_start3A_142, %dma_start3A_143] : memref<2x32x80x128xi32, #tpu.memory_space<hbm>> -> memref<1x1x80x128xi32, #tpu.memory_space<hbm>>
      %dma_start3A_145 = tpu.memref_squeeze %dma_start3A_144 : memref<1x1x80x128xi32, #tpu.memory_space<hbm>> -> memref<80x128xi32, #tpu.memory_space<hbm>>
      %dma_start3A_146 = arith.constant 0 : i32
      %dma_start3A_147 = arith.constant 0 : i32
      %dma_start3A_148 = tpu.memref_slice %arg3[%run_scoped3A_18, %add3A, %dma_start3A_146, %dma_start3A_147] : memref<2x32x80x128xi32, #tpu.memory_space<hbm>> -> memref<1x1x80x128xi32, #tpu.memory_space<hbm>>
      %dma_start3A_149 = tpu.memref_squeeze %dma_start3A_148 : memref<1x1x80x128xi32, #tpu.memory_space<hbm>> -> memref<80x128xi32, #tpu.memory_space<hbm>>
      tpu.enqueue_dma source(%dma_start3A_149 : memref<80x128xi32, #tpu.memory_space<hbm>>) target(%arg7 : memref<80x128xi32, #tpu.memory_space<vmem>>) target_semaphore(%run_scoped3A_141 : memref<!tpu.dma_semaphore, #tpu.memory_space<semaphore_mem>>)
      %dma_wait3A_150 = arith.constant 0 : i32
      %dma_wait3A_151 = arith.constant 0 : i32
      %dma_wait3A_152 = tpu.memref_slice %arg3[%run_scoped3A_18, %add3A, %dma_wait3A_150, %dma_wait3A_151] : memref<2x32x80x128xi32, #tpu.memory_space<hbm>> -> memref<1x1x80x128xi32, #tpu.memory_space<hbm>>
      %dma_wait3A_153 = tpu.memref_squeeze %dma_wait3A_152 : memref<1x1x80x128xi32, #tpu.memory_space<hbm>> -> memref<80x128xi32, #tpu.memory_space<hbm>>
      %dma_wait3A_154 = arith.constant 0 : i32
      %dma_wait3A_155 = arith.constant 0 : i32
      %dma_wait3A_156 = tpu.memref_slice %arg3[%run_scoped3A_18, %add3A, %dma_wait3A_154, %dma_wait3A_155] : memref<2x32x80x128xi32, #tpu.memory_space<hbm>> -> memref<1x1x80x128xi32, #tpu.memory_space<hbm>>
      %dma_wait3A_157 = tpu.memref_squeeze %dma_wait3A_156 : memref<1x1x80x128xi32, #tpu.memory_space<hbm>> -> memref<80x128xi32, #tpu.memory_space<hbm>>
      tpu.wait_dma2 semaphore(%run_scoped3A_141 : memref<!tpu.dma_semaphore, #tpu.memory_space<semaphore_mem>>) src(%dma_wait3A_157 : memref<80x128xi32, #tpu.memory_space<hbm>>) dst(%arg7 : memref<80x128xi32, #tpu.memory_space<vmem>>)
      tpu.yield
    }) : () -> ()
    %dma_start3A = arith.constant 0 : i32
    %dma_start3A_19 = arith.constant 0 : i32
    %dma_start3A_20 = tpu.memref_slice %arg6[%dma_start3A, %dma_start3A_19] : memref<80x128xi32, #tpu.memory_space<vmem>> -> memref<1x128xi32, #tpu.memory_space<vmem>>
    %dma_start3A_21 = tpu.memref_squeeze %dma_start3A_20 : memref<1x128xi32, #tpu.memory_space<vmem>> -> memref<128xi32, #tpu.memory_space<vmem>>
    %dma_start3A_22 = arith.constant 0 : i32
    %dma_start3A_23 = arith.constant 0 : i32
    %dma_start3A_24 = tpu.memref_slice %arg2[%dma_start3A_22, %dma_start3A_23] : memref<10000x64xf32, #tpu.memory_space<hbm>> -> memref<10000x64xf32, #tpu.memory_space<hbm>>
    tpu.enqueue_indirect_dma source(%dma_start3A_24 : memref<10000x64xf32, #tpu.memory_space<hbm>>) target(%arg8 : memref<128x64xf32, #tpu.memory_space<vmem>>) offsets(%dma_start3A_21 : memref<128xi32, #tpu.memory_space<vmem>>) semaphore(%arg16 : memref<!tpu.dma_semaphore, #tpu.memory_space<semaphore_mem>>)
    %dma_start3A_25 = arith.constant 1 : i32
    %dma_start3A_26 = arith.constant 0 : i32
    %dma_start3A_27 = tpu.memref_slice %arg6[%dma_start3A_25, %dma_start3A_26] : memref<80x128xi32, #tpu.memory_space<vmem>> -> memref<1x128xi32, #tpu.memory_space<vmem>>
    %dma_start3A_28 = tpu.memref_squeeze %dma_start3A_27 : memref<1x128xi32, #tpu.memory_space<vmem>> -> memref<128xi32, #tpu.memory_space<vmem>>
    %dma_start3A_29 = arith.constant 0 : i32
    %dma_start3A_30 = arith.constant 0 : i32
    %dma_start3A_31 = tpu.memref_slice %arg2[%dma_start3A_29, %dma_start3A_30] : memref<10000x64xf32, #tpu.memory_space<hbm>> -> memref<10000x64xf32, #tpu.memory_space<hbm>>
    tpu.enqueue_indirect_dma source(%dma_start3A_31 : memref<10000x64xf32, #tpu.memory_space<hbm>>) target(%arg9 : memref<128x64xf32, #tpu.memory_space<vmem>>) offsets(%dma_start3A_28 : memref<128xi32, #tpu.memory_space<vmem>>) semaphore(%arg17 : memref<!tpu.dma_semaphore, #tpu.memory_space<semaphore_mem>>)
    %dma_start3A_32 = arith.constant 2 : i32
    %dma_start3A_33 = arith.constant 0 : i32
    %dma_start3A_34 = tpu.memref_slice %arg6[%dma_start3A_32, %dma_start3A_33] : memref<80x128xi32, #tpu.memory_space<vmem>> -> memref<1x128xi32, #tpu.memory_space<vmem>>
    %dma_start3A_35 = tpu.memref_squeeze %dma_start3A_34 : memref<1x128xi32, #tpu.memory_space<vmem>> -> memref<128xi32, #tpu.memory_space<vmem>>
    %dma_start3A_36 = arith.constant 0 : i32
    %dma_start3A_37 = arith.constant 0 : i32
    %dma_start3A_38 = tpu.memref_slice %arg2[%dma_start3A_36, %dma_start3A_37] : memref<10000x64xf32, #tpu.memory_space<hbm>> -> memref<10000x64xf32, #tpu.memory_space<hbm>>
    tpu.enqueue_indirect_dma source(%dma_start3A_38 : memref<10000x64xf32, #tpu.memory_space<hbm>>) target(%arg10 : memref<128x64xf32, #tpu.memory_space<vmem>>) offsets(%dma_start3A_35 : memref<128xi32, #tpu.memory_space<vmem>>) semaphore(%arg18 : memref<!tpu.dma_semaphore, #tpu.memory_space<semaphore_mem>>)
    %dma_start3A_39 = arith.constant 3 : i32
    %dma_start3A_40 = arith.constant 0 : i32
    %dma_start3A_41 = tpu.memref_slice %arg6[%dma_start3A_39, %dma_start3A_40] : memref<80x128xi32, #tpu.memory_space<vmem>> -> memref<1x128xi32, #tpu.memory_space<vmem>>
    %dma_start3A_42 = tpu.memref_squeeze %dma_start3A_41 : memref<1x128xi32, #tpu.memory_space<vmem>> -> memref<128xi32, #tpu.memory_space<vmem>>
    %dma_start3A_43 = arith.constant 0 : i32
    %dma_start3A_44 = arith.constant 0 : i32
    %dma_start3A_45 = tpu.memref_slice %arg2[%dma_start3A_43, %dma_start3A_44] : memref<10000x64xf32, #tpu.memory_space<hbm>> -> memref<10000x64xf32, #tpu.memory_space<hbm>>
    tpu.enqueue_indirect_dma source(%dma_start3A_45 : memref<10000x64xf32, #tpu.memory_space<hbm>>) target(%arg11 : memref<128x64xf32, #tpu.memory_space<vmem>>) offsets(%dma_start3A_42 : memref<128xi32, #tpu.memory_space<vmem>>) semaphore(%arg19 : memref<!tpu.dma_semaphore, #tpu.memory_space<semaphore_mem>>)
    %dma_start3A_46 = arith.constant 4 : i32
    %dma_start3A_47 = arith.constant 0 : i32
    %dma_start3A_48 = tpu.memref_slice %arg6[%dma_start3A_46, %dma_start3A_47] : memref<80x128xi32, #tpu.memory_space<vmem>> -> memref<1x128xi32, #tpu.memory_space<vmem>>
    %dma_start3A_49 = tpu.memref_squeeze %dma_start3A_48 : memref<1x128xi32, #tpu.memory_space<vmem>> -> memref<128xi32, #tpu.memory_space<vmem>>
    %dma_start3A_50 = arith.constant 0 : i32
    %dma_start3A_51 = arith.constant 0 : i32
    %dma_start3A_52 = tpu.memref_slice %arg2[%dma_start3A_50, %dma_start3A_51] : memref<10000x64xf32, #tpu.memory_space<hbm>> -> memref<10000x64xf32, #tpu.memory_space<hbm>>
    tpu.enqueue_indirect_dma source(%dma_start3A_52 : memref<10000x64xf32, #tpu.memory_space<hbm>>) target(%arg12 : memref<128x64xf32, #tpu.memory_space<vmem>>) offsets(%dma_start3A_49 : memref<128xi32, #tpu.memory_space<vmem>>) semaphore(%arg20 : memref<!tpu.dma_semaphore, #tpu.memory_space<semaphore_mem>>)
    %dma_start3A_53 = arith.constant 5 : i32
    %dma_start3A_54 = arith.constant 0 : i32
    %dma_start3A_55 = tpu.memref_slice %arg6[%dma_start3A_53, %dma_start3A_54] : memref<80x128xi32, #tpu.memory_space<vmem>> -> memref<1x128xi32, #tpu.memory_space<vmem>>
    %dma_start3A_56 = tpu.memref_squeeze %dma_start3A_55 : memref<1x128xi32, #tpu.memory_space<vmem>> -> memref<128xi32, #tpu.memory_space<vmem>>
    %dma_start3A_57 = arith.constant 0 : i32
    %dma_start3A_58 = arith.constant 0 : i32
    %dma_start3A_59 = tpu.memref_slice %arg2[%dma_start3A_57, %dma_start3A_58] : memref<10000x64xf32, #tpu.memory_space<hbm>> -> memref<10000x64xf32, #tpu.memory_space<hbm>>
    tpu.enqueue_indirect_dma source(%dma_start3A_59 : memref<10000x64xf32, #tpu.memory_space<hbm>>) target(%arg13 : memref<128x64xf32, #tpu.memory_space<vmem>>) offsets(%dma_start3A_56 : memref<128xi32, #tpu.memory_space<vmem>>) semaphore(%arg21 : memref<!tpu.dma_semaphore, #tpu.memory_space<semaphore_mem>>)
    %dma_start3A_60 = arith.constant 6 : i32
    %dma_start3A_61 = arith.constant 0 : i32
    %dma_start3A_62 = tpu.memref_slice %arg6[%dma_start3A_60, %dma_start3A_61] : memref<80x128xi32, #tpu.memory_space<vmem>> -> memref<1x128xi32, #tpu.memory_space<vmem>>
    %dma_start3A_63 = tpu.memref_squeeze %dma_start3A_62 : memref<1x128xi32, #tpu.memory_space<vmem>> -> memref<128xi32, #tpu.memory_space<vmem>>
    %dma_start3A_64 = arith.constant 0 : i32
    %dma_start3A_65 = arith.constant 0 : i32
    %dma_start3A_66 = tpu.memref_slice %arg2[%dma_start3A_64, %dma_start3A_65] : memref<10000x64xf32, #tpu.memory_space<hbm>> -> memref<10000x64xf32, #tpu.memory_space<hbm>>
    tpu.enqueue_indirect_dma source(%dma_start3A_66 : memref<10000x64xf32, #tpu.memory_space<hbm>>) target(%arg14 : memref<128x64xf32, #tpu.memory_space<vmem>>) offsets(%dma_start3A_63 : memref<128xi32, #tpu.memory_space<vmem>>) semaphore(%arg22 : memref<!tpu.dma_semaphore, #tpu.memory_space<semaphore_mem>>)
    %scan3A_67 = arith.constant 0 : i32
    %scan3A_68 = arith.constant 0 : i32
    %scan3A_69 = arith.constant 10 : i32
    %scan3A_70 = arith.addi %scan3A_68, %scan3A_69 : i32
    %scan3A_71 = arith.constant 1 : i32
    scf.for %scan3A_141 = %scan3A_68 to %scan3A_70 step %scan3A_71  : i32 {
      %mul3A_142 = arith.constant 8 : i32
      %mul3A_143 = arith.muli %scan3A_141, %mul3A_142 : i32
      %add3A_144 = arith.constant 0 : i32
      %add3A_145 = arith.addi %mul3A_143, %add3A_144 : i32
      %dma_wait3A_146 = arith.constant 0 : i32
      %dma_wait3A_147 = tpu.memref_slice %arg6[%add3A_145, %dma_wait3A_146] : memref<80x128xi32, #tpu.memory_space<vmem>> -> memref<1x128xi32, #tpu.memory_space<vmem>>
      %dma_wait3A_148 = tpu.memref_squeeze %dma_wait3A_147 : memref<1x128xi32, #tpu.memory_space<vmem>> -> memref<128xi32, #tpu.memory_space<vmem>>
      %dma_wait3A_149 = arith.constant 0 : i32
      %dma_wait3A_150 = arith.constant 0 : i32
      %dma_wait3A_151 = tpu.memref_slice %arg2[%dma_wait3A_149, %dma_wait3A_150] : memref<10000x64xf32, #tpu.memory_space<hbm>> -> memref<10000x64xf32, #tpu.memory_space<hbm>>
      tpu.wait_indirect_dma semaphore(%arg16 : memref<!tpu.dma_semaphore, #tpu.memory_space<semaphore_mem>>) src(%dma_wait3A_151 : memref<10000x64xf32, #tpu.memory_space<hbm>>) dst(%arg8 : memref<128x64xf32, #tpu.memory_space<vmem>>)
      %dma_start3A_152 = arith.constant 0 : i32
      %dma_start3A_153 = tpu.memref_slice %arg7[%add3A_145, %dma_start3A_152] : memref<80x128xi32, #tpu.memory_space<vmem>> -> memref<1x128xi32, #tpu.memory_space<vmem>>
      %dma_start3A_154 = tpu.memref_squeeze %dma_start3A_153 : memref<1x128xi32, #tpu.memory_space<vmem>> -> memref<128xi32, #tpu.memory_space<vmem>>
      %dma_start3A_155 = arith.constant 0 : i32
      %dma_start3A_156 = arith.constant 0 : i32
      %dma_start3A_157 = tpu.memref_slice %arg5[%dma_start3A_155, %dma_start3A_156] : memref<10008x64xf32, #tpu.memory_space<vmem_shared>> -> memref<10008x64xf32, #tpu.memory_space<vmem_shared>>
      tpu.enqueue_indirect_dma source(%arg8 : memref<128x64xf32, #tpu.memory_space<vmem>>) target(%dma_start3A_157 : memref<10008x64xf32, #tpu.memory_space<vmem_shared>>) offsets(%dma_start3A_154 : memref<128xi32, #tpu.memory_space<vmem>>) semaphore(%arg24 : memref<!tpu.dma_semaphore, #tpu.memory_space<semaphore_mem>>) {add = true}
      %add3A_158 = arith.constant 7 : i32
      %add3A_159 = arith.addi %add3A_145, %add3A_158 : i32
      %lt3A = arith.constant 80 : i32
      %lt3A_160 = arith.cmpi slt, %add3A_159, %lt3A : i32
      %convert_element_type3A = arith.extui %lt3A_160 : i1 to i32
      %cond3A = arith.constant 0 : i32
      %cond3A_161 = arith.cmpi ne, %convert_element_type3A, %cond3A : i32
      scf.if %cond3A_161 {
        %ge3A = arith.constant 8 : i32
        %ge3A_323 = arith.cmpi sge, %add3A_159, %ge3A : i32
        %convert_element_type3A_324 = arith.extui %ge3A_323 : i1 to i32
        %cond3A_325 = arith.constant 0 : i32
        %cond3A_326 = arith.cmpi ne, %convert_element_type3A_324, %cond3A_325 : i32
        scf.if %cond3A_326 {
          %sub3A = arith.constant 8 : i32
          %sub3A_333 = arith.subi %add3A_159, %sub3A : i32
          %dma_wait3A_334 = arith.constant 0 : i32
          %dma_wait3A_335 = tpu.memref_slice %arg7[%sub3A_333, %dma_wait3A_334] : memref<80x128xi32, #tpu.memory_space<vmem>> -> memref<1x128xi32, #tpu.memory_space<vmem>>
          %dma_wait3A_336 = tpu.memref_squeeze %dma_wait3A_335 : memref<1x128xi32, #tpu.memory_space<vmem>> -> memref<128xi32, #tpu.memory_space<vmem>>
          %dma_wait3A_337 = arith.constant 0 : i32
          %dma_wait3A_338 = arith.constant 0 : i32
          %dma_wait3A_339 = tpu.memref_slice %arg5[%dma_wait3A_337, %dma_wait3A_338] : memref<10008x64xf32, #tpu.memory_space<vmem_shared>> -> memref<10008x64xf32, #tpu.memory_space<vmem_shared>>
          tpu.wait_indirect_dma semaphore(%arg31 : memref<!tpu.dma_semaphore, #tpu.memory_space<semaphore_mem>>) src(%arg15 : memref<128x64xf32, #tpu.memory_space<vmem>>) dst(%dma_wait3A_339 : memref<10008x64xf32, #tpu.memory_space<vmem_shared>>)
        } else {
        }
        %dma_start3A_327 = arith.constant 0 : i32
        %dma_start3A_328 = tpu.memref_slice %arg6[%add3A_159, %dma_start3A_327] : memref<80x128xi32, #tpu.memory_space<vmem>> -> memref<1x128xi32, #tpu.memory_space<vmem>>
        %dma_start3A_329 = tpu.memref_squeeze %dma_start3A_328 : memref<1x128xi32, #tpu.memory_space<vmem>> -> memref<128xi32, #tpu.memory_space<vmem>>
        %dma_start3A_330 = arith.constant 0 : i32
        %dma_start3A_331 = arith.constant 0 : i32
        %dma_start3A_332 = tpu.memref_slice %arg2[%dma_start3A_330, %dma_start3A_331] : memref<10000x64xf32, #tpu.memory_space<hbm>> -> memref<10000x64xf32, #tpu.memory_space<hbm>>
        tpu.enqueue_indirect_dma source(%dma_start3A_332 : memref<10000x64xf32, #tpu.memory_space<hbm>>) target(%arg15 : memref<128x64xf32, #tpu.memory_space<vmem>>) offsets(%dma_start3A_329 : memref<128xi32, #tpu.memory_space<vmem>>) semaphore(%arg23 : memref<!tpu.dma_semaphore, #tpu.memory_space<semaphore_mem>>)
      } else {
      }
      %mul3A_162 = arith.constant 8 : i32
      %mul3A_163 = arith.muli %scan3A_141, %mul3A_162 : i32
      %add3A_164 = arith.constant 1 : i32
      %add3A_165 = arith.addi %mul3A_163, %add3A_164 : i32
      %dma_wait3A_166 = arith.constant 0 : i32
      %dma_wait3A_167 = tpu.memref_slice %arg6[%add3A_165, %dma_wait3A_166] : memref<80x128xi32, #tpu.memory_space<vmem>> -> memref<1x128xi32, #tpu.memory_space<vmem>>
      %dma_wait3A_168 = tpu.memref_squeeze %dma_wait3A_167 : memref<1x128xi32, #tpu.memory_space<vmem>> -> memref<128xi32, #tpu.memory_space<vmem>>
      %dma_wait3A_169 = arith.constant 0 : i32
      %dma_wait3A_170 = arith.constant 0 : i32
      %dma_wait3A_171 = tpu.memref_slice %arg2[%dma_wait3A_169, %dma_wait3A_170] : memref<10000x64xf32, #tpu.memory_space<hbm>> -> memref<10000x64xf32, #tpu.memory_space<hbm>>
      tpu.wait_indirect_dma semaphore(%arg17 : memref<!tpu.dma_semaphore, #tpu.memory_space<semaphore_mem>>) src(%dma_wait3A_171 : memref<10000x64xf32, #tpu.memory_space<hbm>>) dst(%arg9 : memref<128x64xf32, #tpu.memory_space<vmem>>)
      %dma_start3A_172 = arith.constant 0 : i32
      %dma_start3A_173 = tpu.memref_slice %arg7[%add3A_165, %dma_start3A_172] : memref<80x128xi32, #tpu.memory_space<vmem>> -> memref<1x128xi32, #tpu.memory_space<vmem>>
      %dma_start3A_174 = tpu.memref_squeeze %dma_start3A_173 : memref<1x128xi32, #tpu.memory_space<vmem>> -> memref<128xi32, #tpu.memory_space<vmem>>
      %dma_start3A_175 = arith.constant 0 : i32
      %dma_start3A_176 = arith.constant 0 : i32
      %dma_start3A_177 = tpu.memref_slice %arg5[%dma_start3A_175, %dma_start3A_176] : memref<10008x64xf32, #tpu.memory_space<vmem_shared>> -> memref<10008x64xf32, #tpu.memory_space<vmem_shared>>
      tpu.enqueue_indirect_dma source(%arg9 : memref<128x64xf32, #tpu.memory_space<vmem>>) target(%dma_start3A_177 : memref<10008x64xf32, #tpu.memory_space<vmem_shared>>) offsets(%dma_start3A_174 : memref<128xi32, #tpu.memory_space<vmem>>) semaphore(%arg25 : memref<!tpu.dma_semaphore, #tpu.memory_space<semaphore_mem>>) {add = true}
      %add3A_178 = arith.constant 7 : i32
      %add3A_179 = arith.addi %add3A_165, %add3A_178 : i32
      %lt3A_180 = arith.constant 80 : i32
      %lt3A_181 = arith.cmpi slt, %add3A_179, %lt3A_180 : i32
      %convert_element_type3A_182 = arith.extui %lt3A_181 : i1 to i32
      %cond3A_183 = arith.constant 0 : i32
      %cond3A_184 = arith.cmpi ne, %convert_element_type3A_182, %cond3A_183 : i32
      scf.if %cond3A_184 {
        %ge3A = arith.constant 8 : i32
        %ge3A_323 = arith.cmpi sge, %add3A_179, %ge3A : i32
        %convert_element_type3A_324 = arith.extui %ge3A_323 : i1 to i32
        %cond3A_325 = arith.constant 0 : i32
        %cond3A_326 = arith.cmpi ne, %convert_element_type3A_324, %cond3A_325 : i32
        scf.if %cond3A_326 {
          %sub3A = arith.constant 8 : i32
          %sub3A_333 = arith.subi %add3A_179, %sub3A : i32
          %dma_wait3A_334 = arith.constant 0 : i32
          %dma_wait3A_335 = tpu.memref_slice %arg7[%sub3A_333, %dma_wait3A_334] : memref<80x128xi32, #tpu.memory_space<vmem>> -> memref<1x128xi32, #tpu.memory_space<vmem>>
          %dma_wait3A_336 = tpu.memref_squeeze %dma_wait3A_335 : memref<1x128xi32, #tpu.memory_space<vmem>> -> memref<128xi32, #tpu.memory_space<vmem>>
          %dma_wait3A_337 = arith.constant 0 : i32
          %dma_wait3A_338 = arith.constant 0 : i32
          %dma_wait3A_339 = tpu.memref_slice %arg5[%dma_wait3A_337, %dma_wait3A_338] : memref<10008x64xf32, #tpu.memory_space<vmem_shared>> -> memref<10008x64xf32, #tpu.memory_space<vmem_shared>>
          tpu.wait_indirect_dma semaphore(%arg24 : memref<!tpu.dma_semaphore, #tpu.memory_space<semaphore_mem>>) src(%arg8 : memref<128x64xf32, #tpu.memory_space<vmem>>) dst(%dma_wait3A_339 : memref<10008x64xf32, #tpu.memory_space<vmem_shared>>)
        } else {
        }
        %dma_start3A_327 = arith.constant 0 : i32
        %dma_start3A_328 = tpu.memref_slice %arg6[%add3A_179, %dma_start3A_327] : memref<80x128xi32, #tpu.memory_space<vmem>> -> memref<1x128xi32, #tpu.memory_space<vmem>>
        %dma_start3A_329 = tpu.memref_squeeze %dma_start3A_328 : memref<1x128xi32, #tpu.memory_space<vmem>> -> memref<128xi32, #tpu.memory_space<vmem>>
        %dma_start3A_330 = arith.constant 0 : i32
        %dma_start3A_331 = arith.constant 0 : i32
        %dma_start3A_332 = tpu.memref_slice %arg2[%dma_start3A_330, %dma_start3A_331] : memref<10000x64xf32, #tpu.memory_space<hbm>> -> memref<10000x64xf32, #tpu.memory_space<hbm>>
        tpu.enqueue_indirect_dma source(%dma_start3A_332 : memref<10000x64xf32, #tpu.memory_space<hbm>>) target(%arg8 : memref<128x64xf32, #tpu.memory_space<vmem>>) offsets(%dma_start3A_329 : memref<128xi32, #tpu.memory_space<vmem>>) semaphore(%arg16 : memref<!tpu.dma_semaphore, #tpu.memory_space<semaphore_mem>>)
      } else {
      }
      %mul3A_185 = arith.constant 8 : i32
      %mul3A_186 = arith.muli %scan3A_141, %mul3A_185 : i32
      %add3A_187 = arith.constant 2 : i32
      %add3A_188 = arith.addi %mul3A_186, %add3A_187 : i32
      %dma_wait3A_189 = arith.constant 0 : i32
      %dma_wait3A_190 = tpu.memref_slice %arg6[%add3A_188, %dma_wait3A_189] : memref<80x128xi32, #tpu.memory_space<vmem>> -> memref<1x128xi32, #tpu.memory_space<vmem>>
      %dma_wait3A_191 = tpu.memref_squeeze %dma_wait3A_190 : memref<1x128xi32, #tpu.memory_space<vmem>> -> memref<128xi32, #tpu.memory_space<vmem>>
      %dma_wait3A_192 = arith.constant 0 : i32
      %dma_wait3A_193 = arith.constant 0 : i32
      %dma_wait3A_194 = tpu.memref_slice %arg2[%dma_wait3A_192, %dma_wait3A_193] : memref<10000x64xf32, #tpu.memory_space<hbm>> -> memref<10000x64xf32, #tpu.memory_space<hbm>>
      tpu.wait_indirect_dma semaphore(%arg18 : memref<!tpu.dma_semaphore, #tpu.memory_space<semaphore_mem>>) src(%dma_wait3A_194 : memref<10000x64xf32, #tpu.memory_space<hbm>>) dst(%arg10 : memref<128x64xf32, #tpu.memory_space<vmem>>)
      %dma_start3A_195 = arith.constant 0 : i32
      %dma_start3A_196 = tpu.memref_slice %arg7[%add3A_188, %dma_start3A_195] : memref<80x128xi32, #tpu.memory_space<vmem>> -> memref<1x128xi32, #tpu.memory_space<vmem>>
      %dma_start3A_197 = tpu.memref_squeeze %dma_start3A_196 : memref<1x128xi32, #tpu.memory_space<vmem>> -> memref<128xi32, #tpu.memory_space<vmem>>
      %dma_start3A_198 = arith.constant 0 : i32
      %dma_start3A_199 = arith.constant 0 : i32
      %dma_start3A_200 = tpu.memref_slice %arg5[%dma_start3A_198, %dma_start3A_199] : memref<10008x64xf32, #tpu.memory_space<vmem_shared>> -> memref<10008x64xf32, #tpu.memory_space<vmem_shared>>
      tpu.enqueue_indirect_dma source(%arg10 : memref<128x64xf32, #tpu.memory_space<vmem>>) target(%dma_start3A_200 : memref<10008x64xf32, #tpu.memory_space<vmem_shared>>) offsets(%dma_start3A_197 : memref<128xi32, #tpu.memory_space<vmem>>) semaphore(%arg26 : memref<!tpu.dma_semaphore, #tpu.memory_space<semaphore_mem>>) {add = true}
      %add3A_201 = arith.constant 7 : i32
      %add3A_202 = arith.addi %add3A_188, %add3A_201 : i32
      %lt3A_203 = arith.constant 80 : i32
      %lt3A_204 = arith.cmpi slt, %add3A_202, %lt3A_203 : i32
      %convert_element_type3A_205 = arith.extui %lt3A_204 : i1 to i32
      %cond3A_206 = arith.constant 0 : i32
      %cond3A_207 = arith.cmpi ne, %convert_element_type3A_205, %cond3A_206 : i32
      scf.if %cond3A_207 {
        %ge3A = arith.constant 8 : i32
        %ge3A_323 = arith.cmpi sge, %add3A_202, %ge3A : i32
        %convert_element_type3A_324 = arith.extui %ge3A_323 : i1 to i32
        %cond3A_325 = arith.constant 0 : i32
        %cond3A_326 = arith.cmpi ne, %convert_element_type3A_324, %cond3A_325 : i32
        scf.if %cond3A_326 {
          %sub3A = arith.constant 8 : i32
          %sub3A_333 = arith.subi %add3A_202, %sub3A : i32
          %dma_wait3A_334 = arith.constant 0 : i32
          %dma_wait3A_335 = tpu.memref_slice %arg7[%sub3A_333, %dma_wait3A_334] : memref<80x128xi32, #tpu.memory_space<vmem>> -> memref<1x128xi32, #tpu.memory_space<vmem>>
          %dma_wait3A_336 = tpu.memref_squeeze %dma_wait3A_335 : memref<1x128xi32, #tpu.memory_space<vmem>> -> memref<128xi32, #tpu.memory_space<vmem>>
          %dma_wait3A_337 = arith.constant 0 : i32
          %dma_wait3A_338 = arith.constant 0 : i32
          %dma_wait3A_339 = tpu.memref_slice %arg5[%dma_wait3A_337, %dma_wait3A_338] : memref<10008x64xf32, #tpu.memory_space<vmem_shared>> -> memref<10008x64xf32, #tpu.memory_space<vmem_shared>>
          tpu.wait_indirect_dma semaphore(%arg25 : memref<!tpu.dma_semaphore, #tpu.memory_space<semaphore_mem>>) src(%arg9 : memref<128x64xf32, #tpu.memory_space<vmem>>) dst(%dma_wait3A_339 : memref<10008x64xf32, #tpu.memory_space<vmem_shared>>)
        } else {
        }
        %dma_start3A_327 = arith.constant 0 : i32
        %dma_start3A_328 = tpu.memref_slice %arg6[%add3A_202, %dma_start3A_327] : memref<80x128xi32, #tpu.memory_space<vmem>> -> memref<1x128xi32, #tpu.memory_space<vmem>>
        %dma_start3A_329 = tpu.memref_squeeze %dma_start3A_328 : memref<1x128xi32, #tpu.memory_space<vmem>> -> memref<128xi32, #tpu.memory_space<vmem>>
        %dma_start3A_330 = arith.constant 0 : i32
        %dma_start3A_331 = arith.constant 0 : i32
        %dma_start3A_332 = tpu.memref_slice %arg2[%dma_start3A_330, %dma_start3A_331] : memref<10000x64xf32, #tpu.memory_space<hbm>> -> memref<10000x64xf32, #tpu.memory_space<hbm>>
        tpu.enqueue_indirect_dma source(%dma_start3A_332 : memref<10000x64xf32, #tpu.memory_space<hbm>>) target(%arg9 : memref<128x64xf32, #tpu.memory_space<vmem>>) offsets(%dma_start3A_329 : memref<128xi32, #tpu.memory_space<vmem>>) semaphore(%arg17 : memref<!tpu.dma_semaphore, #tpu.memory_space<semaphore_mem>>)
      } else {
      }
      %mul3A_208 = arith.constant 8 : i32
      %mul3A_209 = arith.muli %scan3A_141, %mul3A_208 : i32
      %add3A_210 = arith.constant 3 : i32
      %add3A_211 = arith.addi %mul3A_209, %add3A_210 : i32
      %dma_wait3A_212 = arith.constant 0 : i32
      %dma_wait3A_213 = tpu.memref_slice %arg6[%add3A_211, %dma_wait3A_212] : memref<80x128xi32, #tpu.memory_space<vmem>> -> memref<1x128xi32, #tpu.memory_space<vmem>>
      %dma_wait3A_214 = tpu.memref_squeeze %dma_wait3A_213 : memref<1x128xi32, #tpu.memory_space<vmem>> -> memref<128xi32, #tpu.memory_space<vmem>>
      %dma_wait3A_215 = arith.constant 0 : i32
      %dma_wait3A_216 = arith.constant 0 : i32
      %dma_wait3A_217 = tpu.memref_slice %arg2[%dma_wait3A_215, %dma_wait3A_216] : memref<10000x64xf32, #tpu.memory_space<hbm>> -> memref<10000x64xf32, #tpu.memory_space<hbm>>
      tpu.wait_indirect_dma semaphore(%arg19 : memref<!tpu.dma_semaphore, #tpu.memory_space<semaphore_mem>>) src(%dma_wait3A_217 : memref<10000x64xf32, #tpu.memory_space<hbm>>) dst(%arg11 : memref<128x64xf32, #tpu.memory_space<vmem>>)
      %dma_start3A_218 = arith.constant 0 : i32
      %dma_start3A_219 = tpu.memref_slice %arg7[%add3A_211, %dma_start3A_218] : memref<80x128xi32, #tpu.memory_space<vmem>> -> memref<1x128xi32, #tpu.memory_space<vmem>>
      %dma_start3A_220 = tpu.memref_squeeze %dma_start3A_219 : memref<1x128xi32, #tpu.memory_space<vmem>> -> memref<128xi32, #tpu.memory_space<vmem>>
      %dma_start3A_221 = arith.constant 0 : i32
      %dma_start3A_222 = arith.constant 0 : i32
      %dma_start3A_223 = tpu.memref_slice %arg5[%dma_start3A_221, %dma_start3A_222] : memref<10008x64xf32, #tpu.memory_space<vmem_shared>> -> memref<10008x64xf32, #tpu.memory_space<vmem_shared>>
      tpu.enqueue_indirect_dma source(%arg11 : memref<128x64xf32, #tpu.memory_space<vmem>>) target(%dma_start3A_223 : memref<10008x64xf32, #tpu.memory_space<vmem_shared>>) offsets(%dma_start3A_220 : memref<128xi32, #tpu.memory_space<vmem>>) semaphore(%arg27 : memref<!tpu.dma_semaphore, #tpu.memory_space<semaphore_mem>>) {add = true}
      %add3A_224 = arith.constant 7 : i32
      %add3A_225 = arith.addi %add3A_211, %add3A_224 : i32
      %lt3A_226 = arith.constant 80 : i32
      %lt3A_227 = arith.cmpi slt, %add3A_225, %lt3A_226 : i32
      %convert_element_type3A_228 = arith.extui %lt3A_227 : i1 to i32
      %cond3A_229 = arith.constant 0 : i32
      %cond3A_230 = arith.cmpi ne, %convert_element_type3A_228, %cond3A_229 : i32
      scf.if %cond3A_230 {
        %ge3A = arith.constant 8 : i32
        %ge3A_323 = arith.cmpi sge, %add3A_225, %ge3A : i32
        %convert_element_type3A_324 = arith.extui %ge3A_323 : i1 to i32
        %cond3A_325 = arith.constant 0 : i32
        %cond3A_326 = arith.cmpi ne, %convert_element_type3A_324, %cond3A_325 : i32
        scf.if %cond3A_326 {
          %sub3A = arith.constant 8 : i32
          %sub3A_333 = arith.subi %add3A_225, %sub3A : i32
          %dma_wait3A_334 = arith.constant 0 : i32
          %dma_wait3A_335 = tpu.memref_slice %arg7[%sub3A_333, %dma_wait3A_334] : memref<80x128xi32, #tpu.memory_space<vmem>> -> memref<1x128xi32, #tpu.memory_space<vmem>>
          %dma_wait3A_336 = tpu.memref_squeeze %dma_wait3A_335 : memref<1x128xi32, #tpu.memory_space<vmem>> -> memref<128xi32, #tpu.memory_space<vmem>>
          %dma_wait3A_337 = arith.constant 0 : i32
          %dma_wait3A_338 = arith.constant 0 : i32
          %dma_wait3A_339 = tpu.memref_slice %arg5[%dma_wait3A_337, %dma_wait3A_338] : memref<10008x64xf32, #tpu.memory_space<vmem_shared>> -> memref<10008x64xf32, #tpu.memory_space<vmem_shared>>
          tpu.wait_indirect_dma semaphore(%arg26 : memref<!tpu.dma_semaphore, #tpu.memory_space<semaphore_mem>>) src(%arg10 : memref<128x64xf32, #tpu.memory_space<vmem>>) dst(%dma_wait3A_339 : memref<10008x64xf32, #tpu.memory_space<vmem_shared>>)
        } else {
        }
        %dma_start3A_327 = arith.constant 0 : i32
        %dma_start3A_328 = tpu.memref_slice %arg6[%add3A_225, %dma_start3A_327] : memref<80x128xi32, #tpu.memory_space<vmem>> -> memref<1x128xi32, #tpu.memory_space<vmem>>
        %dma_start3A_329 = tpu.memref_squeeze %dma_start3A_328 : memref<1x128xi32, #tpu.memory_space<vmem>> -> memref<128xi32, #tpu.memory_space<vmem>>
        %dma_start3A_330 = arith.constant 0 : i32
        %dma_start3A_331 = arith.constant 0 : i32
        %dma_start3A_332 = tpu.memref_slice %arg2[%dma_start3A_330, %dma_start3A_331] : memref<10000x64xf32, #tpu.memory_space<hbm>> -> memref<10000x64xf32, #tpu.memory_space<hbm>>
        tpu.enqueue_indirect_dma source(%dma_start3A_332 : memref<10000x64xf32, #tpu.memory_space<hbm>>) target(%arg10 : memref<128x64xf32, #tpu.memory_space<vmem>>) offsets(%dma_start3A_329 : memref<128xi32, #tpu.memory_space<vmem>>) semaphore(%arg18 : memref<!tpu.dma_semaphore, #tpu.memory_space<semaphore_mem>>)
      } else {
      }
      %mul3A_231 = arith.constant 8 : i32
      %mul3A_232 = arith.muli %scan3A_141, %mul3A_231 : i32
      %add3A_233 = arith.constant 4 : i32
      %add3A_234 = arith.addi %mul3A_232, %add3A_233 : i32
      %dma_wait3A_235 = arith.constant 0 : i32
      %dma_wait3A_236 = tpu.memref_slice %arg6[%add3A_234, %dma_wait3A_235] : memref<80x128xi32, #tpu.memory_space<vmem>> -> memref<1x128xi32, #tpu.memory_space<vmem>>
      %dma_wait3A_237 = tpu.memref_squeeze %dma_wait3A_236 : memref<1x128xi32, #tpu.memory_space<vmem>> -> memref<128xi32, #tpu.memory_space<vmem>>
      %dma_wait3A_238 = arith.constant 0 : i32
      %dma_wait3A_239 = arith.constant 0 : i32
      %dma_wait3A_240 = tpu.memref_slice %arg2[%dma_wait3A_238, %dma_wait3A_239] : memref<10000x64xf32, #tpu.memory_space<hbm>> -> memref<10000x64xf32, #tpu.memory_space<hbm>>
      tpu.wait_indirect_dma semaphore(%arg20 : memref<!tpu.dma_semaphore, #tpu.memory_space<semaphore_mem>>) src(%dma_wait3A_240 : memref<10000x64xf32, #tpu.memory_space<hbm>>) dst(%arg12 : memref<128x64xf32, #tpu.memory_space<vmem>>)
      %dma_start3A_241 = arith.constant 0 : i32
      %dma_start3A_242 = tpu.memref_slice %arg7[%add3A_234, %dma_start3A_241] : memref<80x128xi32, #tpu.memory_space<vmem>> -> memref<1x128xi32, #tpu.memory_space<vmem>>
      %dma_start3A_243 = tpu.memref_squeeze %dma_start3A_242 : memref<1x128xi32, #tpu.memory_space<vmem>> -> memref<128xi32, #tpu.memory_space<vmem>>
      %dma_start3A_244 = arith.constant 0 : i32
      %dma_start3A_245 = arith.constant 0 : i32
      %dma_start3A_246 = tpu.memref_slice %arg5[%dma_start3A_244, %dma_start3A_245] : memref<10008x64xf32, #tpu.memory_space<vmem_shared>> -> memref<10008x64xf32, #tpu.memory_space<vmem_shared>>
      tpu.enqueue_indirect_dma source(%arg12 : memref<128x64xf32, #tpu.memory_space<vmem>>) target(%dma_start3A_246 : memref<10008x64xf32, #tpu.memory_space<vmem_shared>>) offsets(%dma_start3A_243 : memref<128xi32, #tpu.memory_space<vmem>>) semaphore(%arg28 : memref<!tpu.dma_semaphore, #tpu.memory_space<semaphore_mem>>) {add = true}
      %add3A_247 = arith.constant 7 : i32
      %add3A_248 = arith.addi %add3A_234, %add3A_247 : i32
      %lt3A_249 = arith.constant 80 : i32
      %lt3A_250 = arith.cmpi slt, %add3A_248, %lt3A_249 : i32
      %convert_element_type3A_251 = arith.extui %lt3A_250 : i1 to i32
      %cond3A_252 = arith.constant 0 : i32
      %cond3A_253 = arith.cmpi ne, %convert_element_type3A_251, %cond3A_252 : i32
      scf.if %cond3A_253 {
        %ge3A = arith.constant 8 : i32
        %ge3A_323 = arith.cmpi sge, %add3A_248, %ge3A : i32
        %convert_element_type3A_324 = arith.extui %ge3A_323 : i1 to i32
        %cond3A_325 = arith.constant 0 : i32
        %cond3A_326 = arith.cmpi ne, %convert_element_type3A_324, %cond3A_325 : i32
        scf.if %cond3A_326 {
          %sub3A = arith.constant 8 : i32
          %sub3A_333 = arith.subi %add3A_248, %sub3A : i32
          %dma_wait3A_334 = arith.constant 0 : i32
          %dma_wait3A_335 = tpu.memref_slice %arg7[%sub3A_333, %dma_wait3A_334] : memref<80x128xi32, #tpu.memory_space<vmem>> -> memref<1x128xi32, #tpu.memory_space<vmem>>
          %dma_wait3A_336 = tpu.memref_squeeze %dma_wait3A_335 : memref<1x128xi32, #tpu.memory_space<vmem>> -> memref<128xi32, #tpu.memory_space<vmem>>
          %dma_wait3A_337 = arith.constant 0 : i32
          %dma_wait3A_338 = arith.constant 0 : i32
          %dma_wait3A_339 = tpu.memref_slice %arg5[%dma_wait3A_337, %dma_wait3A_338] : memref<10008x64xf32, #tpu.memory_space<vmem_shared>> -> memref<10008x64xf32, #tpu.memory_space<vmem_shared>>
          tpu.wait_indirect_dma semaphore(%arg27 : memref<!tpu.dma_semaphore, #tpu.memory_space<semaphore_mem>>) src(%arg11 : memref<128x64xf32, #tpu.memory_space<vmem>>) dst(%dma_wait3A_339 : memref<10008x64xf32, #tpu.memory_space<vmem_shared>>)
        } else {
        }
        %dma_start3A_327 = arith.constant 0 : i32
        %dma_start3A_328 = tpu.memref_slice %arg6[%add3A_248, %dma_start3A_327] : memref<80x128xi32, #tpu.memory_space<vmem>> -> memref<1x128xi32, #tpu.memory_space<vmem>>
        %dma_start3A_329 = tpu.memref_squeeze %dma_start3A_328 : memref<1x128xi32, #tpu.memory_space<vmem>> -> memref<128xi32, #tpu.memory_space<vmem>>
        %dma_start3A_330 = arith.constant 0 : i32
        %dma_start3A_331 = arith.constant 0 : i32
        %dma_start3A_332 = tpu.memref_slice %arg2[%dma_start3A_330, %dma_start3A_331] : memref<10000x64xf32, #tpu.memory_space<hbm>> -> memref<10000x64xf32, #tpu.memory_space<hbm>>
        tpu.enqueue_indirect_dma source(%dma_start3A_332 : memref<10000x64xf32, #tpu.memory_space<hbm>>) target(%arg11 : memref<128x64xf32, #tpu.memory_space<vmem>>) offsets(%dma_start3A_329 : memref<128xi32, #tpu.memory_space<vmem>>) semaphore(%arg19 : memref<!tpu.dma_semaphore, #tpu.memory_space<semaphore_mem>>)
      } else {
      }
      %mul3A_254 = arith.constant 8 : i32
      %mul3A_255 = arith.muli %scan3A_141, %mul3A_254 : i32
      %add3A_256 = arith.constant 5 : i32
      %add3A_257 = arith.addi %mul3A_255, %add3A_256 : i32
      %dma_wait3A_258 = arith.constant 0 : i32
      %dma_wait3A_259 = tpu.memref_slice %arg6[%add3A_257, %dma_wait3A_258] : memref<80x128xi32, #tpu.memory_space<vmem>> -> memref<1x128xi32, #tpu.memory_space<vmem>>
      %dma_wait3A_260 = tpu.memref_squeeze %dma_wait3A_259 : memref<1x128xi32, #tpu.memory_space<vmem>> -> memref<128xi32, #tpu.memory_space<vmem>>
      %dma_wait3A_261 = arith.constant 0 : i32
      %dma_wait3A_262 = arith.constant 0 : i32
      %dma_wait3A_263 = tpu.memref_slice %arg2[%dma_wait3A_261, %dma_wait3A_262] : memref<10000x64xf32, #tpu.memory_space<hbm>> -> memref<10000x64xf32, #tpu.memory_space<hbm>>
      tpu.wait_indirect_dma semaphore(%arg21 : memref<!tpu.dma_semaphore, #tpu.memory_space<semaphore_mem>>) src(%dma_wait3A_263 : memref<10000x64xf32, #tpu.memory_space<hbm>>) dst(%arg13 : memref<128x64xf32, #tpu.memory_space<vmem>>)
      %dma_start3A_264 = arith.constant 0 : i32
      %dma_start3A_265 = tpu.memref_slice %arg7[%add3A_257, %dma_start3A_264] : memref<80x128xi32, #tpu.memory_space<vmem>> -> memref<1x128xi32, #tpu.memory_space<vmem>>
      %dma_start3A_266 = tpu.memref_squeeze %dma_start3A_265 : memref<1x128xi32, #tpu.memory_space<vmem>> -> memref<128xi32, #tpu.memory_space<vmem>>
      %dma_start3A_267 = arith.constant 0 : i32
      %dma_start3A_268 = arith.constant 0 : i32
      %dma_start3A_269 = tpu.memref_slice %arg5[%dma_start3A_267, %dma_start3A_268] : memref<10008x64xf32, #tpu.memory_space<vmem_shared>> -> memref<10008x64xf32, #tpu.memory_space<vmem_shared>>
      tpu.enqueue_indirect_dma source(%arg13 : memref<128x64xf32, #tpu.memory_space<vmem>>) target(%dma_start3A_269 : memref<10008x64xf32, #tpu.memory_space<vmem_shared>>) offsets(%dma_start3A_266 : memref<128xi32, #tpu.memory_space<vmem>>) semaphore(%arg29 : memref<!tpu.dma_semaphore, #tpu.memory_space<semaphore_mem>>) {add = true}
      %add3A_270 = arith.constant 7 : i32
      %add3A_271 = arith.addi %add3A_257, %add3A_270 : i32
      %lt3A_272 = arith.constant 80 : i32
      %lt3A_273 = arith.cmpi slt, %add3A_271, %lt3A_272 : i32
      %convert_element_type3A_274 = arith.extui %lt3A_273 : i1 to i32
      %cond3A_275 = arith.constant 0 : i32
      %cond3A_276 = arith.cmpi ne, %convert_element_type3A_274, %cond3A_275 : i32
      scf.if %cond3A_276 {
        %ge3A = arith.constant 8 : i32
        %ge3A_323 = arith.cmpi sge, %add3A_271, %ge3A : i32
        %convert_element_type3A_324 = arith.extui %ge3A_323 : i1 to i32
        %cond3A_325 = arith.constant 0 : i32
        %cond3A_326 = arith.cmpi ne, %convert_element_type3A_324, %cond3A_325 : i32
        scf.if %cond3A_326 {
          %sub3A = arith.constant 8 : i32
          %sub3A_333 = arith.subi %add3A_271, %sub3A : i32
          %dma_wait3A_334 = arith.constant 0 : i32
          %dma_wait3A_335 = tpu.memref_slice %arg7[%sub3A_333, %dma_wait3A_334] : memref<80x128xi32, #tpu.memory_space<vmem>> -> memref<1x128xi32, #tpu.memory_space<vmem>>
          %dma_wait3A_336 = tpu.memref_squeeze %dma_wait3A_335 : memref<1x128xi32, #tpu.memory_space<vmem>> -> memref<128xi32, #tpu.memory_space<vmem>>
          %dma_wait3A_337 = arith.constant 0 : i32
          %dma_wait3A_338 = arith.constant 0 : i32
          %dma_wait3A_339 = tpu.memref_slice %arg5[%dma_wait3A_337, %dma_wait3A_338] : memref<10008x64xf32, #tpu.memory_space<vmem_shared>> -> memref<10008x64xf32, #tpu.memory_space<vmem_shared>>
          tpu.wait_indirect_dma semaphore(%arg28 : memref<!tpu.dma_semaphore, #tpu.memory_space<semaphore_mem>>) src(%arg12 : memref<128x64xf32, #tpu.memory_space<vmem>>) dst(%dma_wait3A_339 : memref<10008x64xf32, #tpu.memory_space<vmem_shared>>)
        } else {
        }
        %dma_start3A_327 = arith.constant 0 : i32
        %dma_start3A_328 = tpu.memref_slice %arg6[%add3A_271, %dma_start3A_327] : memref<80x128xi32, #tpu.memory_space<vmem>> -> memref<1x128xi32, #tpu.memory_space<vmem>>
        %dma_start3A_329 = tpu.memref_squeeze %dma_start3A_328 : memref<1x128xi32, #tpu.memory_space<vmem>> -> memref<128xi32, #tpu.memory_space<vmem>>
        %dma_start3A_330 = arith.constant 0 : i32
        %dma_start3A_331 = arith.constant 0 : i32
        %dma_start3A_332 = tpu.memref_slice %arg2[%dma_start3A_330, %dma_start3A_331] : memref<10000x64xf32, #tpu.memory_space<hbm>> -> memref<10000x64xf32, #tpu.memory_space<hbm>>
        tpu.enqueue_indirect_dma source(%dma_start3A_332 : memref<10000x64xf32, #tpu.memory_space<hbm>>) target(%arg12 : memref<128x64xf32, #tpu.memory_space<vmem>>) offsets(%dma_start3A_329 : memref<128xi32, #tpu.memory_space<vmem>>) semaphore(%arg20 : memref<!tpu.dma_semaphore, #tpu.memory_space<semaphore_mem>>)
      } else {
      }
      %mul3A_277 = arith.constant 8 : i32
      %mul3A_278 = arith.muli %scan3A_141, %mul3A_277 : i32
      %add3A_279 = arith.constant 6 : i32
      %add3A_280 = arith.addi %mul3A_278, %add3A_279 : i32
      %dma_wait3A_281 = arith.constant 0 : i32
      %dma_wait3A_282 = tpu.memref_slice %arg6[%add3A_280, %dma_wait3A_281] : memref<80x128xi32, #tpu.memory_space<vmem>> -> memref<1x128xi32, #tpu.memory_space<vmem>>
      %dma_wait3A_283 = tpu.memref_squeeze %dma_wait3A_282 : memref<1x128xi32, #tpu.memory_space<vmem>> -> memref<128xi32, #tpu.memory_space<vmem>>
      %dma_wait3A_284 = arith.constant 0 : i32
      %dma_wait3A_285 = arith.constant 0 : i32
      %dma_wait3A_286 = tpu.memref_slice %arg2[%dma_wait3A_284, %dma_wait3A_285] : memref<10000x64xf32, #tpu.memory_space<hbm>> -> memref<10000x64xf32, #tpu.memory_space<hbm>>
      tpu.wait_indirect_dma semaphore(%arg22 : memref<!tpu.dma_semaphore, #tpu.memory_space<semaphore_mem>>) src(%dma_wait3A_286 : memref<10000x64xf32, #tpu.memory_space<hbm>>) dst(%arg14 : memref<128x64xf32, #tpu.memory_space<vmem>>)
      %dma_start3A_287 = arith.constant 0 : i32
      %dma_start3A_288 = tpu.memref_slice %arg7[%add3A_280, %dma_start3A_287] : memref<80x128xi32, #tpu.memory_space<vmem>> -> memref<1x128xi32, #tpu.memory_space<vmem>>
      %dma_start3A_289 = tpu.memref_squeeze %dma_start3A_288 : memref<1x128xi32, #tpu.memory_space<vmem>> -> memref<128xi32, #tpu.memory_space<vmem>>
      %dma_start3A_290 = arith.constant 0 : i32
      %dma_start3A_291 = arith.constant 0 : i32
      %dma_start3A_292 = tpu.memref_slice %arg5[%dma_start3A_290, %dma_start3A_291] : memref<10008x64xf32, #tpu.memory_space<vmem_shared>> -> memref<10008x64xf32, #tpu.memory_space<vmem_shared>>
      tpu.enqueue_indirect_dma source(%arg14 : memref<128x64xf32, #tpu.memory_space<vmem>>) target(%dma_start3A_292 : memref<10008x64xf32, #tpu.memory_space<vmem_shared>>) offsets(%dma_start3A_289 : memref<128xi32, #tpu.memory_space<vmem>>) semaphore(%arg30 : memref<!tpu.dma_semaphore, #tpu.memory_space<semaphore_mem>>) {add = true}
      %add3A_293 = arith.constant 7 : i32
      %add3A_294 = arith.addi %add3A_280, %add3A_293 : i32
      %lt3A_295 = arith.constant 80 : i32
      %lt3A_296 = arith.cmpi slt, %add3A_294, %lt3A_295 : i32
      %convert_element_type3A_297 = arith.extui %lt3A_296 : i1 to i32
      %cond3A_298 = arith.constant 0 : i32
      %cond3A_299 = arith.cmpi ne, %convert_element_type3A_297, %cond3A_298 : i32
      scf.if %cond3A_299 {
        %ge3A = arith.constant 8 : i32
        %ge3A_323 = arith.cmpi sge, %add3A_294, %ge3A : i32
        %convert_element_type3A_324 = arith.extui %ge3A_323 : i1 to i32
        %cond3A_325 = arith.constant 0 : i32
        %cond3A_326 = arith.cmpi ne, %convert_element_type3A_324, %cond3A_325 : i32
        scf.if %cond3A_326 {
          %sub3A = arith.constant 8 : i32
          %sub3A_333 = arith.subi %add3A_294, %sub3A : i32
          %dma_wait3A_334 = arith.constant 0 : i32
          %dma_wait3A_335 = tpu.memref_slice %arg7[%sub3A_333, %dma_wait3A_334] : memref<80x128xi32, #tpu.memory_space<vmem>> -> memref<1x128xi32, #tpu.memory_space<vmem>>
          %dma_wait3A_336 = tpu.memref_squeeze %dma_wait3A_335 : memref<1x128xi32, #tpu.memory_space<vmem>> -> memref<128xi32, #tpu.memory_space<vmem>>
          %dma_wait3A_337 = arith.constant 0 : i32
          %dma_wait3A_338 = arith.constant 0 : i32
          %dma_wait3A_339 = tpu.memref_slice %arg5[%dma_wait3A_337, %dma_wait3A_338] : memref<10008x64xf32, #tpu.memory_space<vmem_shared>> -> memref<10008x64xf32, #tpu.memory_space<vmem_shared>>
          tpu.wait_indirect_dma semaphore(%arg29 : memref<!tpu.dma_semaphore, #tpu.memory_space<semaphore_mem>>) src(%arg13 : memref<128x64xf32, #tpu.memory_space<vmem>>) dst(%dma_wait3A_339 : memref<10008x64xf32, #tpu.memory_space<vmem_shared>>)
        } else {
        }
        %dma_start3A_327 = arith.constant 0 : i32
        %dma_start3A_328 = tpu.memref_slice %arg6[%add3A_294, %dma_start3A_327] : memref<80x128xi32, #tpu.memory_space<vmem>> -> memref<1x128xi32, #tpu.memory_space<vmem>>
        %dma_start3A_329 = tpu.memref_squeeze %dma_start3A_328 : memref<1x128xi32, #tpu.memory_space<vmem>> -> memref<128xi32, #tpu.memory_space<vmem>>
        %dma_start3A_330 = arith.constant 0 : i32
        %dma_start3A_331 = arith.constant 0 : i32
        %dma_start3A_332 = tpu.memref_slice %arg2[%dma_start3A_330, %dma_start3A_331] : memref<10000x64xf32, #tpu.memory_space<hbm>> -> memref<10000x64xf32, #tpu.memory_space<hbm>>
        tpu.enqueue_indirect_dma source(%dma_start3A_332 : memref<10000x64xf32, #tpu.memory_space<hbm>>) target(%arg13 : memref<128x64xf32, #tpu.memory_space<vmem>>) offsets(%dma_start3A_329 : memref<128xi32, #tpu.memory_space<vmem>>) semaphore(%arg21 : memref<!tpu.dma_semaphore, #tpu.memory_space<semaphore_mem>>)
      } else {
      }
      %mul3A_300 = arith.constant 8 : i32
      %mul3A_301 = arith.muli %scan3A_141, %mul3A_300 : i32
      %add3A_302 = arith.constant 7 : i32
      %add3A_303 = arith.addi %mul3A_301, %add3A_302 : i32
      %dma_wait3A_304 = arith.constant 0 : i32
      %dma_wait3A_305 = tpu.memref_slice %arg6[%add3A_303, %dma_wait3A_304] : memref<80x128xi32, #tpu.memory_space<vmem>> -> memref<1x128xi32, #tpu.memory_space<vmem>>
      %dma_wait3A_306 = tpu.memref_squeeze %dma_wait3A_305 : memref<1x128xi32, #tpu.memory_space<vmem>> -> memref<128xi32, #tpu.memory_space<vmem>>
      %dma_wait3A_307 = arith.constant 0 : i32
      %dma_wait3A_308 = arith.constant 0 : i32
      %dma_wait3A_309 = tpu.memref_slice %arg2[%dma_wait3A_307, %dma_wait3A_308] : memref<10000x64xf32, #tpu.memory_space<hbm>> -> memref<10000x64xf32, #tpu.memory_space<hbm>>
      tpu.wait_indirect_dma semaphore(%arg23 : memref<!tpu.dma_semaphore, #tpu.memory_space<semaphore_mem>>) src(%dma_wait3A_309 : memref<10000x64xf32, #tpu.memory_space<hbm>>) dst(%arg15 : memref<128x64xf32, #tpu.memory_space<vmem>>)
      %dma_start3A_310 = arith.constant 0 : i32
      %dma_start3A_311 = tpu.memref_slice %arg7[%add3A_303, %dma_start3A_310] : memref<80x128xi32, #tpu.memory_space<vmem>> -> memref<1x128xi32, #tpu.memory_space<vmem>>
      %dma_start3A_312 = tpu.memref_squeeze %dma_start3A_311 : memref<1x128xi32, #tpu.memory_space<vmem>> -> memref<128xi32, #tpu.memory_space<vmem>>
      %dma_start3A_313 = arith.constant 0 : i32
      %dma_start3A_314 = arith.constant 0 : i32
      %dma_start3A_315 = tpu.memref_slice %arg5[%dma_start3A_313, %dma_start3A_314] : memref<10008x64xf32, #tpu.memory_space<vmem_shared>> -> memref<10008x64xf32, #tpu.memory_space<vmem_shared>>
      tpu.enqueue_indirect_dma source(%arg15 : memref<128x64xf32, #tpu.memory_space<vmem>>) target(%dma_start3A_315 : memref<10008x64xf32, #tpu.memory_space<vmem_shared>>) offsets(%dma_start3A_312 : memref<128xi32, #tpu.memory_space<vmem>>) semaphore(%arg31 : memref<!tpu.dma_semaphore, #tpu.memory_space<semaphore_mem>>) {add = true}
      %add3A_316 = arith.constant 7 : i32
      %add3A_317 = arith.addi %add3A_303, %add3A_316 : i32
      %lt3A_318 = arith.constant 80 : i32
      %lt3A_319 = arith.cmpi slt, %add3A_317, %lt3A_318 : i32
      %convert_element_type3A_320 = arith.extui %lt3A_319 : i1 to i32
      %cond3A_321 = arith.constant 0 : i32
      %cond3A_322 = arith.cmpi ne, %convert_element_type3A_320, %cond3A_321 : i32
      scf.if %cond3A_322 {
        %ge3A = arith.constant 8 : i32
        %ge3A_323 = arith.cmpi sge, %add3A_317, %ge3A : i32
        %convert_element_type3A_324 = arith.extui %ge3A_323 : i1 to i32
        %cond3A_325 = arith.constant 0 : i32
        %cond3A_326 = arith.cmpi ne, %convert_element_type3A_324, %cond3A_325 : i32
        scf.if %cond3A_326 {
          %sub3A = arith.constant 8 : i32
          %sub3A_333 = arith.subi %add3A_317, %sub3A : i32
          %dma_wait3A_334 = arith.constant 0 : i32
          %dma_wait3A_335 = tpu.memref_slice %arg7[%sub3A_333, %dma_wait3A_334] : memref<80x128xi32, #tpu.memory_space<vmem>> -> memref<1x128xi32, #tpu.memory_space<vmem>>
          %dma_wait3A_336 = tpu.memref_squeeze %dma_wait3A_335 : memref<1x128xi32, #tpu.memory_space<vmem>> -> memref<128xi32, #tpu.memory_space<vmem>>
          %dma_wait3A_337 = arith.constant 0 : i32
          %dma_wait3A_338 = arith.constant 0 : i32
          %dma_wait3A_339 = tpu.memref_slice %arg5[%dma_wait3A_337, %dma_wait3A_338] : memref<10008x64xf32, #tpu.memory_space<vmem_shared>> -> memref<10008x64xf32, #tpu.memory_space<vmem_shared>>
          tpu.wait_indirect_dma semaphore(%arg30 : memref<!tpu.dma_semaphore, #tpu.memory_space<semaphore_mem>>) src(%arg14 : memref<128x64xf32, #tpu.memory_space<vmem>>) dst(%dma_wait3A_339 : memref<10008x64xf32, #tpu.memory_space<vmem_shared>>)
        } else {
        }
        %dma_start3A_327 = arith.constant 0 : i32
        %dma_start3A_328 = tpu.memref_slice %arg6[%add3A_317, %dma_start3A_327] : memref<80x128xi32, #tpu.memory_space<vmem>> -> memref<1x128xi32, #tpu.memory_space<vmem>>
        %dma_start3A_329 = tpu.memref_squeeze %dma_start3A_328 : memref<1x128xi32, #tpu.memory_space<vmem>> -> memref<128xi32, #tpu.memory_space<vmem>>
        %dma_start3A_330 = arith.constant 0 : i32
        %dma_start3A_331 = arith.constant 0 : i32
        %dma_start3A_332 = tpu.memref_slice %arg2[%dma_start3A_330, %dma_start3A_331] : memref<10000x64xf32, #tpu.memory_space<hbm>> -> memref<10000x64xf32, #tpu.memory_space<hbm>>
        tpu.enqueue_indirect_dma source(%dma_start3A_332 : memref<10000x64xf32, #tpu.memory_space<hbm>>) target(%arg14 : memref<128x64xf32, #tpu.memory_space<vmem>>) offsets(%dma_start3A_329 : memref<128xi32, #tpu.memory_space<vmem>>) semaphore(%arg22 : memref<!tpu.dma_semaphore, #tpu.memory_space<semaphore_mem>>)
      } else {
      }
    }
    %scan3A_72 = arith.constant 10 : i32
    %dma_wait3A = arith.constant 72 : i32
    %dma_wait3A_73 = arith.constant 0 : i32
    %dma_wait3A_74 = tpu.memref_slice %arg7[%dma_wait3A, %dma_wait3A_73] : memref<80x128xi32, #tpu.memory_space<vmem>> -> memref<1x128xi32, #tpu.memory_space<vmem>>
    %dma_wait3A_75 = tpu.memref_squeeze %dma_wait3A_74 : memref<1x128xi32, #tpu.memory_space<vmem>> -> memref<128xi32, #tpu.memory_space<vmem>>
    %dma_wait3A_76 = arith.constant 0 : i32
    %dma_wait3A_77 = arith.constant 0 : i32
    %dma_wait3A_78 = tpu.memref_slice %arg5[%dma_wait3A_76, %dma_wait3A_77] : memref<10008x64xf32, #tpu.memory_space<vmem_shared>> -> memref<10008x64xf32, #tpu.memory_space<vmem_shared>>
    tpu.wait_indirect_dma semaphore(%arg24 : memref<!tpu.dma_semaphore, #tpu.memory_space<semaphore_mem>>) src(%arg8 : memref<128x64xf32, #tpu.memory_space<vmem>>) dst(%dma_wait3A_78 : memref<10008x64xf32, #tpu.memory_space<vmem_shared>>)
    %dma_wait3A_79 = arith.constant 73 : i32
    %dma_wait3A_80 = arith.constant 0 : i32
    %dma_wait3A_81 = tpu.memref_slice %arg7[%dma_wait3A_79, %dma_wait3A_80] : memref<80x128xi32, #tpu.memory_space<vmem>> -> memref<1x128xi32, #tpu.memory_space<vmem>>
    %dma_wait3A_82 = tpu.memref_squeeze %dma_wait3A_81 : memref<1x128xi32, #tpu.memory_space<vmem>> -> memref<128xi32, #tpu.memory_space<vmem>>
    %dma_wait3A_83 = arith.constant 0 : i32
    %dma_wait3A_84 = arith.constant 0 : i32
    %dma_wait3A_85 = tpu.memref_slice %arg5[%dma_wait3A_83, %dma_wait3A_84] : memref<10008x64xf32, #tpu.memory_space<vmem_shared>> -> memref<10008x64xf32, #tpu.memory_space<vmem_shared>>
    tpu.wait_indirect_dma semaphore(%arg25 : memref<!tpu.dma_semaphore, #tpu.memory_space<semaphore_mem>>) src(%arg9 : memref<128x64xf32, #tpu.memory_space<vmem>>) dst(%dma_wait3A_85 : memref<10008x64xf32, #tpu.memory_space<vmem_shared>>)
    %dma_wait3A_86 = arith.constant 74 : i32
    %dma_wait3A_87 = arith.constant 0 : i32
    %dma_wait3A_88 = tpu.memref_slice %arg7[%dma_wait3A_86, %dma_wait3A_87] : memref<80x128xi32, #tpu.memory_space<vmem>> -> memref<1x128xi32, #tpu.memory_space<vmem>>
    %dma_wait3A_89 = tpu.memref_squeeze %dma_wait3A_88 : memref<1x128xi32, #tpu.memory_space<vmem>> -> memref<128xi32, #tpu.memory_space<vmem>>
    %dma_wait3A_90 = arith.constant 0 : i32
    %dma_wait3A_91 = arith.constant 0 : i32
    %dma_wait3A_92 = tpu.memref_slice %arg5[%dma_wait3A_90, %dma_wait3A_91] : memref<10008x64xf32, #tpu.memory_space<vmem_shared>> -> memref<10008x64xf32, #tpu.memory_space<vmem_shared>>
    tpu.wait_indirect_dma semaphore(%arg26 : memref<!tpu.dma_semaphore, #tpu.memory_space<semaphore_mem>>) src(%arg10 : memref<128x64xf32, #tpu.memory_space<vmem>>) dst(%dma_wait3A_92 : memref<10008x64xf32, #tpu.memory_space<vmem_shared>>)
    %dma_wait3A_93 = arith.constant 75 : i32
    %dma_wait3A_94 = arith.constant 0 : i32
    %dma_wait3A_95 = tpu.memref_slice %arg7[%dma_wait3A_93, %dma_wait3A_94] : memref<80x128xi32, #tpu.memory_space<vmem>> -> memref<1x128xi32, #tpu.memory_space<vmem>>
    %dma_wait3A_96 = tpu.memref_squeeze %dma_wait3A_95 : memref<1x128xi32, #tpu.memory_space<vmem>> -> memref<128xi32, #tpu.memory_space<vmem>>
    %dma_wait3A_97 = arith.constant 0 : i32
    %dma_wait3A_98 = arith.constant 0 : i32
    %dma_wait3A_99 = tpu.memref_slice %arg5[%dma_wait3A_97, %dma_wait3A_98] : memref<10008x64xf32, #tpu.memory_space<vmem_shared>> -> memref<10008x64xf32, #tpu.memory_space<vmem_shared>>
    tpu.wait_indirect_dma semaphore(%arg27 : memref<!tpu.dma_semaphore, #tpu.memory_space<semaphore_mem>>) src(%arg11 : memref<128x64xf32, #tpu.memory_space<vmem>>) dst(%dma_wait3A_99 : memref<10008x64xf32, #tpu.memory_space<vmem_shared>>)
    %dma_wait3A_100 = arith.constant 76 : i32
    %dma_wait3A_101 = arith.constant 0 : i32
    %dma_wait3A_102 = tpu.memref_slice %arg7[%dma_wait3A_100, %dma_wait3A_101] : memref<80x128xi32, #tpu.memory_space<vmem>> -> memref<1x128xi32, #tpu.memory_space<vmem>>
    %dma_wait3A_103 = tpu.memref_squeeze %dma_wait3A_102 : memref<1x128xi32, #tpu.memory_space<vmem>> -> memref<128xi32, #tpu.memory_space<vmem>>
    %dma_wait3A_104 = arith.constant 0 : i32
    %dma_wait3A_105 = arith.constant 0 : i32
    %dma_wait3A_106 = tpu.memref_slice %arg5[%dma_wait3A_104, %dma_wait3A_105] : memref<10008x64xf32, #tpu.memory_space<vmem_shared>> -> memref<10008x64xf32, #tpu.memory_space<vmem_shared>>
    tpu.wait_indirect_dma semaphore(%arg28 : memref<!tpu.dma_semaphore, #tpu.memory_space<semaphore_mem>>) src(%arg12 : memref<128x64xf32, #tpu.memory_space<vmem>>) dst(%dma_wait3A_106 : memref<10008x64xf32, #tpu.memory_space<vmem_shared>>)
    %dma_wait3A_107 = arith.constant 77 : i32
    %dma_wait3A_108 = arith.constant 0 : i32
    %dma_wait3A_109 = tpu.memref_slice %arg7[%dma_wait3A_107, %dma_wait3A_108] : memref<80x128xi32, #tpu.memory_space<vmem>> -> memref<1x128xi32, #tpu.memory_space<vmem>>
    %dma_wait3A_110 = tpu.memref_squeeze %dma_wait3A_109 : memref<1x128xi32, #tpu.memory_space<vmem>> -> memref<128xi32, #tpu.memory_space<vmem>>
    %dma_wait3A_111 = arith.constant 0 : i32
    %dma_wait3A_112 = arith.constant 0 : i32
    %dma_wait3A_113 = tpu.memref_slice %arg5[%dma_wait3A_111, %dma_wait3A_112] : memref<10008x64xf32, #tpu.memory_space<vmem_shared>> -> memref<10008x64xf32, #tpu.memory_space<vmem_shared>>
    tpu.wait_indirect_dma semaphore(%arg29 : memref<!tpu.dma_semaphore, #tpu.memory_space<semaphore_mem>>) src(%arg13 : memref<128x64xf32, #tpu.memory_space<vmem>>) dst(%dma_wait3A_113 : memref<10008x64xf32, #tpu.memory_space<vmem_shared>>)
    %dma_wait3A_114 = arith.constant 78 : i32
    %dma_wait3A_115 = arith.constant 0 : i32
    %dma_wait3A_116 = tpu.memref_slice %arg7[%dma_wait3A_114, %dma_wait3A_115] : memref<80x128xi32, #tpu.memory_space<vmem>> -> memref<1x128xi32, #tpu.memory_space<vmem>>
    %dma_wait3A_117 = tpu.memref_squeeze %dma_wait3A_116 : memref<1x128xi32, #tpu.memory_space<vmem>> -> memref<128xi32, #tpu.memory_space<vmem>>
    %dma_wait3A_118 = arith.constant 0 : i32
    %dma_wait3A_119 = arith.constant 0 : i32
    %dma_wait3A_120 = tpu.memref_slice %arg5[%dma_wait3A_118, %dma_wait3A_119] : memref<10008x64xf32, #tpu.memory_space<vmem_shared>> -> memref<10008x64xf32, #tpu.memory_space<vmem_shared>>
    tpu.wait_indirect_dma semaphore(%arg30 : memref<!tpu.dma_semaphore, #tpu.memory_space<semaphore_mem>>) src(%arg14 : memref<128x64xf32, #tpu.memory_space<vmem>>) dst(%dma_wait3A_120 : memref<10008x64xf32, #tpu.memory_space<vmem_shared>>)
    %dma_wait3A_121 = arith.constant 79 : i32
    %dma_wait3A_122 = arith.constant 0 : i32
    %dma_wait3A_123 = tpu.memref_slice %arg7[%dma_wait3A_121, %dma_wait3A_122] : memref<80x128xi32, #tpu.memory_space<vmem>> -> memref<1x128xi32, #tpu.memory_space<vmem>>
    %dma_wait3A_124 = tpu.memref_squeeze %dma_wait3A_123 : memref<1x128xi32, #tpu.memory_space<vmem>> -> memref<128xi32, #tpu.memory_space<vmem>>
    %dma_wait3A_125 = arith.constant 0 : i32
    %dma_wait3A_126 = arith.constant 0 : i32
    %dma_wait3A_127 = tpu.memref_slice %arg5[%dma_wait3A_125, %dma_wait3A_126] : memref<10008x64xf32, #tpu.memory_space<vmem_shared>> -> memref<10008x64xf32, #tpu.memory_space<vmem_shared>>
    tpu.wait_indirect_dma semaphore(%arg31 : memref<!tpu.dma_semaphore, #tpu.memory_space<semaphore_mem>>) src(%arg15 : memref<128x64xf32, #tpu.memory_space<vmem>>) dst(%dma_wait3A_127 : memref<10008x64xf32, #tpu.memory_space<vmem_shared>>)
    %barrier3A_128 = arith.constant 0 : index
    tpu.barrier barrier_id(%barrier3A_128)
    %mul3A_129 = arith.constant 625 : i32
    %mul3A_130 = arith.muli %arg1, %mul3A_129 : i32
    "tpu.region"() ({
      %run_scoped3A_141 = tpu.sem_alloc : memref<!tpu.dma_semaphore, #tpu.memory_space<semaphore_mem>>
      %dma_start3A_142 = arith.constant 0 : i32
      %dma_start3A_143 = arith.constant 0 : i32
      %dma_start3A_144 = tpu.memref_slice %arg8[%dma_start3A_142, %dma_start3A_143] : memref<128x64xf32, #tpu.memory_space<vmem>> -> memref<128x64xf32, #tpu.memory_space<vmem>>
      %dma_start3A_145 = arith.constant 0 : i32
      %dma_start3A_146 = tpu.memref_slice %arg5[%mul3A_130, %dma_start3A_145] : memref<10008x64xf32, #tpu.memory_space<vmem_shared>> -> memref<128x64xf32, #tpu.memory_space<vmem_shared>>
      %dma_start3A_147 = arith.constant 0 : i32
      %dma_start3A_148 = arith.constant 0 : i32
      %dma_start3A_149 = tpu.memref_slice %arg8[%dma_start3A_147, %dma_start3A_148] : memref<128x64xf32, #tpu.memory_space<vmem>> -> memref<128x64xf32, #tpu.memory_space<vmem>>
      %dma_start3A_150 = arith.constant 0 : i32
      %dma_start3A_151 = tpu.memref_slice %arg5[%mul3A_130, %dma_start3A_150] : memref<10008x64xf32, #tpu.memory_space<vmem_shared>> -> memref<128x64xf32, #tpu.memory_space<vmem_shared>>
      tpu.enqueue_dma source(%dma_start3A_151 : memref<128x64xf32, #tpu.memory_space<vmem_shared>>) target(%dma_start3A_149 : memref<128x64xf32, #tpu.memory_space<vmem>>) target_semaphore(%run_scoped3A_141 : memref<!tpu.dma_semaphore, #tpu.memory_space<semaphore_mem>>)
      %dma_wait3A_152 = arith.constant 0 : i32
      %dma_wait3A_153 = arith.constant 0 : i32
      %dma_wait3A_154 = tpu.memref_slice %arg8[%dma_wait3A_152, %dma_wait3A_153] : memref<128x64xf32, #tpu.memory_space<vmem>> -> memref<128x64xf32, #tpu.memory_space<vmem>>
      %dma_wait3A_155 = arith.constant 0 : i32
      %dma_wait3A_156 = tpu.memref_slice %arg5[%mul3A_130, %dma_wait3A_155] : memref<10008x64xf32, #tpu.memory_space<vmem_shared>> -> memref<128x64xf32, #tpu.memory_space<vmem_shared>>
      %dma_wait3A_157 = arith.constant 0 : i32
      %dma_wait3A_158 = arith.constant 0 : i32
      %dma_wait3A_159 = tpu.memref_slice %arg8[%dma_wait3A_157, %dma_wait3A_158] : memref<128x64xf32, #tpu.memory_space<vmem>> -> memref<128x64xf32, #tpu.memory_space<vmem>>
      %dma_wait3A_160 = arith.constant 0 : i32
      %dma_wait3A_161 = tpu.memref_slice %arg5[%mul3A_130, %dma_wait3A_160] : memref<10008x64xf32, #tpu.memory_space<vmem_shared>> -> memref<128x64xf32, #tpu.memory_space<vmem_shared>>
      tpu.wait_dma2 semaphore(%run_scoped3A_141 : memref<!tpu.dma_semaphore, #tpu.memory_space<semaphore_mem>>) src(%dma_wait3A_161 : memref<128x64xf32, #tpu.memory_space<vmem_shared>>) dst(%dma_wait3A_159 : memref<128x64xf32, #tpu.memory_space<vmem>>)
      tpu.yield
    }) : () -> ()
    "tpu.region"() ({
      %run_scoped3A_141 = tpu.sem_alloc : memref<!tpu.dma_semaphore, #tpu.memory_space<semaphore_mem>>
      %dma_start3A_142 = arith.constant 0 : i32
      %dma_start3A_143 = arith.constant 0 : i32
      %dma_start3A_144 = tpu.memref_slice %arg8[%dma_start3A_142, %dma_start3A_143] : memref<128x64xf32, #tpu.memory_space<vmem>> -> memref<128x64xf32, #tpu.memory_space<vmem>>
      %dma_start3A_145 = arith.constant 0 : i32
      %dma_start3A_146 = tpu.memref_slice %arg4[%arg0, %mul3A_130, %dma_start3A_145] : memref<2x10000x64xf32, #tpu.memory_space<hbm>> -> memref<1x128x64xf32, #tpu.memory_space<hbm>>
      %dma_start3A_147 = tpu.memref_squeeze %dma_start3A_146 : memref<1x128x64xf32, #tpu.memory_space<hbm>> -> memref<128x64xf32, #tpu.memory_space<hbm>>
      %dma_start3A_148 = arith.constant 0 : i32
      %dma_start3A_149 = tpu.memref_slice %arg4[%arg0, %mul3A_130, %dma_start3A_148] : memref<2x10000x64xf32, #tpu.memory_space<hbm>> -> memref<1x128x64xf32, #tpu.memory_space<hbm>>
      %dma_start3A_150 = tpu.memref_squeeze %dma_start3A_149 : memref<1x128x64xf32, #tpu.memory_space<hbm>> -> memref<128x64xf32, #tpu.memory_space<hbm>>
      %dma_start3A_151 = arith.constant 0 : i32
      %dma_start3A_152 = arith.constant 0 : i32
      %dma_start3A_153 = tpu.memref_slice %arg8[%dma_start3A_151, %dma_start3A_152] : memref<128x64xf32, #tpu.memory_space<vmem>> -> memref<128x64xf32, #tpu.memory_space<vmem>>
      tpu.enqueue_dma source(%dma_start3A_153 : memref<128x64xf32, #tpu.memory_space<vmem>>) target(%dma_start3A_150 : memref<128x64xf32, #tpu.memory_space<hbm>>) target_semaphore(%run_scoped3A_141 : memref<!tpu.dma_semaphore, #tpu.memory_space<semaphore_mem>>)
      %dma_wait3A_154 = arith.constant 0 : i32
      %dma_wait3A_155 = arith.constant 0 : i32
      %dma_wait3A_156 = tpu.memref_slice %arg8[%dma_wait3A_154, %dma_wait3A_155] : memref<128x64xf32, #tpu.memory_space<vmem>> -> memref<128x64xf32, #tpu.memory_space<vmem>>
      %dma_wait3A_157 = arith.constant 0 : i32
      %dma_wait3A_158 = tpu.memref_slice %arg4[%arg0, %mul3A_130, %dma_wait3A_157] : memref<2x10000x64xf32, #tpu.memory_space<hbm>> -> memref<1x128x64xf32, #tpu.memory_space<hbm>>
      %dma_wait3A_159 = tpu.memref_squeeze %dma_wait3A_158 : memref<1x128x64xf32, #tpu.memory_space<hbm>> -> memref<128x64xf32, #tpu.memory_space<hbm>>
      %dma_wait3A_160 = arith.constant 0 : i32
      %dma_wait3A_161 = tpu.memref_slice %arg4[%arg0, %mul3A_130, %dma_wait3A_160] : memref<2x10000x64xf32, #tpu.memory_space<hbm>> -> memref<1x128x64xf32, #tpu.memory_space<hbm>>
      %dma_wait3A_162 = tpu.memref_squeeze %dma_wait3A_161 : memref<1x128x64xf32, #tpu.memory_space<hbm>> -> memref<128x64xf32, #tpu.memory_space<hbm>>
      %dma_wait3A_163 = arith.constant 0 : i32
      %dma_wait3A_164 = arith.constant 0 : i32
      %dma_wait3A_165 = tpu.memref_slice %arg8[%dma_wait3A_163, %dma_wait3A_164] : memref<128x64xf32, #tpu.memory_space<vmem>> -> memref<128x64xf32, #tpu.memory_space<vmem>>
      tpu.wait_dma2 semaphore(%run_scoped3A_141 : memref<!tpu.dma_semaphore, #tpu.memory_space<semaphore_mem>>) src(%dma_wait3A_165 : memref<128x64xf32, #tpu.memory_space<vmem>>) dst(%dma_wait3A_162 : memref<128x64xf32, #tpu.memory_space<hbm>>)
      tpu.yield
    }) : () -> ()
    %add3A_131 = arith.constant 128 : i32
    %add3A_132 = arith.addi %mul3A_130, %add3A_131 : i32
    "tpu.region"() ({
      %run_scoped3A_141 = tpu.sem_alloc : memref<!tpu.dma_semaphore, #tpu.memory_space<semaphore_mem>>
      %dma_start3A_142 = arith.constant 0 : i32
      %dma_start3A_143 = arith.constant 0 : i32
      %dma_start3A_144 = tpu.memref_slice %arg9[%dma_start3A_142, %dma_start3A_143] : memref<128x64xf32, #tpu.memory_space<vmem>> -> memref<128x64xf32, #tpu.memory_space<vmem>>
      %dma_start3A_145 = arith.constant 0 : i32
      %dma_start3A_146 = tpu.memref_slice %arg5[%add3A_132, %dma_start3A_145] : memref<10008x64xf32, #tpu.memory_space<vmem_shared>> -> memref<128x64xf32, #tpu.memory_space<vmem_shared>>
      %dma_start3A_147 = arith.constant 0 : i32
      %dma_start3A_148 = arith.constant 0 : i32
      %dma_start3A_149 = tpu.memref_slice %arg9[%dma_start3A_147, %dma_start3A_148] : memref<128x64xf32, #tpu.memory_space<vmem>> -> memref<128x64xf32, #tpu.memory_space<vmem>>
      %dma_start3A_150 = arith.constant 0 : i32
      %dma_start3A_151 = tpu.memref_slice %arg5[%add3A_132, %dma_start3A_150] : memref<10008x64xf32, #tpu.memory_space<vmem_shared>> -> memref<128x64xf32, #tpu.memory_space<vmem_shared>>
      tpu.enqueue_dma source(%dma_start3A_151 : memref<128x64xf32, #tpu.memory_space<vmem_shared>>) target(%dma_start3A_149 : memref<128x64xf32, #tpu.memory_space<vmem>>) target_semaphore(%run_scoped3A_141 : memref<!tpu.dma_semaphore, #tpu.memory_space<semaphore_mem>>)
      %dma_wait3A_152 = arith.constant 0 : i32
      %dma_wait3A_153 = arith.constant 0 : i32
      %dma_wait3A_154 = tpu.memref_slice %arg9[%dma_wait3A_152, %dma_wait3A_153] : memref<128x64xf32, #tpu.memory_space<vmem>> -> memref<128x64xf32, #tpu.memory_space<vmem>>
      %dma_wait3A_155 = arith.constant 0 : i32
      %dma_wait3A_156 = tpu.memref_slice %arg5[%add3A_132, %dma_wait3A_155] : memref<10008x64xf32, #tpu.memory_space<vmem_shared>> -> memref<128x64xf32, #tpu.memory_space<vmem_shared>>
      %dma_wait3A_157 = arith.constant 0 : i32
      %dma_wait3A_158 = arith.constant 0 : i32
      %dma_wait3A_159 = tpu.memref_slice %arg9[%dma_wait3A_157, %dma_wait3A_158] : memref<128x64xf32, #tpu.memory_space<vmem>> -> memref<128x64xf32, #tpu.memory_space<vmem>>
      %dma_wait3A_160 = arith.constant 0 : i32
      %dma_wait3A_161 = tpu.memref_slice %arg5[%add3A_132, %dma_wait3A_160] : memref<10008x64xf32, #tpu.memory_space<vmem_shared>> -> memref<128x64xf32, #tpu.memory_space<vmem_shared>>
      tpu.wait_dma2 semaphore(%run_scoped3A_141 : memref<!tpu.dma_semaphore, #tpu.memory_space<semaphore_mem>>) src(%dma_wait3A_161 : memref<128x64xf32, #tpu.memory_space<vmem_shared>>) dst(%dma_wait3A_159 : memref<128x64xf32, #tpu.memory_space<vmem>>)
      tpu.yield
    }) : () -> ()
    "tpu.region"() ({
      %run_scoped3A_141 = tpu.sem_alloc : memref<!tpu.dma_semaphore, #tpu.memory_space<semaphore_mem>>
      %dma_start3A_142 = arith.constant 0 : i32
      %dma_start3A_143 = arith.constant 0 : i32
      %dma_start3A_144 = tpu.memref_slice %arg9[%dma_start3A_142, %dma_start3A_143] : memref<128x64xf32, #tpu.memory_space<vmem>> -> memref<128x64xf32, #tpu.memory_space<vmem>>
      %dma_start3A_145 = arith.constant 0 : i32
      %dma_start3A_146 = tpu.memref_slice %arg4[%arg0, %add3A_132, %dma_start3A_145] : memref<2x10000x64xf32, #tpu.memory_space<hbm>> -> memref<1x128x64xf32, #tpu.memory_space<hbm>>
      %dma_start3A_147 = tpu.memref_squeeze %dma_start3A_146 : memref<1x128x64xf32, #tpu.memory_space<hbm>> -> memref<128x64xf32, #tpu.memory_space<hbm>>
      %dma_start3A_148 = arith.constant 0 : i32
      %dma_start3A_149 = tpu.memref_slice %arg4[%arg0, %add3A_132, %dma_start3A_148] : memref<2x10000x64xf32, #tpu.memory_space<hbm>> -> memref<1x128x64xf32, #tpu.memory_space<hbm>>
      %dma_start3A_150 = tpu.memref_squeeze %dma_start3A_149 : memref<1x128x64xf32, #tpu.memory_space<hbm>> -> memref<128x64xf32, #tpu.memory_space<hbm>>
      %dma_start3A_151 = arith.constant 0 : i32
      %dma_start3A_152 = arith.constant 0 : i32
      %dma_start3A_153 = tpu.memref_slice %arg9[%dma_start3A_151, %dma_start3A_152] : memref<128x64xf32, #tpu.memory_space<vmem>> -> memref<128x64xf32, #tpu.memory_space<vmem>>
      tpu.enqueue_dma source(%dma_start3A_153 : memref<128x64xf32, #tpu.memory_space<vmem>>) target(%dma_start3A_150 : memref<128x64xf32, #tpu.memory_space<hbm>>) target_semaphore(%run_scoped3A_141 : memref<!tpu.dma_semaphore, #tpu.memory_space<semaphore_mem>>)
      %dma_wait3A_154 = arith.constant 0 : i32
      %dma_wait3A_155 = arith.constant 0 : i32
      %dma_wait3A_156 = tpu.memref_slice %arg9[%dma_wait3A_154, %dma_wait3A_155] : memref<128x64xf32, #tpu.memory_space<vmem>> -> memref<128x64xf32, #tpu.memory_space<vmem>>
      %dma_wait3A_157 = arith.constant 0 : i32
      %dma_wait3A_158 = tpu.memref_slice %arg4[%arg0, %add3A_132, %dma_wait3A_157] : memref<2x10000x64xf32, #tpu.memory_space<hbm>> -> memref<1x128x64xf32, #tpu.memory_space<hbm>>
      %dma_wait3A_159 = tpu.memref_squeeze %dma_wait3A_158 : memref<1x128x64xf32, #tpu.memory_space<hbm>> -> memref<128x64xf32, #tpu.memory_space<hbm>>
      %dma_wait3A_160 = arith.constant 0 : i32
      %dma_wait3A_161 = tpu.memref_slice %arg4[%arg0, %add3A_132, %dma_wait3A_160] : memref<2x10000x64xf32, #tpu.memory_space<hbm>> -> memref<1x128x64xf32, #tpu.memory_space<hbm>>
      %dma_wait3A_162 = tpu.memref_squeeze %dma_wait3A_161 : memref<1x128x64xf32, #tpu.memory_space<hbm>> -> memref<128x64xf32, #tpu.memory_space<hbm>>
      %dma_wait3A_163 = arith.constant 0 : i32
      %dma_wait3A_164 = arith.constant 0 : i32
      %dma_wait3A_165 = tpu.memref_slice %arg9[%dma_wait3A_163, %dma_wait3A_164] : memref<128x64xf32, #tpu.memory_space<vmem>> -> memref<128x64xf32, #tpu.memory_space<vmem>>
      tpu.wait_dma2 semaphore(%run_scoped3A_141 : memref<!tpu.dma_semaphore, #tpu.memory_space<semaphore_mem>>) src(%dma_wait3A_165 : memref<128x64xf32, #tpu.memory_space<vmem>>) dst(%dma_wait3A_162 : memref<128x64xf32, #tpu.memory_space<hbm>>)
      tpu.yield
    }) : () -> ()
    %add3A_133 = arith.constant 128 : i32
    %add3A_134 = arith.addi %add3A_132, %add3A_133 : i32
    "tpu.region"() ({
      %run_scoped3A_141 = tpu.sem_alloc : memref<!tpu.dma_semaphore, #tpu.memory_space<semaphore_mem>>
      %dma_start3A_142 = arith.constant 0 : i32
      %dma_start3A_143 = arith.constant 0 : i32
      %dma_start3A_144 = tpu.memref_slice %arg10[%dma_start3A_142, %dma_start3A_143] : memref<128x64xf32, #tpu.memory_space<vmem>> -> memref<128x64xf32, #tpu.memory_space<vmem>>
      %dma_start3A_145 = arith.constant 0 : i32
      %dma_start3A_146 = tpu.memref_slice %arg5[%add3A_134, %dma_start3A_145] : memref<10008x64xf32, #tpu.memory_space<vmem_shared>> -> memref<128x64xf32, #tpu.memory_space<vmem_shared>>
      %dma_start3A_147 = arith.constant 0 : i32
      %dma_start3A_148 = arith.constant 0 : i32
      %dma_start3A_149 = tpu.memref_slice %arg10[%dma_start3A_147, %dma_start3A_148] : memref<128x64xf32, #tpu.memory_space<vmem>> -> memref<128x64xf32, #tpu.memory_space<vmem>>
      %dma_start3A_150 = arith.constant 0 : i32
      %dma_start3A_151 = tpu.memref_slice %arg5[%add3A_134, %dma_start3A_150] : memref<10008x64xf32, #tpu.memory_space<vmem_shared>> -> memref<128x64xf32, #tpu.memory_space<vmem_shared>>
      tpu.enqueue_dma source(%dma_start3A_151 : memref<128x64xf32, #tpu.memory_space<vmem_shared>>) target(%dma_start3A_149 : memref<128x64xf32, #tpu.memory_space<vmem>>) target_semaphore(%run_scoped3A_141 : memref<!tpu.dma_semaphore, #tpu.memory_space<semaphore_mem>>)
      %dma_wait3A_152 = arith.constant 0 : i32
      %dma_wait3A_153 = arith.constant 0 : i32
      %dma_wait3A_154 = tpu.memref_slice %arg10[%dma_wait3A_152, %dma_wait3A_153] : memref<128x64xf32, #tpu.memory_space<vmem>> -> memref<128x64xf32, #tpu.memory_space<vmem>>
      %dma_wait3A_155 = arith.constant 0 : i32
      %dma_wait3A_156 = tpu.memref_slice %arg5[%add3A_134, %dma_wait3A_155] : memref<10008x64xf32, #tpu.memory_space<vmem_shared>> -> memref<128x64xf32, #tpu.memory_space<vmem_shared>>
      %dma_wait3A_157 = arith.constant 0 : i32
      %dma_wait3A_158 = arith.constant 0 : i32
      %dma_wait3A_159 = tpu.memref_slice %arg10[%dma_wait3A_157, %dma_wait3A_158] : memref<128x64xf32, #tpu.memory_space<vmem>> -> memref<128x64xf32, #tpu.memory_space<vmem>>
      %dma_wait3A_160 = arith.constant 0 : i32
      %dma_wait3A_161 = tpu.memref_slice %arg5[%add3A_134, %dma_wait3A_160] : memref<10008x64xf32, #tpu.memory_space<vmem_shared>> -> memref<128x64xf32, #tpu.memory_space<vmem_shared>>
      tpu.wait_dma2 semaphore(%run_scoped3A_141 : memref<!tpu.dma_semaphore, #tpu.memory_space<semaphore_mem>>) src(%dma_wait3A_161 : memref<128x64xf32, #tpu.memory_space<vmem_shared>>) dst(%dma_wait3A_159 : memref<128x64xf32, #tpu.memory_space<vmem>>)
      tpu.yield
    }) : () -> ()
    "tpu.region"() ({
      %run_scoped3A_141 = tpu.sem_alloc : memref<!tpu.dma_semaphore, #tpu.memory_space<semaphore_mem>>
      %dma_start3A_142 = arith.constant 0 : i32
      %dma_start3A_143 = arith.constant 0 : i32
      %dma_start3A_144 = tpu.memref_slice %arg10[%dma_start3A_142, %dma_start3A_143] : memref<128x64xf32, #tpu.memory_space<vmem>> -> memref<128x64xf32, #tpu.memory_space<vmem>>
      %dma_start3A_145 = arith.constant 0 : i32
      %dma_start3A_146 = tpu.memref_slice %arg4[%arg0, %add3A_134, %dma_start3A_145] : memref<2x10000x64xf32, #tpu.memory_space<hbm>> -> memref<1x128x64xf32, #tpu.memory_space<hbm>>
      %dma_start3A_147 = tpu.memref_squeeze %dma_start3A_146 : memref<1x128x64xf32, #tpu.memory_space<hbm>> -> memref<128x64xf32, #tpu.memory_space<hbm>>
      %dma_start3A_148 = arith.constant 0 : i32
      %dma_start3A_149 = tpu.memref_slice %arg4[%arg0, %add3A_134, %dma_start3A_148] : memref<2x10000x64xf32, #tpu.memory_space<hbm>> -> memref<1x128x64xf32, #tpu.memory_space<hbm>>
      %dma_start3A_150 = tpu.memref_squeeze %dma_start3A_149 : memref<1x128x64xf32, #tpu.memory_space<hbm>> -> memref<128x64xf32, #tpu.memory_space<hbm>>
      %dma_start3A_151 = arith.constant 0 : i32
      %dma_start3A_152 = arith.constant 0 : i32
      %dma_start3A_153 = tpu.memref_slice %arg10[%dma_start3A_151, %dma_start3A_152] : memref<128x64xf32, #tpu.memory_space<vmem>> -> memref<128x64xf32, #tpu.memory_space<vmem>>
      tpu.enqueue_dma source(%dma_start3A_153 : memref<128x64xf32, #tpu.memory_space<vmem>>) target(%dma_start3A_150 : memref<128x64xf32, #tpu.memory_space<hbm>>) target_semaphore(%run_scoped3A_141 : memref<!tpu.dma_semaphore, #tpu.memory_space<semaphore_mem>>)
      %dma_wait3A_154 = arith.constant 0 : i32
      %dma_wait3A_155 = arith.constant 0 : i32
      %dma_wait3A_156 = tpu.memref_slice %arg10[%dma_wait3A_154, %dma_wait3A_155] : memref<128x64xf32, #tpu.memory_space<vmem>> -> memref<128x64xf32, #tpu.memory_space<vmem>>
      %dma_wait3A_157 = arith.constant 0 : i32
      %dma_wait3A_158 = tpu.memref_slice %arg4[%arg0, %add3A_134, %dma_wait3A_157] : memref<2x10000x64xf32, #tpu.memory_space<hbm>> -> memref<1x128x64xf32, #tpu.memory_space<hbm>>
      %dma_wait3A_159 = tpu.memref_squeeze %dma_wait3A_158 : memref<1x128x64xf32, #tpu.memory_space<hbm>> -> memref<128x64xf32, #tpu.memory_space<hbm>>
      %dma_wait3A_160 = arith.constant 0 : i32
      %dma_wait3A_161 = tpu.memref_slice %arg4[%arg0, %add3A_134, %dma_wait3A_160] : memref<2x10000x64xf32, #tpu.memory_space<hbm>> -> memref<1x128x64xf32, #tpu.memory_space<hbm>>
      %dma_wait3A_162 = tpu.memref_squeeze %dma_wait3A_161 : memref<1x128x64xf32, #tpu.memory_space<hbm>> -> memref<128x64xf32, #tpu.memory_space<hbm>>
      %dma_wait3A_163 = arith.constant 0 : i32
      %dma_wait3A_164 = arith.constant 0 : i32
      %dma_wait3A_165 = tpu.memref_slice %arg10[%dma_wait3A_163, %dma_wait3A_164] : memref<128x64xf32, #tpu.memory_space<vmem>> -> memref<128x64xf32, #tpu.memory_space<vmem>>
      tpu.wait_dma2 semaphore(%run_scoped3A_141 : memref<!tpu.dma_semaphore, #tpu.memory_space<semaphore_mem>>) src(%dma_wait3A_165 : memref<128x64xf32, #tpu.memory_space<vmem>>) dst(%dma_wait3A_162 : memref<128x64xf32, #tpu.memory_space<hbm>>)
      tpu.yield
    }) : () -> ()
    %add3A_135 = arith.constant 128 : i32
    %add3A_136 = arith.addi %add3A_134, %add3A_135 : i32
    "tpu.region"() ({
      %run_scoped3A_141 = tpu.sem_alloc : memref<!tpu.dma_semaphore, #tpu.memory_space<semaphore_mem>>
      %dma_start3A_142 = arith.constant 0 : i32
      %dma_start3A_143 = arith.constant 0 : i32
      %dma_start3A_144 = tpu.memref_slice %arg11[%dma_start3A_142, %dma_start3A_143] : memref<128x64xf32, #tpu.memory_space<vmem>> -> memref<128x64xf32, #tpu.memory_space<vmem>>
      %dma_start3A_145 = arith.constant 0 : i32
      %dma_start3A_146 = tpu.memref_slice %arg5[%add3A_136, %dma_start3A_145] : memref<10008x64xf32, #tpu.memory_space<vmem_shared>> -> memref<128x64xf32, #tpu.memory_space<vmem_shared>>
      %dma_start3A_147 = arith.constant 0 : i32
      %dma_start3A_148 = arith.constant 0 : i32
      %dma_start3A_149 = tpu.memref_slice %arg11[%dma_start3A_147, %dma_start3A_148] : memref<128x64xf32, #tpu.memory_space<vmem>> -> memref<128x64xf32, #tpu.memory_space<vmem>>
      %dma_start3A_150 = arith.constant 0 : i32
      %dma_start3A_151 = tpu.memref_slice %arg5[%add3A_136, %dma_start3A_150] : memref<10008x64xf32, #tpu.memory_space<vmem_shared>> -> memref<128x64xf32, #tpu.memory_space<vmem_shared>>
      tpu.enqueue_dma source(%dma_start3A_151 : memref<128x64xf32, #tpu.memory_space<vmem_shared>>) target(%dma_start3A_149 : memref<128x64xf32, #tpu.memory_space<vmem>>) target_semaphore(%run_scoped3A_141 : memref<!tpu.dma_semaphore, #tpu.memory_space<semaphore_mem>>)
      %dma_wait3A_152 = arith.constant 0 : i32
      %dma_wait3A_153 = arith.constant 0 : i32
      %dma_wait3A_154 = tpu.memref_slice %arg11[%dma_wait3A_152, %dma_wait3A_153] : memref<128x64xf32, #tpu.memory_space<vmem>> -> memref<128x64xf32, #tpu.memory_space<vmem>>
      %dma_wait3A_155 = arith.constant 0 : i32
      %dma_wait3A_156 = tpu.memref_slice %arg5[%add3A_136, %dma_wait3A_155] : memref<10008x64xf32, #tpu.memory_space<vmem_shared>> -> memref<128x64xf32, #tpu.memory_space<vmem_shared>>
      %dma_wait3A_157 = arith.constant 0 : i32
      %dma_wait3A_158 = arith.constant 0 : i32
      %dma_wait3A_159 = tpu.memref_slice %arg11[%dma_wait3A_157, %dma_wait3A_158] : memref<128x64xf32, #tpu.memory_space<vmem>> -> memref<128x64xf32, #tpu.memory_space<vmem>>
      %dma_wait3A_160 = arith.constant 0 : i32
      %dma_wait3A_161 = tpu.memref_slice %arg5[%add3A_136, %dma_wait3A_160] : memref<10008x64xf32, #tpu.memory_space<vmem_shared>> -> memref<128x64xf32, #tpu.memory_space<vmem_shared>>
      tpu.wait_dma2 semaphore(%run_scoped3A_141 : memref<!tpu.dma_semaphore, #tpu.memory_space<semaphore_mem>>) src(%dma_wait3A_161 : memref<128x64xf32, #tpu.memory_space<vmem_shared>>) dst(%dma_wait3A_159 : memref<128x64xf32, #tpu.memory_space<vmem>>)
      tpu.yield
    }) : () -> ()
    "tpu.region"() ({
      %run_scoped3A_141 = tpu.sem_alloc : memref<!tpu.dma_semaphore, #tpu.memory_space<semaphore_mem>>
      %dma_start3A_142 = arith.constant 0 : i32
      %dma_start3A_143 = arith.constant 0 : i32
      %dma_start3A_144 = tpu.memref_slice %arg11[%dma_start3A_142, %dma_start3A_143] : memref<128x64xf32, #tpu.memory_space<vmem>> -> memref<128x64xf32, #tpu.memory_space<vmem>>
      %dma_start3A_145 = arith.constant 0 : i32
      %dma_start3A_146 = tpu.memref_slice %arg4[%arg0, %add3A_136, %dma_start3A_145] : memref<2x10000x64xf32, #tpu.memory_space<hbm>> -> memref<1x128x64xf32, #tpu.memory_space<hbm>>
      %dma_start3A_147 = tpu.memref_squeeze %dma_start3A_146 : memref<1x128x64xf32, #tpu.memory_space<hbm>> -> memref<128x64xf32, #tpu.memory_space<hbm>>
      %dma_start3A_148 = arith.constant 0 : i32
      %dma_start3A_149 = tpu.memref_slice %arg4[%arg0, %add3A_136, %dma_start3A_148] : memref<2x10000x64xf32, #tpu.memory_space<hbm>> -> memref<1x128x64xf32, #tpu.memory_space<hbm>>
      %dma_start3A_150 = tpu.memref_squeeze %dma_start3A_149 : memref<1x128x64xf32, #tpu.memory_space<hbm>> -> memref<128x64xf32, #tpu.memory_space<hbm>>
      %dma_start3A_151 = arith.constant 0 : i32
      %dma_start3A_152 = arith.constant 0 : i32
      %dma_start3A_153 = tpu.memref_slice %arg11[%dma_start3A_151, %dma_start3A_152] : memref<128x64xf32, #tpu.memory_space<vmem>> -> memref<128x64xf32, #tpu.memory_space<vmem>>
      tpu.enqueue_dma source(%dma_start3A_153 : memref<128x64xf32, #tpu.memory_space<vmem>>) target(%dma_start3A_150 : memref<128x64xf32, #tpu.memory_space<hbm>>) target_semaphore(%run_scoped3A_141 : memref<!tpu.dma_semaphore, #tpu.memory_space<semaphore_mem>>)
      %dma_wait3A_154 = arith.constant 0 : i32
      %dma_wait3A_155 = arith.constant 0 : i32
      %dma_wait3A_156 = tpu.memref_slice %arg11[%dma_wait3A_154, %dma_wait3A_155] : memref<128x64xf32, #tpu.memory_space<vmem>> -> memref<128x64xf32, #tpu.memory_space<vmem>>
      %dma_wait3A_157 = arith.constant 0 : i32
      %dma_wait3A_158 = tpu.memref_slice %arg4[%arg0, %add3A_136, %dma_wait3A_157] : memref<2x10000x64xf32, #tpu.memory_space<hbm>> -> memref<1x128x64xf32, #tpu.memory_space<hbm>>
      %dma_wait3A_159 = tpu.memref_squeeze %dma_wait3A_158 : memref<1x128x64xf32, #tpu.memory_space<hbm>> -> memref<128x64xf32, #tpu.memory_space<hbm>>
      %dma_wait3A_160 = arith.constant 0 : i32
      %dma_wait3A_161 = tpu.memref_slice %arg4[%arg0, %add3A_136, %dma_wait3A_160] : memref<2x10000x64xf32, #tpu.memory_space<hbm>> -> memref<1x128x64xf32, #tpu.memory_space<hbm>>
      %dma_wait3A_162 = tpu.memref_squeeze %dma_wait3A_161 : memref<1x128x64xf32, #tpu.memory_space<hbm>> -> memref<128x64xf32, #tpu.memory_space<hbm>>
      %dma_wait3A_163 = arith.constant 0 : i32
      %dma_wait3A_164 = arith.constant 0 : i32
      %dma_wait3A_165 = tpu.memref_slice %arg11[%dma_wait3A_163, %dma_wait3A_164] : memref<128x64xf32, #tpu.memory_space<vmem>> -> memref<128x64xf32, #tpu.memory_space<vmem>>
      tpu.wait_dma2 semaphore(%run_scoped3A_141 : memref<!tpu.dma_semaphore, #tpu.memory_space<semaphore_mem>>) src(%dma_wait3A_165 : memref<128x64xf32, #tpu.memory_space<vmem>>) dst(%dma_wait3A_162 : memref<128x64xf32, #tpu.memory_space<hbm>>)
      tpu.yield
    }) : () -> ()
    %add3A_137 = arith.constant 128 : i32
    %add3A_138 = arith.addi %add3A_136, %add3A_137 : i32
    "tpu.region"() ({
      %run_scoped3A_141 = tpu.sem_alloc : memref<!tpu.dma_semaphore, #tpu.memory_space<semaphore_mem>>
      %dma_start3A_142 = arith.constant 0 : i32
      %dma_start3A_143 = arith.constant 0 : i32
      %dma_start3A_144 = tpu.memref_slice %arg12[%dma_start3A_142, %dma_start3A_143] : memref<128x64xf32, #tpu.memory_space<vmem>> -> memref<113x64xf32, #tpu.memory_space<vmem>>
      %dma_start3A_145 = arith.constant 0 : i32
      %dma_start3A_146 = tpu.memref_slice %arg5[%add3A_138, %dma_start3A_145] : memref<10008x64xf32, #tpu.memory_space<vmem_shared>> -> memref<113x64xf32, #tpu.memory_space<vmem_shared>>
      %dma_start3A_147 = arith.constant 0 : i32
      %dma_start3A_148 = arith.constant 0 : i32
      %dma_start3A_149 = tpu.memref_slice %arg12[%dma_start3A_147, %dma_start3A_148] : memref<128x64xf32, #tpu.memory_space<vmem>> -> memref<113x64xf32, #tpu.memory_space<vmem>>
      %dma_start3A_150 = arith.constant 0 : i32
      %dma_start3A_151 = tpu.memref_slice %arg5[%add3A_138, %dma_start3A_150] : memref<10008x64xf32, #tpu.memory_space<vmem_shared>> -> memref<113x64xf32, #tpu.memory_space<vmem_shared>>
      tpu.enqueue_dma source(%dma_start3A_151 : memref<113x64xf32, #tpu.memory_space<vmem_shared>>) target(%dma_start3A_149 : memref<113x64xf32, #tpu.memory_space<vmem>>) target_semaphore(%run_scoped3A_141 : memref<!tpu.dma_semaphore, #tpu.memory_space<semaphore_mem>>)
      %dma_wait3A_152 = arith.constant 0 : i32
      %dma_wait3A_153 = arith.constant 0 : i32
      %dma_wait3A_154 = tpu.memref_slice %arg12[%dma_wait3A_152, %dma_wait3A_153] : memref<128x64xf32, #tpu.memory_space<vmem>> -> memref<113x64xf32, #tpu.memory_space<vmem>>
      %dma_wait3A_155 = arith.constant 0 : i32
      %dma_wait3A_156 = tpu.memref_slice %arg5[%add3A_138, %dma_wait3A_155] : memref<10008x64xf32, #tpu.memory_space<vmem_shared>> -> memref<113x64xf32, #tpu.memory_space<vmem_shared>>
      %dma_wait3A_157 = arith.constant 0 : i32
      %dma_wait3A_158 = arith.constant 0 : i32
      %dma_wait3A_159 = tpu.memref_slice %arg12[%dma_wait3A_157, %dma_wait3A_158] : memref<128x64xf32, #tpu.memory_space<vmem>> -> memref<113x64xf32, #tpu.memory_space<vmem>>
      %dma_wait3A_160 = arith.constant 0 : i32
      %dma_wait3A_161 = tpu.memref_slice %arg5[%add3A_138, %dma_wait3A_160] : memref<10008x64xf32, #tpu.memory_space<vmem_shared>> -> memref<113x64xf32, #tpu.memory_space<vmem_shared>>
      tpu.wait_dma2 semaphore(%run_scoped3A_141 : memref<!tpu.dma_semaphore, #tpu.memory_space<semaphore_mem>>) src(%dma_wait3A_161 : memref<113x64xf32, #tpu.memory_space<vmem_shared>>) dst(%dma_wait3A_159 : memref<113x64xf32, #tpu.memory_space<vmem>>)
      tpu.yield
    }) : () -> ()
    "tpu.region"() ({
      %run_scoped3A_141 = tpu.sem_alloc : memref<!tpu.dma_semaphore, #tpu.memory_space<semaphore_mem>>
      %dma_start3A_142 = arith.constant 0 : i32
      %dma_start3A_143 = arith.constant 0 : i32
      %dma_start3A_144 = tpu.memref_slice %arg12[%dma_start3A_142, %dma_start3A_143] : memref<128x64xf32, #tpu.memory_space<vmem>> -> memref<113x64xf32, #tpu.memory_space<vmem>>
      %dma_start3A_145 = arith.constant 0 : i32
      %dma_start3A_146 = tpu.memref_slice %arg4[%arg0, %add3A_138, %dma_start3A_145] : memref<2x10000x64xf32, #tpu.memory_space<hbm>> -> memref<1x113x64xf32, #tpu.memory_space<hbm>>
      %dma_start3A_147 = tpu.memref_squeeze %dma_start3A_146 : memref<1x113x64xf32, #tpu.memory_space<hbm>> -> memref<113x64xf32, #tpu.memory_space<hbm>>
      %dma_start3A_148 = arith.constant 0 : i32
      %dma_start3A_149 = tpu.memref_slice %arg4[%arg0, %add3A_138, %dma_start3A_148] : memref<2x10000x64xf32, #tpu.memory_space<hbm>> -> memref<1x113x64xf32, #tpu.memory_space<hbm>>
      %dma_start3A_150 = tpu.memref_squeeze %dma_start3A_149 : memref<1x113x64xf32, #tpu.memory_space<hbm>> -> memref<113x64xf32, #tpu.memory_space<hbm>>
      %dma_start3A_151 = arith.constant 0 : i32
      %dma_start3A_152 = arith.constant 0 : i32
      %dma_start3A_153 = tpu.memref_slice %arg12[%dma_start3A_151, %dma_start3A_152] : memref<128x64xf32, #tpu.memory_space<vmem>> -> memref<113x64xf32, #tpu.memory_space<vmem>>
      tpu.enqueue_dma source(%dma_start3A_153 : memref<113x64xf32, #tpu.memory_space<vmem>>) target(%dma_start3A_150 : memref<113x64xf32, #tpu.memory_space<hbm>>) target_semaphore(%run_scoped3A_141 : memref<!tpu.dma_semaphore, #tpu.memory_space<semaphore_mem>>)
      %dma_wait3A_154 = arith.constant 0 : i32
      %dma_wait3A_155 = arith.constant 0 : i32
      %dma_wait3A_156 = tpu.memref_slice %arg12[%dma_wait3A_154, %dma_wait3A_155] : memref<128x64xf32, #tpu.memory_space<vmem>> -> memref<113x64xf32, #tpu.memory_space<vmem>>
      %dma_wait3A_157 = arith.constant 0 : i32
      %dma_wait3A_158 = tpu.memref_slice %arg4[%arg0, %add3A_138, %dma_wait3A_157] : memref<2x10000x64xf32, #tpu.memory_space<hbm>> -> memref<1x113x64xf32, #tpu.memory_space<hbm>>
      %dma_wait3A_159 = tpu.memref_squeeze %dma_wait3A_158 : memref<1x113x64xf32, #tpu.memory_space<hbm>> -> memref<113x64xf32, #tpu.memory_space<hbm>>
      %dma_wait3A_160 = arith.constant 0 : i32
      %dma_wait3A_161 = tpu.memref_slice %arg4[%arg0, %add3A_138, %dma_wait3A_160] : memref<2x10000x64xf32, #tpu.memory_space<hbm>> -> memref<1x113x64xf32, #tpu.memory_space<hbm>>
      %dma_wait3A_162 = tpu.memref_squeeze %dma_wait3A_161 : memref<1x113x64xf32, #tpu.memory_space<hbm>> -> memref<113x64xf32, #tpu.memory_space<hbm>>
      %dma_wait3A_163 = arith.constant 0 : i32
      %dma_wait3A_164 = arith.constant 0 : i32
      %dma_wait3A_165 = tpu.memref_slice %arg12[%dma_wait3A_163, %dma_wait3A_164] : memref<128x64xf32, #tpu.memory_space<vmem>> -> memref<113x64xf32, #tpu.memory_space<vmem>>
      tpu.wait_dma2 semaphore(%run_scoped3A_141 : memref<!tpu.dma_semaphore, #tpu.memory_space<semaphore_mem>>) src(%dma_wait3A_165 : memref<113x64xf32, #tpu.memory_space<vmem>>) dst(%dma_wait3A_162 : memref<113x64xf32, #tpu.memory_space<hbm>>)
      tpu.yield
    }) : () -> ()
    %add3A_139 = arith.constant 113 : i32
    %add3A_140 = arith.addi %add3A_138, %add3A_139 : i32
    return
  }
}

#map = affine_map<(d0, d1) -> (0, 0, 0, 0)>
#map1 = affine_map<(d0, d1) -> (0)>
module attributes {stable_mosaic.version = 14 : i64} {
  func.func @_deg_body(%arg0: i32, %arg1: i32, %arg2: memref<2x32x80x128xi32, #tpu.memory_space<hbm>>, %arg3: memref<20000xf32, #tpu.memory_space<hbm>>, %arg4: memref<10008xf32, #tpu.memory_space<vmem_shared>>, %arg5: memref<80x128xi32, #tpu.memory_space<vmem>>, %arg6: memref<128xf32, #tpu.memory_space<vmem>>, %arg7: memref<1008xf32, #tpu.memory_space<vmem>>, %arg8: memref<!tpu.dma_semaphore, #tpu.memory_space<semaphore_mem>>) attributes {dimension_semantics = [#tpu.dimension_semantics<core_parallel>, #tpu.dimension_semantics<subcore_parallel>], iteration_bounds = array<i64: 2, 16>, scalar_prefetch = 0 : i64, scratch_operands = 5 : i64, tpu.core_type = #tpu.core_type<sc_vector_subcore>, window_params = [{transform_indices = #map}, {transform_indices = #map1}]} {
    %mul3A = arith.constant 2 : i32
    %mul3A_0 = arith.muli %arg1, %mul3A : i32
    %add3A = arith.addi %mul3A_0, %arg0 : i32
    %scan3A = arith.constant 0 : i32
    %scan3A_1 = arith.constant 0 : i32
    %scan3A_2 = arith.constant 63 : i32
    %scan3A_3 = arith.addi %scan3A_1, %scan3A_2 : i32
    %scan3A_4 = arith.constant 1 : i32
    scf.for %scan3A_66 = %scan3A_1 to %scan3A_3 step %scan3A_4  : i32 {
      %broadcast_in_dim3A_67 = arith.constant 0.000000e+00 : f32
      %broadcast_in_dim3A_68 = vector.broadcast %broadcast_in_dim3A_67 : f32 to vector<16xf32>
      %mul3A_69 = arith.constant 16 : i32
      %mul3A_70 = arith.muli %scan3A_66, %mul3A_69 : i32
      %swap3A_71 = arith.index_cast %mul3A_70 : i32 to index
      %swap3A_72 = tpu.vector_load %arg7[%swap3A_71] {strides = array<i32>} : memref<1008xf32, #tpu.memory_space<vmem>>, vector<16xf32>,
      %swap3A_73 = vector.shape_cast %swap3A_72 : vector<16xf32> to vector<16xf32>
      %swap3A_74 = vector.shape_cast %broadcast_in_dim3A_68 : vector<16xf32> to vector<16xf32>
      tpu.vector_store %arg7[%swap3A_71], %swap3A_74 {strides = array<i32>} : memref<1008xf32, #tpu.memory_space<vmem>>, vector<16xf32>,
    }
    %scan3A_5 = arith.constant 63 : i32
    %lt3A = arith.constant 10 : i32
    %lt3A_6 = arith.cmpi slt, %arg1, %lt3A : i32
    %convert_element_type3A = arith.extui %lt3A_6 : i1 to i32
    %cond3A = arith.constant 0 : i32
    %cond3A_7 = arith.cmpi ne, %convert_element_type3A, %cond3A : i32
    scf.if %cond3A_7 {
      %mul3A_66 = arith.constant 1000 : i32
      %mul3A_67 = arith.muli %arg1, %mul3A_66 : i32
      "tpu.region"() ({
        %run_scoped3A_68 = tpu.sem_alloc : memref<!tpu.dma_semaphore, #tpu.memory_space<semaphore_mem>>
        %dma_start3A = arith.constant 0 : i32
        %dma_start3A_69 = tpu.memref_slice %arg7[%dma_start3A] : memref<1008xf32, #tpu.memory_space<vmem>> -> memref<1000xf32, #tpu.memory_space<vmem>>
        %dma_start3A_70 = tpu.memref_slice %arg4[%mul3A_67] : memref<10008xf32, #tpu.memory_space<vmem_shared>> -> memref<1000xf32, #tpu.memory_space<vmem_shared>>
        %dma_start3A_71 = tpu.memref_slice %arg4[%mul3A_67] : memref<10008xf32, #tpu.memory_space<vmem_shared>> -> memref<1000xf32, #tpu.memory_space<vmem_shared>>
        %dma_start3A_72 = arith.constant 0 : i32
        %dma_start3A_73 = tpu.memref_slice %arg7[%dma_start3A_72] : memref<1008xf32, #tpu.memory_space<vmem>> -> memref<1000xf32, #tpu.memory_space<vmem>>
        tpu.enqueue_dma source(%dma_start3A_73 : memref<1000xf32, #tpu.memory_space<vmem>>) target(%dma_start3A_71 : memref<1000xf32, #tpu.memory_space<vmem_shared>>) target_semaphore(%run_scoped3A_68 : memref<!tpu.dma_semaphore, #tpu.memory_space<semaphore_mem>>)
        %dma_wait3A = arith.constant 0 : i32
        %dma_wait3A_74 = tpu.memref_slice %arg7[%dma_wait3A] : memref<1008xf32, #tpu.memory_space<vmem>> -> memref<1000xf32, #tpu.memory_space<vmem>>
        %dma_wait3A_75 = tpu.memref_slice %arg4[%mul3A_67] : memref<10008xf32, #tpu.memory_space<vmem_shared>> -> memref<1000xf32, #tpu.memory_space<vmem_shared>>
        %dma_wait3A_76 = tpu.memref_slice %arg4[%mul3A_67] : memref<10008xf32, #tpu.memory_space<vmem_shared>> -> memref<1000xf32, #tpu.memory_space<vmem_shared>>
        %dma_wait3A_77 = arith.constant 0 : i32
        %dma_wait3A_78 = tpu.memref_slice %arg7[%dma_wait3A_77] : memref<1008xf32, #tpu.memory_space<vmem>> -> memref<1000xf32, #tpu.memory_space<vmem>>
        tpu.wait_dma2 semaphore(%run_scoped3A_68 : memref<!tpu.dma_semaphore, #tpu.memory_space<semaphore_mem>>) src(%dma_wait3A_78 : memref<1000xf32, #tpu.memory_space<vmem>>) dst(%dma_wait3A_76 : memref<1000xf32, #tpu.memory_space<vmem_shared>>)
        tpu.yield
      }) : () -> ()
    } else {
    }
    %broadcast_in_dim3A = arith.constant 1.000000e+00 : f32
    %broadcast_in_dim3A_8 = vector.broadcast %broadcast_in_dim3A : f32 to vector<16xf32>
    %swap3A = arith.constant 0 : index
    %swap3A_9 = tpu.vector_load %arg6[%swap3A] {strides = array<i32>} : memref<128xf32, #tpu.memory_space<vmem>>, vector<16xf32>,
    %swap3A_10 = vector.shape_cast %swap3A_9 : vector<16xf32> to vector<16xf32>
    %swap3A_11 = vector.shape_cast %broadcast_in_dim3A_8 : vector<16xf32> to vector<16xf32>
    tpu.vector_store %arg6[%swap3A], %swap3A_11 {strides = array<i32>} : memref<128xf32, #tpu.memory_space<vmem>>, vector<16xf32>,
    %broadcast_in_dim3A_12 = arith.constant 1.000000e+00 : f32
    %broadcast_in_dim3A_13 = vector.broadcast %broadcast_in_dim3A_12 : f32 to vector<16xf32>
    %swap3A_14 = arith.constant 16 : index
    %swap3A_15 = tpu.vector_load %arg6[%swap3A_14] {strides = array<i32>} : memref<128xf32, #tpu.memory_space<vmem>>, vector<16xf32>,
    %swap3A_16 = vector.shape_cast %swap3A_15 : vector<16xf32> to vector<16xf32>
    %swap3A_17 = vector.shape_cast %broadcast_in_dim3A_13 : vector<16xf32> to vector<16xf32>
    tpu.vector_store %arg6[%swap3A_14], %swap3A_17 {strides = array<i32>} : memref<128xf32, #tpu.memory_space<vmem>>, vector<16xf32>,
    %broadcast_in_dim3A_18 = arith.constant 1.000000e+00 : f32
    %broadcast_in_dim3A_19 = vector.broadcast %broadcast_in_dim3A_18 : f32 to vector<16xf32>
    %swap3A_20 = arith.constant 32 : index
    %swap3A_21 = tpu.vector_load %arg6[%swap3A_20] {strides = array<i32>} : memref<128xf32, #tpu.memory_space<vmem>>, vector<16xf32>,
    %swap3A_22 = vector.shape_cast %swap3A_21 : vector<16xf32> to vector<16xf32>
    %swap3A_23 = vector.shape_cast %broadcast_in_dim3A_19 : vector<16xf32> to vector<16xf32>
    tpu.vector_store %arg6[%swap3A_20], %swap3A_23 {strides = array<i32>} : memref<128xf32, #tpu.memory_space<vmem>>, vector<16xf32>,
    %broadcast_in_dim3A_24 = arith.constant 1.000000e+00 : f32
    %broadcast_in_dim3A_25 = vector.broadcast %broadcast_in_dim3A_24 : f32 to vector<16xf32>
    %swap3A_26 = arith.constant 48 : index
    %swap3A_27 = tpu.vector_load %arg6[%swap3A_26] {strides = array<i32>} : memref<128xf32, #tpu.memory_space<vmem>>, vector<16xf32>,
    %swap3A_28 = vector.shape_cast %swap3A_27 : vector<16xf32> to vector<16xf32>
    %swap3A_29 = vector.shape_cast %broadcast_in_dim3A_25 : vector<16xf32> to vector<16xf32>
    tpu.vector_store %arg6[%swap3A_26], %swap3A_29 {strides = array<i32>} : memref<128xf32, #tpu.memory_space<vmem>>, vector<16xf32>,
    %broadcast_in_dim3A_30 = arith.constant 1.000000e+00 : f32
    %broadcast_in_dim3A_31 = vector.broadcast %broadcast_in_dim3A_30 : f32 to vector<16xf32>
    %swap3A_32 = arith.constant 64 : index
    %swap3A_33 = tpu.vector_load %arg6[%swap3A_32] {strides = array<i32>} : memref<128xf32, #tpu.memory_space<vmem>>, vector<16xf32>,
    %swap3A_34 = vector.shape_cast %swap3A_33 : vector<16xf32> to vector<16xf32>
    %swap3A_35 = vector.shape_cast %broadcast_in_dim3A_31 : vector<16xf32> to vector<16xf32>
    tpu.vector_store %arg6[%swap3A_32], %swap3A_35 {strides = array<i32>} : memref<128xf32, #tpu.memory_space<vmem>>, vector<16xf32>,
    %broadcast_in_dim3A_36 = arith.constant 1.000000e+00 : f32
    %broadcast_in_dim3A_37 = vector.broadcast %broadcast_in_dim3A_36 : f32 to vector<16xf32>
    %swap3A_38 = arith.constant 80 : index
    %swap3A_39 = tpu.vector_load %arg6[%swap3A_38] {strides = array<i32>} : memref<128xf32, #tpu.memory_space<vmem>>, vector<16xf32>,
    %swap3A_40 = vector.shape_cast %swap3A_39 : vector<16xf32> to vector<16xf32>
    %swap3A_41 = vector.shape_cast %broadcast_in_dim3A_37 : vector<16xf32> to vector<16xf32>
    tpu.vector_store %arg6[%swap3A_38], %swap3A_41 {strides = array<i32>} : memref<128xf32, #tpu.memory_space<vmem>>, vector<16xf32>,
    %broadcast_in_dim3A_42 = arith.constant 1.000000e+00 : f32
    %broadcast_in_dim3A_43 = vector.broadcast %broadcast_in_dim3A_42 : f32 to vector<16xf32>
    %swap3A_44 = arith.constant 96 : index
    %swap3A_45 = tpu.vector_load %arg6[%swap3A_44] {strides = array<i32>} : memref<128xf32, #tpu.memory_space<vmem>>, vector<16xf32>,
    %swap3A_46 = vector.shape_cast %swap3A_45 : vector<16xf32> to vector<16xf32>
    %swap3A_47 = vector.shape_cast %broadcast_in_dim3A_43 : vector<16xf32> to vector<16xf32>
    tpu.vector_store %arg6[%swap3A_44], %swap3A_47 {strides = array<i32>} : memref<128xf32, #tpu.memory_space<vmem>>, vector<16xf32>,
    %broadcast_in_dim3A_48 = arith.constant 1.000000e+00 : f32
    %broadcast_in_dim3A_49 = vector.broadcast %broadcast_in_dim3A_48 : f32 to vector<16xf32>
    %swap3A_50 = arith.constant 112 : index
    %swap3A_51 = tpu.vector_load %arg6[%swap3A_50] {strides = array<i32>} : memref<128xf32, #tpu.memory_space<vmem>>, vector<16xf32>,
    %swap3A_52 = vector.shape_cast %swap3A_51 : vector<16xf32> to vector<16xf32>
    %swap3A_53 = vector.shape_cast %broadcast_in_dim3A_49 : vector<16xf32> to vector<16xf32>
    tpu.vector_store %arg6[%swap3A_50], %swap3A_53 {strides = array<i32>} : memref<128xf32, #tpu.memory_space<vmem>>, vector<16xf32>,
    %barrier3A = arith.constant 0 : index
    tpu.barrier barrier_id(%barrier3A)
    %run_scoped3A = arith.constant 1 : i32
    "tpu.region"() ({
      %run_scoped3A_66 = tpu.sem_alloc : memref<!tpu.dma_semaphore, #tpu.memory_space<semaphore_mem>>
      %dma_start3A = arith.constant 0 : i32
      %dma_start3A_67 = arith.constant 0 : i32
      %dma_start3A_68 = tpu.memref_slice %arg2[%run_scoped3A, %add3A, %dma_start3A, %dma_start3A_67] : memref<2x32x80x128xi32, #tpu.memory_space<hbm>> -> memref<1x1x80x128xi32, #tpu.memory_space<hbm>>
      %dma_start3A_69 = tpu.memref_squeeze %dma_start3A_68 : memref<1x1x80x128xi32, #tpu.memory_space<hbm>> -> memref<80x128xi32, #tpu.memory_space<hbm>>
      %dma_start3A_70 = arith.constant 0 : i32
      %dma_start3A_71 = arith.constant 0 : i32
      %dma_start3A_72 = tpu.memref_slice %arg2[%run_scoped3A, %add3A, %dma_start3A_70, %dma_start3A_71] : memref<2x32x80x128xi32, #tpu.memory_space<hbm>> -> memref<1x1x80x128xi32, #tpu.memory_space<hbm>>
      %dma_start3A_73 = tpu.memref_squeeze %dma_start3A_72 : memref<1x1x80x128xi32, #tpu.memory_space<hbm>> -> memref<80x128xi32, #tpu.memory_space<hbm>>
      tpu.enqueue_dma source(%dma_start3A_73 : memref<80x128xi32, #tpu.memory_space<hbm>>) target(%arg5 : memref<80x128xi32, #tpu.memory_space<vmem>>) target_semaphore(%run_scoped3A_66 : memref<!tpu.dma_semaphore, #tpu.memory_space<semaphore_mem>>)
      %dma_wait3A = arith.constant 0 : i32
      %dma_wait3A_74 = arith.constant 0 : i32
      %dma_wait3A_75 = tpu.memref_slice %arg2[%run_scoped3A, %add3A, %dma_wait3A, %dma_wait3A_74] : memref<2x32x80x128xi32, #tpu.memory_space<hbm>> -> memref<1x1x80x128xi32, #tpu.memory_space<hbm>>
      %dma_wait3A_76 = tpu.memref_squeeze %dma_wait3A_75 : memref<1x1x80x128xi32, #tpu.memory_space<hbm>> -> memref<80x128xi32, #tpu.memory_space<hbm>>
      %dma_wait3A_77 = arith.constant 0 : i32
      %dma_wait3A_78 = arith.constant 0 : i32
      %dma_wait3A_79 = tpu.memref_slice %arg2[%run_scoped3A, %add3A, %dma_wait3A_77, %dma_wait3A_78] : memref<2x32x80x128xi32, #tpu.memory_space<hbm>> -> memref<1x1x80x128xi32, #tpu.memory_space<hbm>>
      %dma_wait3A_80 = tpu.memref_squeeze %dma_wait3A_79 : memref<1x1x80x128xi32, #tpu.memory_space<hbm>> -> memref<80x128xi32, #tpu.memory_space<hbm>>
      tpu.wait_dma2 semaphore(%run_scoped3A_66 : memref<!tpu.dma_semaphore, #tpu.memory_space<semaphore_mem>>) src(%dma_wait3A_80 : memref<80x128xi32, #tpu.memory_space<hbm>>) dst(%arg5 : memref<80x128xi32, #tpu.memory_space<vmem>>)
      tpu.yield
    }) : () -> ()
    %scan3A_54 = arith.constant 0 : i32
    %scan3A_55 = arith.constant 0 : i32
    %scan3A_56 = arith.constant 2 : i32
    %scan3A_57 = arith.addi %scan3A_55, %scan3A_56 : i32
    %scan3A_58 = arith.constant 1 : i32
    scf.for %scan3A_66 = %scan3A_55 to %scan3A_57 step %scan3A_58  : i32 {
      %mul3A_67 = arith.constant 40 : i32
      %mul3A_68 = arith.muli %scan3A_66, %mul3A_67 : i32
      %add3A_69 = arith.constant 0 : i32
      %add3A_70 = arith.addi %mul3A_68, %add3A_69 : i32
      %dma_start3A = arith.constant 0 : i32
      %dma_start3A_71 = tpu.memref_slice %arg5[%add3A_70, %dma_start3A] : memref<80x128xi32, #tpu.memory_space<vmem>> -> memref<1x128xi32, #tpu.memory_space<vmem>>
      %dma_start3A_72 = tpu.memref_squeeze %dma_start3A_71 : memref<1x128xi32, #tpu.memory_space<vmem>> -> memref<128xi32, #tpu.memory_space<vmem>>
      %dma_start3A_73 = arith.constant 0 : i32
      %dma_start3A_74 = tpu.memref_slice %arg4[%dma_start3A_73] : memref<10008xf32, #tpu.memory_space<vmem_shared>> -> memref<10008xf32, #tpu.memory_space<vmem_shared>>
      tpu.enqueue_indirect_dma source(%arg6 : memref<128xf32, #tpu.memory_space<vmem>>) target(%dma_start3A_74 : memref<10008xf32, #tpu.memory_space<vmem_shared>>) offsets(%dma_start3A_72 : memref<128xi32, #tpu.memory_space<vmem>>) semaphore(%arg8 : memref<!tpu.dma_semaphore, #tpu.memory_space<semaphore_mem>>) {add = true}
      %mul3A_75 = arith.constant 40 : i32
      %mul3A_76 = arith.muli %scan3A_66, %mul3A_75 : i32
      %add3A_77 = arith.constant 1 : i32
      %add3A_78 = arith.addi %mul3A_76, %add3A_77 : i32
      %dma_start3A_79 = arith.constant 0 : i32
      %dma_start3A_80 = tpu.memref_slice %arg5[%add3A_78, %dma_start3A_79] : memref<80x128xi32, #tpu.memory_space<vmem>> -> memref<1x128xi32, #tpu.memory_space<vmem>>
      %dma_start3A_81 = tpu.memref_squeeze %dma_start3A_80 : memref<1x128xi32, #tpu.memory_space<vmem>> -> memref<128xi32, #tpu.memory_space<vmem>>
      %dma_start3A_82 = arith.constant 0 : i32
      %dma_start3A_83 = tpu.memref_slice %arg4[%dma_start3A_82] : memref<10008xf32, #tpu.memory_space<vmem_shared>> -> memref<10008xf32, #tpu.memory_space<vmem_shared>>
      tpu.enqueue_indirect_dma source(%arg6 : memref<128xf32, #tpu.memory_space<vmem>>) target(%dma_start3A_83 : memref<10008xf32, #tpu.memory_space<vmem_shared>>) offsets(%dma_start3A_81 : memref<128xi32, #tpu.memory_space<vmem>>) semaphore(%arg8 : memref<!tpu.dma_semaphore, #tpu.memory_space<semaphore_mem>>) {add = true}
      %mul3A_84 = arith.constant 40 : i32
      %mul3A_85 = arith.muli %scan3A_66, %mul3A_84 : i32
      %add3A_86 = arith.constant 2 : i32
      %add3A_87 = arith.addi %mul3A_85, %add3A_86 : i32
      %dma_start3A_88 = arith.constant 0 : i32
      %dma_start3A_89 = tpu.memref_slice %arg5[%add3A_87, %dma_start3A_88] : memref<80x128xi32, #tpu.memory_space<vmem>> -> memref<1x128xi32, #tpu.memory_space<vmem>>
      %dma_start3A_90 = tpu.memref_squeeze %dma_start3A_89 : memref<1x128xi32, #tpu.memory_space<vmem>> -> memref<128xi32, #tpu.memory_space<vmem>>
      %dma_start3A_91 = arith.constant 0 : i32
      %dma_start3A_92 = tpu.memref_slice %arg4[%dma_start3A_91] : memref<10008xf32, #tpu.memory_space<vmem_shared>> -> memref<10008xf32, #tpu.memory_space<vmem_shared>>
      tpu.enqueue_indirect_dma source(%arg6 : memref<128xf32, #tpu.memory_space<vmem>>) target(%dma_start3A_92 : memref<10008xf32, #tpu.memory_space<vmem_shared>>) offsets(%dma_start3A_90 : memref<128xi32, #tpu.memory_space<vmem>>) semaphore(%arg8 : memref<!tpu.dma_semaphore, #tpu.memory_space<semaphore_mem>>) {add = true}
      %mul3A_93 = arith.constant 40 : i32
      %mul3A_94 = arith.muli %scan3A_66, %mul3A_93 : i32
      %add3A_95 = arith.constant 3 : i32
      %add3A_96 = arith.addi %mul3A_94, %add3A_95 : i32
      %dma_start3A_97 = arith.constant 0 : i32
      %dma_start3A_98 = tpu.memref_slice %arg5[%add3A_96, %dma_start3A_97] : memref<80x128xi32, #tpu.memory_space<vmem>> -> memref<1x128xi32, #tpu.memory_space<vmem>>
      %dma_start3A_99 = tpu.memref_squeeze %dma_start3A_98 : memref<1x128xi32, #tpu.memory_space<vmem>> -> memref<128xi32, #tpu.memory_space<vmem>>
      %dma_start3A_100 = arith.constant 0 : i32
      %dma_start3A_101 = tpu.memref_slice %arg4[%dma_start3A_100] : memref<10008xf32, #tpu.memory_space<vmem_shared>> -> memref<10008xf32, #tpu.memory_space<vmem_shared>>
      tpu.enqueue_indirect_dma source(%arg6 : memref<128xf32, #tpu.memory_space<vmem>>) target(%dma_start3A_101 : memref<10008xf32, #tpu.memory_space<vmem_shared>>) offsets(%dma_start3A_99 : memref<128xi32, #tpu.memory_space<vmem>>) semaphore(%arg8 : memref<!tpu.dma_semaphore, #tpu.memory_space<semaphore_mem>>) {add = true}
      %mul3A_102 = arith.constant 40 : i32
      %mul3A_103 = arith.muli %scan3A_66, %mul3A_102 : i32
      %add3A_104 = arith.constant 4 : i32
      %add3A_105 = arith.addi %mul3A_103, %add3A_104 : i32
      %dma_start3A_106 = arith.constant 0 : i32
      %dma_start3A_107 = tpu.memref_slice %arg5[%add3A_105, %dma_start3A_106] : memref<80x128xi32, #tpu.memory_space<vmem>> -> memref<1x128xi32, #tpu.memory_space<vmem>>
      %dma_start3A_108 = tpu.memref_squeeze %dma_start3A_107 : memref<1x128xi32, #tpu.memory_space<vmem>> -> memref<128xi32, #tpu.memory_space<vmem>>
      %dma_start3A_109 = arith.constant 0 : i32
      %dma_start3A_110 = tpu.memref_slice %arg4[%dma_start3A_109] : memref<10008xf32, #tpu.memory_space<vmem_shared>> -> memref<10008xf32, #tpu.memory_space<vmem_shared>>
      tpu.enqueue_indirect_dma source(%arg6 : memref<128xf32, #tpu.memory_space<vmem>>) target(%dma_start3A_110 : memref<10008xf32, #tpu.memory_space<vmem_shared>>) offsets(%dma_start3A_108 : memref<128xi32, #tpu.memory_space<vmem>>) semaphore(%arg8 : memref<!tpu.dma_semaphore, #tpu.memory_space<semaphore_mem>>) {add = true}
      %mul3A_111 = arith.constant 40 : i32
      %mul3A_112 = arith.muli %scan3A_66, %mul3A_111 : i32
      %add3A_113 = arith.constant 5 : i32
      %add3A_114 = arith.addi %mul3A_112, %add3A_113 : i32
      %dma_start3A_115 = arith.constant 0 : i32
      %dma_start3A_116 = tpu.memref_slice %arg5[%add3A_114, %dma_start3A_115] : memref<80x128xi32, #tpu.memory_space<vmem>> -> memref<1x128xi32, #tpu.memory_space<vmem>>
      %dma_start3A_117 = tpu.memref_squeeze %dma_start3A_116 : memref<1x128xi32, #tpu.memory_space<vmem>> -> memref<128xi32, #tpu.memory_space<vmem>>
      %dma_start3A_118 = arith.constant 0 : i32
      %dma_start3A_119 = tpu.memref_slice %arg4[%dma_start3A_118] : memref<10008xf32, #tpu.memory_space<vmem_shared>> -> memref<10008xf32, #tpu.memory_space<vmem_shared>>
      tpu.enqueue_indirect_dma source(%arg6 : memref<128xf32, #tpu.memory_space<vmem>>) target(%dma_start3A_119 : memref<10008xf32, #tpu.memory_space<vmem_shared>>) offsets(%dma_start3A_117 : memref<128xi32, #tpu.memory_space<vmem>>) semaphore(%arg8 : memref<!tpu.dma_semaphore, #tpu.memory_space<semaphore_mem>>) {add = true}
      %mul3A_120 = arith.constant 40 : i32
      %mul3A_121 = arith.muli %scan3A_66, %mul3A_120 : i32
      %add3A_122 = arith.constant 6 : i32
      %add3A_123 = arith.addi %mul3A_121, %add3A_122 : i32
      %dma_start3A_124 = arith.constant 0 : i32
      %dma_start3A_125 = tpu.memref_slice %arg5[%add3A_123, %dma_start3A_124] : memref<80x128xi32, #tpu.memory_space<vmem>> -> memref<1x128xi32, #tpu.memory_space<vmem>>
      %dma_start3A_126 = tpu.memref_squeeze %dma_start3A_125 : memref<1x128xi32, #tpu.memory_space<vmem>> -> memref<128xi32, #tpu.memory_space<vmem>>
      %dma_start3A_127 = arith.constant 0 : i32
      %dma_start3A_128 = tpu.memref_slice %arg4[%dma_start3A_127] : memref<10008xf32, #tpu.memory_space<vmem_shared>> -> memref<10008xf32, #tpu.memory_space<vmem_shared>>
      tpu.enqueue_indirect_dma source(%arg6 : memref<128xf32, #tpu.memory_space<vmem>>) target(%dma_start3A_128 : memref<10008xf32, #tpu.memory_space<vmem_shared>>) offsets(%dma_start3A_126 : memref<128xi32, #tpu.memory_space<vmem>>) semaphore(%arg8 : memref<!tpu.dma_semaphore, #tpu.memory_space<semaphore_mem>>) {add = true}
      %mul3A_129 = arith.constant 40 : i32
      %mul3A_130 = arith.muli %scan3A_66, %mul3A_129 : i32
      %add3A_131 = arith.constant 7 : i32
      %add3A_132 = arith.addi %mul3A_130, %add3A_131 : i32
      %dma_start3A_133 = arith.constant 0 : i32
      %dma_start3A_134 = tpu.memref_slice %arg5[%add3A_132, %dma_start3A_133] : memref<80x128xi32, #tpu.memory_space<vmem>> -> memref<1x128xi32, #tpu.memory_space<vmem>>
      %dma_start3A_135 = tpu.memref_squeeze %dma_start3A_134 : memref<1x128xi32, #tpu.memory_space<vmem>> -> memref<128xi32, #tpu.memory_space<vmem>>
      %dma_start3A_136 = arith.constant 0 : i32
      %dma_start3A_137 = tpu.memref_slice %arg4[%dma_start3A_136] : memref<10008xf32, #tpu.memory_space<vmem_shared>> -> memref<10008xf32, #tpu.memory_space<vmem_shared>>
      tpu.enqueue_indirect_dma source(%arg6 : memref<128xf32, #tpu.memory_space<vmem>>) target(%dma_start3A_137 : memref<10008xf32, #tpu.memory_space<vmem_shared>>) offsets(%dma_start3A_135 : memref<128xi32, #tpu.memory_space<vmem>>) semaphore(%arg8 : memref<!tpu.dma_semaphore, #tpu.memory_space<semaphore_mem>>) {add = true}
      %mul3A_138 = arith.constant 40 : i32
      %mul3A_139 = arith.muli %scan3A_66, %mul3A_138 : i32
      %add3A_140 = arith.constant 8 : i32
      %add3A_141 = arith.addi %mul3A_139, %add3A_140 : i32
      %dma_start3A_142 = arith.constant 0 : i32
      %dma_start3A_143 = tpu.memref_slice %arg5[%add3A_141, %dma_start3A_142] : memref<80x128xi32, #tpu.memory_space<vmem>> -> memref<1x128xi32, #tpu.memory_space<vmem>>
      %dma_start3A_144 = tpu.memref_squeeze %dma_start3A_143 : memref<1x128xi32, #tpu.memory_space<vmem>> -> memref<128xi32, #tpu.memory_space<vmem>>
      %dma_start3A_145 = arith.constant 0 : i32
      %dma_start3A_146 = tpu.memref_slice %arg4[%dma_start3A_145] : memref<10008xf32, #tpu.memory_space<vmem_shared>> -> memref<10008xf32, #tpu.memory_space<vmem_shared>>
      tpu.enqueue_indirect_dma source(%arg6 : memref<128xf32, #tpu.memory_space<vmem>>) target(%dma_start3A_146 : memref<10008xf32, #tpu.memory_space<vmem_shared>>) offsets(%dma_start3A_144 : memref<128xi32, #tpu.memory_space<vmem>>) semaphore(%arg8 : memref<!tpu.dma_semaphore, #tpu.memory_space<semaphore_mem>>) {add = true}
      %mul3A_147 = arith.constant 40 : i32
      %mul3A_148 = arith.muli %scan3A_66, %mul3A_147 : i32
      %add3A_149 = arith.constant 9 : i32
      %add3A_150 = arith.addi %mul3A_148, %add3A_149 : i32
      %dma_start3A_151 = arith.constant 0 : i32
      %dma_start3A_152 = tpu.memref_slice %arg5[%add3A_150, %dma_start3A_151] : memref<80x128xi32, #tpu.memory_space<vmem>> -> memref<1x128xi32, #tpu.memory_space<vmem>>
      %dma_start3A_153 = tpu.memref_squeeze %dma_start3A_152 : memref<1x128xi32, #tpu.memory_space<vmem>> -> memref<128xi32, #tpu.memory_space<vmem>>
      %dma_start3A_154 = arith.constant 0 : i32
      %dma_start3A_155 = tpu.memref_slice %arg4[%dma_start3A_154] : memref<10008xf32, #tpu.memory_space<vmem_shared>> -> memref<10008xf32, #tpu.memory_space<vmem_shared>>
      tpu.enqueue_indirect_dma source(%arg6 : memref<128xf32, #tpu.memory_space<vmem>>) target(%dma_start3A_155 : memref<10008xf32, #tpu.memory_space<vmem_shared>>) offsets(%dma_start3A_153 : memref<128xi32, #tpu.memory_space<vmem>>) semaphore(%arg8 : memref<!tpu.dma_semaphore, #tpu.memory_space<semaphore_mem>>) {add = true}
      %mul3A_156 = arith.constant 40 : i32
      %mul3A_157 = arith.muli %scan3A_66, %mul3A_156 : i32
      %add3A_158 = arith.constant 10 : i32
      %add3A_159 = arith.addi %mul3A_157, %add3A_158 : i32
      %dma_start3A_160 = arith.constant 0 : i32
      %dma_start3A_161 = tpu.memref_slice %arg5[%add3A_159, %dma_start3A_160] : memref<80x128xi32, #tpu.memory_space<vmem>> -> memref<1x128xi32, #tpu.memory_space<vmem>>
      %dma_start3A_162 = tpu.memref_squeeze %dma_start3A_161 : memref<1x128xi32, #tpu.memory_space<vmem>> -> memref<128xi32, #tpu.memory_space<vmem>>
      %dma_start3A_163 = arith.constant 0 : i32
      %dma_start3A_164 = tpu.memref_slice %arg4[%dma_start3A_163] : memref<10008xf32, #tpu.memory_space<vmem_shared>> -> memref<10008xf32, #tpu.memory_space<vmem_shared>>
      tpu.enqueue_indirect_dma source(%arg6 : memref<128xf32, #tpu.memory_space<vmem>>) target(%dma_start3A_164 : memref<10008xf32, #tpu.memory_space<vmem_shared>>) offsets(%dma_start3A_162 : memref<128xi32, #tpu.memory_space<vmem>>) semaphore(%arg8 : memref<!tpu.dma_semaphore, #tpu.memory_space<semaphore_mem>>) {add = true}
      %mul3A_165 = arith.constant 40 : i32
      %mul3A_166 = arith.muli %scan3A_66, %mul3A_165 : i32
      %add3A_167 = arith.constant 11 : i32
      %add3A_168 = arith.addi %mul3A_166, %add3A_167 : i32
      %dma_start3A_169 = arith.constant 0 : i32
      %dma_start3A_170 = tpu.memref_slice %arg5[%add3A_168, %dma_start3A_169] : memref<80x128xi32, #tpu.memory_space<vmem>> -> memref<1x128xi32, #tpu.memory_space<vmem>>
      %dma_start3A_171 = tpu.memref_squeeze %dma_start3A_170 : memref<1x128xi32, #tpu.memory_space<vmem>> -> memref<128xi32, #tpu.memory_space<vmem>>
      %dma_start3A_172 = arith.constant 0 : i32
      %dma_start3A_173 = tpu.memref_slice %arg4[%dma_start3A_172] : memref<10008xf32, #tpu.memory_space<vmem_shared>> -> memref<10008xf32, #tpu.memory_space<vmem_shared>>
      tpu.enqueue_indirect_dma source(%arg6 : memref<128xf32, #tpu.memory_space<vmem>>) target(%dma_start3A_173 : memref<10008xf32, #tpu.memory_space<vmem_shared>>) offsets(%dma_start3A_171 : memref<128xi32, #tpu.memory_space<vmem>>) semaphore(%arg8 : memref<!tpu.dma_semaphore, #tpu.memory_space<semaphore_mem>>) {add = true}
      %mul3A_174 = arith.constant 40 : i32
      %mul3A_175 = arith.muli %scan3A_66, %mul3A_174 : i32
      %add3A_176 = arith.constant 12 : i32
      %add3A_177 = arith.addi %mul3A_175, %add3A_176 : i32
      %dma_start3A_178 = arith.constant 0 : i32
      %dma_start3A_179 = tpu.memref_slice %arg5[%add3A_177, %dma_start3A_178] : memref<80x128xi32, #tpu.memory_space<vmem>> -> memref<1x128xi32, #tpu.memory_space<vmem>>
      %dma_start3A_180 = tpu.memref_squeeze %dma_start3A_179 : memref<1x128xi32, #tpu.memory_space<vmem>> -> memref<128xi32, #tpu.memory_space<vmem>>
      %dma_start3A_181 = arith.constant 0 : i32
      %dma_start3A_182 = tpu.memref_slice %arg4[%dma_start3A_181] : memref<10008xf32, #tpu.memory_space<vmem_shared>> -> memref<10008xf32, #tpu.memory_space<vmem_shared>>
      tpu.enqueue_indirect_dma source(%arg6 : memref<128xf32, #tpu.memory_space<vmem>>) target(%dma_start3A_182 : memref<10008xf32, #tpu.memory_space<vmem_shared>>) offsets(%dma_start3A_180 : memref<128xi32, #tpu.memory_space<vmem>>) semaphore(%arg8 : memref<!tpu.dma_semaphore, #tpu.memory_space<semaphore_mem>>) {add = true}
      %mul3A_183 = arith.constant 40 : i32
      %mul3A_184 = arith.muli %scan3A_66, %mul3A_183 : i32
      %add3A_185 = arith.constant 13 : i32
      %add3A_186 = arith.addi %mul3A_184, %add3A_185 : i32
      %dma_start3A_187 = arith.constant 0 : i32
      %dma_start3A_188 = tpu.memref_slice %arg5[%add3A_186, %dma_start3A_187] : memref<80x128xi32, #tpu.memory_space<vmem>> -> memref<1x128xi32, #tpu.memory_space<vmem>>
      %dma_start3A_189 = tpu.memref_squeeze %dma_start3A_188 : memref<1x128xi32, #tpu.memory_space<vmem>> -> memref<128xi32, #tpu.memory_space<vmem>>
      %dma_start3A_190 = arith.constant 0 : i32
      %dma_start3A_191 = tpu.memref_slice %arg4[%dma_start3A_190] : memref<10008xf32, #tpu.memory_space<vmem_shared>> -> memref<10008xf32, #tpu.memory_space<vmem_shared>>
      tpu.enqueue_indirect_dma source(%arg6 : memref<128xf32, #tpu.memory_space<vmem>>) target(%dma_start3A_191 : memref<10008xf32, #tpu.memory_space<vmem_shared>>) offsets(%dma_start3A_189 : memref<128xi32, #tpu.memory_space<vmem>>) semaphore(%arg8 : memref<!tpu.dma_semaphore, #tpu.memory_space<semaphore_mem>>) {add = true}
      %mul3A_192 = arith.constant 40 : i32
      %mul3A_193 = arith.muli %scan3A_66, %mul3A_192 : i32
      %add3A_194 = arith.constant 14 : i32
      %add3A_195 = arith.addi %mul3A_193, %add3A_194 : i32
      %dma_start3A_196 = arith.constant 0 : i32
      %dma_start3A_197 = tpu.memref_slice %arg5[%add3A_195, %dma_start3A_196] : memref<80x128xi32, #tpu.memory_space<vmem>> -> memref<1x128xi32, #tpu.memory_space<vmem>>
      %dma_start3A_198 = tpu.memref_squeeze %dma_start3A_197 : memref<1x128xi32, #tpu.memory_space<vmem>> -> memref<128xi32, #tpu.memory_space<vmem>>
      %dma_start3A_199 = arith.constant 0 : i32
      %dma_start3A_200 = tpu.memref_slice %arg4[%dma_start3A_199] : memref<10008xf32, #tpu.memory_space<vmem_shared>> -> memref<10008xf32, #tpu.memory_space<vmem_shared>>
      tpu.enqueue_indirect_dma source(%arg6 : memref<128xf32, #tpu.memory_space<vmem>>) target(%dma_start3A_200 : memref<10008xf32, #tpu.memory_space<vmem_shared>>) offsets(%dma_start3A_198 : memref<128xi32, #tpu.memory_space<vmem>>) semaphore(%arg8 : memref<!tpu.dma_semaphore, #tpu.memory_space<semaphore_mem>>) {add = true}
      %mul3A_201 = arith.constant 40 : i32
      %mul3A_202 = arith.muli %scan3A_66, %mul3A_201 : i32
      %add3A_203 = arith.constant 15 : i32
      %add3A_204 = arith.addi %mul3A_202, %add3A_203 : i32
      %dma_start3A_205 = arith.constant 0 : i32
      %dma_start3A_206 = tpu.memref_slice %arg5[%add3A_204, %dma_start3A_205] : memref<80x128xi32, #tpu.memory_space<vmem>> -> memref<1x128xi32, #tpu.memory_space<vmem>>
      %dma_start3A_207 = tpu.memref_squeeze %dma_start3A_206 : memref<1x128xi32, #tpu.memory_space<vmem>> -> memref<128xi32, #tpu.memory_space<vmem>>
      %dma_start3A_208 = arith.constant 0 : i32
      %dma_start3A_209 = tpu.memref_slice %arg4[%dma_start3A_208] : memref<10008xf32, #tpu.memory_space<vmem_shared>> -> memref<10008xf32, #tpu.memory_space<vmem_shared>>
      tpu.enqueue_indirect_dma source(%arg6 : memref<128xf32, #tpu.memory_space<vmem>>) target(%dma_start3A_209 : memref<10008xf32, #tpu.memory_space<vmem_shared>>) offsets(%dma_start3A_207 : memref<128xi32, #tpu.memory_space<vmem>>) semaphore(%arg8 : memref<!tpu.dma_semaphore, #tpu.memory_space<semaphore_mem>>) {add = true}
      %mul3A_210 = arith.constant 40 : i32
      %mul3A_211 = arith.muli %scan3A_66, %mul3A_210 : i32
      %add3A_212 = arith.constant 16 : i32
      %add3A_213 = arith.addi %mul3A_211, %add3A_212 : i32
      %dma_start3A_214 = arith.constant 0 : i32
      %dma_start3A_215 = tpu.memref_slice %arg5[%add3A_213, %dma_start3A_214] : memref<80x128xi32, #tpu.memory_space<vmem>> -> memref<1x128xi32, #tpu.memory_space<vmem>>
      %dma_start3A_216 = tpu.memref_squeeze %dma_start3A_215 : memref<1x128xi32, #tpu.memory_space<vmem>> -> memref<128xi32, #tpu.memory_space<vmem>>
      %dma_start3A_217 = arith.constant 0 : i32
      %dma_start3A_218 = tpu.memref_slice %arg4[%dma_start3A_217] : memref<10008xf32, #tpu.memory_space<vmem_shared>> -> memref<10008xf32, #tpu.memory_space<vmem_shared>>
      tpu.enqueue_indirect_dma source(%arg6 : memref<128xf32, #tpu.memory_space<vmem>>) target(%dma_start3A_218 : memref<10008xf32, #tpu.memory_space<vmem_shared>>) offsets(%dma_start3A_216 : memref<128xi32, #tpu.memory_space<vmem>>) semaphore(%arg8 : memref<!tpu.dma_semaphore, #tpu.memory_space<semaphore_mem>>) {add = true}
      %mul3A_219 = arith.constant 40 : i32
      %mul3A_220 = arith.muli %scan3A_66, %mul3A_219 : i32
      %add3A_221 = arith.constant 17 : i32
      %add3A_222 = arith.addi %mul3A_220, %add3A_221 : i32
      %dma_start3A_223 = arith.constant 0 : i32
      %dma_start3A_224 = tpu.memref_slice %arg5[%add3A_222, %dma_start3A_223] : memref<80x128xi32, #tpu.memory_space<vmem>> -> memref<1x128xi32, #tpu.memory_space<vmem>>
      %dma_start3A_225 = tpu.memref_squeeze %dma_start3A_224 : memref<1x128xi32, #tpu.memory_space<vmem>> -> memref<128xi32, #tpu.memory_space<vmem>>
      %dma_start3A_226 = arith.constant 0 : i32
      %dma_start3A_227 = tpu.memref_slice %arg4[%dma_start3A_226] : memref<10008xf32, #tpu.memory_space<vmem_shared>> -> memref<10008xf32, #tpu.memory_space<vmem_shared>>
      tpu.enqueue_indirect_dma source(%arg6 : memref<128xf32, #tpu.memory_space<vmem>>) target(%dma_start3A_227 : memref<10008xf32, #tpu.memory_space<vmem_shared>>) offsets(%dma_start3A_225 : memref<128xi32, #tpu.memory_space<vmem>>) semaphore(%arg8 : memref<!tpu.dma_semaphore, #tpu.memory_space<semaphore_mem>>) {add = true}
      %mul3A_228 = arith.constant 40 : i32
      %mul3A_229 = arith.muli %scan3A_66, %mul3A_228 : i32
      %add3A_230 = arith.constant 18 : i32
      %add3A_231 = arith.addi %mul3A_229, %add3A_230 : i32
      %dma_start3A_232 = arith.constant 0 : i32
      %dma_start3A_233 = tpu.memref_slice %arg5[%add3A_231, %dma_start3A_232] : memref<80x128xi32, #tpu.memory_space<vmem>> -> memref<1x128xi32, #tpu.memory_space<vmem>>
      %dma_start3A_234 = tpu.memref_squeeze %dma_start3A_233 : memref<1x128xi32, #tpu.memory_space<vmem>> -> memref<128xi32, #tpu.memory_space<vmem>>
      %dma_start3A_235 = arith.constant 0 : i32
      %dma_start3A_236 = tpu.memref_slice %arg4[%dma_start3A_235] : memref<10008xf32, #tpu.memory_space<vmem_shared>> -> memref<10008xf32, #tpu.memory_space<vmem_shared>>
      tpu.enqueue_indirect_dma source(%arg6 : memref<128xf32, #tpu.memory_space<vmem>>) target(%dma_start3A_236 : memref<10008xf32, #tpu.memory_space<vmem_shared>>) offsets(%dma_start3A_234 : memref<128xi32, #tpu.memory_space<vmem>>) semaphore(%arg8 : memref<!tpu.dma_semaphore, #tpu.memory_space<semaphore_mem>>) {add = true}
      %mul3A_237 = arith.constant 40 : i32
      %mul3A_238 = arith.muli %scan3A_66, %mul3A_237 : i32
      %add3A_239 = arith.constant 19 : i32
      %add3A_240 = arith.addi %mul3A_238, %add3A_239 : i32
      %dma_start3A_241 = arith.constant 0 : i32
      %dma_start3A_242 = tpu.memref_slice %arg5[%add3A_240, %dma_start3A_241] : memref<80x128xi32, #tpu.memory_space<vmem>> -> memref<1x128xi32, #tpu.memory_space<vmem>>
      %dma_start3A_243 = tpu.memref_squeeze %dma_start3A_242 : memref<1x128xi32, #tpu.memory_space<vmem>> -> memref<128xi32, #tpu.memory_space<vmem>>
      %dma_start3A_244 = arith.constant 0 : i32
      %dma_start3A_245 = tpu.memref_slice %arg4[%dma_start3A_244] : memref<10008xf32, #tpu.memory_space<vmem_shared>> -> memref<10008xf32, #tpu.memory_space<vmem_shared>>
      tpu.enqueue_indirect_dma source(%arg6 : memref<128xf32, #tpu.memory_space<vmem>>) target(%dma_start3A_245 : memref<10008xf32, #tpu.memory_space<vmem_shared>>) offsets(%dma_start3A_243 : memref<128xi32, #tpu.memory_space<vmem>>) semaphore(%arg8 : memref<!tpu.dma_semaphore, #tpu.memory_space<semaphore_mem>>) {add = true}
      %mul3A_246 = arith.constant 40 : i32
      %mul3A_247 = arith.muli %scan3A_66, %mul3A_246 : i32
      %add3A_248 = arith.constant 20 : i32
      %add3A_249 = arith.addi %mul3A_247, %add3A_248 : i32
      %dma_start3A_250 = arith.constant 0 : i32
      %dma_start3A_251 = tpu.memref_slice %arg5[%add3A_249, %dma_start3A_250] : memref<80x128xi32, #tpu.memory_space<vmem>> -> memref<1x128xi32, #tpu.memory_space<vmem>>
      %dma_start3A_252 = tpu.memref_squeeze %dma_start3A_251 : memref<1x128xi32, #tpu.memory_space<vmem>> -> memref<128xi32, #tpu.memory_space<vmem>>
      %dma_start3A_253 = arith.constant 0 : i32
      %dma_start3A_254 = tpu.memref_slice %arg4[%dma_start3A_253] : memref<10008xf32, #tpu.memory_space<vmem_shared>> -> memref<10008xf32, #tpu.memory_space<vmem_shared>>
      tpu.enqueue_indirect_dma source(%arg6 : memref<128xf32, #tpu.memory_space<vmem>>) target(%dma_start3A_254 : memref<10008xf32, #tpu.memory_space<vmem_shared>>) offsets(%dma_start3A_252 : memref<128xi32, #tpu.memory_space<vmem>>) semaphore(%arg8 : memref<!tpu.dma_semaphore, #tpu.memory_space<semaphore_mem>>) {add = true}
      %mul3A_255 = arith.constant 40 : i32
      %mul3A_256 = arith.muli %scan3A_66, %mul3A_255 : i32
      %add3A_257 = arith.constant 21 : i32
      %add3A_258 = arith.addi %mul3A_256, %add3A_257 : i32
      %dma_start3A_259 = arith.constant 0 : i32
      %dma_start3A_260 = tpu.memref_slice %arg5[%add3A_258, %dma_start3A_259] : memref<80x128xi32, #tpu.memory_space<vmem>> -> memref<1x128xi32, #tpu.memory_space<vmem>>
      %dma_start3A_261 = tpu.memref_squeeze %dma_start3A_260 : memref<1x128xi32, #tpu.memory_space<vmem>> -> memref<128xi32, #tpu.memory_space<vmem>>
      %dma_start3A_262 = arith.constant 0 : i32
      %dma_start3A_263 = tpu.memref_slice %arg4[%dma_start3A_262] : memref<10008xf32, #tpu.memory_space<vmem_shared>> -> memref<10008xf32, #tpu.memory_space<vmem_shared>>
      tpu.enqueue_indirect_dma source(%arg6 : memref<128xf32, #tpu.memory_space<vmem>>) target(%dma_start3A_263 : memref<10008xf32, #tpu.memory_space<vmem_shared>>) offsets(%dma_start3A_261 : memref<128xi32, #tpu.memory_space<vmem>>) semaphore(%arg8 : memref<!tpu.dma_semaphore, #tpu.memory_space<semaphore_mem>>) {add = true}
      %mul3A_264 = arith.constant 40 : i32
      %mul3A_265 = arith.muli %scan3A_66, %mul3A_264 : i32
      %add3A_266 = arith.constant 22 : i32
      %add3A_267 = arith.addi %mul3A_265, %add3A_266 : i32
      %dma_start3A_268 = arith.constant 0 : i32
      %dma_start3A_269 = tpu.memref_slice %arg5[%add3A_267, %dma_start3A_268] : memref<80x128xi32, #tpu.memory_space<vmem>> -> memref<1x128xi32, #tpu.memory_space<vmem>>
      %dma_start3A_270 = tpu.memref_squeeze %dma_start3A_269 : memref<1x128xi32, #tpu.memory_space<vmem>> -> memref<128xi32, #tpu.memory_space<vmem>>
      %dma_start3A_271 = arith.constant 0 : i32
      %dma_start3A_272 = tpu.memref_slice %arg4[%dma_start3A_271] : memref<10008xf32, #tpu.memory_space<vmem_shared>> -> memref<10008xf32, #tpu.memory_space<vmem_shared>>
      tpu.enqueue_indirect_dma source(%arg6 : memref<128xf32, #tpu.memory_space<vmem>>) target(%dma_start3A_272 : memref<10008xf32, #tpu.memory_space<vmem_shared>>) offsets(%dma_start3A_270 : memref<128xi32, #tpu.memory_space<vmem>>) semaphore(%arg8 : memref<!tpu.dma_semaphore, #tpu.memory_space<semaphore_mem>>) {add = true}
      %mul3A_273 = arith.constant 40 : i32
      %mul3A_274 = arith.muli %scan3A_66, %mul3A_273 : i32
      %add3A_275 = arith.constant 23 : i32
      %add3A_276 = arith.addi %mul3A_274, %add3A_275 : i32
      %dma_start3A_277 = arith.constant 0 : i32
      %dma_start3A_278 = tpu.memref_slice %arg5[%add3A_276, %dma_start3A_277] : memref<80x128xi32, #tpu.memory_space<vmem>> -> memref<1x128xi32, #tpu.memory_space<vmem>>
      %dma_start3A_279 = tpu.memref_squeeze %dma_start3A_278 : memref<1x128xi32, #tpu.memory_space<vmem>> -> memref<128xi32, #tpu.memory_space<vmem>>
      %dma_start3A_280 = arith.constant 0 : i32
      %dma_start3A_281 = tpu.memref_slice %arg4[%dma_start3A_280] : memref<10008xf32, #tpu.memory_space<vmem_shared>> -> memref<10008xf32, #tpu.memory_space<vmem_shared>>
      tpu.enqueue_indirect_dma source(%arg6 : memref<128xf32, #tpu.memory_space<vmem>>) target(%dma_start3A_281 : memref<10008xf32, #tpu.memory_space<vmem_shared>>) offsets(%dma_start3A_279 : memref<128xi32, #tpu.memory_space<vmem>>) semaphore(%arg8 : memref<!tpu.dma_semaphore, #tpu.memory_space<semaphore_mem>>) {add = true}
      %mul3A_282 = arith.constant 40 : i32
      %mul3A_283 = arith.muli %scan3A_66, %mul3A_282 : i32
      %add3A_284 = arith.constant 24 : i32
      %add3A_285 = arith.addi %mul3A_283, %add3A_284 : i32
      %dma_start3A_286 = arith.constant 0 : i32
      %dma_start3A_287 = tpu.memref_slice %arg5[%add3A_285, %dma_start3A_286] : memref<80x128xi32, #tpu.memory_space<vmem>> -> memref<1x128xi32, #tpu.memory_space<vmem>>
      %dma_start3A_288 = tpu.memref_squeeze %dma_start3A_287 : memref<1x128xi32, #tpu.memory_space<vmem>> -> memref<128xi32, #tpu.memory_space<vmem>>
      %dma_start3A_289 = arith.constant 0 : i32
      %dma_start3A_290 = tpu.memref_slice %arg4[%dma_start3A_289] : memref<10008xf32, #tpu.memory_space<vmem_shared>> -> memref<10008xf32, #tpu.memory_space<vmem_shared>>
      tpu.enqueue_indirect_dma source(%arg6 : memref<128xf32, #tpu.memory_space<vmem>>) target(%dma_start3A_290 : memref<10008xf32, #tpu.memory_space<vmem_shared>>) offsets(%dma_start3A_288 : memref<128xi32, #tpu.memory_space<vmem>>) semaphore(%arg8 : memref<!tpu.dma_semaphore, #tpu.memory_space<semaphore_mem>>) {add = true}
      %mul3A_291 = arith.constant 40 : i32
      %mul3A_292 = arith.muli %scan3A_66, %mul3A_291 : i32
      %add3A_293 = arith.constant 25 : i32
      %add3A_294 = arith.addi %mul3A_292, %add3A_293 : i32
      %dma_start3A_295 = arith.constant 0 : i32
      %dma_start3A_296 = tpu.memref_slice %arg5[%add3A_294, %dma_start3A_295] : memref<80x128xi32, #tpu.memory_space<vmem>> -> memref<1x128xi32, #tpu.memory_space<vmem>>
      %dma_start3A_297 = tpu.memref_squeeze %dma_start3A_296 : memref<1x128xi32, #tpu.memory_space<vmem>> -> memref<128xi32, #tpu.memory_space<vmem>>
      %dma_start3A_298 = arith.constant 0 : i32
      %dma_start3A_299 = tpu.memref_slice %arg4[%dma_start3A_298] : memref<10008xf32, #tpu.memory_space<vmem_shared>> -> memref<10008xf32, #tpu.memory_space<vmem_shared>>
      tpu.enqueue_indirect_dma source(%arg6 : memref<128xf32, #tpu.memory_space<vmem>>) target(%dma_start3A_299 : memref<10008xf32, #tpu.memory_space<vmem_shared>>) offsets(%dma_start3A_297 : memref<128xi32, #tpu.memory_space<vmem>>) semaphore(%arg8 : memref<!tpu.dma_semaphore, #tpu.memory_space<semaphore_mem>>) {add = true}
      %mul3A_300 = arith.constant 40 : i32
      %mul3A_301 = arith.muli %scan3A_66, %mul3A_300 : i32
      %add3A_302 = arith.constant 26 : i32
      %add3A_303 = arith.addi %mul3A_301, %add3A_302 : i32
      %dma_start3A_304 = arith.constant 0 : i32
      %dma_start3A_305 = tpu.memref_slice %arg5[%add3A_303, %dma_start3A_304] : memref<80x128xi32, #tpu.memory_space<vmem>> -> memref<1x128xi32, #tpu.memory_space<vmem>>
      %dma_start3A_306 = tpu.memref_squeeze %dma_start3A_305 : memref<1x128xi32, #tpu.memory_space<vmem>> -> memref<128xi32, #tpu.memory_space<vmem>>
      %dma_start3A_307 = arith.constant 0 : i32
      %dma_start3A_308 = tpu.memref_slice %arg4[%dma_start3A_307] : memref<10008xf32, #tpu.memory_space<vmem_shared>> -> memref<10008xf32, #tpu.memory_space<vmem_shared>>
      tpu.enqueue_indirect_dma source(%arg6 : memref<128xf32, #tpu.memory_space<vmem>>) target(%dma_start3A_308 : memref<10008xf32, #tpu.memory_space<vmem_shared>>) offsets(%dma_start3A_306 : memref<128xi32, #tpu.memory_space<vmem>>) semaphore(%arg8 : memref<!tpu.dma_semaphore, #tpu.memory_space<semaphore_mem>>) {add = true}
      %mul3A_309 = arith.constant 40 : i32
      %mul3A_310 = arith.muli %scan3A_66, %mul3A_309 : i32
      %add3A_311 = arith.constant 27 : i32
      %add3A_312 = arith.addi %mul3A_310, %add3A_311 : i32
      %dma_start3A_313 = arith.constant 0 : i32
      %dma_start3A_314 = tpu.memref_slice %arg5[%add3A_312, %dma_start3A_313] : memref<80x128xi32, #tpu.memory_space<vmem>> -> memref<1x128xi32, #tpu.memory_space<vmem>>
      %dma_start3A_315 = tpu.memref_squeeze %dma_start3A_314 : memref<1x128xi32, #tpu.memory_space<vmem>> -> memref<128xi32, #tpu.memory_space<vmem>>
      %dma_start3A_316 = arith.constant 0 : i32
      %dma_start3A_317 = tpu.memref_slice %arg4[%dma_start3A_316] : memref<10008xf32, #tpu.memory_space<vmem_shared>> -> memref<10008xf32, #tpu.memory_space<vmem_shared>>
      tpu.enqueue_indirect_dma source(%arg6 : memref<128xf32, #tpu.memory_space<vmem>>) target(%dma_start3A_317 : memref<10008xf32, #tpu.memory_space<vmem_shared>>) offsets(%dma_start3A_315 : memref<128xi32, #tpu.memory_space<vmem>>) semaphore(%arg8 : memref<!tpu.dma_semaphore, #tpu.memory_space<semaphore_mem>>) {add = true}
      %mul3A_318 = arith.constant 40 : i32
      %mul3A_319 = arith.muli %scan3A_66, %mul3A_318 : i32
      %add3A_320 = arith.constant 28 : i32
      %add3A_321 = arith.addi %mul3A_319, %add3A_320 : i32
      %dma_start3A_322 = arith.constant 0 : i32
      %dma_start3A_323 = tpu.memref_slice %arg5[%add3A_321, %dma_start3A_322] : memref<80x128xi32, #tpu.memory_space<vmem>> -> memref<1x128xi32, #tpu.memory_space<vmem>>
      %dma_start3A_324 = tpu.memref_squeeze %dma_start3A_323 : memref<1x128xi32, #tpu.memory_space<vmem>> -> memref<128xi32, #tpu.memory_space<vmem>>
      %dma_start3A_325 = arith.constant 0 : i32
      %dma_start3A_326 = tpu.memref_slice %arg4[%dma_start3A_325] : memref<10008xf32, #tpu.memory_space<vmem_shared>> -> memref<10008xf32, #tpu.memory_space<vmem_shared>>
      tpu.enqueue_indirect_dma source(%arg6 : memref<128xf32, #tpu.memory_space<vmem>>) target(%dma_start3A_326 : memref<10008xf32, #tpu.memory_space<vmem_shared>>) offsets(%dma_start3A_324 : memref<128xi32, #tpu.memory_space<vmem>>) semaphore(%arg8 : memref<!tpu.dma_semaphore, #tpu.memory_space<semaphore_mem>>) {add = true}
      %mul3A_327 = arith.constant 40 : i32
      %mul3A_328 = arith.muli %scan3A_66, %mul3A_327 : i32
      %add3A_329 = arith.constant 29 : i32
      %add3A_330 = arith.addi %mul3A_328, %add3A_329 : i32
      %dma_start3A_331 = arith.constant 0 : i32
      %dma_start3A_332 = tpu.memref_slice %arg5[%add3A_330, %dma_start3A_331] : memref<80x128xi32, #tpu.memory_space<vmem>> -> memref<1x128xi32, #tpu.memory_space<vmem>>
      %dma_start3A_333 = tpu.memref_squeeze %dma_start3A_332 : memref<1x128xi32, #tpu.memory_space<vmem>> -> memref<128xi32, #tpu.memory_space<vmem>>
      %dma_start3A_334 = arith.constant 0 : i32
      %dma_start3A_335 = tpu.memref_slice %arg4[%dma_start3A_334] : memref<10008xf32, #tpu.memory_space<vmem_shared>> -> memref<10008xf32, #tpu.memory_space<vmem_shared>>
      tpu.enqueue_indirect_dma source(%arg6 : memref<128xf32, #tpu.memory_space<vmem>>) target(%dma_start3A_335 : memref<10008xf32, #tpu.memory_space<vmem_shared>>) offsets(%dma_start3A_333 : memref<128xi32, #tpu.memory_space<vmem>>) semaphore(%arg8 : memref<!tpu.dma_semaphore, #tpu.memory_space<semaphore_mem>>) {add = true}
      %mul3A_336 = arith.constant 40 : i32
      %mul3A_337 = arith.muli %scan3A_66, %mul3A_336 : i32
      %add3A_338 = arith.constant 30 : i32
      %add3A_339 = arith.addi %mul3A_337, %add3A_338 : i32
      %dma_start3A_340 = arith.constant 0 : i32
      %dma_start3A_341 = tpu.memref_slice %arg5[%add3A_339, %dma_start3A_340] : memref<80x128xi32, #tpu.memory_space<vmem>> -> memref<1x128xi32, #tpu.memory_space<vmem>>
      %dma_start3A_342 = tpu.memref_squeeze %dma_start3A_341 : memref<1x128xi32, #tpu.memory_space<vmem>> -> memref<128xi32, #tpu.memory_space<vmem>>
      %dma_start3A_343 = arith.constant 0 : i32
      %dma_start3A_344 = tpu.memref_slice %arg4[%dma_start3A_343] : memref<10008xf32, #tpu.memory_space<vmem_shared>> -> memref<10008xf32, #tpu.memory_space<vmem_shared>>
      tpu.enqueue_indirect_dma source(%arg6 : memref<128xf32, #tpu.memory_space<vmem>>) target(%dma_start3A_344 : memref<10008xf32, #tpu.memory_space<vmem_shared>>) offsets(%dma_start3A_342 : memref<128xi32, #tpu.memory_space<vmem>>) semaphore(%arg8 : memref<!tpu.dma_semaphore, #tpu.memory_space<semaphore_mem>>) {add = true}
      %mul3A_345 = arith.constant 40 : i32
      %mul3A_346 = arith.muli %scan3A_66, %mul3A_345 : i32
      %add3A_347 = arith.constant 31 : i32
      %add3A_348 = arith.addi %mul3A_346, %add3A_347 : i32
      %dma_start3A_349 = arith.constant 0 : i32
      %dma_start3A_350 = tpu.memref_slice %arg5[%add3A_348, %dma_start3A_349] : memref<80x128xi32, #tpu.memory_space<vmem>> -> memref<1x128xi32, #tpu.memory_space<vmem>>
      %dma_start3A_351 = tpu.memref_squeeze %dma_start3A_350 : memref<1x128xi32, #tpu.memory_space<vmem>> -> memref<128xi32, #tpu.memory_space<vmem>>
      %dma_start3A_352 = arith.constant 0 : i32
      %dma_start3A_353 = tpu.memref_slice %arg4[%dma_start3A_352] : memref<10008xf32, #tpu.memory_space<vmem_shared>> -> memref<10008xf32, #tpu.memory_space<vmem_shared>>
      tpu.enqueue_indirect_dma source(%arg6 : memref<128xf32, #tpu.memory_space<vmem>>) target(%dma_start3A_353 : memref<10008xf32, #tpu.memory_space<vmem_shared>>) offsets(%dma_start3A_351 : memref<128xi32, #tpu.memory_space<vmem>>) semaphore(%arg8 : memref<!tpu.dma_semaphore, #tpu.memory_space<semaphore_mem>>) {add = true}
      %mul3A_354 = arith.constant 40 : i32
      %mul3A_355 = arith.muli %scan3A_66, %mul3A_354 : i32
      %add3A_356 = arith.constant 32 : i32
      %add3A_357 = arith.addi %mul3A_355, %add3A_356 : i32
      %dma_start3A_358 = arith.constant 0 : i32
      %dma_start3A_359 = tpu.memref_slice %arg5[%add3A_357, %dma_start3A_358] : memref<80x128xi32, #tpu.memory_space<vmem>> -> memref<1x128xi32, #tpu.memory_space<vmem>>
      %dma_start3A_360 = tpu.memref_squeeze %dma_start3A_359 : memref<1x128xi32, #tpu.memory_space<vmem>> -> memref<128xi32, #tpu.memory_space<vmem>>
      %dma_start3A_361 = arith.constant 0 : i32
      %dma_start3A_362 = tpu.memref_slice %arg4[%dma_start3A_361] : memref<10008xf32, #tpu.memory_space<vmem_shared>> -> memref<10008xf32, #tpu.memory_space<vmem_shared>>
      tpu.enqueue_indirect_dma source(%arg6 : memref<128xf32, #tpu.memory_space<vmem>>) target(%dma_start3A_362 : memref<10008xf32, #tpu.memory_space<vmem_shared>>) offsets(%dma_start3A_360 : memref<128xi32, #tpu.memory_space<vmem>>) semaphore(%arg8 : memref<!tpu.dma_semaphore, #tpu.memory_space<semaphore_mem>>) {add = true}
      %mul3A_363 = arith.constant 40 : i32
      %mul3A_364 = arith.muli %scan3A_66, %mul3A_363 : i32
      %add3A_365 = arith.constant 33 : i32
      %add3A_366 = arith.addi %mul3A_364, %add3A_365 : i32
      %dma_start3A_367 = arith.constant 0 : i32
      %dma_start3A_368 = tpu.memref_slice %arg5[%add3A_366, %dma_start3A_367] : memref<80x128xi32, #tpu.memory_space<vmem>> -> memref<1x128xi32, #tpu.memory_space<vmem>>
      %dma_start3A_369 = tpu.memref_squeeze %dma_start3A_368 : memref<1x128xi32, #tpu.memory_space<vmem>> -> memref<128xi32, #tpu.memory_space<vmem>>
      %dma_start3A_370 = arith.constant 0 : i32
      %dma_start3A_371 = tpu.memref_slice %arg4[%dma_start3A_370] : memref<10008xf32, #tpu.memory_space<vmem_shared>> -> memref<10008xf32, #tpu.memory_space<vmem_shared>>
      tpu.enqueue_indirect_dma source(%arg6 : memref<128xf32, #tpu.memory_space<vmem>>) target(%dma_start3A_371 : memref<10008xf32, #tpu.memory_space<vmem_shared>>) offsets(%dma_start3A_369 : memref<128xi32, #tpu.memory_space<vmem>>) semaphore(%arg8 : memref<!tpu.dma_semaphore, #tpu.memory_space<semaphore_mem>>) {add = true}
      %mul3A_372 = arith.constant 40 : i32
      %mul3A_373 = arith.muli %scan3A_66, %mul3A_372 : i32
      %add3A_374 = arith.constant 34 : i32
      %add3A_375 = arith.addi %mul3A_373, %add3A_374 : i32
      %dma_start3A_376 = arith.constant 0 : i32
      %dma_start3A_377 = tpu.memref_slice %arg5[%add3A_375, %dma_start3A_376] : memref<80x128xi32, #tpu.memory_space<vmem>> -> memref<1x128xi32, #tpu.memory_space<vmem>>
      %dma_start3A_378 = tpu.memref_squeeze %dma_start3A_377 : memref<1x128xi32, #tpu.memory_space<vmem>> -> memref<128xi32, #tpu.memory_space<vmem>>
      %dma_start3A_379 = arith.constant 0 : i32
      %dma_start3A_380 = tpu.memref_slice %arg4[%dma_start3A_379] : memref<10008xf32, #tpu.memory_space<vmem_shared>> -> memref<10008xf32, #tpu.memory_space<vmem_shared>>
      tpu.enqueue_indirect_dma source(%arg6 : memref<128xf32, #tpu.memory_space<vmem>>) target(%dma_start3A_380 : memref<10008xf32, #tpu.memory_space<vmem_shared>>) offsets(%dma_start3A_378 : memref<128xi32, #tpu.memory_space<vmem>>) semaphore(%arg8 : memref<!tpu.dma_semaphore, #tpu.memory_space<semaphore_mem>>) {add = true}
      %mul3A_381 = arith.constant 40 : i32
      %mul3A_382 = arith.muli %scan3A_66, %mul3A_381 : i32
      %add3A_383 = arith.constant 35 : i32
      %add3A_384 = arith.addi %mul3A_382, %add3A_383 : i32
      %dma_start3A_385 = arith.constant 0 : i32
      %dma_start3A_386 = tpu.memref_slice %arg5[%add3A_384, %dma_start3A_385] : memref<80x128xi32, #tpu.memory_space<vmem>> -> memref<1x128xi32, #tpu.memory_space<vmem>>
      %dma_start3A_387 = tpu.memref_squeeze %dma_start3A_386 : memref<1x128xi32, #tpu.memory_space<vmem>> -> memref<128xi32, #tpu.memory_space<vmem>>
      %dma_start3A_388 = arith.constant 0 : i32
      %dma_start3A_389 = tpu.memref_slice %arg4[%dma_start3A_388] : memref<10008xf32, #tpu.memory_space<vmem_shared>> -> memref<10008xf32, #tpu.memory_space<vmem_shared>>
      tpu.enqueue_indirect_dma source(%arg6 : memref<128xf32, #tpu.memory_space<vmem>>) target(%dma_start3A_389 : memref<10008xf32, #tpu.memory_space<vmem_shared>>) offsets(%dma_start3A_387 : memref<128xi32, #tpu.memory_space<vmem>>) semaphore(%arg8 : memref<!tpu.dma_semaphore, #tpu.memory_space<semaphore_mem>>) {add = true}
      %mul3A_390 = arith.constant 40 : i32
      %mul3A_391 = arith.muli %scan3A_66, %mul3A_390 : i32
      %add3A_392 = arith.constant 36 : i32
      %add3A_393 = arith.addi %mul3A_391, %add3A_392 : i32
      %dma_start3A_394 = arith.constant 0 : i32
      %dma_start3A_395 = tpu.memref_slice %arg5[%add3A_393, %dma_start3A_394] : memref<80x128xi32, #tpu.memory_space<vmem>> -> memref<1x128xi32, #tpu.memory_space<vmem>>
      %dma_start3A_396 = tpu.memref_squeeze %dma_start3A_395 : memref<1x128xi32, #tpu.memory_space<vmem>> -> memref<128xi32, #tpu.memory_space<vmem>>
      %dma_start3A_397 = arith.constant 0 : i32
      %dma_start3A_398 = tpu.memref_slice %arg4[%dma_start3A_397] : memref<10008xf32, #tpu.memory_space<vmem_shared>> -> memref<10008xf32, #tpu.memory_space<vmem_shared>>
      tpu.enqueue_indirect_dma source(%arg6 : memref<128xf32, #tpu.memory_space<vmem>>) target(%dma_start3A_398 : memref<10008xf32, #tpu.memory_space<vmem_shared>>) offsets(%dma_start3A_396 : memref<128xi32, #tpu.memory_space<vmem>>) semaphore(%arg8 : memref<!tpu.dma_semaphore, #tpu.memory_space<semaphore_mem>>) {add = true}
      %mul3A_399 = arith.constant 40 : i32
      %mul3A_400 = arith.muli %scan3A_66, %mul3A_399 : i32
      %add3A_401 = arith.constant 37 : i32
      %add3A_402 = arith.addi %mul3A_400, %add3A_401 : i32
      %dma_start3A_403 = arith.constant 0 : i32
      %dma_start3A_404 = tpu.memref_slice %arg5[%add3A_402, %dma_start3A_403] : memref<80x128xi32, #tpu.memory_space<vmem>> -> memref<1x128xi32, #tpu.memory_space<vmem>>
      %dma_start3A_405 = tpu.memref_squeeze %dma_start3A_404 : memref<1x128xi32, #tpu.memory_space<vmem>> -> memref<128xi32, #tpu.memory_space<vmem>>
      %dma_start3A_406 = arith.constant 0 : i32
      %dma_start3A_407 = tpu.memref_slice %arg4[%dma_start3A_406] : memref<10008xf32, #tpu.memory_space<vmem_shared>> -> memref<10008xf32, #tpu.memory_space<vmem_shared>>
      tpu.enqueue_indirect_dma source(%arg6 : memref<128xf32, #tpu.memory_space<vmem>>) target(%dma_start3A_407 : memref<10008xf32, #tpu.memory_space<vmem_shared>>) offsets(%dma_start3A_405 : memref<128xi32, #tpu.memory_space<vmem>>) semaphore(%arg8 : memref<!tpu.dma_semaphore, #tpu.memory_space<semaphore_mem>>) {add = true}
      %mul3A_408 = arith.constant 40 : i32
      %mul3A_409 = arith.muli %scan3A_66, %mul3A_408 : i32
      %add3A_410 = arith.constant 38 : i32
      %add3A_411 = arith.addi %mul3A_409, %add3A_410 : i32
      %dma_start3A_412 = arith.constant 0 : i32
      %dma_start3A_413 = tpu.memref_slice %arg5[%add3A_411, %dma_start3A_412] : memref<80x128xi32, #tpu.memory_space<vmem>> -> memref<1x128xi32, #tpu.memory_space<vmem>>
      %dma_start3A_414 = tpu.memref_squeeze %dma_start3A_413 : memref<1x128xi32, #tpu.memory_space<vmem>> -> memref<128xi32, #tpu.memory_space<vmem>>
      %dma_start3A_415 = arith.constant 0 : i32
      %dma_start3A_416 = tpu.memref_slice %arg4[%dma_start3A_415] : memref<10008xf32, #tpu.memory_space<vmem_shared>> -> memref<10008xf32, #tpu.memory_space<vmem_shared>>
      tpu.enqueue_indirect_dma source(%arg6 : memref<128xf32, #tpu.memory_space<vmem>>) target(%dma_start3A_416 : memref<10008xf32, #tpu.memory_space<vmem_shared>>) offsets(%dma_start3A_414 : memref<128xi32, #tpu.memory_space<vmem>>) semaphore(%arg8 : memref<!tpu.dma_semaphore, #tpu.memory_space<semaphore_mem>>) {add = true}
      %mul3A_417 = arith.constant 40 : i32
      %mul3A_418 = arith.muli %scan3A_66, %mul3A_417 : i32
      %add3A_419 = arith.constant 39 : i32
      %add3A_420 = arith.addi %mul3A_418, %add3A_419 : i32
      %dma_start3A_421 = arith.constant 0 : i32
      %dma_start3A_422 = tpu.memref_slice %arg5[%add3A_420, %dma_start3A_421] : memref<80x128xi32, #tpu.memory_space<vmem>> -> memref<1x128xi32, #tpu.memory_space<vmem>>
      %dma_start3A_423 = tpu.memref_squeeze %dma_start3A_422 : memref<1x128xi32, #tpu.memory_space<vmem>> -> memref<128xi32, #tpu.memory_space<vmem>>
      %dma_start3A_424 = arith.constant 0 : i32
      %dma_start3A_425 = tpu.memref_slice %arg4[%dma_start3A_424] : memref<10008xf32, #tpu.memory_space<vmem_shared>> -> memref<10008xf32, #tpu.memory_space<vmem_shared>>
      tpu.enqueue_indirect_dma source(%arg6 : memref<128xf32, #tpu.memory_space<vmem>>) target(%dma_start3A_425 : memref<10008xf32, #tpu.memory_space<vmem_shared>>) offsets(%dma_start3A_423 : memref<128xi32, #tpu.memory_space<vmem>>) semaphore(%arg8 : memref<!tpu.dma_semaphore, #tpu.memory_space<semaphore_mem>>) {add = true}
      %mul3A_426 = arith.constant 40 : i32
      %mul3A_427 = arith.muli %scan3A_66, %mul3A_426 : i32
      %add3A_428 = arith.constant 0 : i32
      %add3A_429 = arith.addi %mul3A_427, %add3A_428 : i32
      %dma_wait3A = arith.constant 0 : i32
      %dma_wait3A_430 = tpu.memref_slice %arg5[%add3A_429, %dma_wait3A] : memref<80x128xi32, #tpu.memory_space<vmem>> -> memref<1x128xi32, #tpu.memory_space<vmem>>
      %dma_wait3A_431 = tpu.memref_squeeze %dma_wait3A_430 : memref<1x128xi32, #tpu.memory_space<vmem>> -> memref<128xi32, #tpu.memory_space<vmem>>
      %dma_wait3A_432 = arith.constant 0 : i32
      %dma_wait3A_433 = tpu.memref_slice %arg4[%dma_wait3A_432] : memref<10008xf32, #tpu.memory_space<vmem_shared>> -> memref<10008xf32, #tpu.memory_space<vmem_shared>>
      tpu.wait_indirect_dma semaphore(%arg8 : memref<!tpu.dma_semaphore, #tpu.memory_space<semaphore_mem>>) src(%arg6 : memref<128xf32, #tpu.memory_space<vmem>>) dst(%dma_wait3A_433 : memref<10008xf32, #tpu.memory_space<vmem_shared>>)
      %mul3A_434 = arith.constant 40 : i32
      %mul3A_435 = arith.muli %scan3A_66, %mul3A_434 : i32
      %add3A_436 = arith.constant 1 : i32
      %add3A_437 = arith.addi %mul3A_435, %add3A_436 : i32
      %dma_wait3A_438 = arith.constant 0 : i32
      %dma_wait3A_439 = tpu.memref_slice %arg5[%add3A_437, %dma_wait3A_438] : memref<80x128xi32, #tpu.memory_space<vmem>> -> memref<1x128xi32, #tpu.memory_space<vmem>>
      %dma_wait3A_440 = tpu.memref_squeeze %dma_wait3A_439 : memref<1x128xi32, #tpu.memory_space<vmem>> -> memref<128xi32, #tpu.memory_space<vmem>>
      %dma_wait3A_441 = arith.constant 0 : i32
      %dma_wait3A_442 = tpu.memref_slice %arg4[%dma_wait3A_441] : memref<10008xf32, #tpu.memory_space<vmem_shared>> -> memref<10008xf32, #tpu.memory_space<vmem_shared>>
      tpu.wait_indirect_dma semaphore(%arg8 : memref<!tpu.dma_semaphore, #tpu.memory_space<semaphore_mem>>) src(%arg6 : memref<128xf32, #tpu.memory_space<vmem>>) dst(%dma_wait3A_442 : memref<10008xf32, #tpu.memory_space<vmem_shared>>)
      %mul3A_443 = arith.constant 40 : i32
      %mul3A_444 = arith.muli %scan3A_66, %mul3A_443 : i32
      %add3A_445 = arith.constant 2 : i32
      %add3A_446 = arith.addi %mul3A_444, %add3A_445 : i32
      %dma_wait3A_447 = arith.constant 0 : i32
      %dma_wait3A_448 = tpu.memref_slice %arg5[%add3A_446, %dma_wait3A_447] : memref<80x128xi32, #tpu.memory_space<vmem>> -> memref<1x128xi32, #tpu.memory_space<vmem>>
      %dma_wait3A_449 = tpu.memref_squeeze %dma_wait3A_448 : memref<1x128xi32, #tpu.memory_space<vmem>> -> memref<128xi32, #tpu.memory_space<vmem>>
      %dma_wait3A_450 = arith.constant 0 : i32
      %dma_wait3A_451 = tpu.memref_slice %arg4[%dma_wait3A_450] : memref<10008xf32, #tpu.memory_space<vmem_shared>> -> memref<10008xf32, #tpu.memory_space<vmem_shared>>
      tpu.wait_indirect_dma semaphore(%arg8 : memref<!tpu.dma_semaphore, #tpu.memory_space<semaphore_mem>>) src(%arg6 : memref<128xf32, #tpu.memory_space<vmem>>) dst(%dma_wait3A_451 : memref<10008xf32, #tpu.memory_space<vmem_shared>>)
      %mul3A_452 = arith.constant 40 : i32
      %mul3A_453 = arith.muli %scan3A_66, %mul3A_452 : i32
      %add3A_454 = arith.constant 3 : i32
      %add3A_455 = arith.addi %mul3A_453, %add3A_454 : i32
      %dma_wait3A_456 = arith.constant 0 : i32
      %dma_wait3A_457 = tpu.memref_slice %arg5[%add3A_455, %dma_wait3A_456] : memref<80x128xi32, #tpu.memory_space<vmem>> -> memref<1x128xi32, #tpu.memory_space<vmem>>
      %dma_wait3A_458 = tpu.memref_squeeze %dma_wait3A_457 : memref<1x128xi32, #tpu.memory_space<vmem>> -> memref<128xi32, #tpu.memory_space<vmem>>
      %dma_wait3A_459 = arith.constant 0 : i32
      %dma_wait3A_460 = tpu.memref_slice %arg4[%dma_wait3A_459] : memref<10008xf32, #tpu.memory_space<vmem_shared>> -> memref<10008xf32, #tpu.memory_space<vmem_shared>>
      tpu.wait_indirect_dma semaphore(%arg8 : memref<!tpu.dma_semaphore, #tpu.memory_space<semaphore_mem>>) src(%arg6 : memref<128xf32, #tpu.memory_space<vmem>>) dst(%dma_wait3A_460 : memref<10008xf32, #tpu.memory_space<vmem_shared>>)
      %mul3A_461 = arith.constant 40 : i32
      %mul3A_462 = arith.muli %scan3A_66, %mul3A_461 : i32
      %add3A_463 = arith.constant 4 : i32
      %add3A_464 = arith.addi %mul3A_462, %add3A_463 : i32
      %dma_wait3A_465 = arith.constant 0 : i32
      %dma_wait3A_466 = tpu.memref_slice %arg5[%add3A_464, %dma_wait3A_465] : memref<80x128xi32, #tpu.memory_space<vmem>> -> memref<1x128xi32, #tpu.memory_space<vmem>>
      %dma_wait3A_467 = tpu.memref_squeeze %dma_wait3A_466 : memref<1x128xi32, #tpu.memory_space<vmem>> -> memref<128xi32, #tpu.memory_space<vmem>>
      %dma_wait3A_468 = arith.constant 0 : i32
      %dma_wait3A_469 = tpu.memref_slice %arg4[%dma_wait3A_468] : memref<10008xf32, #tpu.memory_space<vmem_shared>> -> memref<10008xf32, #tpu.memory_space<vmem_shared>>
      tpu.wait_indirect_dma semaphore(%arg8 : memref<!tpu.dma_semaphore, #tpu.memory_space<semaphore_mem>>) src(%arg6 : memref<128xf32, #tpu.memory_space<vmem>>) dst(%dma_wait3A_469 : memref<10008xf32, #tpu.memory_space<vmem_shared>>)
      %mul3A_470 = arith.constant 40 : i32
      %mul3A_471 = arith.muli %scan3A_66, %mul3A_470 : i32
      %add3A_472 = arith.constant 5 : i32
      %add3A_473 = arith.addi %mul3A_471, %add3A_472 : i32
      %dma_wait3A_474 = arith.constant 0 : i32
      %dma_wait3A_475 = tpu.memref_slice %arg5[%add3A_473, %dma_wait3A_474] : memref<80x128xi32, #tpu.memory_space<vmem>> -> memref<1x128xi32, #tpu.memory_space<vmem>>
      %dma_wait3A_476 = tpu.memref_squeeze %dma_wait3A_475 : memref<1x128xi32, #tpu.memory_space<vmem>> -> memref<128xi32, #tpu.memory_space<vmem>>
      %dma_wait3A_477 = arith.constant 0 : i32
      %dma_wait3A_478 = tpu.memref_slice %arg4[%dma_wait3A_477] : memref<10008xf32, #tpu.memory_space<vmem_shared>> -> memref<10008xf32, #tpu.memory_space<vmem_shared>>
      tpu.wait_indirect_dma semaphore(%arg8 : memref<!tpu.dma_semaphore, #tpu.memory_space<semaphore_mem>>) src(%arg6 : memref<128xf32, #tpu.memory_space<vmem>>) dst(%dma_wait3A_478 : memref<10008xf32, #tpu.memory_space<vmem_shared>>)
      %mul3A_479 = arith.constant 40 : i32
      %mul3A_480 = arith.muli %scan3A_66, %mul3A_479 : i32
      %add3A_481 = arith.constant 6 : i32
      %add3A_482 = arith.addi %mul3A_480, %add3A_481 : i32
      %dma_wait3A_483 = arith.constant 0 : i32
      %dma_wait3A_484 = tpu.memref_slice %arg5[%add3A_482, %dma_wait3A_483] : memref<80x128xi32, #tpu.memory_space<vmem>> -> memref<1x128xi32, #tpu.memory_space<vmem>>
      %dma_wait3A_485 = tpu.memref_squeeze %dma_wait3A_484 : memref<1x128xi32, #tpu.memory_space<vmem>> -> memref<128xi32, #tpu.memory_space<vmem>>
      %dma_wait3A_486 = arith.constant 0 : i32
      %dma_wait3A_487 = tpu.memref_slice %arg4[%dma_wait3A_486] : memref<10008xf32, #tpu.memory_space<vmem_shared>> -> memref<10008xf32, #tpu.memory_space<vmem_shared>>
      tpu.wait_indirect_dma semaphore(%arg8 : memref<!tpu.dma_semaphore, #tpu.memory_space<semaphore_mem>>) src(%arg6 : memref<128xf32, #tpu.memory_space<vmem>>) dst(%dma_wait3A_487 : memref<10008xf32, #tpu.memory_space<vmem_shared>>)
      %mul3A_488 = arith.constant 40 : i32
      %mul3A_489 = arith.muli %scan3A_66, %mul3A_488 : i32
      %add3A_490 = arith.constant 7 : i32
      %add3A_491 = arith.addi %mul3A_489, %add3A_490 : i32
      %dma_wait3A_492 = arith.constant 0 : i32
      %dma_wait3A_493 = tpu.memref_slice %arg5[%add3A_491, %dma_wait3A_492] : memref<80x128xi32, #tpu.memory_space<vmem>> -> memref<1x128xi32, #tpu.memory_space<vmem>>
      %dma_wait3A_494 = tpu.memref_squeeze %dma_wait3A_493 : memref<1x128xi32, #tpu.memory_space<vmem>> -> memref<128xi32, #tpu.memory_space<vmem>>
      %dma_wait3A_495 = arith.constant 0 : i32
      %dma_wait3A_496 = tpu.memref_slice %arg4[%dma_wait3A_495] : memref<10008xf32, #tpu.memory_space<vmem_shared>> -> memref<10008xf32, #tpu.memory_space<vmem_shared>>
      tpu.wait_indirect_dma semaphore(%arg8 : memref<!tpu.dma_semaphore, #tpu.memory_space<semaphore_mem>>) src(%arg6 : memref<128xf32, #tpu.memory_space<vmem>>) dst(%dma_wait3A_496 : memref<10008xf32, #tpu.memory_space<vmem_shared>>)
      %mul3A_497 = arith.constant 40 : i32
      %mul3A_498 = arith.muli %scan3A_66, %mul3A_497 : i32
      %add3A_499 = arith.constant 8 : i32
      %add3A_500 = arith.addi %mul3A_498, %add3A_499 : i32
      %dma_wait3A_501 = arith.constant 0 : i32
      %dma_wait3A_502 = tpu.memref_slice %arg5[%add3A_500, %dma_wait3A_501] : memref<80x128xi32, #tpu.memory_space<vmem>> -> memref<1x128xi32, #tpu.memory_space<vmem>>
      %dma_wait3A_503 = tpu.memref_squeeze %dma_wait3A_502 : memref<1x128xi32, #tpu.memory_space<vmem>> -> memref<128xi32, #tpu.memory_space<vmem>>
      %dma_wait3A_504 = arith.constant 0 : i32
      %dma_wait3A_505 = tpu.memref_slice %arg4[%dma_wait3A_504] : memref<10008xf32, #tpu.memory_space<vmem_shared>> -> memref<10008xf32, #tpu.memory_space<vmem_shared>>
      tpu.wait_indirect_dma semaphore(%arg8 : memref<!tpu.dma_semaphore, #tpu.memory_space<semaphore_mem>>) src(%arg6 : memref<128xf32, #tpu.memory_space<vmem>>) dst(%dma_wait3A_505 : memref<10008xf32, #tpu.memory_space<vmem_shared>>)
      %mul3A_506 = arith.constant 40 : i32
      %mul3A_507 = arith.muli %scan3A_66, %mul3A_506 : i32
      %add3A_508 = arith.constant 9 : i32
      %add3A_509 = arith.addi %mul3A_507, %add3A_508 : i32
      %dma_wait3A_510 = arith.constant 0 : i32
      %dma_wait3A_511 = tpu.memref_slice %arg5[%add3A_509, %dma_wait3A_510] : memref<80x128xi32, #tpu.memory_space<vmem>> -> memref<1x128xi32, #tpu.memory_space<vmem>>
      %dma_wait3A_512 = tpu.memref_squeeze %dma_wait3A_511 : memref<1x128xi32, #tpu.memory_space<vmem>> -> memref<128xi32, #tpu.memory_space<vmem>>
      %dma_wait3A_513 = arith.constant 0 : i32
      %dma_wait3A_514 = tpu.memref_slice %arg4[%dma_wait3A_513] : memref<10008xf32, #tpu.memory_space<vmem_shared>> -> memref<10008xf32, #tpu.memory_space<vmem_shared>>
      tpu.wait_indirect_dma semaphore(%arg8 : memref<!tpu.dma_semaphore, #tpu.memory_space<semaphore_mem>>) src(%arg6 : memref<128xf32, #tpu.memory_space<vmem>>) dst(%dma_wait3A_514 : memref<10008xf32, #tpu.memory_space<vmem_shared>>)
      %mul3A_515 = arith.constant 40 : i32
      %mul3A_516 = arith.muli %scan3A_66, %mul3A_515 : i32
      %add3A_517 = arith.constant 10 : i32
      %add3A_518 = arith.addi %mul3A_516, %add3A_517 : i32
      %dma_wait3A_519 = arith.constant 0 : i32
      %dma_wait3A_520 = tpu.memref_slice %arg5[%add3A_518, %dma_wait3A_519] : memref<80x128xi32, #tpu.memory_space<vmem>> -> memref<1x128xi32, #tpu.memory_space<vmem>>
      %dma_wait3A_521 = tpu.memref_squeeze %dma_wait3A_520 : memref<1x128xi32, #tpu.memory_space<vmem>> -> memref<128xi32, #tpu.memory_space<vmem>>
      %dma_wait3A_522 = arith.constant 0 : i32
      %dma_wait3A_523 = tpu.memref_slice %arg4[%dma_wait3A_522] : memref<10008xf32, #tpu.memory_space<vmem_shared>> -> memref<10008xf32, #tpu.memory_space<vmem_shared>>
      tpu.wait_indirect_dma semaphore(%arg8 : memref<!tpu.dma_semaphore, #tpu.memory_space<semaphore_mem>>) src(%arg6 : memref<128xf32, #tpu.memory_space<vmem>>) dst(%dma_wait3A_523 : memref<10008xf32, #tpu.memory_space<vmem_shared>>)
      %mul3A_524 = arith.constant 40 : i32
      %mul3A_525 = arith.muli %scan3A_66, %mul3A_524 : i32
      %add3A_526 = arith.constant 11 : i32
      %add3A_527 = arith.addi %mul3A_525, %add3A_526 : i32
      %dma_wait3A_528 = arith.constant 0 : i32
      %dma_wait3A_529 = tpu.memref_slice %arg5[%add3A_527, %dma_wait3A_528] : memref<80x128xi32, #tpu.memory_space<vmem>> -> memref<1x128xi32, #tpu.memory_space<vmem>>
      %dma_wait3A_530 = tpu.memref_squeeze %dma_wait3A_529 : memref<1x128xi32, #tpu.memory_space<vmem>> -> memref<128xi32, #tpu.memory_space<vmem>>
      %dma_wait3A_531 = arith.constant 0 : i32
      %dma_wait3A_532 = tpu.memref_slice %arg4[%dma_wait3A_531] : memref<10008xf32, #tpu.memory_space<vmem_shared>> -> memref<10008xf32, #tpu.memory_space<vmem_shared>>
      tpu.wait_indirect_dma semaphore(%arg8 : memref<!tpu.dma_semaphore, #tpu.memory_space<semaphore_mem>>) src(%arg6 : memref<128xf32, #tpu.memory_space<vmem>>) dst(%dma_wait3A_532 : memref<10008xf32, #tpu.memory_space<vmem_shared>>)
      %mul3A_533 = arith.constant 40 : i32
      %mul3A_534 = arith.muli %scan3A_66, %mul3A_533 : i32
      %add3A_535 = arith.constant 12 : i32
      %add3A_536 = arith.addi %mul3A_534, %add3A_535 : i32
      %dma_wait3A_537 = arith.constant 0 : i32
      %dma_wait3A_538 = tpu.memref_slice %arg5[%add3A_536, %dma_wait3A_537] : memref<80x128xi32, #tpu.memory_space<vmem>> -> memref<1x128xi32, #tpu.memory_space<vmem>>
      %dma_wait3A_539 = tpu.memref_squeeze %dma_wait3A_538 : memref<1x128xi32, #tpu.memory_space<vmem>> -> memref<128xi32, #tpu.memory_space<vmem>>
      %dma_wait3A_540 = arith.constant 0 : i32
      %dma_wait3A_541 = tpu.memref_slice %arg4[%dma_wait3A_540] : memref<10008xf32, #tpu.memory_space<vmem_shared>> -> memref<10008xf32, #tpu.memory_space<vmem_shared>>
      tpu.wait_indirect_dma semaphore(%arg8 : memref<!tpu.dma_semaphore, #tpu.memory_space<semaphore_mem>>) src(%arg6 : memref<128xf32, #tpu.memory_space<vmem>>) dst(%dma_wait3A_541 : memref<10008xf32, #tpu.memory_space<vmem_shared>>)
      %mul3A_542 = arith.constant 40 : i32
      %mul3A_543 = arith.muli %scan3A_66, %mul3A_542 : i32
      %add3A_544 = arith.constant 13 : i32
      %add3A_545 = arith.addi %mul3A_543, %add3A_544 : i32
      %dma_wait3A_546 = arith.constant 0 : i32
      %dma_wait3A_547 = tpu.memref_slice %arg5[%add3A_545, %dma_wait3A_546] : memref<80x128xi32, #tpu.memory_space<vmem>> -> memref<1x128xi32, #tpu.memory_space<vmem>>
      %dma_wait3A_548 = tpu.memref_squeeze %dma_wait3A_547 : memref<1x128xi32, #tpu.memory_space<vmem>> -> memref<128xi32, #tpu.memory_space<vmem>>
      %dma_wait3A_549 = arith.constant 0 : i32
      %dma_wait3A_550 = tpu.memref_slice %arg4[%dma_wait3A_549] : memref<10008xf32, #tpu.memory_space<vmem_shared>> -> memref<10008xf32, #tpu.memory_space<vmem_shared>>
      tpu.wait_indirect_dma semaphore(%arg8 : memref<!tpu.dma_semaphore, #tpu.memory_space<semaphore_mem>>) src(%arg6 : memref<128xf32, #tpu.memory_space<vmem>>) dst(%dma_wait3A_550 : memref<10008xf32, #tpu.memory_space<vmem_shared>>)
      %mul3A_551 = arith.constant 40 : i32
      %mul3A_552 = arith.muli %scan3A_66, %mul3A_551 : i32
      %add3A_553 = arith.constant 14 : i32
      %add3A_554 = arith.addi %mul3A_552, %add3A_553 : i32
      %dma_wait3A_555 = arith.constant 0 : i32
      %dma_wait3A_556 = tpu.memref_slice %arg5[%add3A_554, %dma_wait3A_555] : memref<80x128xi32, #tpu.memory_space<vmem>> -> memref<1x128xi32, #tpu.memory_space<vmem>>
      %dma_wait3A_557 = tpu.memref_squeeze %dma_wait3A_556 : memref<1x128xi32, #tpu.memory_space<vmem>> -> memref<128xi32, #tpu.memory_space<vmem>>
      %dma_wait3A_558 = arith.constant 0 : i32
      %dma_wait3A_559 = tpu.memref_slice %arg4[%dma_wait3A_558] : memref<10008xf32, #tpu.memory_space<vmem_shared>> -> memref<10008xf32, #tpu.memory_space<vmem_shared>>
      tpu.wait_indirect_dma semaphore(%arg8 : memref<!tpu.dma_semaphore, #tpu.memory_space<semaphore_mem>>) src(%arg6 : memref<128xf32, #tpu.memory_space<vmem>>) dst(%dma_wait3A_559 : memref<10008xf32, #tpu.memory_space<vmem_shared>>)
      %mul3A_560 = arith.constant 40 : i32
      %mul3A_561 = arith.muli %scan3A_66, %mul3A_560 : i32
      %add3A_562 = arith.constant 15 : i32
      %add3A_563 = arith.addi %mul3A_561, %add3A_562 : i32
      %dma_wait3A_564 = arith.constant 0 : i32
      %dma_wait3A_565 = tpu.memref_slice %arg5[%add3A_563, %dma_wait3A_564] : memref<80x128xi32, #tpu.memory_space<vmem>> -> memref<1x128xi32, #tpu.memory_space<vmem>>
      %dma_wait3A_566 = tpu.memref_squeeze %dma_wait3A_565 : memref<1x128xi32, #tpu.memory_space<vmem>> -> memref<128xi32, #tpu.memory_space<vmem>>
      %dma_wait3A_567 = arith.constant 0 : i32
      %dma_wait3A_568 = tpu.memref_slice %arg4[%dma_wait3A_567] : memref<10008xf32, #tpu.memory_space<vmem_shared>> -> memref<10008xf32, #tpu.memory_space<vmem_shared>>
      tpu.wait_indirect_dma semaphore(%arg8 : memref<!tpu.dma_semaphore, #tpu.memory_space<semaphore_mem>>) src(%arg6 : memref<128xf32, #tpu.memory_space<vmem>>) dst(%dma_wait3A_568 : memref<10008xf32, #tpu.memory_space<vmem_shared>>)
      %mul3A_569 = arith.constant 40 : i32
      %mul3A_570 = arith.muli %scan3A_66, %mul3A_569 : i32
      %add3A_571 = arith.constant 16 : i32
      %add3A_572 = arith.addi %mul3A_570, %add3A_571 : i32
      %dma_wait3A_573 = arith.constant 0 : i32
      %dma_wait3A_574 = tpu.memref_slice %arg5[%add3A_572, %dma_wait3A_573] : memref<80x128xi32, #tpu.memory_space<vmem>> -> memref<1x128xi32, #tpu.memory_space<vmem>>
      %dma_wait3A_575 = tpu.memref_squeeze %dma_wait3A_574 : memref<1x128xi32, #tpu.memory_space<vmem>> -> memref<128xi32, #tpu.memory_space<vmem>>
      %dma_wait3A_576 = arith.constant 0 : i32
      %dma_wait3A_577 = tpu.memref_slice %arg4[%dma_wait3A_576] : memref<10008xf32, #tpu.memory_space<vmem_shared>> -> memref<10008xf32, #tpu.memory_space<vmem_shared>>
      tpu.wait_indirect_dma semaphore(%arg8 : memref<!tpu.dma_semaphore, #tpu.memory_space<semaphore_mem>>) src(%arg6 : memref<128xf32, #tpu.memory_space<vmem>>) dst(%dma_wait3A_577 : memref<10008xf32, #tpu.memory_space<vmem_shared>>)
      %mul3A_578 = arith.constant 40 : i32
      %mul3A_579 = arith.muli %scan3A_66, %mul3A_578 : i32
      %add3A_580 = arith.constant 17 : i32
      %add3A_581 = arith.addi %mul3A_579, %add3A_580 : i32
      %dma_wait3A_582 = arith.constant 0 : i32
      %dma_wait3A_583 = tpu.memref_slice %arg5[%add3A_581, %dma_wait3A_582] : memref<80x128xi32, #tpu.memory_space<vmem>> -> memref<1x128xi32, #tpu.memory_space<vmem>>
      %dma_wait3A_584 = tpu.memref_squeeze %dma_wait3A_583 : memref<1x128xi32, #tpu.memory_space<vmem>> -> memref<128xi32, #tpu.memory_space<vmem>>
      %dma_wait3A_585 = arith.constant 0 : i32
      %dma_wait3A_586 = tpu.memref_slice %arg4[%dma_wait3A_585] : memref<10008xf32, #tpu.memory_space<vmem_shared>> -> memref<10008xf32, #tpu.memory_space<vmem_shared>>
      tpu.wait_indirect_dma semaphore(%arg8 : memref<!tpu.dma_semaphore, #tpu.memory_space<semaphore_mem>>) src(%arg6 : memref<128xf32, #tpu.memory_space<vmem>>) dst(%dma_wait3A_586 : memref<10008xf32, #tpu.memory_space<vmem_shared>>)
      %mul3A_587 = arith.constant 40 : i32
      %mul3A_588 = arith.muli %scan3A_66, %mul3A_587 : i32
      %add3A_589 = arith.constant 18 : i32
      %add3A_590 = arith.addi %mul3A_588, %add3A_589 : i32
      %dma_wait3A_591 = arith.constant 0 : i32
      %dma_wait3A_592 = tpu.memref_slice %arg5[%add3A_590, %dma_wait3A_591] : memref<80x128xi32, #tpu.memory_space<vmem>> -> memref<1x128xi32, #tpu.memory_space<vmem>>
      %dma_wait3A_593 = tpu.memref_squeeze %dma_wait3A_592 : memref<1x128xi32, #tpu.memory_space<vmem>> -> memref<128xi32, #tpu.memory_space<vmem>>
      %dma_wait3A_594 = arith.constant 0 : i32
      %dma_wait3A_595 = tpu.memref_slice %arg4[%dma_wait3A_594] : memref<10008xf32, #tpu.memory_space<vmem_shared>> -> memref<10008xf32, #tpu.memory_space<vmem_shared>>
      tpu.wait_indirect_dma semaphore(%arg8 : memref<!tpu.dma_semaphore, #tpu.memory_space<semaphore_mem>>) src(%arg6 : memref<128xf32, #tpu.memory_space<vmem>>) dst(%dma_wait3A_595 : memref<10008xf32, #tpu.memory_space<vmem_shared>>)
      %mul3A_596 = arith.constant 40 : i32
      %mul3A_597 = arith.muli %scan3A_66, %mul3A_596 : i32
      %add3A_598 = arith.constant 19 : i32
      %add3A_599 = arith.addi %mul3A_597, %add3A_598 : i32
      %dma_wait3A_600 = arith.constant 0 : i32
      %dma_wait3A_601 = tpu.memref_slice %arg5[%add3A_599, %dma_wait3A_600] : memref<80x128xi32, #tpu.memory_space<vmem>> -> memref<1x128xi32, #tpu.memory_space<vmem>>
      %dma_wait3A_602 = tpu.memref_squeeze %dma_wait3A_601 : memref<1x128xi32, #tpu.memory_space<vmem>> -> memref<128xi32, #tpu.memory_space<vmem>>
      %dma_wait3A_603 = arith.constant 0 : i32
      %dma_wait3A_604 = tpu.memref_slice %arg4[%dma_wait3A_603] : memref<10008xf32, #tpu.memory_space<vmem_shared>> -> memref<10008xf32, #tpu.memory_space<vmem_shared>>
      tpu.wait_indirect_dma semaphore(%arg8 : memref<!tpu.dma_semaphore, #tpu.memory_space<semaphore_mem>>) src(%arg6 : memref<128xf32, #tpu.memory_space<vmem>>) dst(%dma_wait3A_604 : memref<10008xf32, #tpu.memory_space<vmem_shared>>)
      %mul3A_605 = arith.constant 40 : i32
      %mul3A_606 = arith.muli %scan3A_66, %mul3A_605 : i32
      %add3A_607 = arith.constant 20 : i32
      %add3A_608 = arith.addi %mul3A_606, %add3A_607 : i32
      %dma_wait3A_609 = arith.constant 0 : i32
      %dma_wait3A_610 = tpu.memref_slice %arg5[%add3A_608, %dma_wait3A_609] : memref<80x128xi32, #tpu.memory_space<vmem>> -> memref<1x128xi32, #tpu.memory_space<vmem>>
      %dma_wait3A_611 = tpu.memref_squeeze %dma_wait3A_610 : memref<1x128xi32, #tpu.memory_space<vmem>> -> memref<128xi32, #tpu.memory_space<vmem>>
      %dma_wait3A_612 = arith.constant 0 : i32
      %dma_wait3A_613 = tpu.memref_slice %arg4[%dma_wait3A_612] : memref<10008xf32, #tpu.memory_space<vmem_shared>> -> memref<10008xf32, #tpu.memory_space<vmem_shared>>
      tpu.wait_indirect_dma semaphore(%arg8 : memref<!tpu.dma_semaphore, #tpu.memory_space<semaphore_mem>>) src(%arg6 : memref<128xf32, #tpu.memory_space<vmem>>) dst(%dma_wait3A_613 : memref<10008xf32, #tpu.memory_space<vmem_shared>>)
      %mul3A_614 = arith.constant 40 : i32
      %mul3A_615 = arith.muli %scan3A_66, %mul3A_614 : i32
      %add3A_616 = arith.constant 21 : i32
      %add3A_617 = arith.addi %mul3A_615, %add3A_616 : i32
      %dma_wait3A_618 = arith.constant 0 : i32
      %dma_wait3A_619 = tpu.memref_slice %arg5[%add3A_617, %dma_wait3A_618] : memref<80x128xi32, #tpu.memory_space<vmem>> -> memref<1x128xi32, #tpu.memory_space<vmem>>
      %dma_wait3A_620 = tpu.memref_squeeze %dma_wait3A_619 : memref<1x128xi32, #tpu.memory_space<vmem>> -> memref<128xi32, #tpu.memory_space<vmem>>
      %dma_wait3A_621 = arith.constant 0 : i32
      %dma_wait3A_622 = tpu.memref_slice %arg4[%dma_wait3A_621] : memref<10008xf32, #tpu.memory_space<vmem_shared>> -> memref<10008xf32, #tpu.memory_space<vmem_shared>>
      tpu.wait_indirect_dma semaphore(%arg8 : memref<!tpu.dma_semaphore, #tpu.memory_space<semaphore_mem>>) src(%arg6 : memref<128xf32, #tpu.memory_space<vmem>>) dst(%dma_wait3A_622 : memref<10008xf32, #tpu.memory_space<vmem_shared>>)
      %mul3A_623 = arith.constant 40 : i32
      %mul3A_624 = arith.muli %scan3A_66, %mul3A_623 : i32
      %add3A_625 = arith.constant 22 : i32
      %add3A_626 = arith.addi %mul3A_624, %add3A_625 : i32
      %dma_wait3A_627 = arith.constant 0 : i32
      %dma_wait3A_628 = tpu.memref_slice %arg5[%add3A_626, %dma_wait3A_627] : memref<80x128xi32, #tpu.memory_space<vmem>> -> memref<1x128xi32, #tpu.memory_space<vmem>>
      %dma_wait3A_629 = tpu.memref_squeeze %dma_wait3A_628 : memref<1x128xi32, #tpu.memory_space<vmem>> -> memref<128xi32, #tpu.memory_space<vmem>>
      %dma_wait3A_630 = arith.constant 0 : i32
      %dma_wait3A_631 = tpu.memref_slice %arg4[%dma_wait3A_630] : memref<10008xf32, #tpu.memory_space<vmem_shared>> -> memref<10008xf32, #tpu.memory_space<vmem_shared>>
      tpu.wait_indirect_dma semaphore(%arg8 : memref<!tpu.dma_semaphore, #tpu.memory_space<semaphore_mem>>) src(%arg6 : memref<128xf32, #tpu.memory_space<vmem>>) dst(%dma_wait3A_631 : memref<10008xf32, #tpu.memory_space<vmem_shared>>)
      %mul3A_632 = arith.constant 40 : i32
      %mul3A_633 = arith.muli %scan3A_66, %mul3A_632 : i32
      %add3A_634 = arith.constant 23 : i32
      %add3A_635 = arith.addi %mul3A_633, %add3A_634 : i32
      %dma_wait3A_636 = arith.constant 0 : i32
      %dma_wait3A_637 = tpu.memref_slice %arg5[%add3A_635, %dma_wait3A_636] : memref<80x128xi32, #tpu.memory_space<vmem>> -> memref<1x128xi32, #tpu.memory_space<vmem>>
      %dma_wait3A_638 = tpu.memref_squeeze %dma_wait3A_637 : memref<1x128xi32, #tpu.memory_space<vmem>> -> memref<128xi32, #tpu.memory_space<vmem>>
      %dma_wait3A_639 = arith.constant 0 : i32
      %dma_wait3A_640 = tpu.memref_slice %arg4[%dma_wait3A_639] : memref<10008xf32, #tpu.memory_space<vmem_shared>> -> memref<10008xf32, #tpu.memory_space<vmem_shared>>
      tpu.wait_indirect_dma semaphore(%arg8 : memref<!tpu.dma_semaphore, #tpu.memory_space<semaphore_mem>>) src(%arg6 : memref<128xf32, #tpu.memory_space<vmem>>) dst(%dma_wait3A_640 : memref<10008xf32, #tpu.memory_space<vmem_shared>>)
      %mul3A_641 = arith.constant 40 : i32
      %mul3A_642 = arith.muli %scan3A_66, %mul3A_641 : i32
      %add3A_643 = arith.constant 24 : i32
      %add3A_644 = arith.addi %mul3A_642, %add3A_643 : i32
      %dma_wait3A_645 = arith.constant 0 : i32
      %dma_wait3A_646 = tpu.memref_slice %arg5[%add3A_644, %dma_wait3A_645] : memref<80x128xi32, #tpu.memory_space<vmem>> -> memref<1x128xi32, #tpu.memory_space<vmem>>
      %dma_wait3A_647 = tpu.memref_squeeze %dma_wait3A_646 : memref<1x128xi32, #tpu.memory_space<vmem>> -> memref<128xi32, #tpu.memory_space<vmem>>
      %dma_wait3A_648 = arith.constant 0 : i32
      %dma_wait3A_649 = tpu.memref_slice %arg4[%dma_wait3A_648] : memref<10008xf32, #tpu.memory_space<vmem_shared>> -> memref<10008xf32, #tpu.memory_space<vmem_shared>>
      tpu.wait_indirect_dma semaphore(%arg8 : memref<!tpu.dma_semaphore, #tpu.memory_space<semaphore_mem>>) src(%arg6 : memref<128xf32, #tpu.memory_space<vmem>>) dst(%dma_wait3A_649 : memref<10008xf32, #tpu.memory_space<vmem_shared>>)
      %mul3A_650 = arith.constant 40 : i32
      %mul3A_651 = arith.muli %scan3A_66, %mul3A_650 : i32
      %add3A_652 = arith.constant 25 : i32
      %add3A_653 = arith.addi %mul3A_651, %add3A_652 : i32
      %dma_wait3A_654 = arith.constant 0 : i32
      %dma_wait3A_655 = tpu.memref_slice %arg5[%add3A_653, %dma_wait3A_654] : memref<80x128xi32, #tpu.memory_space<vmem>> -> memref<1x128xi32, #tpu.memory_space<vmem>>
      %dma_wait3A_656 = tpu.memref_squeeze %dma_wait3A_655 : memref<1x128xi32, #tpu.memory_space<vmem>> -> memref<128xi32, #tpu.memory_space<vmem>>
      %dma_wait3A_657 = arith.constant 0 : i32
      %dma_wait3A_658 = tpu.memref_slice %arg4[%dma_wait3A_657] : memref<10008xf32, #tpu.memory_space<vmem_shared>> -> memref<10008xf32, #tpu.memory_space<vmem_shared>>
      tpu.wait_indirect_dma semaphore(%arg8 : memref<!tpu.dma_semaphore, #tpu.memory_space<semaphore_mem>>) src(%arg6 : memref<128xf32, #tpu.memory_space<vmem>>) dst(%dma_wait3A_658 : memref<10008xf32, #tpu.memory_space<vmem_shared>>)
      %mul3A_659 = arith.constant 40 : i32
      %mul3A_660 = arith.muli %scan3A_66, %mul3A_659 : i32
      %add3A_661 = arith.constant 26 : i32
      %add3A_662 = arith.addi %mul3A_660, %add3A_661 : i32
      %dma_wait3A_663 = arith.constant 0 : i32
      %dma_wait3A_664 = tpu.memref_slice %arg5[%add3A_662, %dma_wait3A_663] : memref<80x128xi32, #tpu.memory_space<vmem>> -> memref<1x128xi32, #tpu.memory_space<vmem>>
      %dma_wait3A_665 = tpu.memref_squeeze %dma_wait3A_664 : memref<1x128xi32, #tpu.memory_space<vmem>> -> memref<128xi32, #tpu.memory_space<vmem>>
      %dma_wait3A_666 = arith.constant 0 : i32
      %dma_wait3A_667 = tpu.memref_slice %arg4[%dma_wait3A_666] : memref<10008xf32, #tpu.memory_space<vmem_shared>> -> memref<10008xf32, #tpu.memory_space<vmem_shared>>
      tpu.wait_indirect_dma semaphore(%arg8 : memref<!tpu.dma_semaphore, #tpu.memory_space<semaphore_mem>>) src(%arg6 : memref<128xf32, #tpu.memory_space<vmem>>) dst(%dma_wait3A_667 : memref<10008xf32, #tpu.memory_space<vmem_shared>>)
      %mul3A_668 = arith.constant 40 : i32
      %mul3A_669 = arith.muli %scan3A_66, %mul3A_668 : i32
      %add3A_670 = arith.constant 27 : i32
      %add3A_671 = arith.addi %mul3A_669, %add3A_670 : i32
      %dma_wait3A_672 = arith.constant 0 : i32
      %dma_wait3A_673 = tpu.memref_slice %arg5[%add3A_671, %dma_wait3A_672] : memref<80x128xi32, #tpu.memory_space<vmem>> -> memref<1x128xi32, #tpu.memory_space<vmem>>
      %dma_wait3A_674 = tpu.memref_squeeze %dma_wait3A_673 : memref<1x128xi32, #tpu.memory_space<vmem>> -> memref<128xi32, #tpu.memory_space<vmem>>
      %dma_wait3A_675 = arith.constant 0 : i32
      %dma_wait3A_676 = tpu.memref_slice %arg4[%dma_wait3A_675] : memref<10008xf32, #tpu.memory_space<vmem_shared>> -> memref<10008xf32, #tpu.memory_space<vmem_shared>>
      tpu.wait_indirect_dma semaphore(%arg8 : memref<!tpu.dma_semaphore, #tpu.memory_space<semaphore_mem>>) src(%arg6 : memref<128xf32, #tpu.memory_space<vmem>>) dst(%dma_wait3A_676 : memref<10008xf32, #tpu.memory_space<vmem_shared>>)
      %mul3A_677 = arith.constant 40 : i32
      %mul3A_678 = arith.muli %scan3A_66, %mul3A_677 : i32
      %add3A_679 = arith.constant 28 : i32
      %add3A_680 = arith.addi %mul3A_678, %add3A_679 : i32
      %dma_wait3A_681 = arith.constant 0 : i32
      %dma_wait3A_682 = tpu.memref_slice %arg5[%add3A_680, %dma_wait3A_681] : memref<80x128xi32, #tpu.memory_space<vmem>> -> memref<1x128xi32, #tpu.memory_space<vmem>>
      %dma_wait3A_683 = tpu.memref_squeeze %dma_wait3A_682 : memref<1x128xi32, #tpu.memory_space<vmem>> -> memref<128xi32, #tpu.memory_space<vmem>>
      %dma_wait3A_684 = arith.constant 0 : i32
      %dma_wait3A_685 = tpu.memref_slice %arg4[%dma_wait3A_684] : memref<10008xf32, #tpu.memory_space<vmem_shared>> -> memref<10008xf32, #tpu.memory_space<vmem_shared>>
      tpu.wait_indirect_dma semaphore(%arg8 : memref<!tpu.dma_semaphore, #tpu.memory_space<semaphore_mem>>) src(%arg6 : memref<128xf32, #tpu.memory_space<vmem>>) dst(%dma_wait3A_685 : memref<10008xf32, #tpu.memory_space<vmem_shared>>)
      %mul3A_686 = arith.constant 40 : i32
      %mul3A_687 = arith.muli %scan3A_66, %mul3A_686 : i32
      %add3A_688 = arith.constant 29 : i32
      %add3A_689 = arith.addi %mul3A_687, %add3A_688 : i32
      %dma_wait3A_690 = arith.constant 0 : i32
      %dma_wait3A_691 = tpu.memref_slice %arg5[%add3A_689, %dma_wait3A_690] : memref<80x128xi32, #tpu.memory_space<vmem>> -> memref<1x128xi32, #tpu.memory_space<vmem>>
      %dma_wait3A_692 = tpu.memref_squeeze %dma_wait3A_691 : memref<1x128xi32, #tpu.memory_space<vmem>> -> memref<128xi32, #tpu.memory_space<vmem>>
      %dma_wait3A_693 = arith.constant 0 : i32
      %dma_wait3A_694 = tpu.memref_slice %arg4[%dma_wait3A_693] : memref<10008xf32, #tpu.memory_space<vmem_shared>> -> memref<10008xf32, #tpu.memory_space<vmem_shared>>
      tpu.wait_indirect_dma semaphore(%arg8 : memref<!tpu.dma_semaphore, #tpu.memory_space<semaphore_mem>>) src(%arg6 : memref<128xf32, #tpu.memory_space<vmem>>) dst(%dma_wait3A_694 : memref<10008xf32, #tpu.memory_space<vmem_shared>>)
      %mul3A_695 = arith.constant 40 : i32
      %mul3A_696 = arith.muli %scan3A_66, %mul3A_695 : i32
      %add3A_697 = arith.constant 30 : i32
      %add3A_698 = arith.addi %mul3A_696, %add3A_697 : i32
      %dma_wait3A_699 = arith.constant 0 : i32
      %dma_wait3A_700 = tpu.memref_slice %arg5[%add3A_698, %dma_wait3A_699] : memref<80x128xi32, #tpu.memory_space<vmem>> -> memref<1x128xi32, #tpu.memory_space<vmem>>
      %dma_wait3A_701 = tpu.memref_squeeze %dma_wait3A_700 : memref<1x128xi32, #tpu.memory_space<vmem>> -> memref<128xi32, #tpu.memory_space<vmem>>
      %dma_wait3A_702 = arith.constant 0 : i32
      %dma_wait3A_703 = tpu.memref_slice %arg4[%dma_wait3A_702] : memref<10008xf32, #tpu.memory_space<vmem_shared>> -> memref<10008xf32, #tpu.memory_space<vmem_shared>>
      tpu.wait_indirect_dma semaphore(%arg8 : memref<!tpu.dma_semaphore, #tpu.memory_space<semaphore_mem>>) src(%arg6 : memref<128xf32, #tpu.memory_space<vmem>>) dst(%dma_wait3A_703 : memref<10008xf32, #tpu.memory_space<vmem_shared>>)
      %mul3A_704 = arith.constant 40 : i32
      %mul3A_705 = arith.muli %scan3A_66, %mul3A_704 : i32
      %add3A_706 = arith.constant 31 : i32
      %add3A_707 = arith.addi %mul3A_705, %add3A_706 : i32
      %dma_wait3A_708 = arith.constant 0 : i32
      %dma_wait3A_709 = tpu.memref_slice %arg5[%add3A_707, %dma_wait3A_708] : memref<80x128xi32, #tpu.memory_space<vmem>> -> memref<1x128xi32, #tpu.memory_space<vmem>>
      %dma_wait3A_710 = tpu.memref_squeeze %dma_wait3A_709 : memref<1x128xi32, #tpu.memory_space<vmem>> -> memref<128xi32, #tpu.memory_space<vmem>>
      %dma_wait3A_711 = arith.constant 0 : i32
      %dma_wait3A_712 = tpu.memref_slice %arg4[%dma_wait3A_711] : memref<10008xf32, #tpu.memory_space<vmem_shared>> -> memref<10008xf32, #tpu.memory_space<vmem_shared>>
      tpu.wait_indirect_dma semaphore(%arg8 : memref<!tpu.dma_semaphore, #tpu.memory_space<semaphore_mem>>) src(%arg6 : memref<128xf32, #tpu.memory_space<vmem>>) dst(%dma_wait3A_712 : memref<10008xf32, #tpu.memory_space<vmem_shared>>)
      %mul3A_713 = arith.constant 40 : i32
      %mul3A_714 = arith.muli %scan3A_66, %mul3A_713 : i32
      %add3A_715 = arith.constant 32 : i32
      %add3A_716 = arith.addi %mul3A_714, %add3A_715 : i32
      %dma_wait3A_717 = arith.constant 0 : i32
      %dma_wait3A_718 = tpu.memref_slice %arg5[%add3A_716, %dma_wait3A_717] : memref<80x128xi32, #tpu.memory_space<vmem>> -> memref<1x128xi32, #tpu.memory_space<vmem>>
      %dma_wait3A_719 = tpu.memref_squeeze %dma_wait3A_718 : memref<1x128xi32, #tpu.memory_space<vmem>> -> memref<128xi32, #tpu.memory_space<vmem>>
      %dma_wait3A_720 = arith.constant 0 : i32
      %dma_wait3A_721 = tpu.memref_slice %arg4[%dma_wait3A_720] : memref<10008xf32, #tpu.memory_space<vmem_shared>> -> memref<10008xf32, #tpu.memory_space<vmem_shared>>
      tpu.wait_indirect_dma semaphore(%arg8 : memref<!tpu.dma_semaphore, #tpu.memory_space<semaphore_mem>>) src(%arg6 : memref<128xf32, #tpu.memory_space<vmem>>) dst(%dma_wait3A_721 : memref<10008xf32, #tpu.memory_space<vmem_shared>>)
      %mul3A_722 = arith.constant 40 : i32
      %mul3A_723 = arith.muli %scan3A_66, %mul3A_722 : i32
      %add3A_724 = arith.constant 33 : i32
      %add3A_725 = arith.addi %mul3A_723, %add3A_724 : i32
      %dma_wait3A_726 = arith.constant 0 : i32
      %dma_wait3A_727 = tpu.memref_slice %arg5[%add3A_725, %dma_wait3A_726] : memref<80x128xi32, #tpu.memory_space<vmem>> -> memref<1x128xi32, #tpu.memory_space<vmem>>
      %dma_wait3A_728 = tpu.memref_squeeze %dma_wait3A_727 : memref<1x128xi32, #tpu.memory_space<vmem>> -> memref<128xi32, #tpu.memory_space<vmem>>
      %dma_wait3A_729 = arith.constant 0 : i32
      %dma_wait3A_730 = tpu.memref_slice %arg4[%dma_wait3A_729] : memref<10008xf32, #tpu.memory_space<vmem_shared>> -> memref<10008xf32, #tpu.memory_space<vmem_shared>>
      tpu.wait_indirect_dma semaphore(%arg8 : memref<!tpu.dma_semaphore, #tpu.memory_space<semaphore_mem>>) src(%arg6 : memref<128xf32, #tpu.memory_space<vmem>>) dst(%dma_wait3A_730 : memref<10008xf32, #tpu.memory_space<vmem_shared>>)
      %mul3A_731 = arith.constant 40 : i32
      %mul3A_732 = arith.muli %scan3A_66, %mul3A_731 : i32
      %add3A_733 = arith.constant 34 : i32
      %add3A_734 = arith.addi %mul3A_732, %add3A_733 : i32
      %dma_wait3A_735 = arith.constant 0 : i32
      %dma_wait3A_736 = tpu.memref_slice %arg5[%add3A_734, %dma_wait3A_735] : memref<80x128xi32, #tpu.memory_space<vmem>> -> memref<1x128xi32, #tpu.memory_space<vmem>>
      %dma_wait3A_737 = tpu.memref_squeeze %dma_wait3A_736 : memref<1x128xi32, #tpu.memory_space<vmem>> -> memref<128xi32, #tpu.memory_space<vmem>>
      %dma_wait3A_738 = arith.constant 0 : i32
      %dma_wait3A_739 = tpu.memref_slice %arg4[%dma_wait3A_738] : memref<10008xf32, #tpu.memory_space<vmem_shared>> -> memref<10008xf32, #tpu.memory_space<vmem_shared>>
      tpu.wait_indirect_dma semaphore(%arg8 : memref<!tpu.dma_semaphore, #tpu.memory_space<semaphore_mem>>) src(%arg6 : memref<128xf32, #tpu.memory_space<vmem>>) dst(%dma_wait3A_739 : memref<10008xf32, #tpu.memory_space<vmem_shared>>)
      %mul3A_740 = arith.constant 40 : i32
      %mul3A_741 = arith.muli %scan3A_66, %mul3A_740 : i32
      %add3A_742 = arith.constant 35 : i32
      %add3A_743 = arith.addi %mul3A_741, %add3A_742 : i32
      %dma_wait3A_744 = arith.constant 0 : i32
      %dma_wait3A_745 = tpu.memref_slice %arg5[%add3A_743, %dma_wait3A_744] : memref<80x128xi32, #tpu.memory_space<vmem>> -> memref<1x128xi32, #tpu.memory_space<vmem>>
      %dma_wait3A_746 = tpu.memref_squeeze %dma_wait3A_745 : memref<1x128xi32, #tpu.memory_space<vmem>> -> memref<128xi32, #tpu.memory_space<vmem>>
      %dma_wait3A_747 = arith.constant 0 : i32
      %dma_wait3A_748 = tpu.memref_slice %arg4[%dma_wait3A_747] : memref<10008xf32, #tpu.memory_space<vmem_shared>> -> memref<10008xf32, #tpu.memory_space<vmem_shared>>
      tpu.wait_indirect_dma semaphore(%arg8 : memref<!tpu.dma_semaphore, #tpu.memory_space<semaphore_mem>>) src(%arg6 : memref<128xf32, #tpu.memory_space<vmem>>) dst(%dma_wait3A_748 : memref<10008xf32, #tpu.memory_space<vmem_shared>>)
      %mul3A_749 = arith.constant 40 : i32
      %mul3A_750 = arith.muli %scan3A_66, %mul3A_749 : i32
      %add3A_751 = arith.constant 36 : i32
      %add3A_752 = arith.addi %mul3A_750, %add3A_751 : i32
      %dma_wait3A_753 = arith.constant 0 : i32
      %dma_wait3A_754 = tpu.memref_slice %arg5[%add3A_752, %dma_wait3A_753] : memref<80x128xi32, #tpu.memory_space<vmem>> -> memref<1x128xi32, #tpu.memory_space<vmem>>
      %dma_wait3A_755 = tpu.memref_squeeze %dma_wait3A_754 : memref<1x128xi32, #tpu.memory_space<vmem>> -> memref<128xi32, #tpu.memory_space<vmem>>
      %dma_wait3A_756 = arith.constant 0 : i32
      %dma_wait3A_757 = tpu.memref_slice %arg4[%dma_wait3A_756] : memref<10008xf32, #tpu.memory_space<vmem_shared>> -> memref<10008xf32, #tpu.memory_space<vmem_shared>>
      tpu.wait_indirect_dma semaphore(%arg8 : memref<!tpu.dma_semaphore, #tpu.memory_space<semaphore_mem>>) src(%arg6 : memref<128xf32, #tpu.memory_space<vmem>>) dst(%dma_wait3A_757 : memref<10008xf32, #tpu.memory_space<vmem_shared>>)
      %mul3A_758 = arith.constant 40 : i32
      %mul3A_759 = arith.muli %scan3A_66, %mul3A_758 : i32
      %add3A_760 = arith.constant 37 : i32
      %add3A_761 = arith.addi %mul3A_759, %add3A_760 : i32
      %dma_wait3A_762 = arith.constant 0 : i32
      %dma_wait3A_763 = tpu.memref_slice %arg5[%add3A_761, %dma_wait3A_762] : memref<80x128xi32, #tpu.memory_space<vmem>> -> memref<1x128xi32, #tpu.memory_space<vmem>>
      %dma_wait3A_764 = tpu.memref_squeeze %dma_wait3A_763 : memref<1x128xi32, #tpu.memory_space<vmem>> -> memref<128xi32, #tpu.memory_space<vmem>>
      %dma_wait3A_765 = arith.constant 0 : i32
      %dma_wait3A_766 = tpu.memref_slice %arg4[%dma_wait3A_765] : memref<10008xf32, #tpu.memory_space<vmem_shared>> -> memref<10008xf32, #tpu.memory_space<vmem_shared>>
      tpu.wait_indirect_dma semaphore(%arg8 : memref<!tpu.dma_semaphore, #tpu.memory_space<semaphore_mem>>) src(%arg6 : memref<128xf32, #tpu.memory_space<vmem>>) dst(%dma_wait3A_766 : memref<10008xf32, #tpu.memory_space<vmem_shared>>)
      %mul3A_767 = arith.constant 40 : i32
      %mul3A_768 = arith.muli %scan3A_66, %mul3A_767 : i32
      %add3A_769 = arith.constant 38 : i32
      %add3A_770 = arith.addi %mul3A_768, %add3A_769 : i32
      %dma_wait3A_771 = arith.constant 0 : i32
      %dma_wait3A_772 = tpu.memref_slice %arg5[%add3A_770, %dma_wait3A_771] : memref<80x128xi32, #tpu.memory_space<vmem>> -> memref<1x128xi32, #tpu.memory_space<vmem>>
      %dma_wait3A_773 = tpu.memref_squeeze %dma_wait3A_772 : memref<1x128xi32, #tpu.memory_space<vmem>> -> memref<128xi32, #tpu.memory_space<vmem>>
      %dma_wait3A_774 = arith.constant 0 : i32
      %dma_wait3A_775 = tpu.memref_slice %arg4[%dma_wait3A_774] : memref<10008xf32, #tpu.memory_space<vmem_shared>> -> memref<10008xf32, #tpu.memory_space<vmem_shared>>
      tpu.wait_indirect_dma semaphore(%arg8 : memref<!tpu.dma_semaphore, #tpu.memory_space<semaphore_mem>>) src(%arg6 : memref<128xf32, #tpu.memory_space<vmem>>) dst(%dma_wait3A_775 : memref<10008xf32, #tpu.memory_space<vmem_shared>>)
      %mul3A_776 = arith.constant 40 : i32
      %mul3A_777 = arith.muli %scan3A_66, %mul3A_776 : i32
      %add3A_778 = arith.constant 39 : i32
      %add3A_779 = arith.addi %mul3A_777, %add3A_778 : i32
      %dma_wait3A_780 = arith.constant 0 : i32
      %dma_wait3A_781 = tpu.memref_slice %arg5[%add3A_779, %dma_wait3A_780] : memref<80x128xi32, #tpu.memory_space<vmem>> -> memref<1x128xi32, #tpu.memory_space<vmem>>
      %dma_wait3A_782 = tpu.memref_squeeze %dma_wait3A_781 : memref<1x128xi32, #tpu.memory_space<vmem>> -> memref<128xi32, #tpu.memory_space<vmem>>
      %dma_wait3A_783 = arith.constant 0 : i32
      %dma_wait3A_784 = tpu.memref_slice %arg4[%dma_wait3A_783] : memref<10008xf32, #tpu.memory_space<vmem_shared>> -> memref<10008xf32, #tpu.memory_space<vmem_shared>>
      tpu.wait_indirect_dma semaphore(%arg8 : memref<!tpu.dma_semaphore, #tpu.memory_space<semaphore_mem>>) src(%arg6 : memref<128xf32, #tpu.memory_space<vmem>>) dst(%dma_wait3A_784 : memref<10008xf32, #tpu.memory_space<vmem_shared>>)
    }
    %scan3A_59 = arith.constant 2 : i32
    %barrier3A_60 = arith.constant 0 : index
    tpu.barrier barrier_id(%barrier3A_60)
    %lt3A_61 = arith.constant 10 : i32
    %lt3A_62 = arith.cmpi slt, %arg1, %lt3A_61 : i32
    %convert_element_type3A_63 = arith.extui %lt3A_62 : i1 to i32
    %cond3A_64 = arith.constant 0 : i32
    %cond3A_65 = arith.cmpi ne, %convert_element_type3A_63, %cond3A_64 : i32
    scf.if %cond3A_65 {
      %mul3A_66 = arith.constant 1000 : i32
      %mul3A_67 = arith.muli %arg1, %mul3A_66 : i32
      "tpu.region"() ({
        %run_scoped3A_73 = tpu.sem_alloc : memref<!tpu.dma_semaphore, #tpu.memory_space<semaphore_mem>>
        %dma_start3A = arith.constant 0 : i32
        %dma_start3A_74 = tpu.memref_slice %arg7[%dma_start3A] : memref<1008xf32, #tpu.memory_space<vmem>> -> memref<1000xf32, #tpu.memory_space<vmem>>
        %dma_start3A_75 = tpu.memref_slice %arg4[%mul3A_67] : memref<10008xf32, #tpu.memory_space<vmem_shared>> -> memref<1000xf32, #tpu.memory_space<vmem_shared>>
        %dma_start3A_76 = arith.constant 0 : i32
        %dma_start3A_77 = tpu.memref_slice %arg7[%dma_start3A_76] : memref<1008xf32, #tpu.memory_space<vmem>> -> memref<1000xf32, #tpu.memory_space<vmem>>
        %dma_start3A_78 = tpu.memref_slice %arg4[%mul3A_67] : memref<10008xf32, #tpu.memory_space<vmem_shared>> -> memref<1000xf32, #tpu.memory_space<vmem_shared>>
        tpu.enqueue_dma source(%dma_start3A_78 : memref<1000xf32, #tpu.memory_space<vmem_shared>>) target(%dma_start3A_77 : memref<1000xf32, #tpu.memory_space<vmem>>) target_semaphore(%run_scoped3A_73 : memref<!tpu.dma_semaphore, #tpu.memory_space<semaphore_mem>>)
        %dma_wait3A = arith.constant 0 : i32
        %dma_wait3A_79 = tpu.memref_slice %arg7[%dma_wait3A] : memref<1008xf32, #tpu.memory_space<vmem>> -> memref<1000xf32, #tpu.memory_space<vmem>>
        %dma_wait3A_80 = tpu.memref_slice %arg4[%mul3A_67] : memref<10008xf32, #tpu.memory_space<vmem_shared>> -> memref<1000xf32, #tpu.memory_space<vmem_shared>>
        %dma_wait3A_81 = arith.constant 0 : i32
        %dma_wait3A_82 = tpu.memref_slice %arg7[%dma_wait3A_81] : memref<1008xf32, #tpu.memory_space<vmem>> -> memref<1000xf32, #tpu.memory_space<vmem>>
        %dma_wait3A_83 = tpu.memref_slice %arg4[%mul3A_67] : memref<10008xf32, #tpu.memory_space<vmem_shared>> -> memref<1000xf32, #tpu.memory_space<vmem_shared>>
        tpu.wait_dma2 semaphore(%run_scoped3A_73 : memref<!tpu.dma_semaphore, #tpu.memory_space<semaphore_mem>>) src(%dma_wait3A_83 : memref<1000xf32, #tpu.memory_space<vmem_shared>>) dst(%dma_wait3A_82 : memref<1000xf32, #tpu.memory_space<vmem>>)
        tpu.yield
      }) : () -> ()
      %mul3A_68 = arith.constant 10000 : i32
      %mul3A_69 = arith.muli %arg0, %mul3A_68 : i32
      %mul3A_70 = arith.constant 1000 : i32
      %mul3A_71 = arith.muli %arg1, %mul3A_70 : i32
      %add3A_72 = arith.addi %mul3A_69, %mul3A_71 : i32
      "tpu.region"() ({
        %run_scoped3A_73 = tpu.sem_alloc : memref<!tpu.dma_semaphore, #tpu.memory_space<semaphore_mem>>
        %dma_start3A = arith.constant 0 : i32
        %dma_start3A_74 = tpu.memref_slice %arg7[%dma_start3A] : memref<1008xf32, #tpu.memory_space<vmem>> -> memref<1000xf32, #tpu.memory_space<vmem>>
        %dma_start3A_75 = tpu.memref_slice %arg3[%add3A_72] : memref<20000xf32, #tpu.memory_space<hbm>> -> memref<1000xf32, #tpu.memory_space<hbm>>
        %dma_start3A_76 = tpu.memref_slice %arg3[%add3A_72] : memref<20000xf32, #tpu.memory_space<hbm>> -> memref<1000xf32, #tpu.memory_space<hbm>>
        %dma_start3A_77 = arith.constant 0 : i32
        %dma_start3A_78 = tpu.memref_slice %arg7[%dma_start3A_77] : memref<1008xf32, #tpu.memory_space<vmem>> -> memref<1000xf32, #tpu.memory_space<vmem>>
        tpu.enqueue_dma source(%dma_start3A_78 : memref<1000xf32, #tpu.memory_space<vmem>>) target(%dma_start3A_76 : memref<1000xf32, #tpu.memory_space<hbm>>) target_semaphore(%run_scoped3A_73 : memref<!tpu.dma_semaphore, #tpu.memory_space<semaphore_mem>>)
        %dma_wait3A = arith.constant 0 : i32
        %dma_wait3A_79 = tpu.memref_slice %arg7[%dma_wait3A] : memref<1008xf32, #tpu.memory_space<vmem>> -> memref<1000xf32, #tpu.memory_space<vmem>>
        %dma_wait3A_80 = tpu.memref_slice %arg3[%add3A_72] : memref<20000xf32, #tpu.memory_space<hbm>> -> memref<1000xf32, #tpu.memory_space<hbm>>
        %dma_wait3A_81 = tpu.memref_slice %arg3[%add3A_72] : memref<20000xf32, #tpu.memory_space<hbm>> -> memref<1000xf32, #tpu.memory_space<hbm>>
        %dma_wait3A_82 = arith.constant 0 : i32
        %dma_wait3A_83 = tpu.memref_slice %arg7[%dma_wait3A_82] : memref<1008xf32, #tpu.memory_space<vmem>> -> memref<1000xf32, #tpu.memory_space<vmem>>
        tpu.wait_dma2 semaphore(%run_scoped3A_73 : memref<!tpu.dma_semaphore, #tpu.memory_space<semaphore_mem>>) src(%dma_wait3A_83 : memref<1000xf32, #tpu.memory_space<vmem>>) dst(%dma_wait3A_81 : memref<1000xf32, #tpu.memory_space<hbm>>)
        tpu.yield
      }) : () -> ()
    } else {
    }
    return
  }
}

#map = affine_map<(d0, d1) -> (0, 0)>
#map1 = affine_map<(d0, d1) -> (0, 0, 0, 0)>
#map2 = affine_map<(d0, d1) -> (0, 0, 0)>
module attributes {stable_mosaic.version = 14 : i64} {
  func.func @_agg_body(%arg0: i32, %arg1: i32, %arg2: memref<10000x16xf32, #tpu.memory_space<hbm>>, %arg3: memref<2x32x80x128xi32, #tpu.memory_space<hbm>>, %arg4: memref<2x10000x16xf32, #tpu.memory_space<hbm>>, %arg5: memref<10008x16xf32, #tpu.memory_space<vmem_shared>>, %arg6: memref<80x128xi32, #tpu.memory_space<vmem>>, %arg7: memref<80x128xi32, #tpu.memory_space<vmem>>, %arg8: memref<128x16xf32, #tpu.memory_space<vmem>>, %arg9: memref<128x16xf32, #tpu.memory_space<vmem>>, %arg10: memref<128x16xf32, #tpu.memory_space<vmem>>, %arg11: memref<128x16xf32, #tpu.memory_space<vmem>>, %arg12: memref<128x16xf32, #tpu.memory_space<vmem>>, %arg13: memref<128x16xf32, #tpu.memory_space<vmem>>, %arg14: memref<128x16xf32, #tpu.memory_space<vmem>>, %arg15: memref<128x16xf32, #tpu.memory_space<vmem>>, %arg16: memref<!tpu.dma_semaphore, #tpu.memory_space<semaphore_mem>>, %arg17: memref<!tpu.dma_semaphore, #tpu.memory_space<semaphore_mem>>, %arg18: memref<!tpu.dma_semaphore, #tpu.memory_space<semaphore_mem>>, %arg19: memref<!tpu.dma_semaphore, #tpu.memory_space<semaphore_mem>>, %arg20: memref<!tpu.dma_semaphore, #tpu.memory_space<semaphore_mem>>, %arg21: memref<!tpu.dma_semaphore, #tpu.memory_space<semaphore_mem>>, %arg22: memref<!tpu.dma_semaphore, #tpu.memory_space<semaphore_mem>>, %arg23: memref<!tpu.dma_semaphore, #tpu.memory_space<semaphore_mem>>, %arg24: memref<!tpu.dma_semaphore, #tpu.memory_space<semaphore_mem>>, %arg25: memref<!tpu.dma_semaphore, #tpu.memory_space<semaphore_mem>>, %arg26: memref<!tpu.dma_semaphore, #tpu.memory_space<semaphore_mem>>, %arg27: memref<!tpu.dma_semaphore, #tpu.memory_space<semaphore_mem>>, %arg28: memref<!tpu.dma_semaphore, #tpu.memory_space<semaphore_mem>>, %arg29: memref<!tpu.dma_semaphore, #tpu.memory_space<semaphore_mem>>, %arg30: memref<!tpu.dma_semaphore, #tpu.memory_space<semaphore_mem>>, %arg31: memref<!tpu.dma_semaphore, #tpu.memory_space<semaphore_mem>>) attributes {dimension_semantics = [#tpu.dimension_semantics<core_parallel>, #tpu.dimension_semantics<subcore_parallel>], iteration_bounds = array<i64: 2, 16>, scalar_prefetch = 0 : i64, scratch_operands = 27 : i64, tpu.core_type = #tpu.core_type<sc_vector_subcore>, window_params = [{transform_indices = #map}, {transform_indices = #map1}, {transform_indices = #map2}]} {
    %mul3A = arith.constant 2 : i32
    %mul3A_0 = arith.muli %arg1, %mul3A : i32
    %add3A = arith.addi %mul3A_0, %arg0 : i32
    %scan3A = arith.constant 0 : i32
    %scan3A_1 = arith.constant 0 : i32
    %scan3A_2 = arith.constant 128 : i32
    %scan3A_3 = arith.addi %scan3A_1, %scan3A_2 : i32
    %scan3A_4 = arith.constant 1 : i32
    scf.for %scan3A_141 = %scan3A_1 to %scan3A_3 step %scan3A_4  : i32 {
      %broadcast_in_dim3A = arith.constant 0.000000e+00 : f32
      %broadcast_in_dim3A_142 = vector.broadcast %broadcast_in_dim3A : f32 to vector<16xf32>
      %swap3A = arith.index_cast %scan3A_141 : i32 to index
      %swap3A_143 = arith.constant 0 : index
      %swap3A_144 = tpu.vector_load %arg8[%swap3A, %swap3A_143] {strides = array<i32>} : memref<128x16xf32, #tpu.memory_space<vmem>>, vector<1x16xf32>,
      %swap3A_145 = vector.shape_cast %swap3A_144 : vector<1x16xf32> to vector<16xf32>
      %swap3A_146 = vector.shape_cast %broadcast_in_dim3A_142 : vector<16xf32> to vector<1x16xf32>
      tpu.vector_store %arg8[%swap3A, %swap3A_143], %swap3A_146 {strides = array<i32>} : memref<128x16xf32, #tpu.memory_space<vmem>>, vector<1x16xf32>,
    }
    %scan3A_5 = arith.constant 128 : i32
    %mul3A_6 = arith.constant 625 : i32
    %mul3A_7 = arith.muli %arg1, %mul3A_6 : i32
    "tpu.region"() ({
      %run_scoped3A_141 = tpu.sem_alloc : memref<!tpu.dma_semaphore, #tpu.memory_space<semaphore_mem>>
      %dma_start3A_142 = arith.constant 0 : i32
      %dma_start3A_143 = arith.constant 0 : i32
      %dma_start3A_144 = tpu.memref_slice %arg8[%dma_start3A_142, %dma_start3A_143] : memref<128x16xf32, #tpu.memory_space<vmem>> -> memref<128x16xf32, #tpu.memory_space<vmem>>
      %dma_start3A_145 = arith.constant 0 : i32
      %dma_start3A_146 = tpu.memref_slice %arg5[%mul3A_7, %dma_start3A_145] : memref<10008x16xf32, #tpu.memory_space<vmem_shared>> -> memref<128x16xf32, #tpu.memory_space<vmem_shared>>
      %dma_start3A_147 = arith.constant 0 : i32
      %dma_start3A_148 = tpu.memref_slice %arg5[%mul3A_7, %dma_start3A_147] : memref<10008x16xf32, #tpu.memory_space<vmem_shared>> -> memref<128x16xf32, #tpu.memory_space<vmem_shared>>
      %dma_start3A_149 = arith.constant 0 : i32
      %dma_start3A_150 = arith.constant 0 : i32
      %dma_start3A_151 = tpu.memref_slice %arg8[%dma_start3A_149, %dma_start3A_150] : memref<128x16xf32, #tpu.memory_space<vmem>> -> memref<128x16xf32, #tpu.memory_space<vmem>>
      tpu.enqueue_dma source(%dma_start3A_151 : memref<128x16xf32, #tpu.memory_space<vmem>>) target(%dma_start3A_148 : memref<128x16xf32, #tpu.memory_space<vmem_shared>>) target_semaphore(%run_scoped3A_141 : memref<!tpu.dma_semaphore, #tpu.memory_space<semaphore_mem>>)
      %dma_wait3A_152 = arith.constant 0 : i32
      %dma_wait3A_153 = arith.constant 0 : i32
      %dma_wait3A_154 = tpu.memref_slice %arg8[%dma_wait3A_152, %dma_wait3A_153] : memref<128x16xf32, #tpu.memory_space<vmem>> -> memref<128x16xf32, #tpu.memory_space<vmem>>
      %dma_wait3A_155 = arith.constant 0 : i32
      %dma_wait3A_156 = tpu.memref_slice %arg5[%mul3A_7, %dma_wait3A_155] : memref<10008x16xf32, #tpu.memory_space<vmem_shared>> -> memref<128x16xf32, #tpu.memory_space<vmem_shared>>
      %dma_wait3A_157 = arith.constant 0 : i32
      %dma_wait3A_158 = tpu.memref_slice %arg5[%mul3A_7, %dma_wait3A_157] : memref<10008x16xf32, #tpu.memory_space<vmem_shared>> -> memref<128x16xf32, #tpu.memory_space<vmem_shared>>
      %dma_wait3A_159 = arith.constant 0 : i32
      %dma_wait3A_160 = arith.constant 0 : i32
      %dma_wait3A_161 = tpu.memref_slice %arg8[%dma_wait3A_159, %dma_wait3A_160] : memref<128x16xf32, #tpu.memory_space<vmem>> -> memref<128x16xf32, #tpu.memory_space<vmem>>
      tpu.wait_dma2 semaphore(%run_scoped3A_141 : memref<!tpu.dma_semaphore, #tpu.memory_space<semaphore_mem>>) src(%dma_wait3A_161 : memref<128x16xf32, #tpu.memory_space<vmem>>) dst(%dma_wait3A_158 : memref<128x16xf32, #tpu.memory_space<vmem_shared>>)
      tpu.yield
    }) : () -> ()
    %add3A_8 = arith.constant 128 : i32
    %add3A_9 = arith.addi %mul3A_7, %add3A_8 : i32
    "tpu.region"() ({
      %run_scoped3A_141 = tpu.sem_alloc : memref<!tpu.dma_semaphore, #tpu.memory_space<semaphore_mem>>
      %dma_start3A_142 = arith.constant 0 : i32
      %dma_start3A_143 = arith.constant 0 : i32
      %dma_start3A_144 = tpu.memref_slice %arg8[%dma_start3A_142, %dma_start3A_143] : memref<128x16xf32, #tpu.memory_space<vmem>> -> memref<128x16xf32, #tpu.memory_space<vmem>>
      %dma_start3A_145 = arith.constant 0 : i32
      %dma_start3A_146 = tpu.memref_slice %arg5[%add3A_9, %dma_start3A_145] : memref<10008x16xf32, #tpu.memory_space<vmem_shared>> -> memref<128x16xf32, #tpu.memory_space<vmem_shared>>
      %dma_start3A_147 = arith.constant 0 : i32
      %dma_start3A_148 = tpu.memref_slice %arg5[%add3A_9, %dma_start3A_147] : memref<10008x16xf32, #tpu.memory_space<vmem_shared>> -> memref<128x16xf32, #tpu.memory_space<vmem_shared>>
      %dma_start3A_149 = arith.constant 0 : i32
      %dma_start3A_150 = arith.constant 0 : i32
      %dma_start3A_151 = tpu.memref_slice %arg8[%dma_start3A_149, %dma_start3A_150] : memref<128x16xf32, #tpu.memory_space<vmem>> -> memref<128x16xf32, #tpu.memory_space<vmem>>
      tpu.enqueue_dma source(%dma_start3A_151 : memref<128x16xf32, #tpu.memory_space<vmem>>) target(%dma_start3A_148 : memref<128x16xf32, #tpu.memory_space<vmem_shared>>) target_semaphore(%run_scoped3A_141 : memref<!tpu.dma_semaphore, #tpu.memory_space<semaphore_mem>>)
      %dma_wait3A_152 = arith.constant 0 : i32
      %dma_wait3A_153 = arith.constant 0 : i32
      %dma_wait3A_154 = tpu.memref_slice %arg8[%dma_wait3A_152, %dma_wait3A_153] : memref<128x16xf32, #tpu.memory_space<vmem>> -> memref<128x16xf32, #tpu.memory_space<vmem>>
      %dma_wait3A_155 = arith.constant 0 : i32
      %dma_wait3A_156 = tpu.memref_slice %arg5[%add3A_9, %dma_wait3A_155] : memref<10008x16xf32, #tpu.memory_space<vmem_shared>> -> memref<128x16xf32, #tpu.memory_space<vmem_shared>>
      %dma_wait3A_157 = arith.constant 0 : i32
      %dma_wait3A_158 = tpu.memref_slice %arg5[%add3A_9, %dma_wait3A_157] : memref<10008x16xf32, #tpu.memory_space<vmem_shared>> -> memref<128x16xf32, #tpu.memory_space<vmem_shared>>
      %dma_wait3A_159 = arith.constant 0 : i32
      %dma_wait3A_160 = arith.constant 0 : i32
      %dma_wait3A_161 = tpu.memref_slice %arg8[%dma_wait3A_159, %dma_wait3A_160] : memref<128x16xf32, #tpu.memory_space<vmem>> -> memref<128x16xf32, #tpu.memory_space<vmem>>
      tpu.wait_dma2 semaphore(%run_scoped3A_141 : memref<!tpu.dma_semaphore, #tpu.memory_space<semaphore_mem>>) src(%dma_wait3A_161 : memref<128x16xf32, #tpu.memory_space<vmem>>) dst(%dma_wait3A_158 : memref<128x16xf32, #tpu.memory_space<vmem_shared>>)
      tpu.yield
    }) : () -> ()
    %add3A_10 = arith.constant 128 : i32
    %add3A_11 = arith.addi %add3A_9, %add3A_10 : i32
    "tpu.region"() ({
      %run_scoped3A_141 = tpu.sem_alloc : memref<!tpu.dma_semaphore, #tpu.memory_space<semaphore_mem>>
      %dma_start3A_142 = arith.constant 0 : i32
      %dma_start3A_143 = arith.constant 0 : i32
      %dma_start3A_144 = tpu.memref_slice %arg8[%dma_start3A_142, %dma_start3A_143] : memref<128x16xf32, #tpu.memory_space<vmem>> -> memref<128x16xf32, #tpu.memory_space<vmem>>
      %dma_start3A_145 = arith.constant 0 : i32
      %dma_start3A_146 = tpu.memref_slice %arg5[%add3A_11, %dma_start3A_145] : memref<10008x16xf32, #tpu.memory_space<vmem_shared>> -> memref<128x16xf32, #tpu.memory_space<vmem_shared>>
      %dma_start3A_147 = arith.constant 0 : i32
      %dma_start3A_148 = tpu.memref_slice %arg5[%add3A_11, %dma_start3A_147] : memref<10008x16xf32, #tpu.memory_space<vmem_shared>> -> memref<128x16xf32, #tpu.memory_space<vmem_shared>>
      %dma_start3A_149 = arith.constant 0 : i32
      %dma_start3A_150 = arith.constant 0 : i32
      %dma_start3A_151 = tpu.memref_slice %arg8[%dma_start3A_149, %dma_start3A_150] : memref<128x16xf32, #tpu.memory_space<vmem>> -> memref<128x16xf32, #tpu.memory_space<vmem>>
      tpu.enqueue_dma source(%dma_start3A_151 : memref<128x16xf32, #tpu.memory_space<vmem>>) target(%dma_start3A_148 : memref<128x16xf32, #tpu.memory_space<vmem_shared>>) target_semaphore(%run_scoped3A_141 : memref<!tpu.dma_semaphore, #tpu.memory_space<semaphore_mem>>)
      %dma_wait3A_152 = arith.constant 0 : i32
      %dma_wait3A_153 = arith.constant 0 : i32
      %dma_wait3A_154 = tpu.memref_slice %arg8[%dma_wait3A_152, %dma_wait3A_153] : memref<128x16xf32, #tpu.memory_space<vmem>> -> memref<128x16xf32, #tpu.memory_space<vmem>>
      %dma_wait3A_155 = arith.constant 0 : i32
      %dma_wait3A_156 = tpu.memref_slice %arg5[%add3A_11, %dma_wait3A_155] : memref<10008x16xf32, #tpu.memory_space<vmem_shared>> -> memref<128x16xf32, #tpu.memory_space<vmem_shared>>
      %dma_wait3A_157 = arith.constant 0 : i32
      %dma_wait3A_158 = tpu.memref_slice %arg5[%add3A_11, %dma_wait3A_157] : memref<10008x16xf32, #tpu.memory_space<vmem_shared>> -> memref<128x16xf32, #tpu.memory_space<vmem_shared>>
      %dma_wait3A_159 = arith.constant 0 : i32
      %dma_wait3A_160 = arith.constant 0 : i32
      %dma_wait3A_161 = tpu.memref_slice %arg8[%dma_wait3A_159, %dma_wait3A_160] : memref<128x16xf32, #tpu.memory_space<vmem>> -> memref<128x16xf32, #tpu.memory_space<vmem>>
      tpu.wait_dma2 semaphore(%run_scoped3A_141 : memref<!tpu.dma_semaphore, #tpu.memory_space<semaphore_mem>>) src(%dma_wait3A_161 : memref<128x16xf32, #tpu.memory_space<vmem>>) dst(%dma_wait3A_158 : memref<128x16xf32, #tpu.memory_space<vmem_shared>>)
      tpu.yield
    }) : () -> ()
    %add3A_12 = arith.constant 128 : i32
    %add3A_13 = arith.addi %add3A_11, %add3A_12 : i32
    "tpu.region"() ({
      %run_scoped3A_141 = tpu.sem_alloc : memref<!tpu.dma_semaphore, #tpu.memory_space<semaphore_mem>>
      %dma_start3A_142 = arith.constant 0 : i32
      %dma_start3A_143 = arith.constant 0 : i32
      %dma_start3A_144 = tpu.memref_slice %arg8[%dma_start3A_142, %dma_start3A_143] : memref<128x16xf32, #tpu.memory_space<vmem>> -> memref<128x16xf32, #tpu.memory_space<vmem>>
      %dma_start3A_145 = arith.constant 0 : i32
      %dma_start3A_146 = tpu.memref_slice %arg5[%add3A_13, %dma_start3A_145] : memref<10008x16xf32, #tpu.memory_space<vmem_shared>> -> memref<128x16xf32, #tpu.memory_space<vmem_shared>>
      %dma_start3A_147 = arith.constant 0 : i32
      %dma_start3A_148 = tpu.memref_slice %arg5[%add3A_13, %dma_start3A_147] : memref<10008x16xf32, #tpu.memory_space<vmem_shared>> -> memref<128x16xf32, #tpu.memory_space<vmem_shared>>
      %dma_start3A_149 = arith.constant 0 : i32
      %dma_start3A_150 = arith.constant 0 : i32
      %dma_start3A_151 = tpu.memref_slice %arg8[%dma_start3A_149, %dma_start3A_150] : memref<128x16xf32, #tpu.memory_space<vmem>> -> memref<128x16xf32, #tpu.memory_space<vmem>>
      tpu.enqueue_dma source(%dma_start3A_151 : memref<128x16xf32, #tpu.memory_space<vmem>>) target(%dma_start3A_148 : memref<128x16xf32, #tpu.memory_space<vmem_shared>>) target_semaphore(%run_scoped3A_141 : memref<!tpu.dma_semaphore, #tpu.memory_space<semaphore_mem>>)
      %dma_wait3A_152 = arith.constant 0 : i32
      %dma_wait3A_153 = arith.constant 0 : i32
      %dma_wait3A_154 = tpu.memref_slice %arg8[%dma_wait3A_152, %dma_wait3A_153] : memref<128x16xf32, #tpu.memory_space<vmem>> -> memref<128x16xf32, #tpu.memory_space<vmem>>
      %dma_wait3A_155 = arith.constant 0 : i32
      %dma_wait3A_156 = tpu.memref_slice %arg5[%add3A_13, %dma_wait3A_155] : memref<10008x16xf32, #tpu.memory_space<vmem_shared>> -> memref<128x16xf32, #tpu.memory_space<vmem_shared>>
      %dma_wait3A_157 = arith.constant 0 : i32
      %dma_wait3A_158 = tpu.memref_slice %arg5[%add3A_13, %dma_wait3A_157] : memref<10008x16xf32, #tpu.memory_space<vmem_shared>> -> memref<128x16xf32, #tpu.memory_space<vmem_shared>>
      %dma_wait3A_159 = arith.constant 0 : i32
      %dma_wait3A_160 = arith.constant 0 : i32
      %dma_wait3A_161 = tpu.memref_slice %arg8[%dma_wait3A_159, %dma_wait3A_160] : memref<128x16xf32, #tpu.memory_space<vmem>> -> memref<128x16xf32, #tpu.memory_space<vmem>>
      tpu.wait_dma2 semaphore(%run_scoped3A_141 : memref<!tpu.dma_semaphore, #tpu.memory_space<semaphore_mem>>) src(%dma_wait3A_161 : memref<128x16xf32, #tpu.memory_space<vmem>>) dst(%dma_wait3A_158 : memref<128x16xf32, #tpu.memory_space<vmem_shared>>)
      tpu.yield
    }) : () -> ()
    %add3A_14 = arith.constant 128 : i32
    %add3A_15 = arith.addi %add3A_13, %add3A_14 : i32
    "tpu.region"() ({
      %run_scoped3A_141 = tpu.sem_alloc : memref<!tpu.dma_semaphore, #tpu.memory_space<semaphore_mem>>
      %dma_start3A_142 = arith.constant 0 : i32
      %dma_start3A_143 = arith.constant 0 : i32
      %dma_start3A_144 = tpu.memref_slice %arg8[%dma_start3A_142, %dma_start3A_143] : memref<128x16xf32, #tpu.memory_space<vmem>> -> memref<113x16xf32, #tpu.memory_space<vmem>>
      %dma_start3A_145 = arith.constant 0 : i32
      %dma_start3A_146 = tpu.memref_slice %arg5[%add3A_15, %dma_start3A_145] : memref<10008x16xf32, #tpu.memory_space<vmem_shared>> -> memref<113x16xf32, #tpu.memory_space<vmem_shared>>
      %dma_start3A_147 = arith.constant 0 : i32
      %dma_start3A_148 = tpu.memref_slice %arg5[%add3A_15, %dma_start3A_147] : memref<10008x16xf32, #tpu.memory_space<vmem_shared>> -> memref<113x16xf32, #tpu.memory_space<vmem_shared>>
      %dma_start3A_149 = arith.constant 0 : i32
      %dma_start3A_150 = arith.constant 0 : i32
      %dma_start3A_151 = tpu.memref_slice %arg8[%dma_start3A_149, %dma_start3A_150] : memref<128x16xf32, #tpu.memory_space<vmem>> -> memref<113x16xf32, #tpu.memory_space<vmem>>
      tpu.enqueue_dma source(%dma_start3A_151 : memref<113x16xf32, #tpu.memory_space<vmem>>) target(%dma_start3A_148 : memref<113x16xf32, #tpu.memory_space<vmem_shared>>) target_semaphore(%run_scoped3A_141 : memref<!tpu.dma_semaphore, #tpu.memory_space<semaphore_mem>>)
      %dma_wait3A_152 = arith.constant 0 : i32
      %dma_wait3A_153 = arith.constant 0 : i32
      %dma_wait3A_154 = tpu.memref_slice %arg8[%dma_wait3A_152, %dma_wait3A_153] : memref<128x16xf32, #tpu.memory_space<vmem>> -> memref<113x16xf32, #tpu.memory_space<vmem>>
      %dma_wait3A_155 = arith.constant 0 : i32
      %dma_wait3A_156 = tpu.memref_slice %arg5[%add3A_15, %dma_wait3A_155] : memref<10008x16xf32, #tpu.memory_space<vmem_shared>> -> memref<113x16xf32, #tpu.memory_space<vmem_shared>>
      %dma_wait3A_157 = arith.constant 0 : i32
      %dma_wait3A_158 = tpu.memref_slice %arg5[%add3A_15, %dma_wait3A_157] : memref<10008x16xf32, #tpu.memory_space<vmem_shared>> -> memref<113x16xf32, #tpu.memory_space<vmem_shared>>
      %dma_wait3A_159 = arith.constant 0 : i32
      %dma_wait3A_160 = arith.constant 0 : i32
      %dma_wait3A_161 = tpu.memref_slice %arg8[%dma_wait3A_159, %dma_wait3A_160] : memref<128x16xf32, #tpu.memory_space<vmem>> -> memref<113x16xf32, #tpu.memory_space<vmem>>
      tpu.wait_dma2 semaphore(%run_scoped3A_141 : memref<!tpu.dma_semaphore, #tpu.memory_space<semaphore_mem>>) src(%dma_wait3A_161 : memref<113x16xf32, #tpu.memory_space<vmem>>) dst(%dma_wait3A_158 : memref<113x16xf32, #tpu.memory_space<vmem_shared>>)
      tpu.yield
    }) : () -> ()
    %add3A_16 = arith.constant 113 : i32
    %add3A_17 = arith.addi %add3A_15, %add3A_16 : i32
    %barrier3A = arith.constant 0 : index
    tpu.barrier barrier_id(%barrier3A)
    %run_scoped3A = arith.constant 0 : i32
    "tpu.region"() ({
      %run_scoped3A_141 = tpu.sem_alloc : memref<!tpu.dma_semaphore, #tpu.memory_space<semaphore_mem>>
      %dma_start3A_142 = arith.constant 0 : i32
      %dma_start3A_143 = arith.constant 0 : i32
      %dma_start3A_144 = tpu.memref_slice %arg3[%run_scoped3A, %add3A, %dma_start3A_142, %dma_start3A_143] : memref<2x32x80x128xi32, #tpu.memory_space<hbm>> -> memref<1x1x80x128xi32, #tpu.memory_space<hbm>>
      %dma_start3A_145 = tpu.memref_squeeze %dma_start3A_144 : memref<1x1x80x128xi32, #tpu.memory_space<hbm>> -> memref<80x128xi32, #tpu.memory_space<hbm>>
      %dma_start3A_146 = arith.constant 0 : i32
      %dma_start3A_147 = arith.constant 0 : i32
      %dma_start3A_148 = tpu.memref_slice %arg3[%run_scoped3A, %add3A, %dma_start3A_146, %dma_start3A_147] : memref<2x32x80x128xi32, #tpu.memory_space<hbm>> -> memref<1x1x80x128xi32, #tpu.memory_space<hbm>>
      %dma_start3A_149 = tpu.memref_squeeze %dma_start3A_148 : memref<1x1x80x128xi32, #tpu.memory_space<hbm>> -> memref<80x128xi32, #tpu.memory_space<hbm>>
      tpu.enqueue_dma source(%dma_start3A_149 : memref<80x128xi32, #tpu.memory_space<hbm>>) target(%arg6 : memref<80x128xi32, #tpu.memory_space<vmem>>) target_semaphore(%run_scoped3A_141 : memref<!tpu.dma_semaphore, #tpu.memory_space<semaphore_mem>>)
      %dma_wait3A_150 = arith.constant 0 : i32
      %dma_wait3A_151 = arith.constant 0 : i32
      %dma_wait3A_152 = tpu.memref_slice %arg3[%run_scoped3A, %add3A, %dma_wait3A_150, %dma_wait3A_151] : memref<2x32x80x128xi32, #tpu.memory_space<hbm>> -> memref<1x1x80x128xi32, #tpu.memory_space<hbm>>
      %dma_wait3A_153 = tpu.memref_squeeze %dma_wait3A_152 : memref<1x1x80x128xi32, #tpu.memory_space<hbm>> -> memref<80x128xi32, #tpu.memory_space<hbm>>
      %dma_wait3A_154 = arith.constant 0 : i32
      %dma_wait3A_155 = arith.constant 0 : i32
      %dma_wait3A_156 = tpu.memref_slice %arg3[%run_scoped3A, %add3A, %dma_wait3A_154, %dma_wait3A_155] : memref<2x32x80x128xi32, #tpu.memory_space<hbm>> -> memref<1x1x80x128xi32, #tpu.memory_space<hbm>>
      %dma_wait3A_157 = tpu.memref_squeeze %dma_wait3A_156 : memref<1x1x80x128xi32, #tpu.memory_space<hbm>> -> memref<80x128xi32, #tpu.memory_space<hbm>>
      tpu.wait_dma2 semaphore(%run_scoped3A_141 : memref<!tpu.dma_semaphore, #tpu.memory_space<semaphore_mem>>) src(%dma_wait3A_157 : memref<80x128xi32, #tpu.memory_space<hbm>>) dst(%arg6 : memref<80x128xi32, #tpu.memory_space<vmem>>)
      tpu.yield
    }) : () -> ()
    %run_scoped3A_18 = arith.constant 1 : i32
    "tpu.region"() ({
      %run_scoped3A_141 = tpu.sem_alloc : memref<!tpu.dma_semaphore, #tpu.memory_space<semaphore_mem>>
      %dma_start3A_142 = arith.constant 0 : i32
      %dma_start3A_143 = arith.constant 0 : i32
      %dma_start3A_144 = tpu.memref_slice %arg3[%run_scoped3A_18, %add3A, %dma_start3A_142, %dma_start3A_143] : memref<2x32x80x128xi32, #tpu.memory_space<hbm>> -> memref<1x1x80x128xi32, #tpu.memory_space<hbm>>
      %dma_start3A_145 = tpu.memref_squeeze %dma_start3A_144 : memref<1x1x80x128xi32, #tpu.memory_space<hbm>> -> memref<80x128xi32, #tpu.memory_space<hbm>>
      %dma_start3A_146 = arith.constant 0 : i32
      %dma_start3A_147 = arith.constant 0 : i32
      %dma_start3A_148 = tpu.memref_slice %arg3[%run_scoped3A_18, %add3A, %dma_start3A_146, %dma_start3A_147] : memref<2x32x80x128xi32, #tpu.memory_space<hbm>> -> memref<1x1x80x128xi32, #tpu.memory_space<hbm>>
      %dma_start3A_149 = tpu.memref_squeeze %dma_start3A_148 : memref<1x1x80x128xi32, #tpu.memory_space<hbm>> -> memref<80x128xi32, #tpu.memory_space<hbm>>
      tpu.enqueue_dma source(%dma_start3A_149 : memref<80x128xi32, #tpu.memory_space<hbm>>) target(%arg7 : memref<80x128xi32, #tpu.memory_space<vmem>>) target_semaphore(%run_scoped3A_141 : memref<!tpu.dma_semaphore, #tpu.memory_space<semaphore_mem>>)
      %dma_wait3A_150 = arith.constant 0 : i32
      %dma_wait3A_151 = arith.constant 0 : i32
      %dma_wait3A_152 = tpu.memref_slice %arg3[%run_scoped3A_18, %add3A, %dma_wait3A_150, %dma_wait3A_151] : memref<2x32x80x128xi32, #tpu.memory_space<hbm>> -> memref<1x1x80x128xi32, #tpu.memory_space<hbm>>
      %dma_wait3A_153 = tpu.memref_squeeze %dma_wait3A_152 : memref<1x1x80x128xi32, #tpu.memory_space<hbm>> -> memref<80x128xi32, #tpu.memory_space<hbm>>
      %dma_wait3A_154 = arith.constant 0 : i32
      %dma_wait3A_155 = arith.constant 0 : i32
      %dma_wait3A_156 = tpu.memref_slice %arg3[%run_scoped3A_18, %add3A, %dma_wait3A_154, %dma_wait3A_155] : memref<2x32x80x128xi32, #tpu.memory_space<hbm>> -> memref<1x1x80x128xi32, #tpu.memory_space<hbm>>
      %dma_wait3A_157 = tpu.memref_squeeze %dma_wait3A_156 : memref<1x1x80x128xi32, #tpu.memory_space<hbm>> -> memref<80x128xi32, #tpu.memory_space<hbm>>
      tpu.wait_dma2 semaphore(%run_scoped3A_141 : memref<!tpu.dma_semaphore, #tpu.memory_space<semaphore_mem>>) src(%dma_wait3A_157 : memref<80x128xi32, #tpu.memory_space<hbm>>) dst(%arg7 : memref<80x128xi32, #tpu.memory_space<vmem>>)
      tpu.yield
    }) : () -> ()
    %dma_start3A = arith.constant 0 : i32
    %dma_start3A_19 = arith.constant 0 : i32
    %dma_start3A_20 = tpu.memref_slice %arg6[%dma_start3A, %dma_start3A_19] : memref<80x128xi32, #tpu.memory_space<vmem>> -> memref<1x128xi32, #tpu.memory_space<vmem>>
    %dma_start3A_21 = tpu.memref_squeeze %dma_start3A_20 : memref<1x128xi32, #tpu.memory_space<vmem>> -> memref<128xi32, #tpu.memory_space<vmem>>
    %dma_start3A_22 = arith.constant 0 : i32
    %dma_start3A_23 = arith.constant 0 : i32
    %dma_start3A_24 = tpu.memref_slice %arg2[%dma_start3A_22, %dma_start3A_23] : memref<10000x16xf32, #tpu.memory_space<hbm>> -> memref<10000x16xf32, #tpu.memory_space<hbm>>
    tpu.enqueue_indirect_dma source(%dma_start3A_24 : memref<10000x16xf32, #tpu.memory_space<hbm>>) target(%arg8 : memref<128x16xf32, #tpu.memory_space<vmem>>) offsets(%dma_start3A_21 : memref<128xi32, #tpu.memory_space<vmem>>) semaphore(%arg16 : memref<!tpu.dma_semaphore, #tpu.memory_space<semaphore_mem>>)
    %dma_start3A_25 = arith.constant 1 : i32
    %dma_start3A_26 = arith.constant 0 : i32
    %dma_start3A_27 = tpu.memref_slice %arg6[%dma_start3A_25, %dma_start3A_26] : memref<80x128xi32, #tpu.memory_space<vmem>> -> memref<1x128xi32, #tpu.memory_space<vmem>>
    %dma_start3A_28 = tpu.memref_squeeze %dma_start3A_27 : memref<1x128xi32, #tpu.memory_space<vmem>> -> memref<128xi32, #tpu.memory_space<vmem>>
    %dma_start3A_29 = arith.constant 0 : i32
    %dma_start3A_30 = arith.constant 0 : i32
    %dma_start3A_31 = tpu.memref_slice %arg2[%dma_start3A_29, %dma_start3A_30] : memref<10000x16xf32, #tpu.memory_space<hbm>> -> memref<10000x16xf32, #tpu.memory_space<hbm>>
    tpu.enqueue_indirect_dma source(%dma_start3A_31 : memref<10000x16xf32, #tpu.memory_space<hbm>>) target(%arg9 : memref<128x16xf32, #tpu.memory_space<vmem>>) offsets(%dma_start3A_28 : memref<128xi32, #tpu.memory_space<vmem>>) semaphore(%arg17 : memref<!tpu.dma_semaphore, #tpu.memory_space<semaphore_mem>>)
    %dma_start3A_32 = arith.constant 2 : i32
    %dma_start3A_33 = arith.constant 0 : i32
    %dma_start3A_34 = tpu.memref_slice %arg6[%dma_start3A_32, %dma_start3A_33] : memref<80x128xi32, #tpu.memory_space<vmem>> -> memref<1x128xi32, #tpu.memory_space<vmem>>
    %dma_start3A_35 = tpu.memref_squeeze %dma_start3A_34 : memref<1x128xi32, #tpu.memory_space<vmem>> -> memref<128xi32, #tpu.memory_space<vmem>>
    %dma_start3A_36 = arith.constant 0 : i32
    %dma_start3A_37 = arith.constant 0 : i32
    %dma_start3A_38 = tpu.memref_slice %arg2[%dma_start3A_36, %dma_start3A_37] : memref<10000x16xf32, #tpu.memory_space<hbm>> -> memref<10000x16xf32, #tpu.memory_space<hbm>>
    tpu.enqueue_indirect_dma source(%dma_start3A_38 : memref<10000x16xf32, #tpu.memory_space<hbm>>) target(%arg10 : memref<128x16xf32, #tpu.memory_space<vmem>>) offsets(%dma_start3A_35 : memref<128xi32, #tpu.memory_space<vmem>>) semaphore(%arg18 : memref<!tpu.dma_semaphore, #tpu.memory_space<semaphore_mem>>)
    %dma_start3A_39 = arith.constant 3 : i32
    %dma_start3A_40 = arith.constant 0 : i32
    %dma_start3A_41 = tpu.memref_slice %arg6[%dma_start3A_39, %dma_start3A_40] : memref<80x128xi32, #tpu.memory_space<vmem>> -> memref<1x128xi32, #tpu.memory_space<vmem>>
    %dma_start3A_42 = tpu.memref_squeeze %dma_start3A_41 : memref<1x128xi32, #tpu.memory_space<vmem>> -> memref<128xi32, #tpu.memory_space<vmem>>
    %dma_start3A_43 = arith.constant 0 : i32
    %dma_start3A_44 = arith.constant 0 : i32
    %dma_start3A_45 = tpu.memref_slice %arg2[%dma_start3A_43, %dma_start3A_44] : memref<10000x16xf32, #tpu.memory_space<hbm>> -> memref<10000x16xf32, #tpu.memory_space<hbm>>
    tpu.enqueue_indirect_dma source(%dma_start3A_45 : memref<10000x16xf32, #tpu.memory_space<hbm>>) target(%arg11 : memref<128x16xf32, #tpu.memory_space<vmem>>) offsets(%dma_start3A_42 : memref<128xi32, #tpu.memory_space<vmem>>) semaphore(%arg19 : memref<!tpu.dma_semaphore, #tpu.memory_space<semaphore_mem>>)
    %dma_start3A_46 = arith.constant 4 : i32
    %dma_start3A_47 = arith.constant 0 : i32
    %dma_start3A_48 = tpu.memref_slice %arg6[%dma_start3A_46, %dma_start3A_47] : memref<80x128xi32, #tpu.memory_space<vmem>> -> memref<1x128xi32, #tpu.memory_space<vmem>>
    %dma_start3A_49 = tpu.memref_squeeze %dma_start3A_48 : memref<1x128xi32, #tpu.memory_space<vmem>> -> memref<128xi32, #tpu.memory_space<vmem>>
    %dma_start3A_50 = arith.constant 0 : i32
    %dma_start3A_51 = arith.constant 0 : i32
    %dma_start3A_52 = tpu.memref_slice %arg2[%dma_start3A_50, %dma_start3A_51] : memref<10000x16xf32, #tpu.memory_space<hbm>> -> memref<10000x16xf32, #tpu.memory_space<hbm>>
    tpu.enqueue_indirect_dma source(%dma_start3A_52 : memref<10000x16xf32, #tpu.memory_space<hbm>>) target(%arg12 : memref<128x16xf32, #tpu.memory_space<vmem>>) offsets(%dma_start3A_49 : memref<128xi32, #tpu.memory_space<vmem>>) semaphore(%arg20 : memref<!tpu.dma_semaphore, #tpu.memory_space<semaphore_mem>>)
    %dma_start3A_53 = arith.constant 5 : i32
    %dma_start3A_54 = arith.constant 0 : i32
    %dma_start3A_55 = tpu.memref_slice %arg6[%dma_start3A_53, %dma_start3A_54] : memref<80x128xi32, #tpu.memory_space<vmem>> -> memref<1x128xi32, #tpu.memory_space<vmem>>
    %dma_start3A_56 = tpu.memref_squeeze %dma_start3A_55 : memref<1x128xi32, #tpu.memory_space<vmem>> -> memref<128xi32, #tpu.memory_space<vmem>>
    %dma_start3A_57 = arith.constant 0 : i32
    %dma_start3A_58 = arith.constant 0 : i32
    %dma_start3A_59 = tpu.memref_slice %arg2[%dma_start3A_57, %dma_start3A_58] : memref<10000x16xf32, #tpu.memory_space<hbm>> -> memref<10000x16xf32, #tpu.memory_space<hbm>>
    tpu.enqueue_indirect_dma source(%dma_start3A_59 : memref<10000x16xf32, #tpu.memory_space<hbm>>) target(%arg13 : memref<128x16xf32, #tpu.memory_space<vmem>>) offsets(%dma_start3A_56 : memref<128xi32, #tpu.memory_space<vmem>>) semaphore(%arg21 : memref<!tpu.dma_semaphore, #tpu.memory_space<semaphore_mem>>)
    %dma_start3A_60 = arith.constant 6 : i32
    %dma_start3A_61 = arith.constant 0 : i32
    %dma_start3A_62 = tpu.memref_slice %arg6[%dma_start3A_60, %dma_start3A_61] : memref<80x128xi32, #tpu.memory_space<vmem>> -> memref<1x128xi32, #tpu.memory_space<vmem>>
    %dma_start3A_63 = tpu.memref_squeeze %dma_start3A_62 : memref<1x128xi32, #tpu.memory_space<vmem>> -> memref<128xi32, #tpu.memory_space<vmem>>
    %dma_start3A_64 = arith.constant 0 : i32
    %dma_start3A_65 = arith.constant 0 : i32
    %dma_start3A_66 = tpu.memref_slice %arg2[%dma_start3A_64, %dma_start3A_65] : memref<10000x16xf32, #tpu.memory_space<hbm>> -> memref<10000x16xf32, #tpu.memory_space<hbm>>
    tpu.enqueue_indirect_dma source(%dma_start3A_66 : memref<10000x16xf32, #tpu.memory_space<hbm>>) target(%arg14 : memref<128x16xf32, #tpu.memory_space<vmem>>) offsets(%dma_start3A_63 : memref<128xi32, #tpu.memory_space<vmem>>) semaphore(%arg22 : memref<!tpu.dma_semaphore, #tpu.memory_space<semaphore_mem>>)
    %scan3A_67 = arith.constant 0 : i32
    %scan3A_68 = arith.constant 0 : i32
    %scan3A_69 = arith.constant 10 : i32
    %scan3A_70 = arith.addi %scan3A_68, %scan3A_69 : i32
    %scan3A_71 = arith.constant 1 : i32
    scf.for %scan3A_141 = %scan3A_68 to %scan3A_70 step %scan3A_71  : i32 {
      %mul3A_142 = arith.constant 8 : i32
      %mul3A_143 = arith.muli %scan3A_141, %mul3A_142 : i32
      %add3A_144 = arith.constant 0 : i32
      %add3A_145 = arith.addi %mul3A_143, %add3A_144 : i32
      %dma_wait3A_146 = arith.constant 0 : i32
      %dma_wait3A_147 = tpu.memref_slice %arg6[%add3A_145, %dma_wait3A_146] : memref<80x128xi32, #tpu.memory_space<vmem>> -> memref<1x128xi32, #tpu.memory_space<vmem>>
      %dma_wait3A_148 = tpu.memref_squeeze %dma_wait3A_147 : memref<1x128xi32, #tpu.memory_space<vmem>> -> memref<128xi32, #tpu.memory_space<vmem>>
      %dma_wait3A_149 = arith.constant 0 : i32
      %dma_wait3A_150 = arith.constant 0 : i32
      %dma_wait3A_151 = tpu.memref_slice %arg2[%dma_wait3A_149, %dma_wait3A_150] : memref<10000x16xf32, #tpu.memory_space<hbm>> -> memref<10000x16xf32, #tpu.memory_space<hbm>>
      tpu.wait_indirect_dma semaphore(%arg16 : memref<!tpu.dma_semaphore, #tpu.memory_space<semaphore_mem>>) src(%dma_wait3A_151 : memref<10000x16xf32, #tpu.memory_space<hbm>>) dst(%arg8 : memref<128x16xf32, #tpu.memory_space<vmem>>)
      %dma_start3A_152 = arith.constant 0 : i32
      %dma_start3A_153 = tpu.memref_slice %arg7[%add3A_145, %dma_start3A_152] : memref<80x128xi32, #tpu.memory_space<vmem>> -> memref<1x128xi32, #tpu.memory_space<vmem>>
      %dma_start3A_154 = tpu.memref_squeeze %dma_start3A_153 : memref<1x128xi32, #tpu.memory_space<vmem>> -> memref<128xi32, #tpu.memory_space<vmem>>
      %dma_start3A_155 = arith.constant 0 : i32
      %dma_start3A_156 = arith.constant 0 : i32
      %dma_start3A_157 = tpu.memref_slice %arg5[%dma_start3A_155, %dma_start3A_156] : memref<10008x16xf32, #tpu.memory_space<vmem_shared>> -> memref<10008x16xf32, #tpu.memory_space<vmem_shared>>
      tpu.enqueue_indirect_dma source(%arg8 : memref<128x16xf32, #tpu.memory_space<vmem>>) target(%dma_start3A_157 : memref<10008x16xf32, #tpu.memory_space<vmem_shared>>) offsets(%dma_start3A_154 : memref<128xi32, #tpu.memory_space<vmem>>) semaphore(%arg24 : memref<!tpu.dma_semaphore, #tpu.memory_space<semaphore_mem>>) {add = true}
      %add3A_158 = arith.constant 7 : i32
      %add3A_159 = arith.addi %add3A_145, %add3A_158 : i32
      %lt3A = arith.constant 80 : i32
      %lt3A_160 = arith.cmpi slt, %add3A_159, %lt3A : i32
      %convert_element_type3A = arith.extui %lt3A_160 : i1 to i32
      %cond3A = arith.constant 0 : i32
      %cond3A_161 = arith.cmpi ne, %convert_element_type3A, %cond3A : i32
      scf.if %cond3A_161 {
        %ge3A = arith.constant 8 : i32
        %ge3A_323 = arith.cmpi sge, %add3A_159, %ge3A : i32
        %convert_element_type3A_324 = arith.extui %ge3A_323 : i1 to i32
        %cond3A_325 = arith.constant 0 : i32
        %cond3A_326 = arith.cmpi ne, %convert_element_type3A_324, %cond3A_325 : i32
        scf.if %cond3A_326 {
          %sub3A = arith.constant 8 : i32
          %sub3A_333 = arith.subi %add3A_159, %sub3A : i32
          %dma_wait3A_334 = arith.constant 0 : i32
          %dma_wait3A_335 = tpu.memref_slice %arg7[%sub3A_333, %dma_wait3A_334] : memref<80x128xi32, #tpu.memory_space<vmem>> -> memref<1x128xi32, #tpu.memory_space<vmem>>
          %dma_wait3A_336 = tpu.memref_squeeze %dma_wait3A_335 : memref<1x128xi32, #tpu.memory_space<vmem>> -> memref<128xi32, #tpu.memory_space<vmem>>
          %dma_wait3A_337 = arith.constant 0 : i32
          %dma_wait3A_338 = arith.constant 0 : i32
          %dma_wait3A_339 = tpu.memref_slice %arg5[%dma_wait3A_337, %dma_wait3A_338] : memref<10008x16xf32, #tpu.memory_space<vmem_shared>> -> memref<10008x16xf32, #tpu.memory_space<vmem_shared>>
          tpu.wait_indirect_dma semaphore(%arg31 : memref<!tpu.dma_semaphore, #tpu.memory_space<semaphore_mem>>) src(%arg15 : memref<128x16xf32, #tpu.memory_space<vmem>>) dst(%dma_wait3A_339 : memref<10008x16xf32, #tpu.memory_space<vmem_shared>>)
        } else {
        }
        %dma_start3A_327 = arith.constant 0 : i32
        %dma_start3A_328 = tpu.memref_slice %arg6[%add3A_159, %dma_start3A_327] : memref<80x128xi32, #tpu.memory_space<vmem>> -> memref<1x128xi32, #tpu.memory_space<vmem>>
        %dma_start3A_329 = tpu.memref_squeeze %dma_start3A_328 : memref<1x128xi32, #tpu.memory_space<vmem>> -> memref<128xi32, #tpu.memory_space<vmem>>
        %dma_start3A_330 = arith.constant 0 : i32
        %dma_start3A_331 = arith.constant 0 : i32
        %dma_start3A_332 = tpu.memref_slice %arg2[%dma_start3A_330, %dma_start3A_331] : memref<10000x16xf32, #tpu.memory_space<hbm>> -> memref<10000x16xf32, #tpu.memory_space<hbm>>
        tpu.enqueue_indirect_dma source(%dma_start3A_332 : memref<10000x16xf32, #tpu.memory_space<hbm>>) target(%arg15 : memref<128x16xf32, #tpu.memory_space<vmem>>) offsets(%dma_start3A_329 : memref<128xi32, #tpu.memory_space<vmem>>) semaphore(%arg23 : memref<!tpu.dma_semaphore, #tpu.memory_space<semaphore_mem>>)
      } else {
      }
      %mul3A_162 = arith.constant 8 : i32
      %mul3A_163 = arith.muli %scan3A_141, %mul3A_162 : i32
      %add3A_164 = arith.constant 1 : i32
      %add3A_165 = arith.addi %mul3A_163, %add3A_164 : i32
      %dma_wait3A_166 = arith.constant 0 : i32
      %dma_wait3A_167 = tpu.memref_slice %arg6[%add3A_165, %dma_wait3A_166] : memref<80x128xi32, #tpu.memory_space<vmem>> -> memref<1x128xi32, #tpu.memory_space<vmem>>
      %dma_wait3A_168 = tpu.memref_squeeze %dma_wait3A_167 : memref<1x128xi32, #tpu.memory_space<vmem>> -> memref<128xi32, #tpu.memory_space<vmem>>
      %dma_wait3A_169 = arith.constant 0 : i32
      %dma_wait3A_170 = arith.constant 0 : i32
      %dma_wait3A_171 = tpu.memref_slice %arg2[%dma_wait3A_169, %dma_wait3A_170] : memref<10000x16xf32, #tpu.memory_space<hbm>> -> memref<10000x16xf32, #tpu.memory_space<hbm>>
      tpu.wait_indirect_dma semaphore(%arg17 : memref<!tpu.dma_semaphore, #tpu.memory_space<semaphore_mem>>) src(%dma_wait3A_171 : memref<10000x16xf32, #tpu.memory_space<hbm>>) dst(%arg9 : memref<128x16xf32, #tpu.memory_space<vmem>>)
      %dma_start3A_172 = arith.constant 0 : i32
      %dma_start3A_173 = tpu.memref_slice %arg7[%add3A_165, %dma_start3A_172] : memref<80x128xi32, #tpu.memory_space<vmem>> -> memref<1x128xi32, #tpu.memory_space<vmem>>
      %dma_start3A_174 = tpu.memref_squeeze %dma_start3A_173 : memref<1x128xi32, #tpu.memory_space<vmem>> -> memref<128xi32, #tpu.memory_space<vmem>>
      %dma_start3A_175 = arith.constant 0 : i32
      %dma_start3A_176 = arith.constant 0 : i32
      %dma_start3A_177 = tpu.memref_slice %arg5[%dma_start3A_175, %dma_start3A_176] : memref<10008x16xf32, #tpu.memory_space<vmem_shared>> -> memref<10008x16xf32, #tpu.memory_space<vmem_shared>>
      tpu.enqueue_indirect_dma source(%arg9 : memref<128x16xf32, #tpu.memory_space<vmem>>) target(%dma_start3A_177 : memref<10008x16xf32, #tpu.memory_space<vmem_shared>>) offsets(%dma_start3A_174 : memref<128xi32, #tpu.memory_space<vmem>>) semaphore(%arg25 : memref<!tpu.dma_semaphore, #tpu.memory_space<semaphore_mem>>) {add = true}
      %add3A_178 = arith.constant 7 : i32
      %add3A_179 = arith.addi %add3A_165, %add3A_178 : i32
      %lt3A_180 = arith.constant 80 : i32
      %lt3A_181 = arith.cmpi slt, %add3A_179, %lt3A_180 : i32
      %convert_element_type3A_182 = arith.extui %lt3A_181 : i1 to i32
      %cond3A_183 = arith.constant 0 : i32
      %cond3A_184 = arith.cmpi ne, %convert_element_type3A_182, %cond3A_183 : i32
      scf.if %cond3A_184 {
        %ge3A = arith.constant 8 : i32
        %ge3A_323 = arith.cmpi sge, %add3A_179, %ge3A : i32
        %convert_element_type3A_324 = arith.extui %ge3A_323 : i1 to i32
        %cond3A_325 = arith.constant 0 : i32
        %cond3A_326 = arith.cmpi ne, %convert_element_type3A_324, %cond3A_325 : i32
        scf.if %cond3A_326 {
          %sub3A = arith.constant 8 : i32
          %sub3A_333 = arith.subi %add3A_179, %sub3A : i32
          %dma_wait3A_334 = arith.constant 0 : i32
          %dma_wait3A_335 = tpu.memref_slice %arg7[%sub3A_333, %dma_wait3A_334] : memref<80x128xi32, #tpu.memory_space<vmem>> -> memref<1x128xi32, #tpu.memory_space<vmem>>
          %dma_wait3A_336 = tpu.memref_squeeze %dma_wait3A_335 : memref<1x128xi32, #tpu.memory_space<vmem>> -> memref<128xi32, #tpu.memory_space<vmem>>
          %dma_wait3A_337 = arith.constant 0 : i32
          %dma_wait3A_338 = arith.constant 0 : i32
          %dma_wait3A_339 = tpu.memref_slice %arg5[%dma_wait3A_337, %dma_wait3A_338] : memref<10008x16xf32, #tpu.memory_space<vmem_shared>> -> memref<10008x16xf32, #tpu.memory_space<vmem_shared>>
          tpu.wait_indirect_dma semaphore(%arg24 : memref<!tpu.dma_semaphore, #tpu.memory_space<semaphore_mem>>) src(%arg8 : memref<128x16xf32, #tpu.memory_space<vmem>>) dst(%dma_wait3A_339 : memref<10008x16xf32, #tpu.memory_space<vmem_shared>>)
        } else {
        }
        %dma_start3A_327 = arith.constant 0 : i32
        %dma_start3A_328 = tpu.memref_slice %arg6[%add3A_179, %dma_start3A_327] : memref<80x128xi32, #tpu.memory_space<vmem>> -> memref<1x128xi32, #tpu.memory_space<vmem>>
        %dma_start3A_329 = tpu.memref_squeeze %dma_start3A_328 : memref<1x128xi32, #tpu.memory_space<vmem>> -> memref<128xi32, #tpu.memory_space<vmem>>
        %dma_start3A_330 = arith.constant 0 : i32
        %dma_start3A_331 = arith.constant 0 : i32
        %dma_start3A_332 = tpu.memref_slice %arg2[%dma_start3A_330, %dma_start3A_331] : memref<10000x16xf32, #tpu.memory_space<hbm>> -> memref<10000x16xf32, #tpu.memory_space<hbm>>
        tpu.enqueue_indirect_dma source(%dma_start3A_332 : memref<10000x16xf32, #tpu.memory_space<hbm>>) target(%arg8 : memref<128x16xf32, #tpu.memory_space<vmem>>) offsets(%dma_start3A_329 : memref<128xi32, #tpu.memory_space<vmem>>) semaphore(%arg16 : memref<!tpu.dma_semaphore, #tpu.memory_space<semaphore_mem>>)
      } else {
      }
      %mul3A_185 = arith.constant 8 : i32
      %mul3A_186 = arith.muli %scan3A_141, %mul3A_185 : i32
      %add3A_187 = arith.constant 2 : i32
      %add3A_188 = arith.addi %mul3A_186, %add3A_187 : i32
      %dma_wait3A_189 = arith.constant 0 : i32
      %dma_wait3A_190 = tpu.memref_slice %arg6[%add3A_188, %dma_wait3A_189] : memref<80x128xi32, #tpu.memory_space<vmem>> -> memref<1x128xi32, #tpu.memory_space<vmem>>
      %dma_wait3A_191 = tpu.memref_squeeze %dma_wait3A_190 : memref<1x128xi32, #tpu.memory_space<vmem>> -> memref<128xi32, #tpu.memory_space<vmem>>
      %dma_wait3A_192 = arith.constant 0 : i32
      %dma_wait3A_193 = arith.constant 0 : i32
      %dma_wait3A_194 = tpu.memref_slice %arg2[%dma_wait3A_192, %dma_wait3A_193] : memref<10000x16xf32, #tpu.memory_space<hbm>> -> memref<10000x16xf32, #tpu.memory_space<hbm>>
      tpu.wait_indirect_dma semaphore(%arg18 : memref<!tpu.dma_semaphore, #tpu.memory_space<semaphore_mem>>) src(%dma_wait3A_194 : memref<10000x16xf32, #tpu.memory_space<hbm>>) dst(%arg10 : memref<128x16xf32, #tpu.memory_space<vmem>>)
      %dma_start3A_195 = arith.constant 0 : i32
      %dma_start3A_196 = tpu.memref_slice %arg7[%add3A_188, %dma_start3A_195] : memref<80x128xi32, #tpu.memory_space<vmem>> -> memref<1x128xi32, #tpu.memory_space<vmem>>
      %dma_start3A_197 = tpu.memref_squeeze %dma_start3A_196 : memref<1x128xi32, #tpu.memory_space<vmem>> -> memref<128xi32, #tpu.memory_space<vmem>>
      %dma_start3A_198 = arith.constant 0 : i32
      %dma_start3A_199 = arith.constant 0 : i32
      %dma_start3A_200 = tpu.memref_slice %arg5[%dma_start3A_198, %dma_start3A_199] : memref<10008x16xf32, #tpu.memory_space<vmem_shared>> -> memref<10008x16xf32, #tpu.memory_space<vmem_shared>>
      tpu.enqueue_indirect_dma source(%arg10 : memref<128x16xf32, #tpu.memory_space<vmem>>) target(%dma_start3A_200 : memref<10008x16xf32, #tpu.memory_space<vmem_shared>>) offsets(%dma_start3A_197 : memref<128xi32, #tpu.memory_space<vmem>>) semaphore(%arg26 : memref<!tpu.dma_semaphore, #tpu.memory_space<semaphore_mem>>) {add = true}
      %add3A_201 = arith.constant 7 : i32
      %add3A_202 = arith.addi %add3A_188, %add3A_201 : i32
      %lt3A_203 = arith.constant 80 : i32
      %lt3A_204 = arith.cmpi slt, %add3A_202, %lt3A_203 : i32
      %convert_element_type3A_205 = arith.extui %lt3A_204 : i1 to i32
      %cond3A_206 = arith.constant 0 : i32
      %cond3A_207 = arith.cmpi ne, %convert_element_type3A_205, %cond3A_206 : i32
      scf.if %cond3A_207 {
        %ge3A = arith.constant 8 : i32
        %ge3A_323 = arith.cmpi sge, %add3A_202, %ge3A : i32
        %convert_element_type3A_324 = arith.extui %ge3A_323 : i1 to i32
        %cond3A_325 = arith.constant 0 : i32
        %cond3A_326 = arith.cmpi ne, %convert_element_type3A_324, %cond3A_325 : i32
        scf.if %cond3A_326 {
          %sub3A = arith.constant 8 : i32
          %sub3A_333 = arith.subi %add3A_202, %sub3A : i32
          %dma_wait3A_334 = arith.constant 0 : i32
          %dma_wait3A_335 = tpu.memref_slice %arg7[%sub3A_333, %dma_wait3A_334] : memref<80x128xi32, #tpu.memory_space<vmem>> -> memref<1x128xi32, #tpu.memory_space<vmem>>
          %dma_wait3A_336 = tpu.memref_squeeze %dma_wait3A_335 : memref<1x128xi32, #tpu.memory_space<vmem>> -> memref<128xi32, #tpu.memory_space<vmem>>
          %dma_wait3A_337 = arith.constant 0 : i32
          %dma_wait3A_338 = arith.constant 0 : i32
          %dma_wait3A_339 = tpu.memref_slice %arg5[%dma_wait3A_337, %dma_wait3A_338] : memref<10008x16xf32, #tpu.memory_space<vmem_shared>> -> memref<10008x16xf32, #tpu.memory_space<vmem_shared>>
          tpu.wait_indirect_dma semaphore(%arg25 : memref<!tpu.dma_semaphore, #tpu.memory_space<semaphore_mem>>) src(%arg9 : memref<128x16xf32, #tpu.memory_space<vmem>>) dst(%dma_wait3A_339 : memref<10008x16xf32, #tpu.memory_space<vmem_shared>>)
        } else {
        }
        %dma_start3A_327 = arith.constant 0 : i32
        %dma_start3A_328 = tpu.memref_slice %arg6[%add3A_202, %dma_start3A_327] : memref<80x128xi32, #tpu.memory_space<vmem>> -> memref<1x128xi32, #tpu.memory_space<vmem>>
        %dma_start3A_329 = tpu.memref_squeeze %dma_start3A_328 : memref<1x128xi32, #tpu.memory_space<vmem>> -> memref<128xi32, #tpu.memory_space<vmem>>
        %dma_start3A_330 = arith.constant 0 : i32
        %dma_start3A_331 = arith.constant 0 : i32
        %dma_start3A_332 = tpu.memref_slice %arg2[%dma_start3A_330, %dma_start3A_331] : memref<10000x16xf32, #tpu.memory_space<hbm>> -> memref<10000x16xf32, #tpu.memory_space<hbm>>
        tpu.enqueue_indirect_dma source(%dma_start3A_332 : memref<10000x16xf32, #tpu.memory_space<hbm>>) target(%arg9 : memref<128x16xf32, #tpu.memory_space<vmem>>) offsets(%dma_start3A_329 : memref<128xi32, #tpu.memory_space<vmem>>) semaphore(%arg17 : memref<!tpu.dma_semaphore, #tpu.memory_space<semaphore_mem>>)
      } else {
      }
      %mul3A_208 = arith.constant 8 : i32
      %mul3A_209 = arith.muli %scan3A_141, %mul3A_208 : i32
      %add3A_210 = arith.constant 3 : i32
      %add3A_211 = arith.addi %mul3A_209, %add3A_210 : i32
      %dma_wait3A_212 = arith.constant 0 : i32
      %dma_wait3A_213 = tpu.memref_slice %arg6[%add3A_211, %dma_wait3A_212] : memref<80x128xi32, #tpu.memory_space<vmem>> -> memref<1x128xi32, #tpu.memory_space<vmem>>
      %dma_wait3A_214 = tpu.memref_squeeze %dma_wait3A_213 : memref<1x128xi32, #tpu.memory_space<vmem>> -> memref<128xi32, #tpu.memory_space<vmem>>
      %dma_wait3A_215 = arith.constant 0 : i32
      %dma_wait3A_216 = arith.constant 0 : i32
      %dma_wait3A_217 = tpu.memref_slice %arg2[%dma_wait3A_215, %dma_wait3A_216] : memref<10000x16xf32, #tpu.memory_space<hbm>> -> memref<10000x16xf32, #tpu.memory_space<hbm>>
      tpu.wait_indirect_dma semaphore(%arg19 : memref<!tpu.dma_semaphore, #tpu.memory_space<semaphore_mem>>) src(%dma_wait3A_217 : memref<10000x16xf32, #tpu.memory_space<hbm>>) dst(%arg11 : memref<128x16xf32, #tpu.memory_space<vmem>>)
      %dma_start3A_218 = arith.constant 0 : i32
      %dma_start3A_219 = tpu.memref_slice %arg7[%add3A_211, %dma_start3A_218] : memref<80x128xi32, #tpu.memory_space<vmem>> -> memref<1x128xi32, #tpu.memory_space<vmem>>
      %dma_start3A_220 = tpu.memref_squeeze %dma_start3A_219 : memref<1x128xi32, #tpu.memory_space<vmem>> -> memref<128xi32, #tpu.memory_space<vmem>>
      %dma_start3A_221 = arith.constant 0 : i32
      %dma_start3A_222 = arith.constant 0 : i32
      %dma_start3A_223 = tpu.memref_slice %arg5[%dma_start3A_221, %dma_start3A_222] : memref<10008x16xf32, #tpu.memory_space<vmem_shared>> -> memref<10008x16xf32, #tpu.memory_space<vmem_shared>>
      tpu.enqueue_indirect_dma source(%arg11 : memref<128x16xf32, #tpu.memory_space<vmem>>) target(%dma_start3A_223 : memref<10008x16xf32, #tpu.memory_space<vmem_shared>>) offsets(%dma_start3A_220 : memref<128xi32, #tpu.memory_space<vmem>>) semaphore(%arg27 : memref<!tpu.dma_semaphore, #tpu.memory_space<semaphore_mem>>) {add = true}
      %add3A_224 = arith.constant 7 : i32
      %add3A_225 = arith.addi %add3A_211, %add3A_224 : i32
      %lt3A_226 = arith.constant 80 : i32
      %lt3A_227 = arith.cmpi slt, %add3A_225, %lt3A_226 : i32
      %convert_element_type3A_228 = arith.extui %lt3A_227 : i1 to i32
      %cond3A_229 = arith.constant 0 : i32
      %cond3A_230 = arith.cmpi ne, %convert_element_type3A_228, %cond3A_229 : i32
      scf.if %cond3A_230 {
        %ge3A = arith.constant 8 : i32
        %ge3A_323 = arith.cmpi sge, %add3A_225, %ge3A : i32
        %convert_element_type3A_324 = arith.extui %ge3A_323 : i1 to i32
        %cond3A_325 = arith.constant 0 : i32
        %cond3A_326 = arith.cmpi ne, %convert_element_type3A_324, %cond3A_325 : i32
        scf.if %cond3A_326 {
          %sub3A = arith.constant 8 : i32
          %sub3A_333 = arith.subi %add3A_225, %sub3A : i32
          %dma_wait3A_334 = arith.constant 0 : i32
          %dma_wait3A_335 = tpu.memref_slice %arg7[%sub3A_333, %dma_wait3A_334] : memref<80x128xi32, #tpu.memory_space<vmem>> -> memref<1x128xi32, #tpu.memory_space<vmem>>
          %dma_wait3A_336 = tpu.memref_squeeze %dma_wait3A_335 : memref<1x128xi32, #tpu.memory_space<vmem>> -> memref<128xi32, #tpu.memory_space<vmem>>
          %dma_wait3A_337 = arith.constant 0 : i32
          %dma_wait3A_338 = arith.constant 0 : i32
          %dma_wait3A_339 = tpu.memref_slice %arg5[%dma_wait3A_337, %dma_wait3A_338] : memref<10008x16xf32, #tpu.memory_space<vmem_shared>> -> memref<10008x16xf32, #tpu.memory_space<vmem_shared>>
          tpu.wait_indirect_dma semaphore(%arg26 : memref<!tpu.dma_semaphore, #tpu.memory_space<semaphore_mem>>) src(%arg10 : memref<128x16xf32, #tpu.memory_space<vmem>>) dst(%dma_wait3A_339 : memref<10008x16xf32, #tpu.memory_space<vmem_shared>>)
        } else {
        }
        %dma_start3A_327 = arith.constant 0 : i32
        %dma_start3A_328 = tpu.memref_slice %arg6[%add3A_225, %dma_start3A_327] : memref<80x128xi32, #tpu.memory_space<vmem>> -> memref<1x128xi32, #tpu.memory_space<vmem>>
        %dma_start3A_329 = tpu.memref_squeeze %dma_start3A_328 : memref<1x128xi32, #tpu.memory_space<vmem>> -> memref<128xi32, #tpu.memory_space<vmem>>
        %dma_start3A_330 = arith.constant 0 : i32
        %dma_start3A_331 = arith.constant 0 : i32
        %dma_start3A_332 = tpu.memref_slice %arg2[%dma_start3A_330, %dma_start3A_331] : memref<10000x16xf32, #tpu.memory_space<hbm>> -> memref<10000x16xf32, #tpu.memory_space<hbm>>
        tpu.enqueue_indirect_dma source(%dma_start3A_332 : memref<10000x16xf32, #tpu.memory_space<hbm>>) target(%arg10 : memref<128x16xf32, #tpu.memory_space<vmem>>) offsets(%dma_start3A_329 : memref<128xi32, #tpu.memory_space<vmem>>) semaphore(%arg18 : memref<!tpu.dma_semaphore, #tpu.memory_space<semaphore_mem>>)
      } else {
      }
      %mul3A_231 = arith.constant 8 : i32
      %mul3A_232 = arith.muli %scan3A_141, %mul3A_231 : i32
      %add3A_233 = arith.constant 4 : i32
      %add3A_234 = arith.addi %mul3A_232, %add3A_233 : i32
      %dma_wait3A_235 = arith.constant 0 : i32
      %dma_wait3A_236 = tpu.memref_slice %arg6[%add3A_234, %dma_wait3A_235] : memref<80x128xi32, #tpu.memory_space<vmem>> -> memref<1x128xi32, #tpu.memory_space<vmem>>
      %dma_wait3A_237 = tpu.memref_squeeze %dma_wait3A_236 : memref<1x128xi32, #tpu.memory_space<vmem>> -> memref<128xi32, #tpu.memory_space<vmem>>
      %dma_wait3A_238 = arith.constant 0 : i32
      %dma_wait3A_239 = arith.constant 0 : i32
      %dma_wait3A_240 = tpu.memref_slice %arg2[%dma_wait3A_238, %dma_wait3A_239] : memref<10000x16xf32, #tpu.memory_space<hbm>> -> memref<10000x16xf32, #tpu.memory_space<hbm>>
      tpu.wait_indirect_dma semaphore(%arg20 : memref<!tpu.dma_semaphore, #tpu.memory_space<semaphore_mem>>) src(%dma_wait3A_240 : memref<10000x16xf32, #tpu.memory_space<hbm>>) dst(%arg12 : memref<128x16xf32, #tpu.memory_space<vmem>>)
      %dma_start3A_241 = arith.constant 0 : i32
      %dma_start3A_242 = tpu.memref_slice %arg7[%add3A_234, %dma_start3A_241] : memref<80x128xi32, #tpu.memory_space<vmem>> -> memref<1x128xi32, #tpu.memory_space<vmem>>
      %dma_start3A_243 = tpu.memref_squeeze %dma_start3A_242 : memref<1x128xi32, #tpu.memory_space<vmem>> -> memref<128xi32, #tpu.memory_space<vmem>>
      %dma_start3A_244 = arith.constant 0 : i32
      %dma_start3A_245 = arith.constant 0 : i32
      %dma_start3A_246 = tpu.memref_slice %arg5[%dma_start3A_244, %dma_start3A_245] : memref<10008x16xf32, #tpu.memory_space<vmem_shared>> -> memref<10008x16xf32, #tpu.memory_space<vmem_shared>>
      tpu.enqueue_indirect_dma source(%arg12 : memref<128x16xf32, #tpu.memory_space<vmem>>) target(%dma_start3A_246 : memref<10008x16xf32, #tpu.memory_space<vmem_shared>>) offsets(%dma_start3A_243 : memref<128xi32, #tpu.memory_space<vmem>>) semaphore(%arg28 : memref<!tpu.dma_semaphore, #tpu.memory_space<semaphore_mem>>) {add = true}
      %add3A_247 = arith.constant 7 : i32
      %add3A_248 = arith.addi %add3A_234, %add3A_247 : i32
      %lt3A_249 = arith.constant 80 : i32
      %lt3A_250 = arith.cmpi slt, %add3A_248, %lt3A_249 : i32
      %convert_element_type3A_251 = arith.extui %lt3A_250 : i1 to i32
      %cond3A_252 = arith.constant 0 : i32
      %cond3A_253 = arith.cmpi ne, %convert_element_type3A_251, %cond3A_252 : i32
      scf.if %cond3A_253 {
        %ge3A = arith.constant 8 : i32
        %ge3A_323 = arith.cmpi sge, %add3A_248, %ge3A : i32
        %convert_element_type3A_324 = arith.extui %ge3A_323 : i1 to i32
        %cond3A_325 = arith.constant 0 : i32
        %cond3A_326 = arith.cmpi ne, %convert_element_type3A_324, %cond3A_325 : i32
        scf.if %cond3A_326 {
          %sub3A = arith.constant 8 : i32
          %sub3A_333 = arith.subi %add3A_248, %sub3A : i32
          %dma_wait3A_334 = arith.constant 0 : i32
          %dma_wait3A_335 = tpu.memref_slice %arg7[%sub3A_333, %dma_wait3A_334] : memref<80x128xi32, #tpu.memory_space<vmem>> -> memref<1x128xi32, #tpu.memory_space<vmem>>
          %dma_wait3A_336 = tpu.memref_squeeze %dma_wait3A_335 : memref<1x128xi32, #tpu.memory_space<vmem>> -> memref<128xi32, #tpu.memory_space<vmem>>
          %dma_wait3A_337 = arith.constant 0 : i32
          %dma_wait3A_338 = arith.constant 0 : i32
          %dma_wait3A_339 = tpu.memref_slice %arg5[%dma_wait3A_337, %dma_wait3A_338] : memref<10008x16xf32, #tpu.memory_space<vmem_shared>> -> memref<10008x16xf32, #tpu.memory_space<vmem_shared>>
          tpu.wait_indirect_dma semaphore(%arg27 : memref<!tpu.dma_semaphore, #tpu.memory_space<semaphore_mem>>) src(%arg11 : memref<128x16xf32, #tpu.memory_space<vmem>>) dst(%dma_wait3A_339 : memref<10008x16xf32, #tpu.memory_space<vmem_shared>>)
        } else {
        }
        %dma_start3A_327 = arith.constant 0 : i32
        %dma_start3A_328 = tpu.memref_slice %arg6[%add3A_248, %dma_start3A_327] : memref<80x128xi32, #tpu.memory_space<vmem>> -> memref<1x128xi32, #tpu.memory_space<vmem>>
        %dma_start3A_329 = tpu.memref_squeeze %dma_start3A_328 : memref<1x128xi32, #tpu.memory_space<vmem>> -> memref<128xi32, #tpu.memory_space<vmem>>
        %dma_start3A_330 = arith.constant 0 : i32
        %dma_start3A_331 = arith.constant 0 : i32
        %dma_start3A_332 = tpu.memref_slice %arg2[%dma_start3A_330, %dma_start3A_331] : memref<10000x16xf32, #tpu.memory_space<hbm>> -> memref<10000x16xf32, #tpu.memory_space<hbm>>
        tpu.enqueue_indirect_dma source(%dma_start3A_332 : memref<10000x16xf32, #tpu.memory_space<hbm>>) target(%arg11 : memref<128x16xf32, #tpu.memory_space<vmem>>) offsets(%dma_start3A_329 : memref<128xi32, #tpu.memory_space<vmem>>) semaphore(%arg19 : memref<!tpu.dma_semaphore, #tpu.memory_space<semaphore_mem>>)
      } else {
      }
      %mul3A_254 = arith.constant 8 : i32
      %mul3A_255 = arith.muli %scan3A_141, %mul3A_254 : i32
      %add3A_256 = arith.constant 5 : i32
      %add3A_257 = arith.addi %mul3A_255, %add3A_256 : i32
      %dma_wait3A_258 = arith.constant 0 : i32
      %dma_wait3A_259 = tpu.memref_slice %arg6[%add3A_257, %dma_wait3A_258] : memref<80x128xi32, #tpu.memory_space<vmem>> -> memref<1x128xi32, #tpu.memory_space<vmem>>
      %dma_wait3A_260 = tpu.memref_squeeze %dma_wait3A_259 : memref<1x128xi32, #tpu.memory_space<vmem>> -> memref<128xi32, #tpu.memory_space<vmem>>
      %dma_wait3A_261 = arith.constant 0 : i32
      %dma_wait3A_262 = arith.constant 0 : i32
      %dma_wait3A_263 = tpu.memref_slice %arg2[%dma_wait3A_261, %dma_wait3A_262] : memref<10000x16xf32, #tpu.memory_space<hbm>> -> memref<10000x16xf32, #tpu.memory_space<hbm>>
      tpu.wait_indirect_dma semaphore(%arg21 : memref<!tpu.dma_semaphore, #tpu.memory_space<semaphore_mem>>) src(%dma_wait3A_263 : memref<10000x16xf32, #tpu.memory_space<hbm>>) dst(%arg13 : memref<128x16xf32, #tpu.memory_space<vmem>>)
      %dma_start3A_264 = arith.constant 0 : i32
      %dma_start3A_265 = tpu.memref_slice %arg7[%add3A_257, %dma_start3A_264] : memref<80x128xi32, #tpu.memory_space<vmem>> -> memref<1x128xi32, #tpu.memory_space<vmem>>
      %dma_start3A_266 = tpu.memref_squeeze %dma_start3A_265 : memref<1x128xi32, #tpu.memory_space<vmem>> -> memref<128xi32, #tpu.memory_space<vmem>>
      %dma_start3A_267 = arith.constant 0 : i32
      %dma_start3A_268 = arith.constant 0 : i32
      %dma_start3A_269 = tpu.memref_slice %arg5[%dma_start3A_267, %dma_start3A_268] : memref<10008x16xf32, #tpu.memory_space<vmem_shared>> -> memref<10008x16xf32, #tpu.memory_space<vmem_shared>>
      tpu.enqueue_indirect_dma source(%arg13 : memref<128x16xf32, #tpu.memory_space<vmem>>) target(%dma_start3A_269 : memref<10008x16xf32, #tpu.memory_space<vmem_shared>>) offsets(%dma_start3A_266 : memref<128xi32, #tpu.memory_space<vmem>>) semaphore(%arg29 : memref<!tpu.dma_semaphore, #tpu.memory_space<semaphore_mem>>) {add = true}
      %add3A_270 = arith.constant 7 : i32
      %add3A_271 = arith.addi %add3A_257, %add3A_270 : i32
      %lt3A_272 = arith.constant 80 : i32
      %lt3A_273 = arith.cmpi slt, %add3A_271, %lt3A_272 : i32
      %convert_element_type3A_274 = arith.extui %lt3A_273 : i1 to i32
      %cond3A_275 = arith.constant 0 : i32
      %cond3A_276 = arith.cmpi ne, %convert_element_type3A_274, %cond3A_275 : i32
      scf.if %cond3A_276 {
        %ge3A = arith.constant 8 : i32
        %ge3A_323 = arith.cmpi sge, %add3A_271, %ge3A : i32
        %convert_element_type3A_324 = arith.extui %ge3A_323 : i1 to i32
        %cond3A_325 = arith.constant 0 : i32
        %cond3A_326 = arith.cmpi ne, %convert_element_type3A_324, %cond3A_325 : i32
        scf.if %cond3A_326 {
          %sub3A = arith.constant 8 : i32
          %sub3A_333 = arith.subi %add3A_271, %sub3A : i32
          %dma_wait3A_334 = arith.constant 0 : i32
          %dma_wait3A_335 = tpu.memref_slice %arg7[%sub3A_333, %dma_wait3A_334] : memref<80x128xi32, #tpu.memory_space<vmem>> -> memref<1x128xi32, #tpu.memory_space<vmem>>
          %dma_wait3A_336 = tpu.memref_squeeze %dma_wait3A_335 : memref<1x128xi32, #tpu.memory_space<vmem>> -> memref<128xi32, #tpu.memory_space<vmem>>
          %dma_wait3A_337 = arith.constant 0 : i32
          %dma_wait3A_338 = arith.constant 0 : i32
          %dma_wait3A_339 = tpu.memref_slice %arg5[%dma_wait3A_337, %dma_wait3A_338] : memref<10008x16xf32, #tpu.memory_space<vmem_shared>> -> memref<10008x16xf32, #tpu.memory_space<vmem_shared>>
          tpu.wait_indirect_dma semaphore(%arg28 : memref<!tpu.dma_semaphore, #tpu.memory_space<semaphore_mem>>) src(%arg12 : memref<128x16xf32, #tpu.memory_space<vmem>>) dst(%dma_wait3A_339 : memref<10008x16xf32, #tpu.memory_space<vmem_shared>>)
        } else {
        }
        %dma_start3A_327 = arith.constant 0 : i32
        %dma_start3A_328 = tpu.memref_slice %arg6[%add3A_271, %dma_start3A_327] : memref<80x128xi32, #tpu.memory_space<vmem>> -> memref<1x128xi32, #tpu.memory_space<vmem>>
        %dma_start3A_329 = tpu.memref_squeeze %dma_start3A_328 : memref<1x128xi32, #tpu.memory_space<vmem>> -> memref<128xi32, #tpu.memory_space<vmem>>
        %dma_start3A_330 = arith.constant 0 : i32
        %dma_start3A_331 = arith.constant 0 : i32
        %dma_start3A_332 = tpu.memref_slice %arg2[%dma_start3A_330, %dma_start3A_331] : memref<10000x16xf32, #tpu.memory_space<hbm>> -> memref<10000x16xf32, #tpu.memory_space<hbm>>
        tpu.enqueue_indirect_dma source(%dma_start3A_332 : memref<10000x16xf32, #tpu.memory_space<hbm>>) target(%arg12 : memref<128x16xf32, #tpu.memory_space<vmem>>) offsets(%dma_start3A_329 : memref<128xi32, #tpu.memory_space<vmem>>) semaphore(%arg20 : memref<!tpu.dma_semaphore, #tpu.memory_space<semaphore_mem>>)
      } else {
      }
      %mul3A_277 = arith.constant 8 : i32
      %mul3A_278 = arith.muli %scan3A_141, %mul3A_277 : i32
      %add3A_279 = arith.constant 6 : i32
      %add3A_280 = arith.addi %mul3A_278, %add3A_279 : i32
      %dma_wait3A_281 = arith.constant 0 : i32
      %dma_wait3A_282 = tpu.memref_slice %arg6[%add3A_280, %dma_wait3A_281] : memref<80x128xi32, #tpu.memory_space<vmem>> -> memref<1x128xi32, #tpu.memory_space<vmem>>
      %dma_wait3A_283 = tpu.memref_squeeze %dma_wait3A_282 : memref<1x128xi32, #tpu.memory_space<vmem>> -> memref<128xi32, #tpu.memory_space<vmem>>
      %dma_wait3A_284 = arith.constant 0 : i32
      %dma_wait3A_285 = arith.constant 0 : i32
      %dma_wait3A_286 = tpu.memref_slice %arg2[%dma_wait3A_284, %dma_wait3A_285] : memref<10000x16xf32, #tpu.memory_space<hbm>> -> memref<10000x16xf32, #tpu.memory_space<hbm>>
      tpu.wait_indirect_dma semaphore(%arg22 : memref<!tpu.dma_semaphore, #tpu.memory_space<semaphore_mem>>) src(%dma_wait3A_286 : memref<10000x16xf32, #tpu.memory_space<hbm>>) dst(%arg14 : memref<128x16xf32, #tpu.memory_space<vmem>>)
      %dma_start3A_287 = arith.constant 0 : i32
      %dma_start3A_288 = tpu.memref_slice %arg7[%add3A_280, %dma_start3A_287] : memref<80x128xi32, #tpu.memory_space<vmem>> -> memref<1x128xi32, #tpu.memory_space<vmem>>
      %dma_start3A_289 = tpu.memref_squeeze %dma_start3A_288 : memref<1x128xi32, #tpu.memory_space<vmem>> -> memref<128xi32, #tpu.memory_space<vmem>>
      %dma_start3A_290 = arith.constant 0 : i32
      %dma_start3A_291 = arith.constant 0 : i32
      %dma_start3A_292 = tpu.memref_slice %arg5[%dma_start3A_290, %dma_start3A_291] : memref<10008x16xf32, #tpu.memory_space<vmem_shared>> -> memref<10008x16xf32, #tpu.memory_space<vmem_shared>>
      tpu.enqueue_indirect_dma source(%arg14 : memref<128x16xf32, #tpu.memory_space<vmem>>) target(%dma_start3A_292 : memref<10008x16xf32, #tpu.memory_space<vmem_shared>>) offsets(%dma_start3A_289 : memref<128xi32, #tpu.memory_space<vmem>>) semaphore(%arg30 : memref<!tpu.dma_semaphore, #tpu.memory_space<semaphore_mem>>) {add = true}
      %add3A_293 = arith.constant 7 : i32
      %add3A_294 = arith.addi %add3A_280, %add3A_293 : i32
      %lt3A_295 = arith.constant 80 : i32
      %lt3A_296 = arith.cmpi slt, %add3A_294, %lt3A_295 : i32
      %convert_element_type3A_297 = arith.extui %lt3A_296 : i1 to i32
      %cond3A_298 = arith.constant 0 : i32
      %cond3A_299 = arith.cmpi ne, %convert_element_type3A_297, %cond3A_298 : i32
      scf.if %cond3A_299 {
        %ge3A = arith.constant 8 : i32
        %ge3A_323 = arith.cmpi sge, %add3A_294, %ge3A : i32
        %convert_element_type3A_324 = arith.extui %ge3A_323 : i1 to i32
        %cond3A_325 = arith.constant 0 : i32
        %cond3A_326 = arith.cmpi ne, %convert_element_type3A_324, %cond3A_325 : i32
        scf.if %cond3A_326 {
          %sub3A = arith.constant 8 : i32
          %sub3A_333 = arith.subi %add3A_294, %sub3A : i32
          %dma_wait3A_334 = arith.constant 0 : i32
          %dma_wait3A_335 = tpu.memref_slice %arg7[%sub3A_333, %dma_wait3A_334] : memref<80x128xi32, #tpu.memory_space<vmem>> -> memref<1x128xi32, #tpu.memory_space<vmem>>
          %dma_wait3A_336 = tpu.memref_squeeze %dma_wait3A_335 : memref<1x128xi32, #tpu.memory_space<vmem>> -> memref<128xi32, #tpu.memory_space<vmem>>
          %dma_wait3A_337 = arith.constant 0 : i32
          %dma_wait3A_338 = arith.constant 0 : i32
          %dma_wait3A_339 = tpu.memref_slice %arg5[%dma_wait3A_337, %dma_wait3A_338] : memref<10008x16xf32, #tpu.memory_space<vmem_shared>> -> memref<10008x16xf32, #tpu.memory_space<vmem_shared>>
          tpu.wait_indirect_dma semaphore(%arg29 : memref<!tpu.dma_semaphore, #tpu.memory_space<semaphore_mem>>) src(%arg13 : memref<128x16xf32, #tpu.memory_space<vmem>>) dst(%dma_wait3A_339 : memref<10008x16xf32, #tpu.memory_space<vmem_shared>>)
        } else {
        }
        %dma_start3A_327 = arith.constant 0 : i32
        %dma_start3A_328 = tpu.memref_slice %arg6[%add3A_294, %dma_start3A_327] : memref<80x128xi32, #tpu.memory_space<vmem>> -> memref<1x128xi32, #tpu.memory_space<vmem>>
        %dma_start3A_329 = tpu.memref_squeeze %dma_start3A_328 : memref<1x128xi32, #tpu.memory_space<vmem>> -> memref<128xi32, #tpu.memory_space<vmem>>
        %dma_start3A_330 = arith.constant 0 : i32
        %dma_start3A_331 = arith.constant 0 : i32
        %dma_start3A_332 = tpu.memref_slice %arg2[%dma_start3A_330, %dma_start3A_331] : memref<10000x16xf32, #tpu.memory_space<hbm>> -> memref<10000x16xf32, #tpu.memory_space<hbm>>
        tpu.enqueue_indirect_dma source(%dma_start3A_332 : memref<10000x16xf32, #tpu.memory_space<hbm>>) target(%arg13 : memref<128x16xf32, #tpu.memory_space<vmem>>) offsets(%dma_start3A_329 : memref<128xi32, #tpu.memory_space<vmem>>) semaphore(%arg21 : memref<!tpu.dma_semaphore, #tpu.memory_space<semaphore_mem>>)
      } else {
      }
      %mul3A_300 = arith.constant 8 : i32
      %mul3A_301 = arith.muli %scan3A_141, %mul3A_300 : i32
      %add3A_302 = arith.constant 7 : i32
      %add3A_303 = arith.addi %mul3A_301, %add3A_302 : i32
      %dma_wait3A_304 = arith.constant 0 : i32
      %dma_wait3A_305 = tpu.memref_slice %arg6[%add3A_303, %dma_wait3A_304] : memref<80x128xi32, #tpu.memory_space<vmem>> -> memref<1x128xi32, #tpu.memory_space<vmem>>
      %dma_wait3A_306 = tpu.memref_squeeze %dma_wait3A_305 : memref<1x128xi32, #tpu.memory_space<vmem>> -> memref<128xi32, #tpu.memory_space<vmem>>
      %dma_wait3A_307 = arith.constant 0 : i32
      %dma_wait3A_308 = arith.constant 0 : i32
      %dma_wait3A_309 = tpu.memref_slice %arg2[%dma_wait3A_307, %dma_wait3A_308] : memref<10000x16xf32, #tpu.memory_space<hbm>> -> memref<10000x16xf32, #tpu.memory_space<hbm>>
      tpu.wait_indirect_dma semaphore(%arg23 : memref<!tpu.dma_semaphore, #tpu.memory_space<semaphore_mem>>) src(%dma_wait3A_309 : memref<10000x16xf32, #tpu.memory_space<hbm>>) dst(%arg15 : memref<128x16xf32, #tpu.memory_space<vmem>>)
      %dma_start3A_310 = arith.constant 0 : i32
      %dma_start3A_311 = tpu.memref_slice %arg7[%add3A_303, %dma_start3A_310] : memref<80x128xi32, #tpu.memory_space<vmem>> -> memref<1x128xi32, #tpu.memory_space<vmem>>
      %dma_start3A_312 = tpu.memref_squeeze %dma_start3A_311 : memref<1x128xi32, #tpu.memory_space<vmem>> -> memref<128xi32, #tpu.memory_space<vmem>>
      %dma_start3A_313 = arith.constant 0 : i32
      %dma_start3A_314 = arith.constant 0 : i32
      %dma_start3A_315 = tpu.memref_slice %arg5[%dma_start3A_313, %dma_start3A_314] : memref<10008x16xf32, #tpu.memory_space<vmem_shared>> -> memref<10008x16xf32, #tpu.memory_space<vmem_shared>>
      tpu.enqueue_indirect_dma source(%arg15 : memref<128x16xf32, #tpu.memory_space<vmem>>) target(%dma_start3A_315 : memref<10008x16xf32, #tpu.memory_space<vmem_shared>>) offsets(%dma_start3A_312 : memref<128xi32, #tpu.memory_space<vmem>>) semaphore(%arg31 : memref<!tpu.dma_semaphore, #tpu.memory_space<semaphore_mem>>) {add = true}
      %add3A_316 = arith.constant 7 : i32
      %add3A_317 = arith.addi %add3A_303, %add3A_316 : i32
      %lt3A_318 = arith.constant 80 : i32
      %lt3A_319 = arith.cmpi slt, %add3A_317, %lt3A_318 : i32
      %convert_element_type3A_320 = arith.extui %lt3A_319 : i1 to i32
      %cond3A_321 = arith.constant 0 : i32
      %cond3A_322 = arith.cmpi ne, %convert_element_type3A_320, %cond3A_321 : i32
      scf.if %cond3A_322 {
        %ge3A = arith.constant 8 : i32
        %ge3A_323 = arith.cmpi sge, %add3A_317, %ge3A : i32
        %convert_element_type3A_324 = arith.extui %ge3A_323 : i1 to i32
        %cond3A_325 = arith.constant 0 : i32
        %cond3A_326 = arith.cmpi ne, %convert_element_type3A_324, %cond3A_325 : i32
        scf.if %cond3A_326 {
          %sub3A = arith.constant 8 : i32
          %sub3A_333 = arith.subi %add3A_317, %sub3A : i32
          %dma_wait3A_334 = arith.constant 0 : i32
          %dma_wait3A_335 = tpu.memref_slice %arg7[%sub3A_333, %dma_wait3A_334] : memref<80x128xi32, #tpu.memory_space<vmem>> -> memref<1x128xi32, #tpu.memory_space<vmem>>
          %dma_wait3A_336 = tpu.memref_squeeze %dma_wait3A_335 : memref<1x128xi32, #tpu.memory_space<vmem>> -> memref<128xi32, #tpu.memory_space<vmem>>
          %dma_wait3A_337 = arith.constant 0 : i32
          %dma_wait3A_338 = arith.constant 0 : i32
          %dma_wait3A_339 = tpu.memref_slice %arg5[%dma_wait3A_337, %dma_wait3A_338] : memref<10008x16xf32, #tpu.memory_space<vmem_shared>> -> memref<10008x16xf32, #tpu.memory_space<vmem_shared>>
          tpu.wait_indirect_dma semaphore(%arg30 : memref<!tpu.dma_semaphore, #tpu.memory_space<semaphore_mem>>) src(%arg14 : memref<128x16xf32, #tpu.memory_space<vmem>>) dst(%dma_wait3A_339 : memref<10008x16xf32, #tpu.memory_space<vmem_shared>>)
        } else {
        }
        %dma_start3A_327 = arith.constant 0 : i32
        %dma_start3A_328 = tpu.memref_slice %arg6[%add3A_317, %dma_start3A_327] : memref<80x128xi32, #tpu.memory_space<vmem>> -> memref<1x128xi32, #tpu.memory_space<vmem>>
        %dma_start3A_329 = tpu.memref_squeeze %dma_start3A_328 : memref<1x128xi32, #tpu.memory_space<vmem>> -> memref<128xi32, #tpu.memory_space<vmem>>
        %dma_start3A_330 = arith.constant 0 : i32
        %dma_start3A_331 = arith.constant 0 : i32
        %dma_start3A_332 = tpu.memref_slice %arg2[%dma_start3A_330, %dma_start3A_331] : memref<10000x16xf32, #tpu.memory_space<hbm>> -> memref<10000x16xf32, #tpu.memory_space<hbm>>
        tpu.enqueue_indirect_dma source(%dma_start3A_332 : memref<10000x16xf32, #tpu.memory_space<hbm>>) target(%arg14 : memref<128x16xf32, #tpu.memory_space<vmem>>) offsets(%dma_start3A_329 : memref<128xi32, #tpu.memory_space<vmem>>) semaphore(%arg22 : memref<!tpu.dma_semaphore, #tpu.memory_space<semaphore_mem>>)
      } else {
      }
    }
    %scan3A_72 = arith.constant 10 : i32
    %dma_wait3A = arith.constant 72 : i32
    %dma_wait3A_73 = arith.constant 0 : i32
    %dma_wait3A_74 = tpu.memref_slice %arg7[%dma_wait3A, %dma_wait3A_73] : memref<80x128xi32, #tpu.memory_space<vmem>> -> memref<1x128xi32, #tpu.memory_space<vmem>>
    %dma_wait3A_75 = tpu.memref_squeeze %dma_wait3A_74 : memref<1x128xi32, #tpu.memory_space<vmem>> -> memref<128xi32, #tpu.memory_space<vmem>>
    %dma_wait3A_76 = arith.constant 0 : i32
    %dma_wait3A_77 = arith.constant 0 : i32
    %dma_wait3A_78 = tpu.memref_slice %arg5[%dma_wait3A_76, %dma_wait3A_77] : memref<10008x16xf32, #tpu.memory_space<vmem_shared>> -> memref<10008x16xf32, #tpu.memory_space<vmem_shared>>
    tpu.wait_indirect_dma semaphore(%arg24 : memref<!tpu.dma_semaphore, #tpu.memory_space<semaphore_mem>>) src(%arg8 : memref<128x16xf32, #tpu.memory_space<vmem>>) dst(%dma_wait3A_78 : memref<10008x16xf32, #tpu.memory_space<vmem_shared>>)
    %dma_wait3A_79 = arith.constant 73 : i32
    %dma_wait3A_80 = arith.constant 0 : i32
    %dma_wait3A_81 = tpu.memref_slice %arg7[%dma_wait3A_79, %dma_wait3A_80] : memref<80x128xi32, #tpu.memory_space<vmem>> -> memref<1x128xi32, #tpu.memory_space<vmem>>
    %dma_wait3A_82 = tpu.memref_squeeze %dma_wait3A_81 : memref<1x128xi32, #tpu.memory_space<vmem>> -> memref<128xi32, #tpu.memory_space<vmem>>
    %dma_wait3A_83 = arith.constant 0 : i32
    %dma_wait3A_84 = arith.constant 0 : i32
    %dma_wait3A_85 = tpu.memref_slice %arg5[%dma_wait3A_83, %dma_wait3A_84] : memref<10008x16xf32, #tpu.memory_space<vmem_shared>> -> memref<10008x16xf32, #tpu.memory_space<vmem_shared>>
    tpu.wait_indirect_dma semaphore(%arg25 : memref<!tpu.dma_semaphore, #tpu.memory_space<semaphore_mem>>) src(%arg9 : memref<128x16xf32, #tpu.memory_space<vmem>>) dst(%dma_wait3A_85 : memref<10008x16xf32, #tpu.memory_space<vmem_shared>>)
    %dma_wait3A_86 = arith.constant 74 : i32
    %dma_wait3A_87 = arith.constant 0 : i32
    %dma_wait3A_88 = tpu.memref_slice %arg7[%dma_wait3A_86, %dma_wait3A_87] : memref<80x128xi32, #tpu.memory_space<vmem>> -> memref<1x128xi32, #tpu.memory_space<vmem>>
    %dma_wait3A_89 = tpu.memref_squeeze %dma_wait3A_88 : memref<1x128xi32, #tpu.memory_space<vmem>> -> memref<128xi32, #tpu.memory_space<vmem>>
    %dma_wait3A_90 = arith.constant 0 : i32
    %dma_wait3A_91 = arith.constant 0 : i32
    %dma_wait3A_92 = tpu.memref_slice %arg5[%dma_wait3A_90, %dma_wait3A_91] : memref<10008x16xf32, #tpu.memory_space<vmem_shared>> -> memref<10008x16xf32, #tpu.memory_space<vmem_shared>>
    tpu.wait_indirect_dma semaphore(%arg26 : memref<!tpu.dma_semaphore, #tpu.memory_space<semaphore_mem>>) src(%arg10 : memref<128x16xf32, #tpu.memory_space<vmem>>) dst(%dma_wait3A_92 : memref<10008x16xf32, #tpu.memory_space<vmem_shared>>)
    %dma_wait3A_93 = arith.constant 75 : i32
    %dma_wait3A_94 = arith.constant 0 : i32
    %dma_wait3A_95 = tpu.memref_slice %arg7[%dma_wait3A_93, %dma_wait3A_94] : memref<80x128xi32, #tpu.memory_space<vmem>> -> memref<1x128xi32, #tpu.memory_space<vmem>>
    %dma_wait3A_96 = tpu.memref_squeeze %dma_wait3A_95 : memref<1x128xi32, #tpu.memory_space<vmem>> -> memref<128xi32, #tpu.memory_space<vmem>>
    %dma_wait3A_97 = arith.constant 0 : i32
    %dma_wait3A_98 = arith.constant 0 : i32
    %dma_wait3A_99 = tpu.memref_slice %arg5[%dma_wait3A_97, %dma_wait3A_98] : memref<10008x16xf32, #tpu.memory_space<vmem_shared>> -> memref<10008x16xf32, #tpu.memory_space<vmem_shared>>
    tpu.wait_indirect_dma semaphore(%arg27 : memref<!tpu.dma_semaphore, #tpu.memory_space<semaphore_mem>>) src(%arg11 : memref<128x16xf32, #tpu.memory_space<vmem>>) dst(%dma_wait3A_99 : memref<10008x16xf32, #tpu.memory_space<vmem_shared>>)
    %dma_wait3A_100 = arith.constant 76 : i32
    %dma_wait3A_101 = arith.constant 0 : i32
    %dma_wait3A_102 = tpu.memref_slice %arg7[%dma_wait3A_100, %dma_wait3A_101] : memref<80x128xi32, #tpu.memory_space<vmem>> -> memref<1x128xi32, #tpu.memory_space<vmem>>
    %dma_wait3A_103 = tpu.memref_squeeze %dma_wait3A_102 : memref<1x128xi32, #tpu.memory_space<vmem>> -> memref<128xi32, #tpu.memory_space<vmem>>
    %dma_wait3A_104 = arith.constant 0 : i32
    %dma_wait3A_105 = arith.constant 0 : i32
    %dma_wait3A_106 = tpu.memref_slice %arg5[%dma_wait3A_104, %dma_wait3A_105] : memref<10008x16xf32, #tpu.memory_space<vmem_shared>> -> memref<10008x16xf32, #tpu.memory_space<vmem_shared>>
    tpu.wait_indirect_dma semaphore(%arg28 : memref<!tpu.dma_semaphore, #tpu.memory_space<semaphore_mem>>) src(%arg12 : memref<128x16xf32, #tpu.memory_space<vmem>>) dst(%dma_wait3A_106 : memref<10008x16xf32, #tpu.memory_space<vmem_shared>>)
    %dma_wait3A_107 = arith.constant 77 : i32
    %dma_wait3A_108 = arith.constant 0 : i32
    %dma_wait3A_109 = tpu.memref_slice %arg7[%dma_wait3A_107, %dma_wait3A_108] : memref<80x128xi32, #tpu.memory_space<vmem>> -> memref<1x128xi32, #tpu.memory_space<vmem>>
    %dma_wait3A_110 = tpu.memref_squeeze %dma_wait3A_109 : memref<1x128xi32, #tpu.memory_space<vmem>> -> memref<128xi32, #tpu.memory_space<vmem>>
    %dma_wait3A_111 = arith.constant 0 : i32
    %dma_wait3A_112 = arith.constant 0 : i32
    %dma_wait3A_113 = tpu.memref_slice %arg5[%dma_wait3A_111, %dma_wait3A_112] : memref<10008x16xf32, #tpu.memory_space<vmem_shared>> -> memref<10008x16xf32, #tpu.memory_space<vmem_shared>>
    tpu.wait_indirect_dma semaphore(%arg29 : memref<!tpu.dma_semaphore, #tpu.memory_space<semaphore_mem>>) src(%arg13 : memref<128x16xf32, #tpu.memory_space<vmem>>) dst(%dma_wait3A_113 : memref<10008x16xf32, #tpu.memory_space<vmem_shared>>)
    %dma_wait3A_114 = arith.constant 78 : i32
    %dma_wait3A_115 = arith.constant 0 : i32
    %dma_wait3A_116 = tpu.memref_slice %arg7[%dma_wait3A_114, %dma_wait3A_115] : memref<80x128xi32, #tpu.memory_space<vmem>> -> memref<1x128xi32, #tpu.memory_space<vmem>>
    %dma_wait3A_117 = tpu.memref_squeeze %dma_wait3A_116 : memref<1x128xi32, #tpu.memory_space<vmem>> -> memref<128xi32, #tpu.memory_space<vmem>>
    %dma_wait3A_118 = arith.constant 0 : i32
    %dma_wait3A_119 = arith.constant 0 : i32
    %dma_wait3A_120 = tpu.memref_slice %arg5[%dma_wait3A_118, %dma_wait3A_119] : memref<10008x16xf32, #tpu.memory_space<vmem_shared>> -> memref<10008x16xf32, #tpu.memory_space<vmem_shared>>
    tpu.wait_indirect_dma semaphore(%arg30 : memref<!tpu.dma_semaphore, #tpu.memory_space<semaphore_mem>>) src(%arg14 : memref<128x16xf32, #tpu.memory_space<vmem>>) dst(%dma_wait3A_120 : memref<10008x16xf32, #tpu.memory_space<vmem_shared>>)
    %dma_wait3A_121 = arith.constant 79 : i32
    %dma_wait3A_122 = arith.constant 0 : i32
    %dma_wait3A_123 = tpu.memref_slice %arg7[%dma_wait3A_121, %dma_wait3A_122] : memref<80x128xi32, #tpu.memory_space<vmem>> -> memref<1x128xi32, #tpu.memory_space<vmem>>
    %dma_wait3A_124 = tpu.memref_squeeze %dma_wait3A_123 : memref<1x128xi32, #tpu.memory_space<vmem>> -> memref<128xi32, #tpu.memory_space<vmem>>
    %dma_wait3A_125 = arith.constant 0 : i32
    %dma_wait3A_126 = arith.constant 0 : i32
    %dma_wait3A_127 = tpu.memref_slice %arg5[%dma_wait3A_125, %dma_wait3A_126] : memref<10008x16xf32, #tpu.memory_space<vmem_shared>> -> memref<10008x16xf32, #tpu.memory_space<vmem_shared>>
    tpu.wait_indirect_dma semaphore(%arg31 : memref<!tpu.dma_semaphore, #tpu.memory_space<semaphore_mem>>) src(%arg15 : memref<128x16xf32, #tpu.memory_space<vmem>>) dst(%dma_wait3A_127 : memref<10008x16xf32, #tpu.memory_space<vmem_shared>>)
    %barrier3A_128 = arith.constant 0 : index
    tpu.barrier barrier_id(%barrier3A_128)
    %mul3A_129 = arith.constant 625 : i32
    %mul3A_130 = arith.muli %arg1, %mul3A_129 : i32
    "tpu.region"() ({
      %run_scoped3A_141 = tpu.sem_alloc : memref<!tpu.dma_semaphore, #tpu.memory_space<semaphore_mem>>
      %dma_start3A_142 = arith.constant 0 : i32
      %dma_start3A_143 = arith.constant 0 : i32
      %dma_start3A_144 = tpu.memref_slice %arg8[%dma_start3A_142, %dma_start3A_143] : memref<128x16xf32, #tpu.memory_space<vmem>> -> memref<128x16xf32, #tpu.memory_space<vmem>>
      %dma_start3A_145 = arith.constant 0 : i32
      %dma_start3A_146 = tpu.memref_slice %arg5[%mul3A_130, %dma_start3A_145] : memref<10008x16xf32, #tpu.memory_space<vmem_shared>> -> memref<128x16xf32, #tpu.memory_space<vmem_shared>>
      %dma_start3A_147 = arith.constant 0 : i32
      %dma_start3A_148 = arith.constant 0 : i32
      %dma_start3A_149 = tpu.memref_slice %arg8[%dma_start3A_147, %dma_start3A_148] : memref<128x16xf32, #tpu.memory_space<vmem>> -> memref<128x16xf32, #tpu.memory_space<vmem>>
      %dma_start3A_150 = arith.constant 0 : i32
      %dma_start3A_151 = tpu.memref_slice %arg5[%mul3A_130, %dma_start3A_150] : memref<10008x16xf32, #tpu.memory_space<vmem_shared>> -> memref<128x16xf32, #tpu.memory_space<vmem_shared>>
      tpu.enqueue_dma source(%dma_start3A_151 : memref<128x16xf32, #tpu.memory_space<vmem_shared>>) target(%dma_start3A_149 : memref<128x16xf32, #tpu.memory_space<vmem>>) target_semaphore(%run_scoped3A_141 : memref<!tpu.dma_semaphore, #tpu.memory_space<semaphore_mem>>)
      %dma_wait3A_152 = arith.constant 0 : i32
      %dma_wait3A_153 = arith.constant 0 : i32
      %dma_wait3A_154 = tpu.memref_slice %arg8[%dma_wait3A_152, %dma_wait3A_153] : memref<128x16xf32, #tpu.memory_space<vmem>> -> memref<128x16xf32, #tpu.memory_space<vmem>>
      %dma_wait3A_155 = arith.constant 0 : i32
      %dma_wait3A_156 = tpu.memref_slice %arg5[%mul3A_130, %dma_wait3A_155] : memref<10008x16xf32, #tpu.memory_space<vmem_shared>> -> memref<128x16xf32, #tpu.memory_space<vmem_shared>>
      %dma_wait3A_157 = arith.constant 0 : i32
      %dma_wait3A_158 = arith.constant 0 : i32
      %dma_wait3A_159 = tpu.memref_slice %arg8[%dma_wait3A_157, %dma_wait3A_158] : memref<128x16xf32, #tpu.memory_space<vmem>> -> memref<128x16xf32, #tpu.memory_space<vmem>>
      %dma_wait3A_160 = arith.constant 0 : i32
      %dma_wait3A_161 = tpu.memref_slice %arg5[%mul3A_130, %dma_wait3A_160] : memref<10008x16xf32, #tpu.memory_space<vmem_shared>> -> memref<128x16xf32, #tpu.memory_space<vmem_shared>>
      tpu.wait_dma2 semaphore(%run_scoped3A_141 : memref<!tpu.dma_semaphore, #tpu.memory_space<semaphore_mem>>) src(%dma_wait3A_161 : memref<128x16xf32, #tpu.memory_space<vmem_shared>>) dst(%dma_wait3A_159 : memref<128x16xf32, #tpu.memory_space<vmem>>)
      tpu.yield
    }) : () -> ()
    "tpu.region"() ({
      %run_scoped3A_141 = tpu.sem_alloc : memref<!tpu.dma_semaphore, #tpu.memory_space<semaphore_mem>>
      %dma_start3A_142 = arith.constant 0 : i32
      %dma_start3A_143 = arith.constant 0 : i32
      %dma_start3A_144 = tpu.memref_slice %arg8[%dma_start3A_142, %dma_start3A_143] : memref<128x16xf32, #tpu.memory_space<vmem>> -> memref<128x16xf32, #tpu.memory_space<vmem>>
      %dma_start3A_145 = arith.constant 0 : i32
      %dma_start3A_146 = tpu.memref_slice %arg4[%arg0, %mul3A_130, %dma_start3A_145] : memref<2x10000x16xf32, #tpu.memory_space<hbm>> -> memref<1x128x16xf32, #tpu.memory_space<hbm>>
      %dma_start3A_147 = tpu.memref_squeeze %dma_start3A_146 : memref<1x128x16xf32, #tpu.memory_space<hbm>> -> memref<128x16xf32, #tpu.memory_space<hbm>>
      %dma_start3A_148 = arith.constant 0 : i32
      %dma_start3A_149 = tpu.memref_slice %arg4[%arg0, %mul3A_130, %dma_start3A_148] : memref<2x10000x16xf32, #tpu.memory_space<hbm>> -> memref<1x128x16xf32, #tpu.memory_space<hbm>>
      %dma_start3A_150 = tpu.memref_squeeze %dma_start3A_149 : memref<1x128x16xf32, #tpu.memory_space<hbm>> -> memref<128x16xf32, #tpu.memory_space<hbm>>
      %dma_start3A_151 = arith.constant 0 : i32
      %dma_start3A_152 = arith.constant 0 : i32
      %dma_start3A_153 = tpu.memref_slice %arg8[%dma_start3A_151, %dma_start3A_152] : memref<128x16xf32, #tpu.memory_space<vmem>> -> memref<128x16xf32, #tpu.memory_space<vmem>>
      tpu.enqueue_dma source(%dma_start3A_153 : memref<128x16xf32, #tpu.memory_space<vmem>>) target(%dma_start3A_150 : memref<128x16xf32, #tpu.memory_space<hbm>>) target_semaphore(%run_scoped3A_141 : memref<!tpu.dma_semaphore, #tpu.memory_space<semaphore_mem>>)
      %dma_wait3A_154 = arith.constant 0 : i32
      %dma_wait3A_155 = arith.constant 0 : i32
      %dma_wait3A_156 = tpu.memref_slice %arg8[%dma_wait3A_154, %dma_wait3A_155] : memref<128x16xf32, #tpu.memory_space<vmem>> -> memref<128x16xf32, #tpu.memory_space<vmem>>
      %dma_wait3A_157 = arith.constant 0 : i32
      %dma_wait3A_158 = tpu.memref_slice %arg4[%arg0, %mul3A_130, %dma_wait3A_157] : memref<2x10000x16xf32, #tpu.memory_space<hbm>> -> memref<1x128x16xf32, #tpu.memory_space<hbm>>
      %dma_wait3A_159 = tpu.memref_squeeze %dma_wait3A_158 : memref<1x128x16xf32, #tpu.memory_space<hbm>> -> memref<128x16xf32, #tpu.memory_space<hbm>>
      %dma_wait3A_160 = arith.constant 0 : i32
      %dma_wait3A_161 = tpu.memref_slice %arg4[%arg0, %mul3A_130, %dma_wait3A_160] : memref<2x10000x16xf32, #tpu.memory_space<hbm>> -> memref<1x128x16xf32, #tpu.memory_space<hbm>>
      %dma_wait3A_162 = tpu.memref_squeeze %dma_wait3A_161 : memref<1x128x16xf32, #tpu.memory_space<hbm>> -> memref<128x16xf32, #tpu.memory_space<hbm>>
      %dma_wait3A_163 = arith.constant 0 : i32
      %dma_wait3A_164 = arith.constant 0 : i32
      %dma_wait3A_165 = tpu.memref_slice %arg8[%dma_wait3A_163, %dma_wait3A_164] : memref<128x16xf32, #tpu.memory_space<vmem>> -> memref<128x16xf32, #tpu.memory_space<vmem>>
      tpu.wait_dma2 semaphore(%run_scoped3A_141 : memref<!tpu.dma_semaphore, #tpu.memory_space<semaphore_mem>>) src(%dma_wait3A_165 : memref<128x16xf32, #tpu.memory_space<vmem>>) dst(%dma_wait3A_162 : memref<128x16xf32, #tpu.memory_space<hbm>>)
      tpu.yield
    }) : () -> ()
    %add3A_131 = arith.constant 128 : i32
    %add3A_132 = arith.addi %mul3A_130, %add3A_131 : i32
    "tpu.region"() ({
      %run_scoped3A_141 = tpu.sem_alloc : memref<!tpu.dma_semaphore, #tpu.memory_space<semaphore_mem>>
      %dma_start3A_142 = arith.constant 0 : i32
      %dma_start3A_143 = arith.constant 0 : i32
      %dma_start3A_144 = tpu.memref_slice %arg9[%dma_start3A_142, %dma_start3A_143] : memref<128x16xf32, #tpu.memory_space<vmem>> -> memref<128x16xf32, #tpu.memory_space<vmem>>
      %dma_start3A_145 = arith.constant 0 : i32
      %dma_start3A_146 = tpu.memref_slice %arg5[%add3A_132, %dma_start3A_145] : memref<10008x16xf32, #tpu.memory_space<vmem_shared>> -> memref<128x16xf32, #tpu.memory_space<vmem_shared>>
      %dma_start3A_147 = arith.constant 0 : i32
      %dma_start3A_148 = arith.constant 0 : i32
      %dma_start3A_149 = tpu.memref_slice %arg9[%dma_start3A_147, %dma_start3A_148] : memref<128x16xf32, #tpu.memory_space<vmem>> -> memref<128x16xf32, #tpu.memory_space<vmem>>
      %dma_start3A_150 = arith.constant 0 : i32
      %dma_start3A_151 = tpu.memref_slice %arg5[%add3A_132, %dma_start3A_150] : memref<10008x16xf32, #tpu.memory_space<vmem_shared>> -> memref<128x16xf32, #tpu.memory_space<vmem_shared>>
      tpu.enqueue_dma source(%dma_start3A_151 : memref<128x16xf32, #tpu.memory_space<vmem_shared>>) target(%dma_start3A_149 : memref<128x16xf32, #tpu.memory_space<vmem>>) target_semaphore(%run_scoped3A_141 : memref<!tpu.dma_semaphore, #tpu.memory_space<semaphore_mem>>)
      %dma_wait3A_152 = arith.constant 0 : i32
      %dma_wait3A_153 = arith.constant 0 : i32
      %dma_wait3A_154 = tpu.memref_slice %arg9[%dma_wait3A_152, %dma_wait3A_153] : memref<128x16xf32, #tpu.memory_space<vmem>> -> memref<128x16xf32, #tpu.memory_space<vmem>>
      %dma_wait3A_155 = arith.constant 0 : i32
      %dma_wait3A_156 = tpu.memref_slice %arg5[%add3A_132, %dma_wait3A_155] : memref<10008x16xf32, #tpu.memory_space<vmem_shared>> -> memref<128x16xf32, #tpu.memory_space<vmem_shared>>
      %dma_wait3A_157 = arith.constant 0 : i32
      %dma_wait3A_158 = arith.constant 0 : i32
      %dma_wait3A_159 = tpu.memref_slice %arg9[%dma_wait3A_157, %dma_wait3A_158] : memref<128x16xf32, #tpu.memory_space<vmem>> -> memref<128x16xf32, #tpu.memory_space<vmem>>
      %dma_wait3A_160 = arith.constant 0 : i32
      %dma_wait3A_161 = tpu.memref_slice %arg5[%add3A_132, %dma_wait3A_160] : memref<10008x16xf32, #tpu.memory_space<vmem_shared>> -> memref<128x16xf32, #tpu.memory_space<vmem_shared>>
      tpu.wait_dma2 semaphore(%run_scoped3A_141 : memref<!tpu.dma_semaphore, #tpu.memory_space<semaphore_mem>>) src(%dma_wait3A_161 : memref<128x16xf32, #tpu.memory_space<vmem_shared>>) dst(%dma_wait3A_159 : memref<128x16xf32, #tpu.memory_space<vmem>>)
      tpu.yield
    }) : () -> ()
    "tpu.region"() ({
      %run_scoped3A_141 = tpu.sem_alloc : memref<!tpu.dma_semaphore, #tpu.memory_space<semaphore_mem>>
      %dma_start3A_142 = arith.constant 0 : i32
      %dma_start3A_143 = arith.constant 0 : i32
      %dma_start3A_144 = tpu.memref_slice %arg9[%dma_start3A_142, %dma_start3A_143] : memref<128x16xf32, #tpu.memory_space<vmem>> -> memref<128x16xf32, #tpu.memory_space<vmem>>
      %dma_start3A_145 = arith.constant 0 : i32
      %dma_start3A_146 = tpu.memref_slice %arg4[%arg0, %add3A_132, %dma_start3A_145] : memref<2x10000x16xf32, #tpu.memory_space<hbm>> -> memref<1x128x16xf32, #tpu.memory_space<hbm>>
      %dma_start3A_147 = tpu.memref_squeeze %dma_start3A_146 : memref<1x128x16xf32, #tpu.memory_space<hbm>> -> memref<128x16xf32, #tpu.memory_space<hbm>>
      %dma_start3A_148 = arith.constant 0 : i32
      %dma_start3A_149 = tpu.memref_slice %arg4[%arg0, %add3A_132, %dma_start3A_148] : memref<2x10000x16xf32, #tpu.memory_space<hbm>> -> memref<1x128x16xf32, #tpu.memory_space<hbm>>
      %dma_start3A_150 = tpu.memref_squeeze %dma_start3A_149 : memref<1x128x16xf32, #tpu.memory_space<hbm>> -> memref<128x16xf32, #tpu.memory_space<hbm>>
      %dma_start3A_151 = arith.constant 0 : i32
      %dma_start3A_152 = arith.constant 0 : i32
      %dma_start3A_153 = tpu.memref_slice %arg9[%dma_start3A_151, %dma_start3A_152] : memref<128x16xf32, #tpu.memory_space<vmem>> -> memref<128x16xf32, #tpu.memory_space<vmem>>
      tpu.enqueue_dma source(%dma_start3A_153 : memref<128x16xf32, #tpu.memory_space<vmem>>) target(%dma_start3A_150 : memref<128x16xf32, #tpu.memory_space<hbm>>) target_semaphore(%run_scoped3A_141 : memref<!tpu.dma_semaphore, #tpu.memory_space<semaphore_mem>>)
      %dma_wait3A_154 = arith.constant 0 : i32
      %dma_wait3A_155 = arith.constant 0 : i32
      %dma_wait3A_156 = tpu.memref_slice %arg9[%dma_wait3A_154, %dma_wait3A_155] : memref<128x16xf32, #tpu.memory_space<vmem>> -> memref<128x16xf32, #tpu.memory_space<vmem>>
      %dma_wait3A_157 = arith.constant 0 : i32
      %dma_wait3A_158 = tpu.memref_slice %arg4[%arg0, %add3A_132, %dma_wait3A_157] : memref<2x10000x16xf32, #tpu.memory_space<hbm>> -> memref<1x128x16xf32, #tpu.memory_space<hbm>>
      %dma_wait3A_159 = tpu.memref_squeeze %dma_wait3A_158 : memref<1x128x16xf32, #tpu.memory_space<hbm>> -> memref<128x16xf32, #tpu.memory_space<hbm>>
      %dma_wait3A_160 = arith.constant 0 : i32
      %dma_wait3A_161 = tpu.memref_slice %arg4[%arg0, %add3A_132, %dma_wait3A_160] : memref<2x10000x16xf32, #tpu.memory_space<hbm>> -> memref<1x128x16xf32, #tpu.memory_space<hbm>>
      %dma_wait3A_162 = tpu.memref_squeeze %dma_wait3A_161 : memref<1x128x16xf32, #tpu.memory_space<hbm>> -> memref<128x16xf32, #tpu.memory_space<hbm>>
      %dma_wait3A_163 = arith.constant 0 : i32
      %dma_wait3A_164 = arith.constant 0 : i32
      %dma_wait3A_165 = tpu.memref_slice %arg9[%dma_wait3A_163, %dma_wait3A_164] : memref<128x16xf32, #tpu.memory_space<vmem>> -> memref<128x16xf32, #tpu.memory_space<vmem>>
      tpu.wait_dma2 semaphore(%run_scoped3A_141 : memref<!tpu.dma_semaphore, #tpu.memory_space<semaphore_mem>>) src(%dma_wait3A_165 : memref<128x16xf32, #tpu.memory_space<vmem>>) dst(%dma_wait3A_162 : memref<128x16xf32, #tpu.memory_space<hbm>>)
      tpu.yield
    }) : () -> ()
    %add3A_133 = arith.constant 128 : i32
    %add3A_134 = arith.addi %add3A_132, %add3A_133 : i32
    "tpu.region"() ({
      %run_scoped3A_141 = tpu.sem_alloc : memref<!tpu.dma_semaphore, #tpu.memory_space<semaphore_mem>>
      %dma_start3A_142 = arith.constant 0 : i32
      %dma_start3A_143 = arith.constant 0 : i32
      %dma_start3A_144 = tpu.memref_slice %arg10[%dma_start3A_142, %dma_start3A_143] : memref<128x16xf32, #tpu.memory_space<vmem>> -> memref<128x16xf32, #tpu.memory_space<vmem>>
      %dma_start3A_145 = arith.constant 0 : i32
      %dma_start3A_146 = tpu.memref_slice %arg5[%add3A_134, %dma_start3A_145] : memref<10008x16xf32, #tpu.memory_space<vmem_shared>> -> memref<128x16xf32, #tpu.memory_space<vmem_shared>>
      %dma_start3A_147 = arith.constant 0 : i32
      %dma_start3A_148 = arith.constant 0 : i32
      %dma_start3A_149 = tpu.memref_slice %arg10[%dma_start3A_147, %dma_start3A_148] : memref<128x16xf32, #tpu.memory_space<vmem>> -> memref<128x16xf32, #tpu.memory_space<vmem>>
      %dma_start3A_150 = arith.constant 0 : i32
      %dma_start3A_151 = tpu.memref_slice %arg5[%add3A_134, %dma_start3A_150] : memref<10008x16xf32, #tpu.memory_space<vmem_shared>> -> memref<128x16xf32, #tpu.memory_space<vmem_shared>>
      tpu.enqueue_dma source(%dma_start3A_151 : memref<128x16xf32, #tpu.memory_space<vmem_shared>>) target(%dma_start3A_149 : memref<128x16xf32, #tpu.memory_space<vmem>>) target_semaphore(%run_scoped3A_141 : memref<!tpu.dma_semaphore, #tpu.memory_space<semaphore_mem>>)
      %dma_wait3A_152 = arith.constant 0 : i32
      %dma_wait3A_153 = arith.constant 0 : i32
      %dma_wait3A_154 = tpu.memref_slice %arg10[%dma_wait3A_152, %dma_wait3A_153] : memref<128x16xf32, #tpu.memory_space<vmem>> -> memref<128x16xf32, #tpu.memory_space<vmem>>
      %dma_wait3A_155 = arith.constant 0 : i32
      %dma_wait3A_156 = tpu.memref_slice %arg5[%add3A_134, %dma_wait3A_155] : memref<10008x16xf32, #tpu.memory_space<vmem_shared>> -> memref<128x16xf32, #tpu.memory_space<vmem_shared>>
      %dma_wait3A_157 = arith.constant 0 : i32
      %dma_wait3A_158 = arith.constant 0 : i32
      %dma_wait3A_159 = tpu.memref_slice %arg10[%dma_wait3A_157, %dma_wait3A_158] : memref<128x16xf32, #tpu.memory_space<vmem>> -> memref<128x16xf32, #tpu.memory_space<vmem>>
      %dma_wait3A_160 = arith.constant 0 : i32
      %dma_wait3A_161 = tpu.memref_slice %arg5[%add3A_134, %dma_wait3A_160] : memref<10008x16xf32, #tpu.memory_space<vmem_shared>> -> memref<128x16xf32, #tpu.memory_space<vmem_shared>>
      tpu.wait_dma2 semaphore(%run_scoped3A_141 : memref<!tpu.dma_semaphore, #tpu.memory_space<semaphore_mem>>) src(%dma_wait3A_161 : memref<128x16xf32, #tpu.memory_space<vmem_shared>>) dst(%dma_wait3A_159 : memref<128x16xf32, #tpu.memory_space<vmem>>)
      tpu.yield
    }) : () -> ()
    "tpu.region"() ({
      %run_scoped3A_141 = tpu.sem_alloc : memref<!tpu.dma_semaphore, #tpu.memory_space<semaphore_mem>>
      %dma_start3A_142 = arith.constant 0 : i32
      %dma_start3A_143 = arith.constant 0 : i32
      %dma_start3A_144 = tpu.memref_slice %arg10[%dma_start3A_142, %dma_start3A_143] : memref<128x16xf32, #tpu.memory_space<vmem>> -> memref<128x16xf32, #tpu.memory_space<vmem>>
      %dma_start3A_145 = arith.constant 0 : i32
      %dma_start3A_146 = tpu.memref_slice %arg4[%arg0, %add3A_134, %dma_start3A_145] : memref<2x10000x16xf32, #tpu.memory_space<hbm>> -> memref<1x128x16xf32, #tpu.memory_space<hbm>>
      %dma_start3A_147 = tpu.memref_squeeze %dma_start3A_146 : memref<1x128x16xf32, #tpu.memory_space<hbm>> -> memref<128x16xf32, #tpu.memory_space<hbm>>
      %dma_start3A_148 = arith.constant 0 : i32
      %dma_start3A_149 = tpu.memref_slice %arg4[%arg0, %add3A_134, %dma_start3A_148] : memref<2x10000x16xf32, #tpu.memory_space<hbm>> -> memref<1x128x16xf32, #tpu.memory_space<hbm>>
      %dma_start3A_150 = tpu.memref_squeeze %dma_start3A_149 : memref<1x128x16xf32, #tpu.memory_space<hbm>> -> memref<128x16xf32, #tpu.memory_space<hbm>>
      %dma_start3A_151 = arith.constant 0 : i32
      %dma_start3A_152 = arith.constant 0 : i32
      %dma_start3A_153 = tpu.memref_slice %arg10[%dma_start3A_151, %dma_start3A_152] : memref<128x16xf32, #tpu.memory_space<vmem>> -> memref<128x16xf32, #tpu.memory_space<vmem>>
      tpu.enqueue_dma source(%dma_start3A_153 : memref<128x16xf32, #tpu.memory_space<vmem>>) target(%dma_start3A_150 : memref<128x16xf32, #tpu.memory_space<hbm>>) target_semaphore(%run_scoped3A_141 : memref<!tpu.dma_semaphore, #tpu.memory_space<semaphore_mem>>)
      %dma_wait3A_154 = arith.constant 0 : i32
      %dma_wait3A_155 = arith.constant 0 : i32
      %dma_wait3A_156 = tpu.memref_slice %arg10[%dma_wait3A_154, %dma_wait3A_155] : memref<128x16xf32, #tpu.memory_space<vmem>> -> memref<128x16xf32, #tpu.memory_space<vmem>>
      %dma_wait3A_157 = arith.constant 0 : i32
      %dma_wait3A_158 = tpu.memref_slice %arg4[%arg0, %add3A_134, %dma_wait3A_157] : memref<2x10000x16xf32, #tpu.memory_space<hbm>> -> memref<1x128x16xf32, #tpu.memory_space<hbm>>
      %dma_wait3A_159 = tpu.memref_squeeze %dma_wait3A_158 : memref<1x128x16xf32, #tpu.memory_space<hbm>> -> memref<128x16xf32, #tpu.memory_space<hbm>>
      %dma_wait3A_160 = arith.constant 0 : i32
      %dma_wait3A_161 = tpu.memref_slice %arg4[%arg0, %add3A_134, %dma_wait3A_160] : memref<2x10000x16xf32, #tpu.memory_space<hbm>> -> memref<1x128x16xf32, #tpu.memory_space<hbm>>
      %dma_wait3A_162 = tpu.memref_squeeze %dma_wait3A_161 : memref<1x128x16xf32, #tpu.memory_space<hbm>> -> memref<128x16xf32, #tpu.memory_space<hbm>>
      %dma_wait3A_163 = arith.constant 0 : i32
      %dma_wait3A_164 = arith.constant 0 : i32
      %dma_wait3A_165 = tpu.memref_slice %arg10[%dma_wait3A_163, %dma_wait3A_164] : memref<128x16xf32, #tpu.memory_space<vmem>> -> memref<128x16xf32, #tpu.memory_space<vmem>>
      tpu.wait_dma2 semaphore(%run_scoped3A_141 : memref<!tpu.dma_semaphore, #tpu.memory_space<semaphore_mem>>) src(%dma_wait3A_165 : memref<128x16xf32, #tpu.memory_space<vmem>>) dst(%dma_wait3A_162 : memref<128x16xf32, #tpu.memory_space<hbm>>)
      tpu.yield
    }) : () -> ()
    %add3A_135 = arith.constant 128 : i32
    %add3A_136 = arith.addi %add3A_134, %add3A_135 : i32
    "tpu.region"() ({
      %run_scoped3A_141 = tpu.sem_alloc : memref<!tpu.dma_semaphore, #tpu.memory_space<semaphore_mem>>
      %dma_start3A_142 = arith.constant 0 : i32
      %dma_start3A_143 = arith.constant 0 : i32
      %dma_start3A_144 = tpu.memref_slice %arg11[%dma_start3A_142, %dma_start3A_143] : memref<128x16xf32, #tpu.memory_space<vmem>> -> memref<128x16xf32, #tpu.memory_space<vmem>>
      %dma_start3A_145 = arith.constant 0 : i32
      %dma_start3A_146 = tpu.memref_slice %arg5[%add3A_136, %dma_start3A_145] : memref<10008x16xf32, #tpu.memory_space<vmem_shared>> -> memref<128x16xf32, #tpu.memory_space<vmem_shared>>
      %dma_start3A_147 = arith.constant 0 : i32
      %dma_start3A_148 = arith.constant 0 : i32
      %dma_start3A_149 = tpu.memref_slice %arg11[%dma_start3A_147, %dma_start3A_148] : memref<128x16xf32, #tpu.memory_space<vmem>> -> memref<128x16xf32, #tpu.memory_space<vmem>>
      %dma_start3A_150 = arith.constant 0 : i32
      %dma_start3A_151 = tpu.memref_slice %arg5[%add3A_136, %dma_start3A_150] : memref<10008x16xf32, #tpu.memory_space<vmem_shared>> -> memref<128x16xf32, #tpu.memory_space<vmem_shared>>
      tpu.enqueue_dma source(%dma_start3A_151 : memref<128x16xf32, #tpu.memory_space<vmem_shared>>) target(%dma_start3A_149 : memref<128x16xf32, #tpu.memory_space<vmem>>) target_semaphore(%run_scoped3A_141 : memref<!tpu.dma_semaphore, #tpu.memory_space<semaphore_mem>>)
      %dma_wait3A_152 = arith.constant 0 : i32
      %dma_wait3A_153 = arith.constant 0 : i32
      %dma_wait3A_154 = tpu.memref_slice %arg11[%dma_wait3A_152, %dma_wait3A_153] : memref<128x16xf32, #tpu.memory_space<vmem>> -> memref<128x16xf32, #tpu.memory_space<vmem>>
      %dma_wait3A_155 = arith.constant 0 : i32
      %dma_wait3A_156 = tpu.memref_slice %arg5[%add3A_136, %dma_wait3A_155] : memref<10008x16xf32, #tpu.memory_space<vmem_shared>> -> memref<128x16xf32, #tpu.memory_space<vmem_shared>>
      %dma_wait3A_157 = arith.constant 0 : i32
      %dma_wait3A_158 = arith.constant 0 : i32
      %dma_wait3A_159 = tpu.memref_slice %arg11[%dma_wait3A_157, %dma_wait3A_158] : memref<128x16xf32, #tpu.memory_space<vmem>> -> memref<128x16xf32, #tpu.memory_space<vmem>>
      %dma_wait3A_160 = arith.constant 0 : i32
      %dma_wait3A_161 = tpu.memref_slice %arg5[%add3A_136, %dma_wait3A_160] : memref<10008x16xf32, #tpu.memory_space<vmem_shared>> -> memref<128x16xf32, #tpu.memory_space<vmem_shared>>
      tpu.wait_dma2 semaphore(%run_scoped3A_141 : memref<!tpu.dma_semaphore, #tpu.memory_space<semaphore_mem>>) src(%dma_wait3A_161 : memref<128x16xf32, #tpu.memory_space<vmem_shared>>) dst(%dma_wait3A_159 : memref<128x16xf32, #tpu.memory_space<vmem>>)
      tpu.yield
    }) : () -> ()
    "tpu.region"() ({
      %run_scoped3A_141 = tpu.sem_alloc : memref<!tpu.dma_semaphore, #tpu.memory_space<semaphore_mem>>
      %dma_start3A_142 = arith.constant 0 : i32
      %dma_start3A_143 = arith.constant 0 : i32
      %dma_start3A_144 = tpu.memref_slice %arg11[%dma_start3A_142, %dma_start3A_143] : memref<128x16xf32, #tpu.memory_space<vmem>> -> memref<128x16xf32, #tpu.memory_space<vmem>>
      %dma_start3A_145 = arith.constant 0 : i32
      %dma_start3A_146 = tpu.memref_slice %arg4[%arg0, %add3A_136, %dma_start3A_145] : memref<2x10000x16xf32, #tpu.memory_space<hbm>> -> memref<1x128x16xf32, #tpu.memory_space<hbm>>
      %dma_start3A_147 = tpu.memref_squeeze %dma_start3A_146 : memref<1x128x16xf32, #tpu.memory_space<hbm>> -> memref<128x16xf32, #tpu.memory_space<hbm>>
      %dma_start3A_148 = arith.constant 0 : i32
      %dma_start3A_149 = tpu.memref_slice %arg4[%arg0, %add3A_136, %dma_start3A_148] : memref<2x10000x16xf32, #tpu.memory_space<hbm>> -> memref<1x128x16xf32, #tpu.memory_space<hbm>>
      %dma_start3A_150 = tpu.memref_squeeze %dma_start3A_149 : memref<1x128x16xf32, #tpu.memory_space<hbm>> -> memref<128x16xf32, #tpu.memory_space<hbm>>
      %dma_start3A_151 = arith.constant 0 : i32
      %dma_start3A_152 = arith.constant 0 : i32
      %dma_start3A_153 = tpu.memref_slice %arg11[%dma_start3A_151, %dma_start3A_152] : memref<128x16xf32, #tpu.memory_space<vmem>> -> memref<128x16xf32, #tpu.memory_space<vmem>>
      tpu.enqueue_dma source(%dma_start3A_153 : memref<128x16xf32, #tpu.memory_space<vmem>>) target(%dma_start3A_150 : memref<128x16xf32, #tpu.memory_space<hbm>>) target_semaphore(%run_scoped3A_141 : memref<!tpu.dma_semaphore, #tpu.memory_space<semaphore_mem>>)
      %dma_wait3A_154 = arith.constant 0 : i32
      %dma_wait3A_155 = arith.constant 0 : i32
      %dma_wait3A_156 = tpu.memref_slice %arg11[%dma_wait3A_154, %dma_wait3A_155] : memref<128x16xf32, #tpu.memory_space<vmem>> -> memref<128x16xf32, #tpu.memory_space<vmem>>
      %dma_wait3A_157 = arith.constant 0 : i32
      %dma_wait3A_158 = tpu.memref_slice %arg4[%arg0, %add3A_136, %dma_wait3A_157] : memref<2x10000x16xf32, #tpu.memory_space<hbm>> -> memref<1x128x16xf32, #tpu.memory_space<hbm>>
      %dma_wait3A_159 = tpu.memref_squeeze %dma_wait3A_158 : memref<1x128x16xf32, #tpu.memory_space<hbm>> -> memref<128x16xf32, #tpu.memory_space<hbm>>
      %dma_wait3A_160 = arith.constant 0 : i32
      %dma_wait3A_161 = tpu.memref_slice %arg4[%arg0, %add3A_136, %dma_wait3A_160] : memref<2x10000x16xf32, #tpu.memory_space<hbm>> -> memref<1x128x16xf32, #tpu.memory_space<hbm>>
      %dma_wait3A_162 = tpu.memref_squeeze %dma_wait3A_161 : memref<1x128x16xf32, #tpu.memory_space<hbm>> -> memref<128x16xf32, #tpu.memory_space<hbm>>
      %dma_wait3A_163 = arith.constant 0 : i32
      %dma_wait3A_164 = arith.constant 0 : i32
      %dma_wait3A_165 = tpu.memref_slice %arg11[%dma_wait3A_163, %dma_wait3A_164] : memref<128x16xf32, #tpu.memory_space<vmem>> -> memref<128x16xf32, #tpu.memory_space<vmem>>
      tpu.wait_dma2 semaphore(%run_scoped3A_141 : memref<!tpu.dma_semaphore, #tpu.memory_space<semaphore_mem>>) src(%dma_wait3A_165 : memref<128x16xf32, #tpu.memory_space<vmem>>) dst(%dma_wait3A_162 : memref<128x16xf32, #tpu.memory_space<hbm>>)
      tpu.yield
    }) : () -> ()
    %add3A_137 = arith.constant 128 : i32
    %add3A_138 = arith.addi %add3A_136, %add3A_137 : i32
    "tpu.region"() ({
      %run_scoped3A_141 = tpu.sem_alloc : memref<!tpu.dma_semaphore, #tpu.memory_space<semaphore_mem>>
      %dma_start3A_142 = arith.constant 0 : i32
      %dma_start3A_143 = arith.constant 0 : i32
      %dma_start3A_144 = tpu.memref_slice %arg12[%dma_start3A_142, %dma_start3A_143] : memref<128x16xf32, #tpu.memory_space<vmem>> -> memref<113x16xf32, #tpu.memory_space<vmem>>
      %dma_start3A_145 = arith.constant 0 : i32
      %dma_start3A_146 = tpu.memref_slice %arg5[%add3A_138, %dma_start3A_145] : memref<10008x16xf32, #tpu.memory_space<vmem_shared>> -> memref<113x16xf32, #tpu.memory_space<vmem_shared>>
      %dma_start3A_147 = arith.constant 0 : i32
      %dma_start3A_148 = arith.constant 0 : i32
      %dma_start3A_149 = tpu.memref_slice %arg12[%dma_start3A_147, %dma_start3A_148] : memref<128x16xf32, #tpu.memory_space<vmem>> -> memref<113x16xf32, #tpu.memory_space<vmem>>
      %dma_start3A_150 = arith.constant 0 : i32
      %dma_start3A_151 = tpu.memref_slice %arg5[%add3A_138, %dma_start3A_150] : memref<10008x16xf32, #tpu.memory_space<vmem_shared>> -> memref<113x16xf32, #tpu.memory_space<vmem_shared>>
      tpu.enqueue_dma source(%dma_start3A_151 : memref<113x16xf32, #tpu.memory_space<vmem_shared>>) target(%dma_start3A_149 : memref<113x16xf32, #tpu.memory_space<vmem>>) target_semaphore(%run_scoped3A_141 : memref<!tpu.dma_semaphore, #tpu.memory_space<semaphore_mem>>)
      %dma_wait3A_152 = arith.constant 0 : i32
      %dma_wait3A_153 = arith.constant 0 : i32
      %dma_wait3A_154 = tpu.memref_slice %arg12[%dma_wait3A_152, %dma_wait3A_153] : memref<128x16xf32, #tpu.memory_space<vmem>> -> memref<113x16xf32, #tpu.memory_space<vmem>>
      %dma_wait3A_155 = arith.constant 0 : i32
      %dma_wait3A_156 = tpu.memref_slice %arg5[%add3A_138, %dma_wait3A_155] : memref<10008x16xf32, #tpu.memory_space<vmem_shared>> -> memref<113x16xf32, #tpu.memory_space<vmem_shared>>
      %dma_wait3A_157 = arith.constant 0 : i32
      %dma_wait3A_158 = arith.constant 0 : i32
      %dma_wait3A_159 = tpu.memref_slice %arg12[%dma_wait3A_157, %dma_wait3A_158] : memref<128x16xf32, #tpu.memory_space<vmem>> -> memref<113x16xf32, #tpu.memory_space<vmem>>
      %dma_wait3A_160 = arith.constant 0 : i32
      %dma_wait3A_161 = tpu.memref_slice %arg5[%add3A_138, %dma_wait3A_160] : memref<10008x16xf32, #tpu.memory_space<vmem_shared>> -> memref<113x16xf32, #tpu.memory_space<vmem_shared>>
      tpu.wait_dma2 semaphore(%run_scoped3A_141 : memref<!tpu.dma_semaphore, #tpu.memory_space<semaphore_mem>>) src(%dma_wait3A_161 : memref<113x16xf32, #tpu.memory_space<vmem_shared>>) dst(%dma_wait3A_159 : memref<113x16xf32, #tpu.memory_space<vmem>>)
      tpu.yield
    }) : () -> ()
    "tpu.region"() ({
      %run_scoped3A_141 = tpu.sem_alloc : memref<!tpu.dma_semaphore, #tpu.memory_space<semaphore_mem>>
      %dma_start3A_142 = arith.constant 0 : i32
      %dma_start3A_143 = arith.constant 0 : i32
      %dma_start3A_144 = tpu.memref_slice %arg12[%dma_start3A_142, %dma_start3A_143] : memref<128x16xf32, #tpu.memory_space<vmem>> -> memref<113x16xf32, #tpu.memory_space<vmem>>
      %dma_start3A_145 = arith.constant 0 : i32
      %dma_start3A_146 = tpu.memref_slice %arg4[%arg0, %add3A_138, %dma_start3A_145] : memref<2x10000x16xf32, #tpu.memory_space<hbm>> -> memref<1x113x16xf32, #tpu.memory_space<hbm>>
      %dma_start3A_147 = tpu.memref_squeeze %dma_start3A_146 : memref<1x113x16xf32, #tpu.memory_space<hbm>> -> memref<113x16xf32, #tpu.memory_space<hbm>>
      %dma_start3A_148 = arith.constant 0 : i32
      %dma_start3A_149 = tpu.memref_slice %arg4[%arg0, %add3A_138, %dma_start3A_148] : memref<2x10000x16xf32, #tpu.memory_space<hbm>> -> memref<1x113x16xf32, #tpu.memory_space<hbm>>
      %dma_start3A_150 = tpu.memref_squeeze %dma_start3A_149 : memref<1x113x16xf32, #tpu.memory_space<hbm>> -> memref<113x16xf32, #tpu.memory_space<hbm>>
      %dma_start3A_151 = arith.constant 0 : i32
      %dma_start3A_152 = arith.constant 0 : i32
      %dma_start3A_153 = tpu.memref_slice %arg12[%dma_start3A_151, %dma_start3A_152] : memref<128x16xf32, #tpu.memory_space<vmem>> -> memref<113x16xf32, #tpu.memory_space<vmem>>
      tpu.enqueue_dma source(%dma_start3A_153 : memref<113x16xf32, #tpu.memory_space<vmem>>) target(%dma_start3A_150 : memref<113x16xf32, #tpu.memory_space<hbm>>) target_semaphore(%run_scoped3A_141 : memref<!tpu.dma_semaphore, #tpu.memory_space<semaphore_mem>>)
      %dma_wait3A_154 = arith.constant 0 : i32
      %dma_wait3A_155 = arith.constant 0 : i32
      %dma_wait3A_156 = tpu.memref_slice %arg12[%dma_wait3A_154, %dma_wait3A_155] : memref<128x16xf32, #tpu.memory_space<vmem>> -> memref<113x16xf32, #tpu.memory_space<vmem>>
      %dma_wait3A_157 = arith.constant 0 : i32
      %dma_wait3A_158 = tpu.memref_slice %arg4[%arg0, %add3A_138, %dma_wait3A_157] : memref<2x10000x16xf32, #tpu.memory_space<hbm>> -> memref<1x113x16xf32, #tpu.memory_space<hbm>>
      %dma_wait3A_159 = tpu.memref_squeeze %dma_wait3A_158 : memref<1x113x16xf32, #tpu.memory_space<hbm>> -> memref<113x16xf32, #tpu.memory_space<hbm>>
      %dma_wait3A_160 = arith.constant 0 : i32
      %dma_wait3A_161 = tpu.memref_slice %arg4[%arg0, %add3A_138, %dma_wait3A_160] : memref<2x10000x16xf32, #tpu.memory_space<hbm>> -> memref<1x113x16xf32, #tpu.memory_space<hbm>>
      %dma_wait3A_162 = tpu.memref_squeeze %dma_wait3A_161 : memref<1x113x16xf32, #tpu.memory_space<hbm>> -> memref<113x16xf32, #tpu.memory_space<hbm>>
      %dma_wait3A_163 = arith.constant 0 : i32
      %dma_wait3A_164 = arith.constant 0 : i32
      %dma_wait3A_165 = tpu.memref_slice %arg12[%dma_wait3A_163, %dma_wait3A_164] : memref<128x16xf32, #tpu.memory_space<vmem>> -> memref<113x16xf32, #tpu.memory_space<vmem>>
      tpu.wait_dma2 semaphore(%run_scoped3A_141 : memref<!tpu.dma_semaphore, #tpu.memory_space<semaphore_mem>>) src(%dma_wait3A_165 : memref<113x16xf32, #tpu.memory_space<vmem>>) dst(%dma_wait3A_162 : memref<113x16xf32, #tpu.memory_space<hbm>>)
      tpu.yield
    }) : () -> ()
    %add3A_139 = arith.constant 113 : i32
    %add3A_140 = arith.addi %add3A_138, %add3A_139 : i32
    return
  }
}

module attributes {stable_mosaic.version = 14 : i64} {
  func.func @_tc1_body(%arg0: i32, %arg1: memref<5000x128xf32, #tpu.memory_space<vmem>>, %arg2: memref<128x64xf32, #tpu.memory_space<vmem>>, %arg3: memref<5000x1xf32, #tpu.memory_space<vmem>>, %arg4: memref<5000x64xf32, #tpu.memory_space<vmem>>, %arg5: memref<5000x1xf32, #tpu.memory_space<vmem>>) attributes {dimension_semantics = [#tpu.dimension_semantics<arbitrary>], iteration_bounds = array<i64: 2>, scalar_prefetch = 0 : i64, scratch_operands = 0 : i64, tpu.core_type = #tpu.core_type<tc>, window_params = [{transform_indices = @transform_0, window_bounds = array<i64: 5000, 128>}, {pipeline_mode = #tpu.pipeline_mode<synchronous>, transform_indices = @transform_1, window_bounds = array<i64: 128, 64>}, {transform_indices = @transform_2, window_bounds = array<i64: 5000, 1>}, {transform_indices = @transform_3, window_bounds = array<i64: 5000, 64>}, {transform_indices = @transform_4, window_bounds = array<i64: 5000, 1>}]} {
    %get3A = arith.constant 0 : index
    %get3A_0 = arith.constant 0 : index
    %get3A_1 = vector.load %arg3[%get3A, %get3A_0] : memref<5000x1xf32, #tpu.memory_space<vmem>>, vector<5000x1xf32>
    %add3A = arith.constant 1.000000e+00 : f32
    %add3A_2 = vector.broadcast %add3A : f32 to vector<5000x1xf32>
    %add3A_3 = arith.addf %get3A_1, %add3A_2 : vector<5000x1xf32>
    %rsqrt3A = math.rsqrt %add3A_3 : vector<5000x1xf32>
    %get3A_4 = arith.constant 0 : index
    %get3A_5 = arith.constant 0 : index
    %get3A_6 = vector.load %arg1[%get3A_4, %get3A_5] : memref<5000x128xf32, #tpu.memory_space<vmem>>, vector<5000x128xf32>
    %get3A_7 = arith.constant 0 : index
    %get3A_8 = arith.constant 0 : index
    %get3A_9 = vector.load %arg2[%get3A_7, %get3A_8] : memref<128x64xf32, #tpu.memory_space<vmem>>, vector<128x64xf32>
    %dot_general3A = arith.constant dense<0.000000e+00> : vector<5000x64xf32>
    %dot_general3A_10 = tpu.matmul %get3A_6, %get3A_9, %dot_general3A {dimension_numbers = #tpu.dot_dimension_numbers<[1], [0], [0], [1], [0, 0, 1, 1], [], []>, transpose_lhs_hint = false} : vector<5000x128xf32>, vector<128x64xf32>, vector<5000x64xf32> -> vector<5000x64xf32>
    %mul3A = vector.broadcast %rsqrt3A : vector<5000x1xf32> to vector<5000x64xf32>
    %mul3A_11 = arith.mulf %dot_general3A_10, %mul3A : vector<5000x64xf32>
    %swap3A = arith.constant 0 : index
    %swap3A_12 = arith.constant 0 : index
    %swap3A_13 = vector.load %arg4[%swap3A, %swap3A_12] : memref<5000x64xf32, #tpu.memory_space<vmem>>, vector<5000x64xf32>
    tpu.vector_store %arg4[%swap3A, %swap3A_12], %mul3A_11 {strides = array<i32>} : memref<5000x64xf32, #tpu.memory_space<vmem>>, vector<5000x64xf32>,
    %swap3A_14 = arith.constant 0 : index
    %swap3A_15 = arith.constant 0 : index
    %swap3A_16 = vector.load %arg5[%swap3A_14, %swap3A_15] : memref<5000x1xf32, #tpu.memory_space<vmem>>, vector<5000x1xf32>
    tpu.vector_store %arg5[%swap3A_14, %swap3A_15], %rsqrt3A {strides = array<i32>} : memref<5000x1xf32, #tpu.memory_space<vmem>>, vector<5000x1xf32>,
    return
  }
  func.func @transform_0(%arg0: i32) -> (i32, i32) {
    %c0_i32 = arith.constant 0 : i32
    %c0_i32_0 = arith.constant 0 : i32
    return %arg0, %c0_i32 : i32, i32
  }
  func.func @transform_1(%arg0: i32) -> (i32, i32) {
    %c0_i32 = arith.constant 0 : i32
    %c0_i32_0 = arith.constant 0 : i32
    %c0_i32_1 = arith.constant 0 : i32
    return %c0_i32, %c0_i32_0 : i32, i32
  }
  func.func @transform_2(%arg0: i32) -> (i32, i32) {
    %c0_i32 = arith.constant 0 : i32
    %c0_i32_0 = arith.constant 0 : i32
    return %arg0, %c0_i32 : i32, i32
  }
  func.func @transform_3(%arg0: i32) -> (i32, i32) {
    %c0_i32 = arith.constant 0 : i32
    %c0_i32_0 = arith.constant 0 : i32
    return %arg0, %c0_i32 : i32, i32
  }
  func.func @transform_4(%arg0: i32) -> (i32, i32) {
    %c0_i32 = arith.constant 0 : i32
    %c0_i32_0 = arith.constant 0 : i32
    return %arg0, %c0_i32 : i32, i32
  }
}

module attributes {stable_mosaic.version = 14 : i64} {
  func.func @_tc_mid_body(%arg0: i32, %arg1: memref<2x5000x64xf32, #tpu.memory_space<vmem>>, %arg2: memref<5000x64xf32, #tpu.memory_space<vmem>>, %arg3: memref<5000x1xf32, #tpu.memory_space<vmem>>, %arg4: memref<1x64xf32, #tpu.memory_space<vmem>>, %arg5: memref<64x16xf32, #tpu.memory_space<vmem>>, %arg6: memref<5000x16xf32, #tpu.memory_space<vmem>>) attributes {dimension_semantics = [#tpu.dimension_semantics<arbitrary>], iteration_bounds = array<i64: 2>, scalar_prefetch = 0 : i64, scratch_operands = 0 : i64, tpu.core_type = #tpu.core_type<tc>, window_params = [{transform_indices = @transform_0, window_bounds = array<i64: 2, 5000, 64>}, {transform_indices = @transform_1, window_bounds = array<i64: 5000, 64>}, {transform_indices = @transform_2, window_bounds = array<i64: 5000, 1>}, {pipeline_mode = #tpu.pipeline_mode<synchronous>, transform_indices = @transform_3, window_bounds = array<i64: 1, 64>}, {pipeline_mode = #tpu.pipeline_mode<synchronous>, transform_indices = @transform_4, window_bounds = array<i64: 64, 16>}, {transform_indices = @transform_5, window_bounds = array<i64: 5000, 16>}]} {
    %get3A = arith.constant 0 : index
    %get3A_0 = arith.constant 0 : index
    %get3A_1 = arith.constant 0 : index
    %get3A_2 = vector.load %arg1[%get3A, %get3A_0, %get3A_1] : memref<2x5000x64xf32, #tpu.memory_space<vmem>>, vector<1x5000x64xf32>
    %get3A_3 = vector.shape_cast %get3A_2 : vector<1x5000x64xf32> to vector<5000x64xf32>
    %get3A_4 = arith.constant 1 : index
    %get3A_5 = arith.constant 0 : index
    %get3A_6 = arith.constant 0 : index
    %get3A_7 = vector.load %arg1[%get3A_4, %get3A_5, %get3A_6] : memref<2x5000x64xf32, #tpu.memory_space<vmem>>, vector<1x5000x64xf32>
    %get3A_8 = vector.shape_cast %get3A_7 : vector<1x5000x64xf32> to vector<5000x64xf32>
    %add3A = arith.addf %get3A_3, %get3A_8 : vector<5000x64xf32>
    %get3A_9 = arith.constant 0 : index
    %get3A_10 = arith.constant 0 : index
    %get3A_11 = vector.load %arg2[%get3A_9, %get3A_10] : memref<5000x64xf32, #tpu.memory_space<vmem>>, vector<5000x64xf32>
    %add3A_12 = arith.addf %add3A, %get3A_11 : vector<5000x64xf32>
    %get3A_13 = arith.constant 0 : index
    %get3A_14 = arith.constant 0 : index
    %get3A_15 = vector.load %arg3[%get3A_13, %get3A_14] : memref<5000x1xf32, #tpu.memory_space<vmem>>, vector<5000x1xf32>
    %mul3A = vector.broadcast %get3A_15 : vector<5000x1xf32> to vector<5000x64xf32>
    %mul3A_16 = arith.mulf %add3A_12, %mul3A : vector<5000x64xf32>
    %get3A_17 = arith.constant 0 : index
    %get3A_18 = arith.constant 0 : index
    %get3A_19 = vector.load %arg4[%get3A_17, %get3A_18] : memref<1x64xf32, #tpu.memory_space<vmem>>, vector<1x64xf32>
    %add3A_20 = vector.broadcast %get3A_19 : vector<1x64xf32> to vector<5000x64xf32>
    %add3A_21 = arith.addf %mul3A_16, %add3A_20 : vector<5000x64xf32>
    %max3A = arith.constant 0.000000e+00 : f32
    %max3A_22 = vector.broadcast %max3A : f32 to vector<5000x64xf32>
    %max3A_23 = arith.maximumf %add3A_21, %max3A_22 : vector<5000x64xf32>
    %get3A_24 = arith.constant 0 : index
    %get3A_25 = arith.constant 0 : index
    %get3A_26 = vector.load %arg5[%get3A_24, %get3A_25] : memref<64x16xf32, #tpu.memory_space<vmem>>, vector<64x16xf32>
    %dot_general3A = arith.constant dense<0.000000e+00> : vector<5000x16xf32>
    %dot_general3A_27 = tpu.matmul %max3A_23, %get3A_26, %dot_general3A {dimension_numbers = #tpu.dot_dimension_numbers<[1], [0], [0], [1], [0, 0, 1, 1], [], []>, transpose_lhs_hint = false} : vector<5000x64xf32>, vector<64x16xf32>, vector<5000x16xf32> -> vector<5000x16xf32>
    %get3A_28 = arith.constant 0 : index
    %get3A_29 = arith.constant 0 : index
    %get3A_30 = vector.load %arg3[%get3A_28, %get3A_29] : memref<5000x1xf32, #tpu.memory_space<vmem>>, vector<5000x1xf32>
    %mul3A_31 = vector.broadcast %get3A_30 : vector<5000x1xf32> to vector<5000x16xf32>
    %mul3A_32 = arith.mulf %dot_general3A_27, %mul3A_31 : vector<5000x16xf32>
    %swap3A = arith.constant 0 : index
    %swap3A_33 = arith.constant 0 : index
    %swap3A_34 = vector.load %arg6[%swap3A, %swap3A_33] : memref<5000x16xf32, #tpu.memory_space<vmem>>, vector<5000x16xf32>
    tpu.vector_store %arg6[%swap3A, %swap3A_33], %mul3A_32 {strides = array<i32>} : memref<5000x16xf32, #tpu.memory_space<vmem>>, vector<5000x16xf32>,
    return
  }
  func.func @transform_0(%arg0: i32) -> (i32, i32, i32) {
    %c0_i32 = arith.constant 0 : i32
    %c0_i32_0 = arith.constant 0 : i32
    %c0_i32_1 = arith.constant 0 : i32
    return %c0_i32, %arg0, %c0_i32_0 : i32, i32, i32
  }
  func.func @transform_1(%arg0: i32) -> (i32, i32) {
    %c0_i32 = arith.constant 0 : i32
    %c0_i32_0 = arith.constant 0 : i32
    return %arg0, %c0_i32 : i32, i32
  }
  func.func @transform_2(%arg0: i32) -> (i32, i32) {
    %c0_i32 = arith.constant 0 : i32
    %c0_i32_0 = arith.constant 0 : i32
    return %arg0, %c0_i32 : i32, i32
  }
  func.func @transform_3(%arg0: i32) -> (i32, i32) {
    %c0_i32 = arith.constant 0 : i32
    %c0_i32_0 = arith.constant 0 : i32
    %c0_i32_1 = arith.constant 0 : i32
    return %c0_i32, %c0_i32_0 : i32, i32
  }
  func.func @transform_4(%arg0: i32) -> (i32, i32) {
    %c0_i32 = arith.constant 0 : i32
    %c0_i32_0 = arith.constant 0 : i32
    %c0_i32_1 = arith.constant 0 : i32
    return %c0_i32, %c0_i32_0 : i32, i32
  }
  func.func @transform_5(%arg0: i32) -> (i32, i32) {
    %c0_i32 = arith.constant 0 : i32
    %c0_i32_0 = arith.constant 0 : i32
    return %arg0, %c0_i32 : i32, i32
  }
}

module attributes {stable_mosaic.version = 14 : i64} {
  func.func @_tc_out_body(%arg0: i32, %arg1: memref<2x5000x16xf32, #tpu.memory_space<vmem>>, %arg2: memref<5000x16xf32, #tpu.memory_space<vmem>>, %arg3: memref<5000x1xf32, #tpu.memory_space<vmem>>, %arg4: memref<1x16xf32, #tpu.memory_space<vmem>>, %arg5: memref<5000x16xf32, #tpu.memory_space<vmem>>) attributes {dimension_semantics = [#tpu.dimension_semantics<arbitrary>], iteration_bounds = array<i64: 2>, scalar_prefetch = 0 : i64, scratch_operands = 0 : i64, tpu.core_type = #tpu.core_type<tc>, window_params = [{transform_indices = @transform_0, window_bounds = array<i64: 2, 5000, 16>}, {transform_indices = @transform_1, window_bounds = array<i64: 5000, 16>}, {transform_indices = @transform_2, window_bounds = array<i64: 5000, 1>}, {pipeline_mode = #tpu.pipeline_mode<synchronous>, transform_indices = @transform_3, window_bounds = array<i64: 1, 16>}, {transform_indices = @transform_4, window_bounds = array<i64: 5000, 16>}]} {
    %get3A = arith.constant 0 : index
    %get3A_0 = arith.constant 0 : index
    %get3A_1 = arith.constant 0 : index
    %get3A_2 = vector.load %arg1[%get3A, %get3A_0, %get3A_1] : memref<2x5000x16xf32, #tpu.memory_space<vmem>>, vector<1x5000x16xf32>
    %get3A_3 = vector.shape_cast %get3A_2 : vector<1x5000x16xf32> to vector<5000x16xf32>
    %get3A_4 = arith.constant 1 : index
    %get3A_5 = arith.constant 0 : index
    %get3A_6 = arith.constant 0 : index
    %get3A_7 = vector.load %arg1[%get3A_4, %get3A_5, %get3A_6] : memref<2x5000x16xf32, #tpu.memory_space<vmem>>, vector<1x5000x16xf32>
    %get3A_8 = vector.shape_cast %get3A_7 : vector<1x5000x16xf32> to vector<5000x16xf32>
    %add3A = arith.addf %get3A_3, %get3A_8 : vector<5000x16xf32>
    %get3A_9 = arith.constant 0 : index
    %get3A_10 = arith.constant 0 : index
    %get3A_11 = vector.load %arg2[%get3A_9, %get3A_10] : memref<5000x16xf32, #tpu.memory_space<vmem>>, vector<5000x16xf32>
    %add3A_12 = arith.addf %add3A, %get3A_11 : vector<5000x16xf32>
    %get3A_13 = arith.constant 0 : index
    %get3A_14 = arith.constant 0 : index
    %get3A_15 = vector.load %arg3[%get3A_13, %get3A_14] : memref<5000x1xf32, #tpu.memory_space<vmem>>, vector<5000x1xf32>
    %mul3A = vector.broadcast %get3A_15 : vector<5000x1xf32> to vector<5000x16xf32>
    %mul3A_16 = arith.mulf %add3A_12, %mul3A : vector<5000x16xf32>
    %get3A_17 = arith.constant 0 : index
    %get3A_18 = arith.constant 0 : index
    %get3A_19 = vector.load %arg4[%get3A_17, %get3A_18] : memref<1x16xf32, #tpu.memory_space<vmem>>, vector<1x16xf32>
    %add3A_20 = vector.broadcast %get3A_19 : vector<1x16xf32> to vector<5000x16xf32>
    %add3A_21 = arith.addf %mul3A_16, %add3A_20 : vector<5000x16xf32>
    %reduce_max3A = arith.constant dense<0xFF800000> : vector<5000xf32>
    %reduce_max3A_22 = vector.multi_reduction <maximumf>, %add3A_21, %reduce_max3A [1] : vector<5000x16xf32> to vector<5000xf32>
    %broadcast_in_dim3A = vector.shape_cast %reduce_max3A_22 : vector<5000xf32> to vector<5000x1xf32>
    %sub3A = vector.broadcast %broadcast_in_dim3A : vector<5000x1xf32> to vector<5000x16xf32>
    %sub3A_23 = arith.subf %add3A_21, %sub3A : vector<5000x16xf32>
    %exp3A = math.exp %sub3A_23 : vector<5000x16xf32>
    %reduce_sum3A = arith.constant dense<0.000000e+00> : vector<5000xf32>
    %reduce_sum3A_24 = vector.multi_reduction <add>, %exp3A, %reduce_sum3A [1] : vector<5000x16xf32> to vector<5000xf32>
    %broadcast_in_dim3A_25 = vector.shape_cast %reduce_sum3A_24 : vector<5000xf32> to vector<5000x1xf32>
    %sub3A_26 = vector.broadcast %broadcast_in_dim3A : vector<5000x1xf32> to vector<5000x16xf32>
    %sub3A_27 = arith.subf %add3A_21, %sub3A_26 : vector<5000x16xf32>
    %log3A = math.log %broadcast_in_dim3A_25 : vector<5000x1xf32>
    %sub3A_28 = vector.broadcast %log3A : vector<5000x1xf32> to vector<5000x16xf32>
    %sub3A_29 = arith.subf %sub3A_27, %sub3A_28 : vector<5000x16xf32>
    %swap3A = arith.constant 0 : index
    %swap3A_30 = arith.constant 0 : index
    %swap3A_31 = vector.load %arg5[%swap3A, %swap3A_30] : memref<5000x16xf32, #tpu.memory_space<vmem>>, vector<5000x16xf32>
    tpu.vector_store %arg5[%swap3A, %swap3A_30], %sub3A_29 {strides = array<i32>} : memref<5000x16xf32, #tpu.memory_space<vmem>>, vector<5000x16xf32>,
    return
  }
  func.func @transform_0(%arg0: i32) -> (i32, i32, i32) {
    %c0_i32 = arith.constant 0 : i32
    %c0_i32_0 = arith.constant 0 : i32
    %c0_i32_1 = arith.constant 0 : i32
    return %c0_i32, %arg0, %c0_i32_0 : i32, i32, i32
  }
  func.func @transform_1(%arg0: i32) -> (i32, i32) {
    %c0_i32 = arith.constant 0 : i32
    %c0_i32_0 = arith.constant 0 : i32
    return %arg0, %c0_i32 : i32, i32
  }
  func.func @transform_2(%arg0: i32) -> (i32, i32) {
    %c0_i32 = arith.constant 0 : i32
    %c0_i32_0 = arith.constant 0 : i32
    return %arg0, %c0_i32 : i32, i32
  }
  func.func @transform_3(%arg0: i32) -> (i32, i32) {
    %c0_i32 = arith.constant 0 : i32
    %c0_i32_0 = arith.constant 0 : i32
    %c0_i32_1 = arith.constant 0 : i32
    return %c0_i32, %c0_i32_0 : i32, i32
  }
  func.func @transform_4(%arg0: i32) -> (i32, i32) {
    %c0_i32 = arith.constant 0 : i32
    %c0_i32_0 = arith.constant 0 : i32
    return %arg0, %c0_i32 : i32, i32
  }
}

</mosaic_0001>

<sc_bundles>
// kernel: kernel.11.cloned.1.call-start
scs
__scs_entry_jumppad:
0x0: {  	(pc) =	sbr.rel $0x88, $3  }
0x1: {  	(tag) =	ssettag $0x0;
	lr =	simm.s32 $0x1  }
0x2: {  	[smem:$0x3F9B] =	sst lr;
	_ =	strace $0xD0000000  }
0x3: {  	_ = 	snop  }
0x4: {  	_ = 	snop  }
0x5: {  	_ = 	snop  }
0x6: {  	_ = 	snop  }
0x7: {  	_ = 	snop  }
__scs_overlays_trampoline_lowered:
0x8: {  	[smem:$0x3FAA] =	sst s0  }
0x9: {  	[smem:$0x3FAB] =	sst s1  }
0xa: {  	[smem:$0x3FAC] =	sst s2  }
0xb: {  	[smem:$0x3FAD] =	sst s3  }
0xc: {  	[smem:$0x3FAE] =	sst s4  }
0xd: {  	[smem:$0x3FAF] =	sst s5  }
0xe: {  	[smem:$0x3FB0] =	sst s6  }
0xf: {  	[smem:$0x3FB1] =	sst s7  }
0x10: {  	[smem:$0x3FB2] =	sst s8  }
0x11: {  	[smem:$0x3FB3] =	sst s9;
	s0 =	simm.s32 @!p0 $0x0  }
0x12: {  	s1 =	sld [smem:$0x3F99];
	s0 =	simm.s32 @p0 $0x1  }
0x13: {  	[smem:$0x3FB4] =	sst s0;
	s0 =	simm.s32 @!p1 $0x0  }
0x14: {  	s2 =	sld [smem:$0x3F98];
	s0 =	simm.s32 @p1 $0x1  }
0x15: {  	[smem:$0x3FB5] =	sst s0;
	s0 =	simm.s32 @!p2 $0x0  }
0x16: {  	s3 =	sld [smem:$0x3FDB];
	s0 =	simm.s32 @p2 $0x1  }
0x17: {  	s4 =	simm.s32 $0x1BF5;
	[smem:$0x3FB7] =	sst s0  }
0x18: {  	s0 =	sld [smem:$0x3F9A];
	_ =	swait.ge [sflag:s4], $0x0  }
0x19: {  	s7 =	sld [smem:$0x3F9B]  }
0x1a: {  	s8 =	sadd.s32 $0xFFFFE003, lr  }
0x1b: {  	s9 =	sadd.s32 $0xFFFFFEF7, lr;
	s5 =	simm.s32 $0xFFFFFFFF;
	p2 =	slt.u32 s8, $0xFFFFF086  }
0x1c: {  	p1 =	slt.u32 s9, $0xF7A;
	s5 =	simm.s32 @!p2 $0x0  }
0x1d: {  	s5 =	simm.s32 @p1 $0x1;
	p0 =	seq.s32 s7, s2  }
0x1e: {  	s7 =	smul.u32 @!p0 $0xF7A, s2;
	p2 =	seq.s32 @!p0 s5, $0x0  }
0x1f: {  	s9 =	smul.u32 $0xF7A, s1;
	s8 =	simm.s32 @!p0 $0x1BF5;
	p2 =	por !p2, p0  }
0x20: {  	[sflag:s8] =	ssyncset.s32 @!p0 $0xFFFFF086;
	s6 =	sadd.s32 @!p0 s3, s7;
	s7 =	simm.s32 @!p0 $0x108  }
0x21: {  	s3 =	sadd.s32 s3, s9;
	s6 =	sadd.s32 @!p0 $0x88, s6;
	s7 =	simm.s32 @p2 $0x1082  }
0x22: {  	[simem:s7], [sflag:s8] =	dma.local @!p0 [hbm:s6], $0xF7A  }
0x23: {  	s9 =	sor.u32 $0xD0000000, s2;
	s6 =	simm.s32 $0x108;
	_ =	swait.ge @!p0 [sflag:s8], $0x0  }
0x24: {  	s3 =	sadd.s32 $0x88, s3;
	s6 =	simm.s32 @!p1 $0x1082;
	[sflag:s4] =	ssyncset.s32 $0xFFFFF086  }
0x25: {  	[simem:s6], [sflag:s4] =	dma.local [hbm:s3], $0xF7A  }
0x26: {  	[smem:$0x3F9B] =	sst s1;
	(tag) =	ssettag s2;
	_ =	strace s9  }
0x27: {  	s1 =	sld [smem:$0x3FAB]  }
0x28: {  	s2 =	sld [smem:$0x3FAC]  }
0x29: {  	s4 =	sld [smem:$0x3FAE]  }
0x2a: {  	p0 =	seq.s32 s5, $0x0;
	s5 =	sld [smem:$0x3FAF]  }
0x2b: {  	s6 =	sld [smem:$0x3FB0]  }
0x2c: {  	s7 =	sld [smem:$0x3FB1]  }
0x2d: {  	s3 =	simm.s32 $0x108;
	s8 =	sld [smem:$0x3FB2]  }
0x2e: {  	s3 =	simm.s32 @!p0 $0x1082;
	s9 =	sld [smem:$0x3FB3]  }
0x2f: {  	lr =	sadd.s32 s0, s3;
	s0 =	sld [smem:$0x3FAA]  }
0x30: {  	s3 =	sld [smem:$0x3FAD]  }
0x31: {  	[smem:$0x3FB6] =	sst s10  }
0x32: {  	s10 =	sld [smem:$0x3FB4];
	_ =	sdelay $0x3  }
0x33: {  	p0 =	seq.s32 s10, $0x1;
	s10 =	sld [smem:$0x3FB6];
	_ =	sdelay $0x3  }
0x34: {  	[smem:$0x3FB6] =	sst s10  }
0x35: {  	s10 =	sld [smem:$0x3FB5];
	_ =	sdelay $0x3  }
0x36: {  	p1 =	seq.s32 s10, $0x1;
	s10 =	sld [smem:$0x3FB6];
	_ =	sdelay $0x3  }
0x37: {  	[smem:$0x3FB6] =	sst s10  }
0x38: {  	s10 =	sld [smem:$0x3FB7]  }
0x39: {  	_ = 	snop;
	(pc) =	sbr.ind lr, $3  }
0x3a: {  	_ = 	snop  }
0x3b: {  	_ = 	snop  }
0x3c: {  	p2 =	seq.s32 s10, $0x1;
	s10 =	sld [smem:$0x3FB6]  }
0x3d: {  	_ =	shalt  }
0x3e: {  	_ =	shalt  }
0x3f: {  	_ =	shalt  }
0x40: {  	_ =	shalt  }
0x41: {  	_ =	shalt  }
0x42: {  	_ =	shalt  }
0x43: {  	_ =	shalt  }
0x44: {  	_ =	shalt  }
0x45: {  	_ =	shalt  }
0x46: {  	_ =	shalt  }
0x47: {  	_ =	shalt  }
0x48: {  	_ =	shalt  }
0x49: {  	_ =	shalt  }
0x4a: {  	_ =	shalt  }
0x4b: {  	_ =	shalt  }
0x4c: {  	_ =	shalt  }
0x4d: {  	_ =	shalt  }
0x4e: {  	_ =	shalt  }
0x4f: {  	_ =	shalt  }
0x50: {  	_ =	shalt  }
0x51: {  	_ =	shalt  }
0x52: {  	_ =	shalt  }
0x53: {  	_ =	shalt  }
0x54: {  	_ =	shalt  }
0x55: {  	_ =	shalt  }
0x56: {  	_ =	shalt  }
0x57: {  	_ =	shalt  }
0x58: {  	_ =	shalt  }
0x59: {  	_ =	shalt  }
0x5a: {  	_ =	shalt  }
0x5b: {  	_ =	shalt  }
0x5c: {  	_ =	shalt  }
0x5d: {  	_ =	shalt  }
0x5e: {  	_ =	shalt  }
0x5f: {  	_ =	shalt  }
0x60: {  	_ =	shalt  }
0x61: {  	_ =	shalt  }
0x62: {  	_ =	shalt  }
0x63: {  	_ =	shalt  }
0x64: {  	_ =	shalt  }
0x65: {  	_ =	shalt  }
0x66: {  	_ =	shalt  }
0x67: {  	_ =	shalt  }
0x68: {  	_ =	shalt  }
0x69: {  	_ =	shalt  }
0x6a: {  	_ =	shalt  }
0x6b: {  	_ =	shalt  }
0x6c: {  	_ =	shalt  }
0x6d: {  	_ =	shalt  }
0x6e: {  	_ =	shalt  }
0x6f: {  	_ =	shalt  }
0x70: {  	_ =	shalt  }
0x71: {  	_ =	shalt  }
0x72: {  	_ =	shalt  }
0x73: {  	_ =	shalt  }
0x74: {  	_ =	shalt  }
0x75: {  	_ =	shalt  }
0x76: {  	_ =	shalt  }
0x77: {  	_ =	shalt  }
0x78: {  	_ =	shalt  }
0x79: {  	_ =	shalt  }
0x7a: {  	_ =	shalt  }
0x7b: {  	_ =	shalt  }
0x7c: {  	_ =	shalt  }
0x7d: {  	_ =	shalt  }
0x7e: {  	_ =	shalt  }
0x7f: {  	_ =	shalt  }
0x80: {  	_ =	shalt  }
0x81: {  	_ =	shalt  }
0x82: {  	_ =	shalt  }
0x83: {  	_ =	shalt  }
0x84: {  	_ =	shalt  }
0x85: {  	_ =	shalt  }
0x86: {  	_ =	shalt  }
0x87: {  	_ =	shalt  }
.Lfunc_end0:
.L_simem_size_0:
called_computation.1_lowered:
.L_overlay_start_0:
0x88: {  	s2 =	sld [smem:$0x3FD9]  }
0x89: {  	s3 =	sld [smem:$0x3FFE];
	_ =	sdelay $0x1  }
0x8a: {  	s1 =	srdreg.scid  }
0x8b: {  	s0 =	sand.u32 $0x1, s1  }
0x8c: {  	s16 =	sshll.u32 s0, $0xA;
	s2 =	sadd.s32 s3, s2  }
0x8d: {  	s2 =	sadd.s32 s2, s16  }
0x8e: {  	[smem:$0x3FC2] =	sst s2  }
0x8f: {  	_ = 	snop  }
0x90: {  	(tm) =	ssettm $0x1  }
0x91: {  	s17 =	sld [smem:$0x3FFB];
	_ =	sdelay $0x3  }
0x92: {  	_ =	strace s17  }
0x93: {  	s2 =	sld [smem:$0x3FFC];
	_ =	sdelay $0x3  }
0x94: {  	_ =	strace s2  }
0x95: {  	s2 =	sld [smem:$0x3FFD];
	_ =	sdelay $0x3  }
0x96: {  	_ =	strace s2  }
0x97: {  	_ =	strace $0x8FFFFFFF  }
0x98: {  	s18 =	sld [smem:$0x3FDB];
	_ =	sdelay $0x1  }
0x99: {  	s19 =	simm.s32 $_scs_section_size  }
0x9a: {  	s4 =	simm.s32 $_size__tile_overlayer_lowered;
	s5 =	simm.s32 $_tile_overlayer_lowered  }
0x9b: {  	s22 =	simm.s32 $0x1BFF;
	s21 =	sshll.u32 s5, $0x1;
	s2 =	sadd.s32 s19, s18  }
0x9c: {  	s6 =	simm.s32 $0x0;
	s20 =	sshll.u32 s4, $0x1;
	s4 =	sadd.s32 s21, s2  }
0x9d: {  	[timem:s6], [sflag:s22] =	dma.local [hbm:s4], s20  }
0x9e: {  	_ =	swait.ge [sflag:s22], s20  }
0x9f: {  	s3 =	ssub.s32 $0x0, s20;
	[sflag:s22] =	ssyncset.done $0x0  }
0xa0: {  	[sflag:s22] =	ssyncadd.s32 s3;
	_ =	sdelay $0x1  }
0xa1: {  	s23 =	simm.s32 $0x1B8B  }
0xa2: {  	_ =	swait.ge [sflag:s23], $0x1  }
0xa3: {  	[sflag:s23] =	ssyncset.done $0x0  }
0xa4: {  	s25 =	simm.s32 $0x1B8E;
	s24 =	sld [smem:$0x3FFE];
	[sflag:s23] =	ssyncadd.s32 $0xFFFFFFFF  }
0xa5: {  	s26 =	simm.s32 $execute0_lowered;
	[smem:$0x3FD2] =	sst s25  }
0xa6: {  	s4 =	sshll.u32 s26, $0x1;
	_ =	strace $0x80000049;
	[dreg:$0x1] =	wrdreg $0xFFFFFFFF  }
0xa7: {  	s28 =	simm.s32 $_size_execute0_lowered;
	s2 =	sadd.s32 s2, s4;
	[dreg:$0x0] =	wrdreg $0x0  }
0xa8: {  	s4 =	sshll.u32 s28, $0x1;
	[dreg:$0x2] =	wrdreg s2  }
0xa9: {  	[dreg:$0x3] =	wrdreg s4  }
0xaa: {  	[dreg:$0x4] =	wrdreg $0xC0  }
0xab: {  	_ =	task [dreg:s6], $0x5FFFF  }
0xac: {  	[dreg:$0x1] =	wrdreg $0xFFFFFFFF  }
0xad: {  	[dreg:$0x0] =	wrdreg $0x60  }
0xae: {  	[dreg:$0x2] =	wrdreg s24  }
0xaf: {  	[dreg:$0x3] =	wrdreg $0x0  }
0xb0: {  	[dreg:$0x4] =	wrdreg $0x9  }
0xb1: {  	_ =	task.clear_ibuf [dreg:s6], $0x5FFFF;
	_ =	strace $0x90000049  }
0xb2: {  	s29 =	simm.s32 $0x9;
	_ =	strace $0x8000004B  }
0xb3: {  	_ =	swait.ge [sflag:s29], $0x1  }
0xb4: {  	[sflag:s29] =	ssyncadd.s32 $0xFFFFFFFF  }
0xb5: {  	_ =	strace $0x9000004B  }
0xb6: {  	_ =	sfence  }
0xb7: {  	s30 =	sld [smem:$0x0];
	_ =	sdelay $0x2  }
0xb8: {  	s31 =	sshll.u32 s1, $0xD;
	s1 =	sshrl.u32 s1, $0x2  }
0xb9: {  	s3 =	sand.u32 $0x4000, s31;
	s1 =	sadd.s32 s1, s30  }
0xba: {  	s0 =	sor.u32 s3, s0;
	s1 =	sshll.u32 s1, $0x11  }
0xbb: {  	s0 =	sor.u32 s1, s0  }
0xbc: {  	s0 =	sadd.s32 $0x8F2B, s0  }
0xbd: {  	[sflag:s0] =	ssyncadd.remote.s32 $0x1  }
0xbe: {  	_ =	sfence.sel $0xFFFF  }
0xbf: {  	[dreg:$0x0] =	wrdreg $0xFFFFFFFF;
	(pc) =	sbr.abs _section_cstart, $3  }
0xc0: {  	[dreg:$0x1] =	wrdreg $0xFFFFFFFF  }
0xc1: {  	_ =	task.clear_ibuf [dreg:s6], $0x2FFFF;
	_ =	strace $0x9FFFFFFF  }
0xc2: {  	(tm) =	ssettm $0x7FFFFFFF  }
0xc3: {  	_ =	shalt  }
tec
execute0_lowered:
.L_overlay_start_1:
0x0: {  	(tag) =	ssettag $0x1  }
0x1: {  	s0 =	srdreg.scid;
	s1 =	rddreg [dreg:$0x0]  }
0x2: {  	s6 =	stileid.u32;
	s2 =	rddreg [dreg:$0x1];
	s29 =	simm.s32 $0x14C60  }
0x3: {  	s28 =	simm.s32 $0x1CC60;
	s0 =	sand.u32 $0x1, s0;
	s3 =	sshll.u32 s6, $0x1  }
0x4: {  	s30 =	simm.s32 $0x2;
	s10 =	smul.u32 $0x9C40, s6;
	s4 =	sor.u32 s0, s3  }
0x5: {  	s3 =	simm.s32 $0x0;
	s6 =	ssub.s32 $0x2, s0;
	s0 =	smul.u32 $0x9C400, s0  }
0x6: {  	s4 =	smul.u32 $0x2800, s4;
	[smem:$0x7FF] =	sst s3;
	s7 =	sshrl.u32 s6, $0x1  }
0x7: {  	s12 =	sadd.s32 $0x2000, s10;
	s14 =	sadd.s32 $0x4000, s10;
	s15 =	sadd.s32 $0x6000, s10  }
0x8: {  	s16 =	sadd.s32 $0x8000, s10;
	_ =	strace $0x8000004A;
	s13 =	ssub.s32 s6, s7  }
0x9: {  	s17 =	sadd.s32 s12, s2;
	s20 =	sadd.s32 s14, s2;
	s31 =	sadd.s32 s15, s2  }
0xa: {  	s8 =	sadd.s32 s16, s2;
	s12 =	sadd.s32 s0, s12;
	s22 =	sadd.s32 s0, s14  }
0xb: {  	s23 =	sadd.s32 s0, s15;
	s14 =	simm.s32 $0x12C60;
	s15 =	simm.s32 $0x16C60  }
0xc: {  	s5 =	sshrl.u32 s4, $0x3;
	s4 =	sadd.s32 $0x15C00, s1;
	[dreg:$0x3] =	wrdreg s8  }
0xd: {  	s12 =	sshrl.u32 s12, $0x3;
	s26 =	smax.u32 s13, $0x1;
	s11 =	sadd.s32 s5, s1  }
0xe: {  	s1 =	sadd.s32 $0x29600, s1;
	s5 =	sadd.s32 s10, s2;
	s10 =	sadd.s32 s10, s0  }
0xf: {  	s0 =	sadd.s32 s0, s16;
	[dreg:$0xb] =	wrdreg s26;
	s16 =	simm.s32 $0xF  }
0x10: {  	s26 =	simm.s32 $0x0;
	s9 =	sadd.s32 $0x1C00, s11;
	s10 =	sshrl.u32 s10, $0x3  }
0x11: {  	s18 =	sadd.s32 $0xBC00, s11;
	s21 =	sadd.s32 s1, s12;
	[dreg:$0x4] =	wrdreg s9  }
0x12: {  	s11 =	sshrl.u32 s23, $0x3;
	s0 =	sshrl.u32 s0, $0x3;
	[dreg:$0x5] =	wrdreg s18  }
0x13: {  	s23 =	simm.s32 $0x1AC60;
	s19 =	sadd.s32 s1, s10;
	[dreg:$0x7] =	wrdreg s21  }
0x14: {  	s10 =	sshrl.u32 s22, $0x3;
	s25 =	sadd.s32 s1, s11;
	s0 =	sadd.s32 s1, s0  }
.Ltmp0:
0x15: {  	s18 =	simm.s32 $0xEC60;
	[dreg:$0x6] =	wrdreg s19;
	(pc) =	sbr.rel .LBB2_1-.Ltmp0, $4  }
0x16: {  	s22 =	simm.s32 $0x80;
	s21 =	simm.s32 $0x6;
	[dreg:$0x9] =	wrdreg s25  }
0x17: {  	s24 =	sadd.s32 s1, s10;
	[dreg:$0xa] =	wrdreg s0;
	s19 =	simm.s32 $0x11  }
0x18: {  	s0 =	simm.s32 $0x18C60;
	s25 =	simm.s32 $0x1;
	s1 =	simm.s32 $0x4  }
0x19: {  	v0 =	vimm.f32 $0.0e+00;
	s10 =	simm.s32 $0x8;
	[dreg:$0x8] =	wrdreg s24;
	s24 =	simm.s32 $0x10C60  }
.LBB2_6:
0x1a: {  	s5 =	simm.s32 $0x9  }
0x1b: {  	_ =	swait.ge [sflag:s5], $0x2000  }
0x1c: {  	[sflag:s5] =	ssyncset.done $0x0  }
0x1d: {  	s11 =	simm.s32 $0xA;
	[sflag:s5] =	ssyncadd.s32 $0xFFFFE000  }
0x1e: {  	_ =	swait.ge [sflag:s11], $0x2000  }
0x1f: {  	[sflag:s11] =	ssyncset.done $0x0  }
0x20: {  	s12 =	simm.s32 $0xB;
	[sflag:s11] =	ssyncadd.s32 $0xFFFFE000  }
0x21: {  	_ =	swait.ge [sflag:s12], $0x2000  }
0x22: {  	[sflag:s12] =	ssyncset.done $0x0  }
0x23: {  	s13 =	simm.s32 $0xC;
	[sflag:s12] =	ssyncadd.s32 $0xFFFFE000  }
0x24: {  	_ =	swait.ge [sflag:s13], $0x2000  }
0x25: {  	[sflag:s13] =	ssyncset.done $0x0  }
0x26: {  	s14 =	simm.s32 $0xD;
	[sflag:s13] =	ssyncadd.s32 $0xFFFFE000  }
0x27: {  	_ =	swait.ge [sflag:s14], $0x2000  }
0x28: {  	[sflag:s14] =	ssyncset.done $0x0  }
0x29: {  	s15 =	simm.s32 $0xE;
	[sflag:s14] =	ssyncadd.s32 $0xFFFFE000  }
0x2a: {  	_ =	swait.ge [sflag:s15], $0x2000  }
0x2b: {  	[sflag:s15] =	ssyncset.done $0x0  }
0x2c: {  	[sflag:s15] =	ssyncadd.s32 $0xFFFFE000  }
0x2d: {  	_ =	swait.ge [sflag:s16], $0x2000  }
0x2e: {  	[sflag:s16] =	ssyncset.done $0x0  }
0x2f: {  	s17 =	simm.s32 $0x10;
	[sflag:s16] =	ssyncadd.s32 $0xFFFFE000  }
0x30: {  	_ =	swait.ge [sflag:s17], $0x2000  }
0x31: {  	[sflag:s17] =	ssyncset.done $0x0  }
0x32: {  	[sflag:s17] =	ssyncadd.s32 $0xFFFFE000  }
0x33: {  	[bflag:$0x0] =	sbarrier.arrive $0xFFFF  }
0x34: {  	[tilespmem:s18], [sflag:$0x11] =	stream.linear.gather [spmem:s6], $0x2000, $0x38;
	[tilespmem:$0x1EC60] =	vst v63  }
0x35: {  	_ =	swait.ge [sflag:s19], $0x2000  }
0x36: {  	[sflag:s19] =	ssyncset.done $0x0  }
0x37: {  	s20 =	rddreg [dreg:$0x6];
	[sflag:s19] =	ssyncadd.s32 $0xFFFFE000  }
0x38: {  	[hbm4b:s20+s3] =	stream.linear.scatter [tilespmem:s18], [sflag:$0x11], $0x2000, $0x38;
	[tilespmem:$0x1EC60] =	vst v63  }
0x39: {  	_ =	swait.ge [sflag:s19], $0x2000  }
0x3a: {  	[sflag:s19] =	ssyncset.done $0x0  }
0x3b: {  	[sflag:s19] =	ssyncadd.s32 $0xFFFFE000  }
0x3c: {  	[tilespmem:s24], [sflag:$0x11] =	stream.linear.gather [spmem:s7], $0x2000, $0x38;
	[tilespmem:$0x1EC60] =	vst v63  }
0x3d: {  	_ =	swait.ge [sflag:s19], $0x2000  }
0x3e: {  	[sflag:s19] =	ssyncset.done $0x0  }
0x3f: {  	s17 =	smov.u32 s7;
	s7 =	rddreg [dreg:$0x7];
	[sflag:s19] =	ssyncadd.s32 $0xFFFFE000  }
0x40: {  	[hbm4b:s7+s3] =	stream.linear.scatter [tilespmem:s24], [sflag:$0x11], $0x2000, $0x38;
	[tilespmem:$0x1EC60] =	vst v63  }
0x41: {  	_ =	swait.ge [sflag:s19], $0x2000  }
0x42: {  	[sflag:s19] =	ssyncset.done $0x0  }
0x43: {  	s14 =	simm.s32 $0x12C60;
	[sflag:s19] =	ssyncadd.s32 $0xFFFFE000  }
0x44: {  	[tilespmem:s14], [sflag:$0x11] =	stream.linear.gather [spmem:s8], $0x2000, $0x38;
	[tilespmem:$0x1EC60] =	vst v63  }
0x45: {  	_ =	swait.ge [sflag:s19], $0x2000  }
0x46: {  	[sflag:s19] =	ssyncset.done $0x0  }
0x47: {  	s20 =	smov.u32 s8;
	s8 =	rddreg [dreg:$0x8];
	[sflag:s19] =	ssyncadd.s32 $0xFFFFE000  }
0x48: {  	[hbm4b:s8+s3] =	stream.linear.scatter [tilespmem:s14], [sflag:$0x11], $0x2000, $0x38;
	[tilespmem:$0x1EC60] =	vst v63  }
0x49: {  	_ =	swait.ge [sflag:s19], $0x2000  }
0x4a: {  	[sflag:s19] =	ssyncset.done $0x0  }
0x4b: {  	[sflag:s19] =	ssyncadd.s32 $0xFFFFE000  }
0x4c: {  	[tilespmem:s29], [sflag:$0x11] =	stream.linear.gather [spmem:s9], $0x2000, $0x38;
	[tilespmem:$0x1EC60] =	vst v63  }
0x4d: {  	_ =	swait.ge [sflag:s19], $0x2000  }
0x4e: {  	[sflag:s19] =	ssyncset.done $0x0  }
0x4f: {  	s31 =	smov.u32 s9;
	s9 =	rddreg [dreg:$0x9];
	[sflag:s19] =	ssyncadd.s32 $0xFFFFE000  }
0x50: {  	[hbm4b:s9+s3] =	stream.linear.scatter [tilespmem:s29], [sflag:$0x11], $0x2000, $0x38;
	[tilespmem:$0x1EC60] =	vst v63  }
0x51: {  	_ =	swait.ge [sflag:s19], $0x2000  }
0x52: {  	[sflag:s19] =	ssyncset.done $0x0  }
0x53: {  	s15 =	simm.s32 $0x16C60;
	s11 =	rddreg [dreg:$0x3];
	[sflag:s19] =	ssyncadd.s32 $0xFFFFE000  }
0x54: {  	[tilespmem:s15], [sflag:$0x11] =	stream.linear.gather [spmem:s11], $0x1C40, $0x38;
	[tilespmem:$0x1EC60] =	vst v63  }
0x55: {  	_ =	swait.ge [sflag:s19], $0x1C40  }
0x56: {  	[sflag:s19] =	ssyncset.done $0x0  }
0x57: {  	s12 =	rddreg [dreg:$0xa];
	[sflag:s19] =	ssyncadd.s32 $0xFFFFE3C0  }
0x58: {  	[hbm4b:s12+s3] =	stream.linear.scatter [tilespmem:s15], [sflag:$0x11], $0x1C40, $0x38;
	[tilespmem:$0x1EC60] =	vst v63  }
0x59: {  	_ =	swait.ge [sflag:s19], $0x1C40  }
0x5a: {  	s26 =	sadd.s32 $0x1, s26;
	s13 =	rddreg [dreg:$0xb]  }
0x5b: {  	p0 =	sne.s32 s26, s13  }
.Ltmp1:
0x5c: {  	_ = 	snop;
	(pc) =	sbr.rel @!p0 .LBB2_7-.Ltmp1, $3  }
0x5d: {  	_ =	sdelay $0x1  }
0x5e: {  	[sflag:s19] =	ssyncset.done $0x0  }
0x5f: {  	s5 =	smov.u32 s6;
	[sflag:s19] =	ssyncadd.s32 $0xFFFFE3C0  }
.LBB2_1:
0x60: {  	s12 =	simm.s32 $0x100;
	s11 =	simm.s32 $0x0  }
.LBB2_2:
0x61: {  	p0 =	sne.s32 s12, $0x7F00;
	[tilespmem:s11+$0xEC90] =	vst v0;
	s13 =	smov.u32 s12;
	s12 =	sadd.s32 $0x100, s12  }
.Ltmp2:
0x62: {  	[tilespmem:s11+$0xEC80] =	vst v0;
	(pc) =	sbr.rel @p0 .LBB2_2-.Ltmp2, $3  }
0x63: {  	[tilespmem:s11+$0xEC60] =	vst v0  }
0x64: {  	[tilespmem:s11+$0xEC70] =	vst v0;
	_ =	sdelay $0x1  }
0x65: {  	s11 =	sshra.s32 s13, $0x2  }
0x66: {  	[tilespmem:s11+$0xEC90] =	vst v0  }
0x67: {  	[tilespmem:s11+$0xEC80] =	vst v0  }
0x68: {  	[tilespmem:s11+$0xEC60] =	vst v0  }
0x69: {  	[tilespmem:s11+$0xEC70] =	vst v0  }
0x6a: {  	[spmem:s5] =	stream.linear.scatter [tilespmem:s18], [sflag:$0x11], $0x2000, $0x38;
	[tilespmem:$0x1EC60] =	vst v63  }
0x6b: {  	_ =	swait.ge [sflag:s19], $0x2000  }
0x6c: {  	[sflag:s19] =	ssyncset.done $0x0  }
0x6d: {  	[sflag:s19] =	ssyncadd.s32 $0xFFFFE000  }
0x6e: {  	[spmem:s17] =	stream.linear.scatter [tilespmem:s18], [sflag:$0x11], $0x2000, $0x38;
	[tilespmem:$0x1EC60] =	vst v63  }
0x6f: {  	_ =	swait.ge [sflag:s19], $0x2000  }
0x70: {  	[sflag:s19] =	ssyncset.done $0x0  }
0x71: {  	[sflag:s19] =	ssyncadd.s32 $0xFFFFE000  }
0x72: {  	[spmem:s20] =	stream.linear.scatter [tilespmem:s18], [sflag:$0x11], $0x2000, $0x38;
	[tilespmem:$0x1EC60] =	vst v63  }
0x73: {  	_ =	swait.ge [sflag:s19], $0x2000  }
0x74: {  	[sflag:s19] =	ssyncset.done $0x0  }
0x75: {  	[sflag:s19] =	ssyncadd.s32 $0xFFFFE000  }
0x76: {  	[spmem:s31] =	stream.linear.scatter [tilespmem:s18], [sflag:$0x11], $0x2000, $0x38;
	[tilespmem:$0x1EC60] =	vst v63  }
0x77: {  	_ =	swait.ge [sflag:s19], $0x2000  }
0x78: {  	[sflag:s19] =	ssyncset.done $0x0  }
0x79: {  	s12 =	rddreg [dreg:$0x3];
	[sflag:s19] =	ssyncadd.s32 $0xFFFFE000  }
0x7a: {  	[spmem:s12] =	stream.linear.scatter [tilespmem:s18], [sflag:$0x11], $0x1C40, $0x38;
	[tilespmem:$0x1EC60] =	vst v63  }
0x7b: {  	_ =	swait.ge [sflag:s19], $0x1C40  }
0x7c: {  	[sflag:s19] =	ssyncset.done $0x0  }
0x7d: {  	[sflag:s19] =	ssyncadd.s32 $0xFFFFE3C0  }
0x7e: {  	s7 =	smov.u32 s17;
	s9 =	smov.u32 s31;
	[bflag:$0x0] =	sbarrier.arrive $0xFFFF  }
0x7f: {  	s17 =	simm.s32 $0x9C60;
	s31 =	simm.s32 $0x0;
	s13 =	rddreg [dreg:$0x4]  }
0x80: {  	[tilespmem:s17], [sflag:$0x11] =	stream.linear.gather [hbm4b:s13+s31], $0x2800, $0x38;
	[tilespmem:$0x1EC60] =	vst v63  }
0x81: {  	_ =	swait.ge [sflag:s19], $0x2800  }
0x82: {  	s8 =	smov.u32 s20;
	[sflag:s19] =	ssyncset.done $0x0  }
0x83: {  	s12 =	simm.s32 $0xC460;
	s20 =	rddreg [dreg:$0x5];
	[sflag:s19] =	ssyncadd.s32 $0xFFFFD800  }
0x84: {  	[tilespmem:s12], [sflag:$0x11] =	stream.linear.gather [hbm4b:s20+s31], $0x2800, $0x38;
	[tilespmem:$0x1EC60] =	vst v63  }
0x85: {  	_ =	swait.ge [sflag:s19], $0x2800  }
0x86: {  	[sflag:s19] =	ssyncset.done $0x0  }
0x87: {  	[sflag:s19] =	ssyncadd.s32 $0xFFFFD800  }
0x88: {  	[tilespmem:s18], [sflag:$0x1] =	stream.indirect.gather [hbm4b:s4+s22], $0x40, s17, s22, $0xb8;
	[tilespmem:$0x1EC60] =	vst v63  }
0x89: {  	s11 =	simm.s32 $0x9CE0  }
0x8a: {  	[tilespmem:s24], [sflag:$0x2] =	stream.indirect.gather [hbm4b:s4+s22], $0x40, s11, s22, $0xb8;
	[tilespmem:$0x1EC60] =	vst v63  }
0x8b: {  	s12 =	simm.s32 $0x9D60  }
0x8c: {  	[tilespmem:s14], [sflag:$0x3] =	stream.indirect.gather [hbm4b:s4+s22], $0x40, s12, s22, $0xb8;
	[tilespmem:$0x1EC60] =	vst v63  }
0x8d: {  	s13 =	simm.s32 $0x9DE0  }
0x8e: {  	[tilespmem:s29], [sflag:$0x4] =	stream.indirect.gather [hbm4b:s4+s22], $0x40, s13, s22, $0xb8;
	[tilespmem:$0x1EC60] =	vst v63  }
0x8f: {  	s14 =	simm.s32 $0x9E60  }
0x90: {  	[tilespmem:s15], [sflag:$0x5] =	stream.indirect.gather [hbm4b:s4+s22], $0x40, s14, s22, $0xb8;
	[tilespmem:$0x1EC60] =	vst v63  }
0x91: {  	s17 =	simm.s32 $0x9EE0  }
0x92: {  	[tilespmem:s0], [sflag:$0x6] =	stream.indirect.gather [hbm4b:s4+s22], $0x40, s17, s22, $0xb8;
	[tilespmem:$0x1EC60] =	vst v63  }
0x93: {  	s6 =	smov.u32 s5;
	s20 =	simm.s32 $0x9F60  }
0x94: {  	[tilespmem:s23], [sflag:$0x7] =	stream.indirect.gather [hbm4b:s4+s22], $0x40, s20, s22, $0xb8;
	[tilespmem:$0x1EC60] =	vst v63  }
.LBB2_4:
0x95: {  	_ =	swait.ge [sflag:s25], $0x2000  }
0x96: {  	s11 =	sshra.s32 s31, $0x2;
	[sflag:s25] =	ssyncset.done $0x0  }
0x97: {  	p0 =	seq.s32 s31, $0x0;
	s12 =	sadd.s32 $0xC460, s11;
	[sflag:s25] =	ssyncadd.s32 $0xFFFFE000  }
0x98: {  	[spmem:s2] =	stream.indirect.scatter.add.f32 [tilespmem:s18], [sflag:$0x9], $0x40, s12, s22, $0xb8;
	[tilespmem:$0x1EC60] =	vst v63  }
0x99: {  	s12 =	simm.s32 @!p0 $0x10  }
0x9a: {  	_ =	swait.ge @!p0 [sflag:s12], $0x2000  }
0x9b: {  	[sflag:s12] =	ssyncset.done @!p0 $0x0  }
0x9c: {  	s14 =	sadd.s32 $0x9FE0, s11;
	[sflag:s12] =	ssyncadd.s32 @!p0 $0xFFFFE000  }
0x9d: {  	[tilespmem:s28], [sflag:$0x8] =	stream.indirect.gather [hbm4b:s4+s22], $0x40, s14, s22, $0xb8;
	[tilespmem:$0x1EC60] =	vst v63  }
0x9e: {  	_ =	swait.ge [sflag:s30], $0x2000  }
0x9f: {  	p0 =	seq.s32 s31, $0x9000;
	[sflag:s30] =	ssyncset.done $0x0  }
0xa0: {  	s15 =	sadd.s32 $0xC4E0, s11;
	s12 =	simm.s32 @p0 $0x3;
	[sflag:s30] =	ssyncadd.s32 $0xFFFFE000  }
0xa1: {  	[spmem:s2] =	stream.indirect.scatter.add.f32 [tilespmem:s24], [sflag:$0xA], $0x40, s15, s22, $0xb8;
	[tilespmem:$0x1EC60] =	vst v63  }
0xa2: {  	_ =	swait.ge @p0 [sflag:s12], $0x2000  }
0xa3: {  	s14 =	sshra.s32 @p0 s31, $0x2;
	s13 =	simm.s32 @p0 $0x12C60;
	[sflag:s12] =	ssyncset.done @p0 $0x0  }
0xa4: {  	s15 =	simm.s32 @p0 $0x80;
	[sflag:s12] =	ssyncadd.s32 @p0 $0xFFFFE000;
	s12 =	sadd.s32 @p0 $0xC560, s14  }
0xa5: {  	[spmem:s2] =	stream.indirect.scatter.add.f32 @p0 [tilespmem:s13], [sflag:$0xB], $0x40, s12, s15, $0xb8;
	[tilespmem:$0x1EC60] =	vst v63  }
0xa6: {  	s12 =	simm.s32 @!p0 $0x9  }
0xa7: {  	_ =	swait.ge @!p0 [sflag:s12], $0x2000  }
0xa8: {  	[sflag:s12] =	ssyncset.done @!p0 $0x0  }
0xa9: {  	[sflag:s12] =	ssyncadd.s32 @!p0 $0xFFFFE000;
	s12 =	sshra.s32 @!p0 s31, $0x2  }
0xaa: {  	s17 =	simm.s32 @!p0 $0xEC60;
	s13 =	simm.s32 @!p0 $0x80;
	s20 =	sadd.s32 @!p0 $0xA060, s12  }
0xab: {  	[tilespmem:s17], [sflag:$0x1] =	stream.indirect.gather @!p0 [hbm4b:s4+s13], $0x40, s20, s13, $0xb8;
	[tilespmem:$0x1EC60] =	vst v63  }
0xac: {  	s17 =	simm.s32 @!p0 $0x3  }
0xad: {  	_ =	swait.ge @!p0 [sflag:s17], $0x2000  }
0xae: {  	[sflag:s17] =	ssyncset.done @!p0 $0x0  }
0xaf: {  	s20 =	simm.s32 @!p0 $0x12C60;
	[sflag:s17] =	ssyncadd.s32 @!p0 $0xFFFFE000;
	s17 =	sadd.s32 @!p0 $0xC560, s12  }
0xb0: {  	[spmem:s2] =	stream.indirect.scatter.add.f32 @!p0 [tilespmem:s20], [sflag:$0xB], $0x40, s17, s13, $0xb8;
	[tilespmem:$0x1EC60] =	vst v63  }
0xb1: {  	s17 =	simm.s32 @!p0 $0xA  }
0xb2: {  	_ =	swait.ge @!p0 [sflag:s17], $0x2000  }
0xb3: {  	[sflag:s17] =	ssyncset.done @!p0 $0x0  }
0xb4: {  	s5 =	simm.s32 @!p0 $0x10C60;
	[sflag:s17] =	ssyncadd.s32 @!p0 $0xFFFFE000;
	s17 =	sadd.s32 @!p0 $0xA0E0, s12  }
0xb5: {  	[tilespmem:s5], [sflag:$0x2] =	stream.indirect.gather @!p0 [hbm4b:s4+s13], $0x40, s17, s13, $0xb8;
	[tilespmem:$0x1EC60] =	vst v63  }
0xb6: {  	_ =	swait.ge [sflag:s1], $0x2000  }
0xb7: {  	[sflag:s1] =	ssyncset.done $0x0  }
0xb8: {  	s17 =	sadd.s32 $0xC5E0, s11;
	s5 =	simm.s32 @p0 $0x5;
	[sflag:s1] =	ssyncadd.s32 $0xFFFFE000  }
0xb9: {  	[spmem:s2] =	stream.indirect.scatter.add.f32 [tilespmem:s29], [sflag:$0xC], $0x40, s17, s22, $0xb8;
	[tilespmem:$0x1EC60] =	vst v63  }
0xba: {  	_ =	swait.ge @p0 [sflag:s5], $0x2000  }
0xbb: {  	[sflag:s5] =	ssyncset.done @p0 $0x0  }
0xbc: {  	s17 =	simm.s32 @p0 $0x16C60;
	[sflag:s5] =	ssyncadd.s32 @p0 $0xFFFFE000;
	s5 =	sadd.s32 @p0 $0xC660, s14  }
0xbd: {  	[spmem:s2] =	stream.indirect.scatter.add.f32 @p0 [tilespmem:s17], [sflag:$0xD], $0x40, s5, s15, $0xb8;
	[tilespmem:$0x1EC60] =	vst v63  }
0xbe: {  	s5 =	simm.s32 @!p0 $0xB  }
0xbf: {  	_ =	swait.ge @!p0 [sflag:s5], $0x2000  }
0xc0: {  	[sflag:s5] =	ssyncset.done @!p0 $0x0  }
0xc1: {  	[sflag:s5] =	ssyncadd.s32 @!p0 $0xFFFFE000;
	s5 =	sadd.s32 @!p0 $0xA160, s12  }
0xc2: {  	[tilespmem:s20], [sflag:$0x3] =	stream.indirect.gather @!p0 [hbm4b:s4+s13], $0x40, s5, s13, $0xb8;
	[tilespmem:$0x1EC60] =	vst v63  }
0xc3: {  	s5 =	simm.s32 @!p0 $0x5  }
0xc4: {  	_ =	swait.ge @!p0 [sflag:s5], $0x2000  }
0xc5: {  	[sflag:s5] =	ssyncset.done @!p0 $0x0  }
0xc6: {  	s17 =	simm.s32 @!p0 $0x16C60;
	[sflag:s5] =	ssyncadd.s32 @!p0 $0xFFFFE000;
	s5 =	sadd.s32 @!p0 $0xC660, s12  }
0xc7: {  	[spmem:s2] =	stream.indirect.scatter.add.f32 @!p0 [tilespmem:s17], [sflag:$0xD], $0x40, s5, s13, $0xb8;
	[tilespmem:$0x1EC60] =	vst v63  }
0xc8: {  	s5 =	simm.s32 @!p0 $0xC  }
0xc9: {  	_ =	swait.ge @!p0 [sflag:s5], $0x2000  }
0xca: {  	[sflag:s5] =	ssyncset.done @!p0 $0x0  }
0xcb: {  	s20 =	simm.s32 @!p0 $0x14C60;
	[sflag:s5] =	ssyncadd.s32 @!p0 $0xFFFFE000;
	s5 =	sadd.s32 @!p0 $0xA1E0, s12  }
0xcc: {  	[tilespmem:s20], [sflag:$0x4] =	stream.indirect.gather @!p0 [hbm4b:s4+s13], $0x40, s5, s13, $0xb8;
	[tilespmem:$0x1EC60] =	vst v63  }
0xcd: {  	_ =	swait.ge [sflag:s21], $0x2000  }
0xce: {  	[sflag:s21] =	ssyncset.done $0x0  }
0xcf: {  	s20 =	sadd.s32 $0xC6E0, s11;
	s5 =	simm.s32 @p0 $0x7;
	[sflag:s21] =	ssyncadd.s32 $0xFFFFE000  }
0xd0: {  	[spmem:s2] =	stream.indirect.scatter.add.f32 [tilespmem:s0], [sflag:$0xE], $0x40, s20, s22, $0xb8;
	[tilespmem:$0x1EC60] =	vst v63  }
0xd1: {  	_ =	swait.ge @p0 [sflag:s5], $0x2000  }
0xd2: {  	[sflag:s5] =	ssyncset.done @p0 $0x0  }
0xd3: {  	[sflag:s5] =	ssyncadd.s32 @p0 $0xFFFFE000;
	s5 =	sadd.s32 @p0 $0xC760, s14;
	s14 =	simm.s32 @p0 $0x1AC60  }
0xd4: {  	[spmem:s2] =	stream.indirect.scatter.add.f32 @p0 [tilespmem:s14], [sflag:$0xF], $0x40, s5, s15, $0xb8;
	[tilespmem:$0x1EC60] =	vst v63  }
0xd5: {  	s5 =	simm.s32 @!p0 $0xD  }
0xd6: {  	_ =	swait.ge @!p0 [sflag:s5], $0x2000  }
0xd7: {  	[sflag:s5] =	ssyncset.done @!p0 $0x0  }
0xd8: {  	[sflag:s5] =	ssyncadd.s32 @!p0 $0xFFFFE000;
	s5 =	sadd.s32 @!p0 $0xA260, s12  }
0xd9: {  	[tilespmem:s17], [sflag:$0x5] =	stream.indirect.gather @!p0 [hbm4b:s4+s13], $0x40, s5, s13, $0xb8;
	[tilespmem:$0x1EC60] =	vst v63  }
0xda: {  	s5 =	simm.s32 @!p0 $0x7  }
0xdb: {  	_ =	swait.ge @!p0 [sflag:s5], $0x2000  }
0xdc: {  	[sflag:s5] =	ssyncset.done @!p0 $0x0  }
0xdd: {  	s14 =	simm.s32 @!p0 $0x1AC60;
	[sflag:s5] =	ssyncadd.s32 @!p0 $0xFFFFE000;
	s5 =	sadd.s32 @!p0 $0xC760, s12  }
0xde: {  	[spmem:s2] =	stream.indirect.scatter.add.f32 @!p0 [tilespmem:s14], [sflag:$0xF], $0x40, s5, s13, $0xb8;
	[tilespmem:$0x1EC60] =	vst v63  }
0xdf: {  	s5 =	simm.s32 @!p0 $0xE  }
0xe0: {  	_ =	swait.ge @!p0 [sflag:s5], $0x2000  }
0xe1: {  	[sflag:s5] =	ssyncset.done @!p0 $0x0  }
0xe2: {  	[sflag:s5] =	ssyncadd.s32 @!p0 $0xFFFFE000;
	s5 =	sadd.s32 @!p0 $0xA2E0, s12;
	s12 =	simm.s32 @!p0 $0x18C60  }
0xe3: {  	[tilespmem:s12], [sflag:$0x6] =	stream.indirect.gather @!p0 [hbm4b:s4+s13], $0x40, s5, s13, $0xb8;
	[tilespmem:$0x1EC60] =	vst v63  }
.Ltmp3:
0xe4: {  	_ = 	snop;
	(pc) =	sbr.rel @p0 .LBB2_6-.Ltmp3, $4  }
0xe5: {  	_ =	swait.ge [sflag:s10], $0x2000  }
0xe6: {  	[sflag:s10] =	ssyncset.done $0x0  }
0xe7: {  	s20 =	sadd.s32 $0xC7E0, s11;
	[sflag:s10] =	ssyncadd.s32 $0xFFFFE000  }
0xe8: {  	[spmem:s2] =	stream.indirect.scatter.add.f32 [tilespmem:s28], [sflag:$0x10], $0x40, s20, s22, $0xb8;
	[tilespmem:$0x1EC60] =	vst v63  }
.Ltmp4:
0xe9: {  	(pc) =	sbr.rel .LBB2_4-.Ltmp4, $4  }
0xea: {  	_ =	swait.ge [sflag:s16], $0x2000  }
0xeb: {  	[sflag:s16] =	ssyncset.done $0x0  }
0xec: {  	s5 =	sadd.s32 $0xA360, s11;
	s31 =	sadd.s32 $0x1000, s31;
	[sflag:s16] =	ssyncadd.s32 $0xFFFFE000  }
0xed: {  	[tilespmem:s23], [sflag:$0x7] =	stream.indirect.gather [hbm4b:s4+s22], $0x40, s5, s22, $0xb8;
	[tilespmem:$0x1EC60] =	vst v63  }
.LBB2_7:
0xee: {  	_ =	sfence.sel $0x180000  }
0xef: {  	[bflag:$0x0] =	sbarrier.arrive $0xFFFF  }
0xf0: {  	_ =	strace $0x9000004A  }
0xf1: {  	s0 =	stileid.u32;
	[bflag:$0x2] =	sbarrier.arrive $0xFFFF  }
0xf2: {  	p0 =	sne.s32 s0, $0x0;
	s0 =	rddreg [dreg:$0x2]  }
0xf3: {  	s0 =	sadd.s32 @!p0 $0x100000, s0  }
0xf4: {  	[sflag:s0] =	ssyncadd.tile.s32 @!p0 $0x1;
	_ =	shalt  }
.Lfunc_end2:
_tile_overlayer_lowered:
.L_overlay_start_2:
0xf5: {  	(tag) =	ssettag $0x2  }
0xf6: {  	s0 =	rddreg [dreg:$0x0];
	s2 =	stileid.u32  }
0xf7: {  	s1 =	rddreg [dreg:$0x1];
	p0 =	sne.s32 s2, $0x0  }
0xf8: {  	s3 =	rddreg [dreg:$0x2];
	[bflag:$0x3] =	sbarrier.arrive $0xFFFF;
	s2 =	simm.s32 @!p0 $0x1C11  }
0xf9: {  	[timem:s3], [sflag:s2] =	dma.local @!p0 [hbm:s0], s1  }
0xfa: {  	s0 =	simm.s32 @!p0 $0x11  }
0xfb: {  	_ =	swait.ge @!p0 [sflag:s0], s1  }
0xfc: {  	s1 =	ssub.s32 @!p0 $0x0, s1;
	[sflag:s0] =	ssyncset.done @!p0 $0x0  }
0xfd: {  	[sflag:s0] =	ssyncadd.s32 @!p0 s1  }
0xfe: {  	[bflag:$0x3] =	sbarrier.arrive $0xFFFF  }
0xff: {  	_ =	shalt  }

// kernel: kernel.14.cloned.1.call-start
scs
__scs_entry_jumppad:
0x0: {  	(pc) =	sbr.rel $0x88, $3  }
0x1: {  	(tag) =	ssettag $0x0;
	lr =	simm.s32 $0x1  }
0x2: {  	[smem:$0x3F9B] =	sst lr;
	_ =	strace $0xD0000000  }
0x3: {  	_ = 	snop  }
0x4: {  	_ = 	snop  }
0x5: {  	_ = 	snop  }
0x6: {  	_ = 	snop  }
0x7: {  	_ = 	snop  }
__scs_overlays_trampoline_lowered:
0x8: {  	[smem:$0x3FAA] =	sst s0  }
0x9: {  	[smem:$0x3FAB] =	sst s1  }
0xa: {  	[smem:$0x3FAC] =	sst s2  }
0xb: {  	[smem:$0x3FAD] =	sst s3  }
0xc: {  	[smem:$0x3FAE] =	sst s4  }
0xd: {  	[smem:$0x3FAF] =	sst s5  }
0xe: {  	[smem:$0x3FB0] =	sst s6  }
0xf: {  	[smem:$0x3FB1] =	sst s7  }
0x10: {  	[smem:$0x3FB2] =	sst s8  }
0x11: {  	[smem:$0x3FB3] =	sst s9;
	s0 =	simm.s32 @!p0 $0x0  }
0x12: {  	s1 =	sld [smem:$0x3F99];
	s0 =	simm.s32 @p0 $0x1  }
0x13: {  	[smem:$0x3FB4] =	sst s0;
	s0 =	simm.s32 @!p1 $0x0  }
0x14: {  	s2 =	sld [smem:$0x3F98];
	s0 =	simm.s32 @p1 $0x1  }
0x15: {  	[smem:$0x3FB5] =	sst s0;
	s0 =	simm.s32 @!p2 $0x0  }
0x16: {  	s3 =	sld [smem:$0x3FDB];
	s0 =	simm.s32 @p2 $0x1  }
0x17: {  	s4 =	simm.s32 $0x1BF5;
	[smem:$0x3FB7] =	sst s0  }
0x18: {  	s0 =	sld [smem:$0x3F9A];
	_ =	swait.ge [sflag:s4], $0x0  }
0x19: {  	s7 =	sld [smem:$0x3F9B]  }
0x1a: {  	s8 =	sadd.s32 $0xFFFFE003, lr  }
0x1b: {  	s9 =	sadd.s32 $0xFFFFFEF7, lr;
	s5 =	simm.s32 $0xFFFFFFFF;
	p2 =	slt.u32 s8, $0xFFFFF086  }
0x1c: {  	p1 =	slt.u32 s9, $0xF7A;
	s5 =	simm.s32 @!p2 $0x0  }
0x1d: {  	s5 =	simm.s32 @p1 $0x1;
	p0 =	seq.s32 s7, s2  }
0x1e: {  	s7 =	smul.u32 @!p0 $0xF7A, s2;
	p2 =	seq.s32 @!p0 s5, $0x0  }
0x1f: {  	s9 =	smul.u32 $0xF7A, s1;
	s8 =	simm.s32 @!p0 $0x1BF5;
	p2 =	por !p2, p0  }
0x20: {  	[sflag:s8] =	ssyncset.s32 @!p0 $0xFFFFF086;
	s6 =	sadd.s32 @!p0 s3, s7;
	s7 =	simm.s32 @!p0 $0x108  }
0x21: {  	s3 =	sadd.s32 s3, s9;
	s6 =	sadd.s32 @!p0 $0x88, s6;
	s7 =	simm.s32 @p2 $0x1082  }
0x22: {  	[simem:s7], [sflag:s8] =	dma.local @!p0 [hbm:s6], $0xF7A  }
0x23: {  	s9 =	sor.u32 $0xD0000000, s2;
	s6 =	simm.s32 $0x108;
	_ =	swait.ge @!p0 [sflag:s8], $0x0  }
0x24: {  	s3 =	sadd.s32 $0x88, s3;
	s6 =	simm.s32 @!p1 $0x1082;
	[sflag:s4] =	ssyncset.s32 $0xFFFFF086  }
0x25: {  	[simem:s6], [sflag:s4] =	dma.local [hbm:s3], $0xF7A  }
0x26: {  	[smem:$0x3F9B] =	sst s1;
	(tag) =	ssettag s2;
	_ =	strace s9  }
0x27: {  	s1 =	sld [smem:$0x3FAB]  }
0x28: {  	s2 =	sld [smem:$0x3FAC]  }
0x29: {  	s4 =	sld [smem:$0x3FAE]  }
0x2a: {  	p0 =	seq.s32 s5, $0x0;
	s5 =	sld [smem:$0x3FAF]  }
0x2b: {  	s6 =	sld [smem:$0x3FB0]  }
0x2c: {  	s7 =	sld [smem:$0x3FB1]  }
0x2d: {  	s3 =	simm.s32 $0x108;
	s8 =	sld [smem:$0x3FB2]  }
0x2e: {  	s3 =	simm.s32 @!p0 $0x1082;
	s9 =	sld [smem:$0x3FB3]  }
0x2f: {  	lr =	sadd.s32 s0, s3;
	s0 =	sld [smem:$0x3FAA]  }
0x30: {  	s3 =	sld [smem:$0x3FAD]  }
0x31: {  	[smem:$0x3FB6] =	sst s10  }
0x32: {  	s10 =	sld [smem:$0x3FB4];
	_ =	sdelay $0x3  }
0x33: {  	p0 =	seq.s32 s10, $0x1;
	s10 =	sld [smem:$0x3FB6];
	_ =	sdelay $0x3  }
0x34: {  	[smem:$0x3FB6] =	sst s10  }
0x35: {  	s10 =	sld [smem:$0x3FB5];
	_ =	sdelay $0x3  }
0x36: {  	p1 =	seq.s32 s10, $0x1;
	s10 =	sld [smem:$0x3FB6];
	_ =	sdelay $0x3  }
0x37: {  	[smem:$0x3FB6] =	sst s10  }
0x38: {  	s10 =	sld [smem:$0x3FB7]  }
0x39: {  	_ = 	snop;
	(pc) =	sbr.ind lr, $3  }
0x3a: {  	_ = 	snop  }
0x3b: {  	_ = 	snop  }
0x3c: {  	p2 =	seq.s32 s10, $0x1;
	s10 =	sld [smem:$0x3FB6]  }
0x3d: {  	_ =	shalt  }
0x3e: {  	_ =	shalt  }
0x3f: {  	_ =	shalt  }
0x40: {  	_ =	shalt  }
0x41: {  	_ =	shalt  }
0x42: {  	_ =	shalt  }
0x43: {  	_ =	shalt  }
0x44: {  	_ =	shalt  }
0x45: {  	_ =	shalt  }
0x46: {  	_ =	shalt  }
0x47: {  	_ =	shalt  }
0x48: {  	_ =	shalt  }
0x49: {  	_ =	shalt  }
0x4a: {  	_ =	shalt  }
0x4b: {  	_ =	shalt  }
0x4c: {  	_ =	shalt  }
0x4d: {  	_ =	shalt  }
0x4e: {  	_ =	shalt  }
0x4f: {  	_ =	shalt  }
0x50: {  	_ =	shalt  }
0x51: {  	_ =	shalt  }
0x52: {  	_ =	shalt  }
0x53: {  	_ =	shalt  }
0x54: {  	_ =	shalt  }
0x55: {  	_ =	shalt  }
0x56: {  	_ =	shalt  }
0x57: {  	_ =	shalt  }
0x58: {  	_ =	shalt  }
0x59: {  	_ =	shalt  }
0x5a: {  	_ =	shalt  }
0x5b: {  	_ =	shalt  }
0x5c: {  	_ =	shalt  }
0x5d: {  	_ =	shalt  }
0x5e: {  	_ =	shalt  }
0x5f: {  	_ =	shalt  }
0x60: {  	_ =	shalt  }
0x61: {  	_ =	shalt  }
0x62: {  	_ =	shalt  }
0x63: {  	_ =	shalt  }
0x64: {  	_ =	shalt  }
0x65: {  	_ =	shalt  }
0x66: {  	_ =	shalt  }
0x67: {  	_ =	shalt  }
0x68: {  	_ =	shalt  }
0x69: {  	_ =	shalt  }
0x6a: {  	_ =	shalt  }
0x6b: {  	_ =	shalt  }
0x6c: {  	_ =	shalt  }
0x6d: {  	_ =	shalt  }
0x6e: {  	_ =	shalt  }
0x6f: {  	_ =	shalt  }
0x70: {  	_ =	shalt  }
0x71: {  	_ =	shalt  }
0x72: {  	_ =	shalt  }
0x73: {  	_ =	shalt  }
0x74: {  	_ =	shalt  }
0x75: {  	_ =	shalt  }
0x76: {  	_ =	shalt  }
0x77: {  	_ =	shalt  }
0x78: {  	_ =	shalt  }
0x79: {  	_ =	shalt  }
0x7a: {  	_ =	shalt  }
0x7b: {  	_ =	shalt  }
0x7c: {  	_ =	shalt  }
0x7d: {  	_ =	shalt  }
0x7e: {  	_ =	shalt  }
0x7f: {  	_ =	shalt  }
0x80: {  	_ =	shalt  }
0x81: {  	_ =	shalt  }
0x82: {  	_ =	shalt  }
0x83: {  	_ =	shalt  }
0x84: {  	_ =	shalt  }
0x85: {  	_ =	shalt  }
0x86: {  	_ =	shalt  }
0x87: {  	_ =	shalt  }
.Lfunc_end0:
.L_simem_size_0:
called_computation.2_lowered:
.L_overlay_start_0:
0x88: {  	s2 =	sld [smem:$0x3FD9]  }
0x89: {  	s3 =	sld [smem:$0x3FFE];
	_ =	sdelay $0x1  }
0x8a: {  	s1 =	srdreg.scid  }
0x8b: {  	s0 =	sand.u32 $0x1, s1  }
0x8c: {  	s17 =	sshll.u32 s0, $0xA;
	s2 =	sadd.s32 s3, s2  }
0x8d: {  	s2 =	sadd.s32 s2, s17  }
0x8e: {  	[smem:$0x3FC2] =	sst s2  }
0x8f: {  	_ = 	snop  }
0x90: {  	s2 =	sld [smem:$0x3FD0];
	(tm) =	ssettm $0x1  }
0x91: {  	s18 =	sld [smem:$0x3FFB];
	_ =	sdelay $0x3  }
0x92: {  	_ =	strace s18  }
0x93: {  	s3 =	sld [smem:$0x3FFC];
	_ =	sdelay $0x3  }
0x94: {  	_ =	strace s3  }
0x95: {  	s3 =	sld [smem:$0x3FFD];
	_ =	sdelay $0x3  }
0x96: {  	_ =	strace s3  }
0x97: {  	_ =	strace $0x8FFFFFFF  }
0x98: {  	s19 =	sld [smem:$0x3FDB];
	_ =	sdelay $0x1  }
0x99: {  	s4 =	simm.s32 $_scs_section_size  }
0x9a: {  	s5 =	simm.s32 $_size__tile_overlayer_lowered;
	s6 =	simm.s32 $_tile_overlayer_lowered  }
0x9b: {  	s22 =	simm.s32 $0x1BFF;
	s21 =	sshll.u32 s6, $0x1;
	s3 =	sadd.s32 s4, s19  }
0x9c: {  	s7 =	simm.s32 $0x0;
	s20 =	sshll.u32 s5, $0x1;
	s5 =	sadd.s32 s21, s3  }
0x9d: {  	[timem:s7], [sflag:s22] =	dma.local [hbm:s5], s20  }
0x9e: {  	_ =	swait.ge [sflag:s22], s20  }
0x9f: {  	s4 =	ssub.s32 $0x0, s20;
	[sflag:s22] =	ssyncset.done $0x0  }
0xa0: {  	[sflag:s22] =	ssyncadd.s32 s4;
	_ =	sdelay $0x1  }
0xa1: {  	s23 =	simm.s32 $0x1B8B  }
0xa2: {  	_ =	swait.ge [sflag:s23], $0x1  }
0xa3: {  	[sflag:s23] =	ssyncset.done $0x0  }
0xa4: {  	s25 =	simm.s32 $0x1B8E;
	s24 =	sld [smem:$0x3FFE];
	[sflag:s23] =	ssyncadd.s32 $0xFFFFFFFF  }
0xa5: {  	s26 =	simm.s32 $execute0_lowered;
	[smem:$0x3FD2] =	sst s25  }
0xa6: {  	s5 =	sshll.u32 s26, $0x1;
	_ =	strace $0x8000004C;
	[dreg:$0x1] =	wrdreg $0xFFFFFFFF  }
0xa7: {  	s28 =	simm.s32 $_size_execute0_lowered;
	s3 =	sadd.s32 s3, s5;
	[dreg:$0x0] =	wrdreg $0x0  }
0xa8: {  	s5 =	sshll.u32 s28, $0x1;
	[dreg:$0x2] =	wrdreg s3  }
0xa9: {  	[dreg:$0x3] =	wrdreg s5  }
0xaa: {  	[dreg:$0x4] =	wrdreg $0xC0  }
0xab: {  	_ =	task [dreg:s7], $0x5FFFF  }
0xac: {  	[dreg:$0x1] =	wrdreg $0xFFFFFFFF  }
0xad: {  	[dreg:$0x0] =	wrdreg $0x60  }
0xae: {  	[dreg:$0x2] =	wrdreg s2  }
0xaf: {  	[dreg:$0x3] =	wrdreg s24  }
0xb0: {  	[dreg:$0x4] =	wrdreg $0x0  }
0xb1: {  	[dreg:$0x5] =	wrdreg $0x9  }
0xb2: {  	_ =	task.clear_ibuf [dreg:s7], $0x6FFFF;
	_ =	strace $0x9000004C  }
0xb3: {  	s29 =	simm.s32 $0x9;
	_ =	strace $0x8000004E  }
0xb4: {  	_ =	swait.ge [sflag:s29], $0x1  }
0xb5: {  	[sflag:s29] =	ssyncadd.s32 $0xFFFFFFFF  }
0xb6: {  	_ =	strace $0x9000004E  }
0xb7: {  	_ =	sfence  }
0xb8: {  	s30 =	sld [smem:$0x0];
	_ =	sdelay $0x2  }
0xb9: {  	s31 =	sshll.u32 s1, $0xD;
	s1 =	sshrl.u32 s1, $0x2  }
0xba: {  	s3 =	sand.u32 $0x4000, s31;
	s1 =	sadd.s32 s1, s30  }
0xbb: {  	s0 =	sor.u32 s3, s0;
	s1 =	sshll.u32 s1, $0x11  }
0xbc: {  	s0 =	sor.u32 s1, s0  }
0xbd: {  	s0 =	sadd.s32 $0x8F2B, s0  }
0xbe: {  	[sflag:s0] =	ssyncadd.remote.s32 $0x1  }
0xbf: {  	_ =	sfence.sel $0xFFFF  }
0xc0: {  	[dreg:$0x0] =	wrdreg $0xFFFFFFFF;
	(pc) =	sbr.abs _section_cstart, $3  }
0xc1: {  	[dreg:$0x1] =	wrdreg $0xFFFFFFFF  }
0xc2: {  	_ =	task.clear_ibuf [dreg:s7], $0x2FFFF;
	_ =	strace $0x9FFFFFFF  }
0xc3: {  	(tm) =	ssettm $0x7FFFFFFF  }
tec
execute0_lowered:
.L_overlay_start_1:
0x0: {  	(tag) =	ssettag $0x1  }
0x1: {  	s1 =	rddreg [dreg:$0x0]  }
0x2: {  	s0 =	srdreg.scid;
	s5 =	rddreg [dreg:$0x1]  }
0x3: {  	s6 =	stileid.u32;
	s3 =	rddreg [dreg:$0x2]  }
0x4: {  	s4 =	simm.s32 $0x0;
	s29 =	simm.s32 $0x8F18;
	s28 =	simm.s32 $0xAF18  }
0x5: {  	s30 =	simm.s32 $0x2;
	s0 =	sand.u32 $0x1, s0;
	s2 =	sshll.u32 s6, $0x1  }
0x6: {  	[smem:$0x7FF] =	sst s4;
	s10 =	smul.u32 $0x2710, s6;
	s11 =	sadd.s32 $0x15C00, s5  }
0x7: {  	s2 =	sor.u32 s0, s2;
	s16 =	ssub.s32 $0x2, s0;
	s0 =	smul.u32 $0x27100, s0  }
0x8: {  	_ =	strace $0x8000004D;
	s2 =	smul.u32 $0x2800, s2;
	s17 =	sshrl.u32 s16, $0x1  }
0x9: {  	s12 =	sadd.s32 $0x800, s10;
	s14 =	sadd.s32 $0x1000, s10;
	s15 =	sadd.s32 $0x1800, s10  }
0xa: {  	s13 =	ssub.s32 s16, s17;
	s17 =	sadd.s32 s12, s3;
	s20 =	sadd.s32 s14, s3  }
0xb: {  	s31 =	sadd.s32 s15, s3;
	s16 =	sadd.s32 $0x2000, s10;
	s12 =	sadd.s32 s0, s12  }
0xc: {  	s23 =	sadd.s32 s0, s14;
	s24 =	sadd.s32 s0, s15;
	s14 =	simm.s32 $0x9718  }
0xd: {  	s2 =	sshrl.u32 s2, $0x3;
	s18 =	sadd.s32 s16, s3;
	s12 =	sshrl.u32 s12, $0x3  }
0xe: {  	s26 =	smax.u32 s13, $0x1;
	s13 =	simm.s32 $0x8718;
	s2 =	sadd.s32 s2, s5  }
0xf: {  	s5 =	sadd.s32 s10, s3;
	[dreg:$0x4] =	wrdreg s18;
	s10 =	sadd.s32 s10, s0  }
0x10: {  	s22 =	sadd.s32 s11, s12;
	s0 =	sadd.s32 s0, s16;
	[dreg:$0xc] =	wrdreg s26  }
0x11: {  	s18 =	simm.s32 $0x7718;
	s16 =	simm.s32 $0xF;
	s26 =	simm.s32 $0x0  }
0x12: {  	s19 =	sadd.s32 $0x1C00, s2;
	s10 =	sshrl.u32 s10, $0x3;
	[dreg:$0x8] =	wrdreg s22  }
0x13: {  	s2 =	sadd.s32 $0xBC00, s2;
	s0 =	sshrl.u32 s0, $0x3;
	[dreg:$0x5] =	wrdreg s19  }
0x14: {  	s22 =	simm.s32 $0x80;
	[dreg:$0x6] =	wrdreg s2;
	s21 =	sadd.s32 s11, s10  }
0x15: {  	s2 =	sshrl.u32 s23, $0x3;
	s10 =	sshrl.u32 s24, $0x3;
	s0 =	sadd.s32 s11, s0  }
.Ltmp0:
0x16: {  	s19 =	simm.s32 $0x11;
	s24 =	simm.s32 $0x7F18;
	(pc) =	sbr.rel .LBB2_1-.Ltmp0, $4  }
0x17: {  	s23 =	simm.s32 $0xA718;
	[dreg:$0x7] =	wrdreg s21;
	s2 =	sadd.s32 s11, s2  }
0x18: {  	s25 =	sadd.s32 s11, s10;
	[dreg:$0xb] =	wrdreg s0;
	s0 =	simm.s32 $0x9F18  }
0x19: {  	s21 =	simm.s32 $0x6;
	s10 =	simm.s32 $0x8;
	[dreg:$0x9] =	wrdreg s2  }
0x1a: {  	v0 =	vimm.f32 $0.0e+00;
	[dreg:$0xa] =	wrdreg s25;
	s25 =	simm.s32 $0x1;
	s2 =	simm.s32 $0x4  }
.LBB2_6:
0x1b: {  	s5 =	simm.s32 $0x9  }
0x1c: {  	_ =	swait.ge [sflag:s5], $0x800  }
0x1d: {  	[sflag:s5] =	ssyncset.done $0x0  }
0x1e: {  	s11 =	simm.s32 $0xA;
	[sflag:s5] =	ssyncadd.s32 $0xFFFFF800  }
0x1f: {  	_ =	swait.ge [sflag:s11], $0x800  }
0x20: {  	[sflag:s11] =	ssyncset.done $0x0  }
0x21: {  	s12 =	simm.s32 $0xB;
	[sflag:s11] =	ssyncadd.s32 $0xFFFFF800  }
0x22: {  	_ =	swait.ge [sflag:s12], $0x800  }
0x23: {  	[sflag:s12] =	ssyncset.done $0x0  }
0x24: {  	s13 =	simm.s32 $0xC;
	[sflag:s12] =	ssyncadd.s32 $0xFFFFF800  }
0x25: {  	_ =	swait.ge [sflag:s13], $0x800  }
0x26: {  	[sflag:s13] =	ssyncset.done $0x0  }
0x27: {  	s14 =	simm.s32 $0xD;
	[sflag:s13] =	ssyncadd.s32 $0xFFFFF800  }
0x28: {  	_ =	swait.ge [sflag:s14], $0x800  }
0x29: {  	[sflag:s14] =	ssyncset.done $0x0  }
0x2a: {  	s15 =	simm.s32 $0xE;
	[sflag:s14] =	ssyncadd.s32 $0xFFFFF800  }
0x2b: {  	_ =	swait.ge [sflag:s15], $0x800  }
0x2c: {  	[sflag:s15] =	ssyncset.done $0x0  }
0x2d: {  	[sflag:s15] =	ssyncadd.s32 $0xFFFFF800  }
0x2e: {  	_ =	swait.ge [sflag:s16], $0x800  }
0x2f: {  	[sflag:s16] =	ssyncset.done $0x0  }
0x30: {  	s17 =	simm.s32 $0x10;
	[sflag:s16] =	ssyncadd.s32 $0xFFFFF800  }
0x31: {  	_ =	swait.ge [sflag:s17], $0x800  }
0x32: {  	[sflag:s17] =	ssyncset.done $0x0  }
0x33: {  	[sflag:s17] =	ssyncadd.s32 $0xFFFFF800  }
0x34: {  	[bflag:$0x0] =	sbarrier.arrive $0xFFFF  }
0x35: {  	[tilespmem:s18], [sflag:$0x11] =	stream.linear.gather [spmem:s6], $0x800, $0x38;
	[tilespmem:$0xB718] =	vst v63  }
0x36: {  	_ =	swait.ge [sflag:s19], $0x800  }
0x37: {  	[sflag:s19] =	ssyncset.done $0x0  }
0x38: {  	s20 =	rddreg [dreg:$0x7];
	[sflag:s19] =	ssyncadd.s32 $0xFFFFF800  }
0x39: {  	[hbm4b:s20+s4] =	stream.linear.scatter [tilespmem:s18], [sflag:$0x11], $0x800, $0x38;
	[tilespmem:$0xB718] =	vst v63  }
0x3a: {  	_ =	swait.ge [sflag:s19], $0x800  }
0x3b: {  	[sflag:s19] =	ssyncset.done $0x0  }
0x3c: {  	[sflag:s19] =	ssyncadd.s32 $0xFFFFF800  }
0x3d: {  	[tilespmem:s24], [sflag:$0x11] =	stream.linear.gather [spmem:s7], $0x800, $0x38;
	[tilespmem:$0xB718] =	vst v63  }
0x3e: {  	_ =	swait.ge [sflag:s19], $0x800  }
0x3f: {  	[sflag:s19] =	ssyncset.done $0x0  }
0x40: {  	s17 =	smov.u32 s7;
	s7 =	rddreg [dreg:$0x8];
	[sflag:s19] =	ssyncadd.s32 $0xFFFFF800  }
0x41: {  	[hbm4b:s7+s4] =	stream.linear.scatter [tilespmem:s24], [sflag:$0x11], $0x800, $0x38;
	[tilespmem:$0xB718] =	vst v63  }
0x42: {  	_ =	swait.ge [sflag:s19], $0x800  }
0x43: {  	[sflag:s19] =	ssyncset.done $0x0  }
0x44: {  	s13 =	simm.s32 $0x8718;
	[sflag:s19] =	ssyncadd.s32 $0xFFFFF800  }
0x45: {  	[tilespmem:s13], [sflag:$0x11] =	stream.linear.gather [spmem:s8], $0x800, $0x38;
	[tilespmem:$0xB718] =	vst v63  }
0x46: {  	_ =	swait.ge [sflag:s19], $0x800  }
0x47: {  	[sflag:s19] =	ssyncset.done $0x0  }
0x48: {  	s20 =	smov.u32 s8;
	s8 =	rddreg [dreg:$0x9];
	[sflag:s19] =	ssyncadd.s32 $0xFFFFF800  }
0x49: {  	[hbm4b:s8+s4] =	stream.linear.scatter [tilespmem:s13], [sflag:$0x11], $0x800, $0x38;
	[tilespmem:$0xB718] =	vst v63  }
0x4a: {  	_ =	swait.ge [sflag:s19], $0x800  }
0x4b: {  	[sflag:s19] =	ssyncset.done $0x0  }
0x4c: {  	[sflag:s19] =	ssyncadd.s32 $0xFFFFF800  }
0x4d: {  	[tilespmem:s29], [sflag:$0x11] =	stream.linear.gather [spmem:s9], $0x800, $0x38;
	[tilespmem:$0xB718] =	vst v63  }
0x4e: {  	_ =	swait.ge [sflag:s19], $0x800  }
0x4f: {  	[sflag:s19] =	ssyncset.done $0x0  }
0x50: {  	s31 =	smov.u32 s9;
	s9 =	rddreg [dreg:$0xa];
	[sflag:s19] =	ssyncadd.s32 $0xFFFFF800  }
0x51: {  	[hbm4b:s9+s4] =	stream.linear.scatter [tilespmem:s29], [sflag:$0x11], $0x800, $0x38;
	[tilespmem:$0xB718] =	vst v63  }
0x52: {  	_ =	swait.ge [sflag:s19], $0x800  }
0x53: {  	[sflag:s19] =	ssyncset.done $0x0  }
0x54: {  	s14 =	simm.s32 $0x9718;
	s11 =	rddreg [dreg:$0x4];
	[sflag:s19] =	ssyncadd.s32 $0xFFFFF800  }
0x55: {  	[tilespmem:s14], [sflag:$0x11] =	stream.linear.gather [spmem:s11], $0x710, $0x38;
	[tilespmem:$0xB718] =	vst v63  }
0x56: {  	_ =	swait.ge [sflag:s19], $0x710  }
0x57: {  	[sflag:s19] =	ssyncset.done $0x0  }
0x58: {  	s12 =	rddreg [dreg:$0xb];
	[sflag:s19] =	ssyncadd.s32 $0xFFFFF8F0  }
0x59: {  	[hbm4b:s12+s4] =	stream.linear.scatter [tilespmem:s14], [sflag:$0x11], $0x710, $0x38;
	[tilespmem:$0xB718] =	vst v63  }
0x5a: {  	_ =	swait.ge [sflag:s19], $0x710  }
0x5b: {  	s26 =	sadd.s32 $0x1, s26;
	s15 =	rddreg [dreg:$0xc]  }
0x5c: {  	p0 =	sne.s32 s26, s15  }
.Ltmp1:
0x5d: {  	_ = 	snop;
	(pc) =	sbr.rel @!p0 .LBB2_7-.Ltmp1, $3  }
0x5e: {  	_ =	sdelay $0x1  }
0x5f: {  	[sflag:s19] =	ssyncset.done $0x0  }
0x60: {  	s5 =	smov.u32 s6;
	[sflag:s19] =	ssyncadd.s32 $0xFFFFF8F0  }
.LBB2_1:
0x61: {  	s11 =	simm.s32 $0x40;
	s12 =	simm.s32 $0x0  }
.LBB2_2:
0x62: {  	p0 =	sne.s32 s11, $0x1FC0;
	[tilespmem:s12+$0x7718] =	vst v0;
	s12 =	smov.u32 s11;
	s11 =	sadd.s32 $0x40, s11  }
.Ltmp2:
0x63: {  	(pc) =	sbr.rel @p0 .LBB2_2-.Ltmp2, $2  }
0x64: {  	_ =	sdelay $0x2  }
0x65: {  	s12 =	sshra.s32 s12, $0x2  }
0x66: {  	[tilespmem:s12+$0x7718] =	vst v0  }
0x67: {  	[spmem:s5] =	stream.linear.scatter [tilespmem:s18], [sflag:$0x11], $0x800, $0x38;
	[tilespmem:$0xB718] =	vst v63  }
0x68: {  	_ =	swait.ge [sflag:s19], $0x800  }
0x69: {  	[sflag:s19] =	ssyncset.done $0x0  }
0x6a: {  	[sflag:s19] =	ssyncadd.s32 $0xFFFFF800  }
0x6b: {  	[spmem:s17] =	stream.linear.scatter [tilespmem:s18], [sflag:$0x11], $0x800, $0x38;
	[tilespmem:$0xB718] =	vst v63  }
0x6c: {  	_ =	swait.ge [sflag:s19], $0x800  }
0x6d: {  	[sflag:s19] =	ssyncset.done $0x0  }
0x6e: {  	[sflag:s19] =	ssyncadd.s32 $0xFFFFF800  }
0x6f: {  	[spmem:s20] =	stream.linear.scatter [tilespmem:s18], [sflag:$0x11], $0x800, $0x38;
	[tilespmem:$0xB718] =	vst v63  }
0x70: {  	_ =	swait.ge [sflag:s19], $0x800  }
0x71: {  	[sflag:s19] =	ssyncset.done $0x0  }
0x72: {  	[sflag:s19] =	ssyncadd.s32 $0xFFFFF800  }
0x73: {  	[spmem:s31] =	stream.linear.scatter [tilespmem:s18], [sflag:$0x11], $0x800, $0x38;
	[tilespmem:$0xB718] =	vst v63  }
0x74: {  	_ =	swait.ge [sflag:s19], $0x800  }
0x75: {  	[sflag:s19] =	ssyncset.done $0x0  }
0x76: {  	s12 =	rddreg [dreg:$0x4];
	[sflag:s19] =	ssyncadd.s32 $0xFFFFF800  }
0x77: {  	[spmem:s12] =	stream.linear.scatter [tilespmem:s18], [sflag:$0x11], $0x710, $0x38;
	[tilespmem:$0xB718] =	vst v63  }
0x78: {  	_ =	swait.ge [sflag:s19], $0x710  }
0x79: {  	[sflag:s19] =	ssyncset.done $0x0  }
0x7a: {  	[sflag:s19] =	ssyncadd.s32 $0xFFFFF8F0  }
0x7b: {  	s9 =	smov.u32 s31;
	[bflag:$0x0] =	sbarrier.arrive $0xFFFF  }
0x7c: {  	s11 =	simm.s32 $0x2718;
	s31 =	simm.s32 $0x0;
	s15 =	rddreg [dreg:$0x5]  }
0x7d: {  	[tilespmem:s11], [sflag:$0x11] =	stream.linear.gather [hbm4b:s15+s31], $0x2800, $0x38;
	[tilespmem:$0xB718] =	vst v63  }
0x7e: {  	_ =	swait.ge [sflag:s19], $0x2800  }
0x7f: {  	s7 =	smov.u32 s17;
	s8 =	smov.u32 s20;
	[sflag:s19] =	ssyncset.done $0x0  }
0x80: {  	s20 =	simm.s32 $0x4F18;
	s17 =	rddreg [dreg:$0x6];
	[sflag:s19] =	ssyncadd.s32 $0xFFFFD800  }
0x81: {  	[tilespmem:s20], [sflag:$0x11] =	stream.linear.gather [hbm4b:s17+s31], $0x2800, $0x38;
	[tilespmem:$0xB718] =	vst v63  }
0x82: {  	_ =	swait.ge [sflag:s19], $0x2800  }
0x83: {  	[sflag:s19] =	ssyncset.done $0x0  }
0x84: {  	[sflag:s19] =	ssyncadd.s32 $0xFFFFD800  }
0x85: {  	[tilespmem:s18], [sflag:$0x1] =	stream.indirect.gather [hbm4b:s1+s22], $0x10, s11, s22, $0xb8;
	[tilespmem:$0xB718] =	vst v63  }
0x86: {  	s11 =	simm.s32 $0x2798  }
0x87: {  	[tilespmem:s24], [sflag:$0x2] =	stream.indirect.gather [hbm4b:s1+s22], $0x10, s11, s22, $0xb8;
	[tilespmem:$0xB718] =	vst v63  }
0x88: {  	s12 =	simm.s32 $0x2818  }
0x89: {  	[tilespmem:s13], [sflag:$0x3] =	stream.indirect.gather [hbm4b:s1+s22], $0x10, s12, s22, $0xb8;
	[tilespmem:$0xB718] =	vst v63  }
0x8a: {  	s13 =	simm.s32 $0x2898  }
0x8b: {  	[tilespmem:s29], [sflag:$0x4] =	stream.indirect.gather [hbm4b:s1+s22], $0x10, s13, s22, $0xb8;
	[tilespmem:$0xB718] =	vst v63  }
0x8c: {  	s15 =	simm.s32 $0x2918  }
0x8d: {  	[tilespmem:s14], [sflag:$0x5] =	stream.indirect.gather [hbm4b:s1+s22], $0x10, s15, s22, $0xb8;
	[tilespmem:$0xB718] =	vst v63  }
0x8e: {  	s17 =	simm.s32 $0x2998  }
0x8f: {  	[tilespmem:s0], [sflag:$0x6] =	stream.indirect.gather [hbm4b:s1+s22], $0x10, s17, s22, $0xb8;
	[tilespmem:$0xB718] =	vst v63  }
0x90: {  	s6 =	smov.u32 s5;
	s20 =	simm.s32 $0x2A18  }
0x91: {  	[tilespmem:s23], [sflag:$0x7] =	stream.indirect.gather [hbm4b:s1+s22], $0x10, s20, s22, $0xb8;
	[tilespmem:$0xB718] =	vst v63  }
.LBB2_4:
0x92: {  	_ =	swait.ge [sflag:s25], $0x800  }
0x93: {  	s11 =	sshra.s32 s31, $0x2;
	[sflag:s25] =	ssyncset.done $0x0  }
0x94: {  	p0 =	seq.s32 s31, $0x0;
	s12 =	sadd.s32 $0x4F18, s11;
	[sflag:s25] =	ssyncadd.s32 $0xFFFFF800  }
0x95: {  	[spmem:s3] =	stream.indirect.scatter.add.f32 [tilespmem:s18], [sflag:$0x9], $0x10, s12, s22, $0xb8;
	[tilespmem:$0xB718] =	vst v63  }
0x96: {  	s12 =	simm.s32 @!p0 $0x10  }
0x97: {  	_ =	swait.ge @!p0 [sflag:s12], $0x800  }
0x98: {  	[sflag:s12] =	ssyncset.done @!p0 $0x0  }
0x99: {  	s14 =	sadd.s32 $0x2A98, s11;
	[sflag:s12] =	ssyncadd.s32 @!p0 $0xFFFFF800  }
0x9a: {  	[tilespmem:s28], [sflag:$0x8] =	stream.indirect.gather [hbm4b:s1+s22], $0x10, s14, s22, $0xb8;
	[tilespmem:$0xB718] =	vst v63  }
0x9b: {  	_ =	swait.ge [sflag:s30], $0x800  }
0x9c: {  	p0 =	seq.s32 s31, $0x9000;
	[sflag:s30] =	ssyncset.done $0x0  }
0x9d: {  	s15 =	sadd.s32 $0x4F98, s11;
	s12 =	simm.s32 @p0 $0x3;
	[sflag:s30] =	ssyncadd.s32 $0xFFFFF800  }
0x9e: {  	[spmem:s3] =	stream.indirect.scatter.add.f32 [tilespmem:s24], [sflag:$0xA], $0x10, s15, s22, $0xb8;
	[tilespmem:$0xB718] =	vst v63  }
0x9f: {  	_ =	swait.ge @p0 [sflag:s12], $0x800  }
0xa0: {  	s14 =	sshra.s32 @p0 s31, $0x2;
	s13 =	simm.s32 @p0 $0x8718;
	[sflag:s12] =	ssyncset.done @p0 $0x0  }
0xa1: {  	s15 =	simm.s32 @p0 $0x80;
	[sflag:s12] =	ssyncadd.s32 @p0 $0xFFFFF800;
	s12 =	sadd.s32 @p0 $0x5018, s14  }
0xa2: {  	[spmem:s3] =	stream.indirect.scatter.add.f32 @p0 [tilespmem:s13], [sflag:$0xB], $0x10, s12, s15, $0xb8;
	[tilespmem:$0xB718] =	vst v63  }
0xa3: {  	s12 =	simm.s32 @!p0 $0x9  }
0xa4: {  	_ =	swait.ge @!p0 [sflag:s12], $0x800  }
0xa5: {  	[sflag:s12] =	ssyncset.done @!p0 $0x0  }
0xa6: {  	[sflag:s12] =	ssyncadd.s32 @!p0 $0xFFFFF800;
	s12 =	sshra.s32 @!p0 s31, $0x2  }
0xa7: {  	s17 =	simm.s32 @!p0 $0x7718;
	s13 =	simm.s32 @!p0 $0x80;
	s20 =	sadd.s32 @!p0 $0x2B18, s12  }
0xa8: {  	[tilespmem:s17], [sflag:$0x1] =	stream.indirect.gather @!p0 [hbm4b:s1+s13], $0x10, s20, s13, $0xb8;
	[tilespmem:$0xB718] =	vst v63  }
0xa9: {  	s17 =	simm.s32 @!p0 $0x3  }
0xaa: {  	_ =	swait.ge @!p0 [sflag:s17], $0x800  }
0xab: {  	[sflag:s17] =	ssyncset.done @!p0 $0x0  }
0xac: {  	s20 =	simm.s32 @!p0 $0x8718;
	[sflag:s17] =	ssyncadd.s32 @!p0 $0xFFFFF800;
	s17 =	sadd.s32 @!p0 $0x5018, s12  }
0xad: {  	[spmem:s3] =	stream.indirect.scatter.add.f32 @!p0 [tilespmem:s20], [sflag:$0xB], $0x10, s17, s13, $0xb8;
	[tilespmem:$0xB718] =	vst v63  }
0xae: {  	s17 =	simm.s32 @!p0 $0xA  }
0xaf: {  	_ =	swait.ge @!p0 [sflag:s17], $0x800  }
0xb0: {  	[sflag:s17] =	ssyncset.done @!p0 $0x0  }
0xb1: {  	s5 =	simm.s32 @!p0 $0x7F18;
	[sflag:s17] =	ssyncadd.s32 @!p0 $0xFFFFF800;
	s17 =	sadd.s32 @!p0 $0x2B98, s12  }
0xb2: {  	[tilespmem:s5], [sflag:$0x2] =	stream.indirect.gather @!p0 [hbm4b:s1+s13], $0x10, s17, s13, $0xb8;
	[tilespmem:$0xB718] =	vst v63  }
0xb3: {  	_ =	swait.ge [sflag:s2], $0x800  }
0xb4: {  	[sflag:s2] =	ssyncset.done $0x0  }
0xb5: {  	s17 =	sadd.s32 $0x5098, s11;
	s5 =	simm.s32 @p0 $0x5;
	[sflag:s2] =	ssyncadd.s32 $0xFFFFF800  }
0xb6: {  	[spmem:s3] =	stream.indirect.scatter.add.f32 [tilespmem:s29], [sflag:$0xC], $0x10, s17, s22, $0xb8;
	[tilespmem:$0xB718] =	vst v63  }
0xb7: {  	_ =	swait.ge @p0 [sflag:s5], $0x800  }
0xb8: {  	[sflag:s5] =	ssyncset.done @p0 $0x0  }
0xb9: {  	s17 =	simm.s32 @p0 $0x9718;
	[sflag:s5] =	ssyncadd.s32 @p0 $0xFFFFF800;
	s5 =	sadd.s32 @p0 $0x5118, s14  }
0xba: {  	[spmem:s3] =	stream.indirect.scatter.add.f32 @p0 [tilespmem:s17], [sflag:$0xD], $0x10, s5, s15, $0xb8;
	[tilespmem:$0xB718] =	vst v63  }
0xbb: {  	s5 =	simm.s32 @!p0 $0xB  }
0xbc: {  	_ =	swait.ge @!p0 [sflag:s5], $0x800  }
0xbd: {  	[sflag:s5] =	ssyncset.done @!p0 $0x0  }
0xbe: {  	[sflag:s5] =	ssyncadd.s32 @!p0 $0xFFFFF800;
	s5 =	sadd.s32 @!p0 $0x2C18, s12  }
0xbf: {  	[tilespmem:s20], [sflag:$0x3] =	stream.indirect.gather @!p0 [hbm4b:s1+s13], $0x10, s5, s13, $0xb8;
	[tilespmem:$0xB718] =	vst v63  }
0xc0: {  	s5 =	simm.s32 @!p0 $0x5  }
0xc1: {  	_ =	swait.ge @!p0 [sflag:s5], $0x800  }
0xc2: {  	[sflag:s5] =	ssyncset.done @!p0 $0x0  }
0xc3: {  	s17 =	simm.s32 @!p0 $0x9718;
	[sflag:s5] =	ssyncadd.s32 @!p0 $0xFFFFF800;
	s5 =	sadd.s32 @!p0 $0x5118, s12  }
0xc4: {  	[spmem:s3] =	stream.indirect.scatter.add.f32 @!p0 [tilespmem:s17], [sflag:$0xD], $0x10, s5, s13, $0xb8;
	[tilespmem:$0xB718] =	vst v63  }
0xc5: {  	s5 =	simm.s32 @!p0 $0xC  }
0xc6: {  	_ =	swait.ge @!p0 [sflag:s5], $0x800  }
0xc7: {  	[sflag:s5] =	ssyncset.done @!p0 $0x0  }
0xc8: {  	s20 =	simm.s32 @!p0 $0x8F18;
	[sflag:s5] =	ssyncadd.s32 @!p0 $0xFFFFF800;
	s5 =	sadd.s32 @!p0 $0x2C98, s12  }
0xc9: {  	[tilespmem:s20], [sflag:$0x4] =	stream.indirect.gather @!p0 [hbm4b:s1+s13], $0x10, s5, s13, $0xb8;
	[tilespmem:$0xB718] =	vst v63  }
0xca: {  	_ =	swait.ge [sflag:s21], $0x800  }
0xcb: {  	[sflag:s21] =	ssyncset.done $0x0  }
0xcc: {  	s20 =	sadd.s32 $0x5198, s11;
	s5 =	simm.s32 @p0 $0x7;
	[sflag:s21] =	ssyncadd.s32 $0xFFFFF800  }
0xcd: {  	[spmem:s3] =	stream.indirect.scatter.add.f32 [tilespmem:s0], [sflag:$0xE], $0x10, s20, s22, $0xb8;
	[tilespmem:$0xB718] =	vst v63  }
0xce: {  	_ =	swait.ge @p0 [sflag:s5], $0x800  }
0xcf: {  	[sflag:s5] =	ssyncset.done @p0 $0x0  }
0xd0: {  	[sflag:s5] =	ssyncadd.s32 @p0 $0xFFFFF800;
	s5 =	sadd.s32 @p0 $0x5218, s14;
	s14 =	simm.s32 @p0 $0xA718  }
0xd1: {  	[spmem:s3] =	stream.indirect.scatter.add.f32 @p0 [tilespmem:s14], [sflag:$0xF], $0x10, s5, s15, $0xb8;
	[tilespmem:$0xB718] =	vst v63  }
0xd2: {  	s5 =	simm.s32 @!p0 $0xD  }
0xd3: {  	_ =	swait.ge @!p0 [sflag:s5], $0x800  }
0xd4: {  	[sflag:s5] =	ssyncset.done @!p0 $0x0  }
0xd5: {  	[sflag:s5] =	ssyncadd.s32 @!p0 $0xFFFFF800;
	s5 =	sadd.s32 @!p0 $0x2D18, s12  }
0xd6: {  	[tilespmem:s17], [sflag:$0x5] =	stream.indirect.gather @!p0 [hbm4b:s1+s13], $0x10, s5, s13, $0xb8;
	[tilespmem:$0xB718] =	vst v63  }
0xd7: {  	s5 =	simm.s32 @!p0 $0x7  }
0xd8: {  	_ =	swait.ge @!p0 [sflag:s5], $0x800  }
0xd9: {  	[sflag:s5] =	ssyncset.done @!p0 $0x0  }
0xda: {  	s14 =	simm.s32 @!p0 $0xA718;
	[sflag:s5] =	ssyncadd.s32 @!p0 $0xFFFFF800;
	s5 =	sadd.s32 @!p0 $0x5218, s12  }
0xdb: {  	[spmem:s3] =	stream.indirect.scatter.add.f32 @!p0 [tilespmem:s14], [sflag:$0xF], $0x10, s5, s13, $0xb8;
	[tilespmem:$0xB718] =	vst v63  }
0xdc: {  	s5 =	simm.s32 @!p0 $0xE  }
0xdd: {  	_ =	swait.ge @!p0 [sflag:s5], $0x800  }
0xde: {  	[sflag:s5] =	ssyncset.done @!p0 $0x0  }
0xdf: {  	[sflag:s5] =	ssyncadd.s32 @!p0 $0xFFFFF800;
	s5 =	sadd.s32 @!p0 $0x2D98, s12;
	s12 =	simm.s32 @!p0 $0x9F18  }
0xe0: {  	[tilespmem:s12], [sflag:$0x6] =	stream.indirect.gather @!p0 [hbm4b:s1+s13], $0x10, s5, s13, $0xb8;
	[tilespmem:$0xB718] =	vst v63  }
.Ltmp3:
0xe1: {  	_ = 	snop;
	(pc) =	sbr.rel @p0 .LBB2_6-.Ltmp3, $4  }
0xe2: {  	_ =	swait.ge [sflag:s10], $0x800  }
0xe3: {  	[sflag:s10] =	ssyncset.done $0x0  }
0xe4: {  	s20 =	sadd.s32 $0x5298, s11;
	[sflag:s10] =	ssyncadd.s32 $0xFFFFF800  }
0xe5: {  	[spmem:s3] =	stream.indirect.scatter.add.f32 [tilespmem:s28], [sflag:$0x10], $0x10, s20, s22, $0xb8;
	[tilespmem:$0xB718] =	vst v63  }
.Ltmp4:
0xe6: {  	(pc) =	sbr.rel .LBB2_4-.Ltmp4, $4  }
0xe7: {  	_ =	swait.ge [sflag:s16], $0x800  }
0xe8: {  	[sflag:s16] =	ssyncset.done $0x0  }
0xe9: {  	s5 =	sadd.s32 $0x2E18, s11;
	s31 =	sadd.s32 $0x1000, s31;
	[sflag:s16] =	ssyncadd.s32 $0xFFFFF800  }
0xea: {  	[tilespmem:s23], [sflag:$0x7] =	stream.indirect.gather [hbm4b:s1+s22], $0x10, s5, s22, $0xb8;
	[tilespmem:$0xB718] =	vst v63  }
.LBB2_7:
0xeb: {  	_ =	sfence.sel $0x180000  }
0xec: {  	[bflag:$0x0] =	sbarrier.arrive $0xFFFF  }
0xed: {  	_ =	strace $0x9000004D  }
0xee: {  	s0 =	stileid.u32;
	[bflag:$0x2] =	sbarrier.arrive $0xFFFF  }
0xef: {  	p0 =	sne.s32 s0, $0x0;
	s0 =	rddreg [dreg:$0x3]  }
0xf0: {  	s0 =	sadd.s32 @!p0 $0x100000, s0  }
0xf1: {  	[sflag:s0] =	ssyncadd.tile.s32 @!p0 $0x1;
	_ =	shalt  }
.Lfunc_end2:
_tile_overlayer_lowered:
.L_overlay_start_2:
0xf2: {  	(tag) =	ssettag $0x2  }
0xf3: {  	s0 =	rddreg [dreg:$0x0];
	s2 =	stileid.u32  }
0xf4: {  	s1 =	rddreg [dreg:$0x1];
	p0 =	sne.s32 s2, $0x0  }
0xf5: {  	s3 =	rddreg [dreg:$0x2];
	[bflag:$0x3] =	sbarrier.arrive $0xFFFF;
	s2 =	simm.s32 @!p0 $0x1C11  }
0xf6: {  	[timem:s3], [sflag:s2] =	dma.local @!p0 [hbm:s0], s1  }
0xf7: {  	s0 =	simm.s32 @!p0 $0x11  }
0xf8: {  	_ =	swait.ge @!p0 [sflag:s0], s1  }
0xf9: {  	s1 =	ssub.s32 @!p0 $0x0, s1;
	[sflag:s0] =	ssyncset.done @!p0 $0x0  }
0xfa: {  	[sflag:s0] =	ssyncadd.s32 @!p0 s1  }
0xfb: {  	[bflag:$0x3] =	sbarrier.arrive $0xFFFF  }
0xfc: {  	_ =	shalt  }

// kernel: kernel.8.cloned.1.call-start
scs
__scs_entry_jumppad:
0x0: {  	(pc) =	sbr.rel $0x88, $3  }
0x1: {  	(tag) =	ssettag $0x0;
	lr =	simm.s32 $0x1  }
0x2: {  	[smem:$0x3F9B] =	sst lr;
	_ =	strace $0xD0000000  }
0x3: {  	_ = 	snop  }
0x4: {  	_ = 	snop  }
0x5: {  	_ = 	snop  }
0x6: {  	_ = 	snop  }
0x7: {  	_ = 	snop  }
__scs_overlays_trampoline_lowered:
0x8: {  	[smem:$0x3FAA] =	sst s0  }
0x9: {  	[smem:$0x3FAB] =	sst s1  }
0xa: {  	[smem:$0x3FAC] =	sst s2  }
0xb: {  	[smem:$0x3FAD] =	sst s3  }
0xc: {  	[smem:$0x3FAE] =	sst s4  }
0xd: {  	[smem:$0x3FAF] =	sst s5  }
0xe: {  	[smem:$0x3FB0] =	sst s6  }
0xf: {  	[smem:$0x3FB1] =	sst s7  }
0x10: {  	[smem:$0x3FB2] =	sst s8  }
0x11: {  	[smem:$0x3FB3] =	sst s9;
	s0 =	simm.s32 @!p0 $0x0  }
0x12: {  	s1 =	sld [smem:$0x3F99];
	s0 =	simm.s32 @p0 $0x1  }
0x13: {  	[smem:$0x3FB4] =	sst s0;
	s0 =	simm.s32 @!p1 $0x0  }
0x14: {  	s2 =	sld [smem:$0x3F98];
	s0 =	simm.s32 @p1 $0x1  }
0x15: {  	[smem:$0x3FB5] =	sst s0;
	s0 =	simm.s32 @!p2 $0x0  }
0x16: {  	s3 =	sld [smem:$0x3FDB];
	s0 =	simm.s32 @p2 $0x1  }
0x17: {  	s4 =	simm.s32 $0x1BF5;
	[smem:$0x3FB7] =	sst s0  }
0x18: {  	s0 =	sld [smem:$0x3F9A];
	_ =	swait.ge [sflag:s4], $0x0  }
0x19: {  	s7 =	sld [smem:$0x3F9B]  }
0x1a: {  	s8 =	sadd.s32 $0xFFFFE003, lr  }
0x1b: {  	s9 =	sadd.s32 $0xFFFFFEF7, lr;
	s5 =	simm.s32 $0xFFFFFFFF;
	p2 =	slt.u32 s8, $0xFFFFF086  }
0x1c: {  	p1 =	slt.u32 s9, $0xF7A;
	s5 =	simm.s32 @!p2 $0x0  }
0x1d: {  	s5 =	simm.s32 @p1 $0x1;
	p0 =	seq.s32 s7, s2  }
0x1e: {  	s7 =	smul.u32 @!p0 $0xF7A, s2;
	p2 =	seq.s32 @!p0 s5, $0x0  }
0x1f: {  	s9 =	smul.u32 $0xF7A, s1;
	s8 =	simm.s32 @!p0 $0x1BF5;
	p2 =	por !p2, p0  }
0x20: {  	[sflag:s8] =	ssyncset.s32 @!p0 $0xFFFFF086;
	s6 =	sadd.s32 @!p0 s3, s7;
	s7 =	simm.s32 @!p0 $0x108  }
0x21: {  	s3 =	sadd.s32 s3, s9;
	s6 =	sadd.s32 @!p0 $0x88, s6;
	s7 =	simm.s32 @p2 $0x1082  }
0x22: {  	[simem:s7], [sflag:s8] =	dma.local @!p0 [hbm:s6], $0xF7A  }
0x23: {  	s9 =	sor.u32 $0xD0000000, s2;
	s6 =	simm.s32 $0x108;
	_ =	swait.ge @!p0 [sflag:s8], $0x0  }
0x24: {  	s3 =	sadd.s32 $0x88, s3;
	s6 =	simm.s32 @!p1 $0x1082;
	[sflag:s4] =	ssyncset.s32 $0xFFFFF086  }
0x25: {  	[simem:s6], [sflag:s4] =	dma.local [hbm:s3], $0xF7A  }
0x26: {  	[smem:$0x3F9B] =	sst s1;
	(tag) =	ssettag s2;
	_ =	strace s9  }
0x27: {  	s1 =	sld [smem:$0x3FAB]  }
0x28: {  	s2 =	sld [smem:$0x3FAC]  }
0x29: {  	s4 =	sld [smem:$0x3FAE]  }
0x2a: {  	p0 =	seq.s32 s5, $0x0;
	s5 =	sld [smem:$0x3FAF]  }
0x2b: {  	s6 =	sld [smem:$0x3FB0]  }
0x2c: {  	s7 =	sld [smem:$0x3FB1]  }
0x2d: {  	s3 =	simm.s32 $0x108;
	s8 =	sld [smem:$0x3FB2]  }
0x2e: {  	s3 =	simm.s32 @!p0 $0x1082;
	s9 =	sld [smem:$0x3FB3]  }
0x2f: {  	lr =	sadd.s32 s0, s3;
	s0 =	sld [smem:$0x3FAA]  }
0x30: {  	s3 =	sld [smem:$0x3FAD]  }
0x31: {  	[smem:$0x3FB6] =	sst s10  }
0x32: {  	s10 =	sld [smem:$0x3FB4];
	_ =	sdelay $0x3  }
0x33: {  	p0 =	seq.s32 s10, $0x1;
	s10 =	sld [smem:$0x3FB6];
	_ =	sdelay $0x3  }
0x34: {  	[smem:$0x3FB6] =	sst s10  }
0x35: {  	s10 =	sld [smem:$0x3FB5];
	_ =	sdelay $0x3  }
0x36: {  	p1 =	seq.s32 s10, $0x1;
	s10 =	sld [smem:$0x3FB6];
	_ =	sdelay $0x3  }
0x37: {  	[smem:$0x3FB6] =	sst s10  }
0x38: {  	s10 =	sld [smem:$0x3FB7]  }
0x39: {  	_ = 	snop;
	(pc) =	sbr.ind lr, $3  }
0x3a: {  	_ = 	snop  }
0x3b: {  	_ = 	snop  }
0x3c: {  	p2 =	seq.s32 s10, $0x1;
	s10 =	sld [smem:$0x3FB6]  }
0x3d: {  	_ =	shalt  }
0x3e: {  	_ =	shalt  }
0x3f: {  	_ =	shalt  }
0x40: {  	_ =	shalt  }
0x41: {  	_ =	shalt  }
0x42: {  	_ =	shalt  }
0x43: {  	_ =	shalt  }
0x44: {  	_ =	shalt  }
0x45: {  	_ =	shalt  }
0x46: {  	_ =	shalt  }
0x47: {  	_ =	shalt  }
0x48: {  	_ =	shalt  }
0x49: {  	_ =	shalt  }
0x4a: {  	_ =	shalt  }
0x4b: {  	_ =	shalt  }
0x4c: {  	_ =	shalt  }
0x4d: {  	_ =	shalt  }
0x4e: {  	_ =	shalt  }
0x4f: {  	_ =	shalt  }
0x50: {  	_ =	shalt  }
0x51: {  	_ =	shalt  }
0x52: {  	_ =	shalt  }
0x53: {  	_ =	shalt  }
0x54: {  	_ =	shalt  }
0x55: {  	_ =	shalt  }
0x56: {  	_ =	shalt  }
0x57: {  	_ =	shalt  }
0x58: {  	_ =	shalt  }
0x59: {  	_ =	shalt  }
0x5a: {  	_ =	shalt  }
0x5b: {  	_ =	shalt  }
0x5c: {  	_ =	shalt  }
0x5d: {  	_ =	shalt  }
0x5e: {  	_ =	shalt  }
0x5f: {  	_ =	shalt  }
0x60: {  	_ =	shalt  }
0x61: {  	_ =	shalt  }
0x62: {  	_ =	shalt  }
0x63: {  	_ =	shalt  }
0x64: {  	_ =	shalt  }
0x65: {  	_ =	shalt  }
0x66: {  	_ =	shalt  }
0x67: {  	_ =	shalt  }
0x68: {  	_ =	shalt  }
0x69: {  	_ =	shalt  }
0x6a: {  	_ =	shalt  }
0x6b: {  	_ =	shalt  }
0x6c: {  	_ =	shalt  }
0x6d: {  	_ =	shalt  }
0x6e: {  	_ =	shalt  }
0x6f: {  	_ =	shalt  }
0x70: {  	_ =	shalt  }
0x71: {  	_ =	shalt  }
0x72: {  	_ =	shalt  }
0x73: {  	_ =	shalt  }
0x74: {  	_ =	shalt  }
0x75: {  	_ =	shalt  }
0x76: {  	_ =	shalt  }
0x77: {  	_ =	shalt  }
0x78: {  	_ =	shalt  }
0x79: {  	_ =	shalt  }
0x7a: {  	_ =	shalt  }
0x7b: {  	_ =	shalt  }
0x7c: {  	_ =	shalt  }
0x7d: {  	_ =	shalt  }
0x7e: {  	_ =	shalt  }
0x7f: {  	_ =	shalt  }
0x80: {  	_ =	shalt  }
0x81: {  	_ =	shalt  }
0x82: {  	_ =	shalt  }
0x83: {  	_ =	shalt  }
0x84: {  	_ =	shalt  }
0x85: {  	_ =	shalt  }
0x86: {  	_ =	shalt  }
0x87: {  	_ =	shalt  }
.Lfunc_end0:
.L_simem_size_0:
called_computation_lowered:
.L_overlay_start_0:
0x88: {  	s2 =	sld [smem:$0x3FD9]  }
0x89: {  	s3 =	sld [smem:$0x3FFE];
	_ =	sdelay $0x1  }
0x8a: {  	s1 =	srdreg.scid  }
0x8b: {  	s0 =	sand.u32 $0x1, s1  }
0x8c: {  	s17 =	sshll.u32 s0, $0xA;
	s2 =	sadd.s32 s3, s2  }
0x8d: {  	s2 =	sadd.s32 s2, s17  }
0x8e: {  	[smem:$0x3FC2] =	sst s2  }
0x8f: {  	_ = 	snop  }
0x90: {  	s2 =	sld [smem:$0x3FD0];
	(tm) =	ssettm $0x1  }
0x91: {  	s18 =	sld [smem:$0x3FFB];
	_ =	sdelay $0x3  }
0x92: {  	_ =	strace s18  }
0x93: {  	s3 =	sld [smem:$0x3FFC];
	_ =	sdelay $0x3  }
0x94: {  	_ =	strace s3  }
0x95: {  	s3 =	sld [smem:$0x3FFD];
	_ =	sdelay $0x3  }
0x96: {  	_ =	strace s3  }
0x97: {  	_ =	strace $0x8FFFFFFF  }
0x98: {  	s19 =	sld [smem:$0x3FDB];
	_ =	sdelay $0x1  }
0x99: {  	s4 =	simm.s32 $_scs_section_size  }
0x9a: {  	s5 =	simm.s32 $_size__tile_overlayer_lowered;
	s6 =	simm.s32 $_tile_overlayer_lowered  }
0x9b: {  	s22 =	simm.s32 $0x1BFF;
	s21 =	sshll.u32 s6, $0x1;
	s3 =	sadd.s32 s4, s19  }
0x9c: {  	s7 =	simm.s32 $0x0;
	s20 =	sshll.u32 s5, $0x1;
	s5 =	sadd.s32 s21, s3  }
0x9d: {  	[timem:s7], [sflag:s22] =	dma.local [hbm:s5], s20  }
0x9e: {  	_ =	swait.ge [sflag:s22], s20  }
0x9f: {  	s4 =	ssub.s32 $0x0, s20;
	[sflag:s22] =	ssyncset.done $0x0  }
0xa0: {  	[sflag:s22] =	ssyncadd.s32 s4;
	_ =	sdelay $0x1  }
0xa1: {  	s23 =	simm.s32 $0x1B8B  }
0xa2: {  	_ =	swait.ge [sflag:s23], $0x1  }
0xa3: {  	[sflag:s23] =	ssyncset.done $0x0  }
0xa4: {  	s25 =	simm.s32 $0x1B8E;
	s24 =	sld [smem:$0x3FFE];
	[sflag:s23] =	ssyncadd.s32 $0xFFFFFFFF  }
0xa5: {  	s26 =	simm.s32 $execute0_lowered;
	[smem:$0x3FD2] =	sst s25  }
0xa6: {  	s5 =	sshll.u32 s26, $0x1;
	_ =	strace $0x80000046;
	[dreg:$0x1] =	wrdreg $0xFFFFFFFF  }
0xa7: {  	s28 =	simm.s32 $_size_execute0_lowered;
	s3 =	sadd.s32 s3, s5;
	[dreg:$0x0] =	wrdreg $0x0  }
0xa8: {  	s5 =	sshll.u32 s28, $0x1;
	[dreg:$0x2] =	wrdreg s3  }
0xa9: {  	[dreg:$0x3] =	wrdreg s5  }
0xaa: {  	[dreg:$0x4] =	wrdreg $0xC0  }
0xab: {  	_ =	task [dreg:s7], $0x5FFFF  }
0xac: {  	[dreg:$0x1] =	wrdreg $0xFFFFFFFF  }
0xad: {  	[dreg:$0x0] =	wrdreg $0x60  }
0xae: {  	[dreg:$0x2] =	wrdreg s24  }
0xaf: {  	[dreg:$0x3] =	wrdreg s2  }
0xb0: {  	[dreg:$0x4] =	wrdreg $0x0  }
0xb1: {  	[dreg:$0x5] =	wrdreg $0x9  }
0xb2: {  	_ =	task.clear_ibuf [dreg:s7], $0x6FFFF;
	_ =	strace $0x90000046  }
0xb3: {  	s29 =	simm.s32 $0x9;
	_ =	strace $0x80000048  }
0xb4: {  	_ =	swait.ge [sflag:s29], $0x1  }
0xb5: {  	[sflag:s29] =	ssyncadd.s32 $0xFFFFFFFF  }
0xb6: {  	_ =	strace $0x90000048  }
0xb7: {  	_ =	sfence  }
0xb8: {  	s30 =	sld [smem:$0x0];
	_ =	sdelay $0x2  }
0xb9: {  	s31 =	sshll.u32 s1, $0xD;
	s1 =	sshrl.u32 s1, $0x2  }
0xba: {  	s3 =	sand.u32 $0x4000, s31;
	s1 =	sadd.s32 s1, s30  }
0xbb: {  	s0 =	sor.u32 s3, s0;
	s1 =	sshll.u32 s1, $0x11  }
0xbc: {  	s0 =	sor.u32 s1, s0  }
0xbd: {  	s0 =	sadd.s32 $0x8F2B, s0  }
0xbe: {  	[sflag:s0] =	ssyncadd.remote.s32 $0x1  }
0xbf: {  	_ =	sfence.sel $0xFFFF  }
0xc0: {  	[dreg:$0x0] =	wrdreg $0xFFFFFFFF;
	(pc) =	sbr.abs _section_cstart, $3  }
0xc1: {  	[dreg:$0x1] =	wrdreg $0xFFFFFFFF  }
0xc2: {  	_ =	task.clear_ibuf [dreg:s7], $0x2FFFF;
	_ =	strace $0x9FFFFFFF  }
0xc3: {  	(tm) =	ssettm $0x7FFFFFFF  }
tec
execute0_lowered:
.L_overlay_start_1:
0x0: {  	(tag) =	ssettag $0x1  }
0x1: {  	s4 =	rddreg [dreg:$0x0]  }
0x2: {  	s1 =	srdreg.scid;
	s7 =	rddreg [dreg:$0x1]  }
0x3: {  	s0 =	stileid.u32;
	s2 =	rddreg [dreg:$0x2]  }
0x4: {  	s12 =	simm.s32 $0x2A78;
	s13 =	simm.s32 $0x1;
	s6 =	smul.u32 $0xFA0, s0  }
0x5: {  	s5 =	sand.u32 $0x1, s1;
	s29 =	sshll.u32 s0, $0x1;
	s10 =	smul.u32 $0x3E8, s0  }
0x6: {  	s3 =	sor.u32 s5, s29;
	s9 =	ssub.s32 $0x2, s5;
	s5 =	smul.u32 $0x2710, s5  }
0x7: {  	s1 =	rddreg [dreg:$0x3];
	p0 =	sgt.u32 s0, $0x9;
	s8 =	smul.u32 $0x2800, s3  }
0x8: {  	s3 =	simm.s32 $0x0;
	s11 =	sshrl.u32 s9, $0x1;
	s6 =	sshrl.u32 s6, $0x2  }
0x9: {  	[smem:$0x7FF] =	sst s3;
	s9 =	ssub.s32 s9, s11;
	s30 =	sadd.s32 s10, s5  }
0xa: {  	s11 =	simm.s32 $0x80;
	_ =	strace $0x80000047;
	s8 =	sshrl.u32 s8, $0x3  }
0xb: {  	s31 =	sshrl.u32 s30, $0x3;
	s8 =	sadd.s32 s4, s8;
	s4 =	sadd.s32 s6, s2  }
0xc: {  	s6 =	sadd.s32 s10, s2;
	s7 =	sadd.s32 s7, s31;
	s10 =	simm.s32 $0x2  }
0xd: {  	v0 =	vimm.f32 $0.0e+00;
	v1 =	vimm.f32 $1.000000000e+00;
	s5 =	sadd.s32 $0xBC00, s8;
	s8 =	smax.u32 s9, $0x1;
	s9 =	simm.s32 $0x278  }
.LBB2_1:
0xe: {  	s14 =	simm.s32 $0x40;
	s15 =	simm.s32 $0x0  }
.LBB2_2:
0xf: {  	p1 =	sne.s32 s14, $0xF80;
	[tilespmem:s15+$0x2AF8] =	vst v0;
	s15 =	smov.u32 s14;
	s14 =	sadd.s32 $0x40, s14  }
.Ltmp0:
0x10: {  	(pc) =	sbr.rel @p1 .LBB2_2-.Ltmp0, $2  }
0x11: {  	_ =	sdelay $0x2  }
0x12: {  	s15 =	sshra.s32 s15, $0x2  }
0x13: {  	[tilespmem:s15+$0x2AF8] =	vst v0;
	s14 =	simm.s32 @!p0 $0x2AF8  }
0x14: {  	[spmem:s4] =	stream.linear.scatter @!p0 [tilespmem:s14], [sflag:$0x2], $0x3E8, $0x38;
	[tilespmem:$0x2EE8] =	vst v63  }
0x15: {  	s14 =	simm.s32 @!p0 $0x2  }
0x16: {  	_ =	swait.ge @!p0 [sflag:s14], $0x3E8  }
0x17: {  	[sflag:s14] =	ssyncset.done @!p0 $0x0  }
0x18: {  	[sflag:s14] =	ssyncadd.s32 @!p0 $0xFFFFFC18  }
0x19: {  	[tilespmem:$0x2A78] =	vst v1  }
0x1a: {  	[tilespmem:$0x2A88] =	vst v1  }
0x1b: {  	[tilespmem:$0x2A98] =	vst v1  }
0x1c: {  	[tilespmem:$0x2AA8] =	vst v1  }
0x1d: {  	[tilespmem:$0x2AB8] =	vst v1  }
0x1e: {  	[tilespmem:$0x2AC8] =	vst v1  }
0x1f: {  	[tilespmem:$0x2AD8] =	vst v1  }
0x20: {  	[tilespmem:$0x2AE8] =	vst v1  }
0x21: {  	s14 =	simm.s32 $0x0;
	[bflag:$0x0] =	sbarrier.arrive $0xFFFF  }
0x22: {  	[tilespmem:s9], [sflag:$0x2] =	stream.linear.gather [hbm4b:s5+s14], $0x2800, $0x38;
	[tilespmem:$0x2EE8] =	vst v63  }
0x23: {  	_ =	swait.ge [sflag:s10], $0x2800  }
0x24: {  	[sflag:s10] =	ssyncset.done $0x0  }
0x25: {  	p1 =	por $0x1, $0x1;
	[sflag:s10] =	ssyncadd.s32 $0xFFFFD800  }
.LBB2_4:
0x26: {  	s14 =	sshra.s32 s14, $0x2  }
0x27: {  	s15 =	sadd.s32 $0x278, s14  }
0x28: {  	[spmem:s2] =	stream.indirect.scatter.add.f32 [tilespmem:s12], [sflag:$0x1], $0x1, s15, s11, $0xb8;
	[tilespmem:$0x2EE8] =	vst v63  }
0x29: {  	s23 =	sadd.s32 $0x2F8, s14  }
0x2a: {  	[spmem:s2] =	stream.indirect.scatter.add.f32 [tilespmem:s12], [sflag:$0x1], $0x1, s23, s11, $0xb8;
	[tilespmem:$0x2EE8] =	vst v63  }
0x2b: {  	s24 =	sadd.s32 $0x378, s14  }
0x2c: {  	[spmem:s2] =	stream.indirect.scatter.add.f32 [tilespmem:s12], [sflag:$0x1], $0x1, s24, s11, $0xb8;
	[tilespmem:$0x2EE8] =	vst v63  }
0x2d: {  	s25 =	sadd.s32 $0x3F8, s14  }
0x2e: {  	[spmem:s2] =	stream.indirect.scatter.add.f32 [tilespmem:s12], [sflag:$0x1], $0x1, s25, s11, $0xb8;
	[tilespmem:$0x2EE8] =	vst v63  }
0x2f: {  	s26 =	sadd.s32 $0x478, s14  }
0x30: {  	[spmem:s2] =	stream.indirect.scatter.add.f32 [tilespmem:s12], [sflag:$0x1], $0x1, s26, s11, $0xb8;
	[tilespmem:$0x2EE8] =	vst v63  }
0x31: {  	s28 =	sadd.s32 $0x4F8, s14  }
0x32: {  	[spmem:s2] =	stream.indirect.scatter.add.f32 [tilespmem:s12], [sflag:$0x1], $0x1, s28, s11, $0xb8;
	[tilespmem:$0x2EE8] =	vst v63  }
0x33: {  	s29 =	sadd.s32 $0x578, s14  }
0x34: {  	[spmem:s2] =	stream.indirect.scatter.add.f32 [tilespmem:s12], [sflag:$0x1], $0x1, s29, s11, $0xb8;
	[tilespmem:$0x2EE8] =	vst v63  }
0x35: {  	s30 =	sadd.s32 $0x5F8, s14  }
0x36: {  	[spmem:s2] =	stream.indirect.scatter.add.f32 [tilespmem:s12], [sflag:$0x1], $0x1, s30, s11, $0xb8;
	[tilespmem:$0x2EE8] =	vst v63  }
0x37: {  	s31 =	sadd.s32 $0x678, s14  }
0x38: {  	[spmem:s2] =	stream.indirect.scatter.add.f32 [tilespmem:s12], [sflag:$0x1], $0x1, s31, s11, $0xb8;
	[tilespmem:$0x2EE8] =	vst v63  }
0x39: {  	s16 =	sadd.s32 $0x6F8, s14  }
0x3a: {  	[spmem:s2] =	stream.indirect.scatter.add.f32 [tilespmem:s12], [sflag:$0x1], $0x1, s16, s11, $0xb8;
	[tilespmem:$0x2EE8] =	vst v63  }
0x3b: {  	s17 =	sadd.s32 $0x778, s14  }
0x3c: {  	[spmem:s2] =	stream.indirect.scatter.add.f32 [tilespmem:s12], [sflag:$0x1], $0x1, s17, s11, $0xb8;
	[tilespmem:$0x2EE8] =	vst v63  }
0x3d: {  	s18 =	sadd.s32 $0x7F8, s14  }
0x3e: {  	[spmem:s2] =	stream.indirect.scatter.add.f32 [tilespmem:s12], [sflag:$0x1], $0x1, s18, s11, $0xb8;
	[tilespmem:$0x2EE8] =	vst v63  }
0x3f: {  	s19 =	sadd.s32 $0x878, s14  }
0x40: {  	[spmem:s2] =	stream.indirect.scatter.add.f32 [tilespmem:s12], [sflag:$0x1], $0x1, s19, s11, $0xb8;
	[tilespmem:$0x2EE8] =	vst v63  }
0x41: {  	s20 =	sadd.s32 $0x8F8, s14  }
0x42: {  	[spmem:s2] =	stream.indirect.scatter.add.f32 [tilespmem:s12], [sflag:$0x1], $0x1, s20, s11, $0xb8;
	[tilespmem:$0x2EE8] =	vst v63  }
0x43: {  	s21 =	sadd.s32 $0x978, s14  }
0x44: {  	[spmem:s2] =	stream.indirect.scatter.add.f32 [tilespmem:s12], [sflag:$0x1], $0x1, s21, s11, $0xb8;
	[tilespmem:$0x2EE8] =	vst v63  }
0x45: {  	s22 =	sadd.s32 $0x9F8, s14  }
0x46: {  	[spmem:s2] =	stream.indirect.scatter.add.f32 [tilespmem:s12], [sflag:$0x1], $0x1, s22, s11, $0xb8;
	[tilespmem:$0x2EE8] =	vst v63  }
0x47: {  	s23 =	sadd.s32 $0xA78, s14  }
0x48: {  	[spmem:s2] =	stream.indirect.scatter.add.f32 [tilespmem:s12], [sflag:$0x1], $0x1, s23, s11, $0xb8;
	[tilespmem:$0x2EE8] =	vst v63  }
0x49: {  	s24 =	sadd.s32 $0xAF8, s14  }
0x4a: {  	[spmem:s2] =	stream.indirect.scatter.add.f32 [tilespmem:s12], [sflag:$0x1], $0x1, s24, s11, $0xb8;
	[tilespmem:$0x2EE8] =	vst v63  }
0x4b: {  	s25 =	sadd.s32 $0xB78, s14  }
0x4c: {  	[spmem:s2] =	stream.indirect.scatter.add.f32 [tilespmem:s12], [sflag:$0x1], $0x1, s25, s11, $0xb8;
	[tilespmem:$0x2EE8] =	vst v63  }
0x4d: {  	s26 =	sadd.s32 $0xBF8, s14  }
0x4e: {  	[spmem:s2] =	stream.indirect.scatter.add.f32 [tilespmem:s12], [sflag:$0x1], $0x1, s26, s11, $0xb8;
	[tilespmem:$0x2EE8] =	vst v63  }
0x4f: {  	s28 =	sadd.s32 $0xC78, s14  }
0x50: {  	[spmem:s2] =	stream.indirect.scatter.add.f32 [tilespmem:s12], [sflag:$0x1], $0x1, s28, s11, $0xb8;
	[tilespmem:$0x2EE8] =	vst v63  }
0x51: {  	s29 =	sadd.s32 $0xCF8, s14  }
0x52: {  	[spmem:s2] =	stream.indirect.scatter.add.f32 [tilespmem:s12], [sflag:$0x1], $0x1, s29, s11, $0xb8;
	[tilespmem:$0x2EE8] =	vst v63  }
0x53: {  	s30 =	sadd.s32 $0xD78, s14  }
0x54: {  	[spmem:s2] =	stream.indirect.scatter.add.f32 [tilespmem:s12], [sflag:$0x1], $0x1, s30, s11, $0xb8;
	[tilespmem:$0x2EE8] =	vst v63  }
0x55: {  	s31 =	sadd.s32 $0xDF8, s14  }
0x56: {  	[spmem:s2] =	stream.indirect.scatter.add.f32 [tilespmem:s12], [sflag:$0x1], $0x1, s31, s11, $0xb8;
	[tilespmem:$0x2EE8] =	vst v63  }
0x57: {  	s16 =	sadd.s32 $0xE78, s14  }
0x58: {  	[spmem:s2] =	stream.indirect.scatter.add.f32 [tilespmem:s12], [sflag:$0x1], $0x1, s16, s11, $0xb8;
	[tilespmem:$0x2EE8] =	vst v63  }
0x59: {  	s17 =	sadd.s32 $0xEF8, s14  }
0x5a: {  	[spmem:s2] =	stream.indirect.scatter.add.f32 [tilespmem:s12], [sflag:$0x1], $0x1, s17, s11, $0xb8;
	[tilespmem:$0x2EE8] =	vst v63  }
0x5b: {  	s18 =	sadd.s32 $0xF78, s14  }
0x5c: {  	[spmem:s2] =	stream.indirect.scatter.add.f32 [tilespmem:s12], [sflag:$0x1], $0x1, s18, s11, $0xb8;
	[tilespmem:$0x2EE8] =	vst v63  }
0x5d: {  	s19 =	sadd.s32 $0xFF8, s14  }
0x5e: {  	[spmem:s2] =	stream.indirect.scatter.add.f32 [tilespmem:s12], [sflag:$0x1], $0x1, s19, s11, $0xb8;
	[tilespmem:$0x2EE8] =	vst v63  }
0x5f: {  	s20 =	sadd.s32 $0x1078, s14  }
0x60: {  	[spmem:s2] =	stream.indirect.scatter.add.f32 [tilespmem:s12], [sflag:$0x1], $0x1, s20, s11, $0xb8;
	[tilespmem:$0x2EE8] =	vst v63  }
0x61: {  	s21 =	sadd.s32 $0x10F8, s14  }
0x62: {  	[spmem:s2] =	stream.indirect.scatter.add.f32 [tilespmem:s12], [sflag:$0x1], $0x1, s21, s11, $0xb8;
	[tilespmem:$0x2EE8] =	vst v63  }
0x63: {  	s22 =	sadd.s32 $0x1178, s14  }
0x64: {  	[spmem:s2] =	stream.indirect.scatter.add.f32 [tilespmem:s12], [sflag:$0x1], $0x1, s22, s11, $0xb8;
	[tilespmem:$0x2EE8] =	vst v63  }
0x65: {  	s23 =	sadd.s32 $0x11F8, s14  }
0x66: {  	[spmem:s2] =	stream.indirect.scatter.add.f32 [tilespmem:s12], [sflag:$0x1], $0x1, s23, s11, $0xb8;
	[tilespmem:$0x2EE8] =	vst v63  }
0x67: {  	s24 =	sadd.s32 $0x1278, s14  }
0x68: {  	[spmem:s2] =	stream.indirect.scatter.add.f32 [tilespmem:s12], [sflag:$0x1], $0x1, s24, s11, $0xb8;
	[tilespmem:$0x2EE8] =	vst v63  }
0x69: {  	s25 =	sadd.s32 $0x12F8, s14  }
0x6a: {  	[spmem:s2] =	stream.indirect.scatter.add.f32 [tilespmem:s12], [sflag:$0x1], $0x1, s25, s11, $0xb8;
	[tilespmem:$0x2EE8] =	vst v63  }
0x6b: {  	s26 =	sadd.s32 $0x1378, s14  }
0x6c: {  	[spmem:s2] =	stream.indirect.scatter.add.f32 [tilespmem:s12], [sflag:$0x1], $0x1, s26, s11, $0xb8;
	[tilespmem:$0x2EE8] =	vst v63  }
0x6d: {  	s28 =	sadd.s32 $0x13F8, s14  }
0x6e: {  	[spmem:s2] =	stream.indirect.scatter.add.f32 [tilespmem:s12], [sflag:$0x1], $0x1, s28, s11, $0xb8;
	[tilespmem:$0x2EE8] =	vst v63  }
0x6f: {  	s29 =	sadd.s32 $0x1478, s14  }
0x70: {  	[spmem:s2] =	stream.indirect.scatter.add.f32 [tilespmem:s12], [sflag:$0x1], $0x1, s29, s11, $0xb8;
	[tilespmem:$0x2EE8] =	vst v63  }
0x71: {  	s30 =	sadd.s32 $0x14F8, s14  }
0x72: {  	[spmem:s2] =	stream.indirect.scatter.add.f32 [tilespmem:s12], [sflag:$0x1], $0x1, s30, s11, $0xb8;
	[tilespmem:$0x2EE8] =	vst v63  }
0x73: {  	s31 =	sadd.s32 $0x1578, s14  }
0x74: {  	[spmem:s2] =	stream.indirect.scatter.add.f32 [tilespmem:s12], [sflag:$0x1], $0x1, s31, s11, $0xb8;
	[tilespmem:$0x2EE8] =	vst v63  }
0x75: {  	s14 =	sadd.s32 $0x15F8, s14  }
0x76: {  	[spmem:s2] =	stream.indirect.scatter.add.f32 [tilespmem:s12], [sflag:$0x1], $0x1, s14, s11, $0xb8;
	[tilespmem:$0x2EE8] =	vst v63  }
0x77: {  	_ =	swait.ge [sflag:s13], $0x80  }
0x78: {  	[sflag:s13] =	ssyncset.done $0x0  }
0x79: {  	[sflag:s13] =	ssyncadd.s32 $0xFFFFFF80  }
0x7a: {  	_ =	swait.ge [sflag:s13], $0x80  }
0x7b: {  	[sflag:s13] =	ssyncset.done $0x0  }
0x7c: {  	[sflag:s13] =	ssyncadd.s32 $0xFFFFFF80  }
0x7d: {  	_ =	swait.ge [sflag:s13], $0x80  }
0x7e: {  	[sflag:s13] =	ssyncset.done $0x0  }
0x7f: {  	[sflag:s13] =	ssyncadd.s32 $0xFFFFFF80  }
0x80: {  	_ =	swait.ge [sflag:s13], $0x80  }
0x81: {  	[sflag:s13] =	ssyncset.done $0x0  }
0x82: {  	[sflag:s13] =	ssyncadd.s32 $0xFFFFFF80  }
0x83: {  	_ =	swait.ge [sflag:s13], $0x80  }
0x84: {  	[sflag:s13] =	ssyncset.done $0x0  }
0x85: {  	[sflag:s13] =	ssyncadd.s32 $0xFFFFFF80  }
0x86: {  	_ =	swait.ge [sflag:s13], $0x80  }
0x87: {  	[sflag:s13] =	ssyncset.done $0x0  }
0x88: {  	[sflag:s13] =	ssyncadd.s32 $0xFFFFFF80  }
0x89: {  	_ =	swait.ge [sflag:s13], $0x80  }
0x8a: {  	[sflag:s13] =	ssyncset.done $0x0  }
0x8b: {  	[sflag:s13] =	ssyncadd.s32 $0xFFFFFF80  }
0x8c: {  	_ =	swait.ge [sflag:s13], $0x80  }
0x8d: {  	[sflag:s13] =	ssyncset.done $0x0  }
0x8e: {  	[sflag:s13] =	ssyncadd.s32 $0xFFFFFF80  }
0x8f: {  	_ =	swait.ge [sflag:s13], $0x80  }
0x90: {  	[sflag:s13] =	ssyncset.done $0x0  }
0x91: {  	[sflag:s13] =	ssyncadd.s32 $0xFFFFFF80  }
0x92: {  	_ =	swait.ge [sflag:s13], $0x80  }
0x93: {  	[sflag:s13] =	ssyncset.done $0x0  }
0x94: {  	[sflag:s13] =	ssyncadd.s32 $0xFFFFFF80  }
0x95: {  	_ =	swait.ge [sflag:s13], $0x80  }
0x96: {  	[sflag:s13] =	ssyncset.done $0x0  }
0x97: {  	[sflag:s13] =	ssyncadd.s32 $0xFFFFFF80  }
0x98: {  	_ =	swait.ge [sflag:s13], $0x80  }
0x99: {  	[sflag:s13] =	ssyncset.done $0x0  }
0x9a: {  	[sflag:s13] =	ssyncadd.s32 $0xFFFFFF80  }
0x9b: {  	_ =	swait.ge [sflag:s13], $0x80  }
0x9c: {  	[sflag:s13] =	ssyncset.done $0x0  }
0x9d: {  	[sflag:s13] =	ssyncadd.s32 $0xFFFFFF80  }
0x9e: {  	_ =	swait.ge [sflag:s13], $0x80  }
0x9f: {  	[sflag:s13] =	ssyncset.done $0x0  }
0xa0: {  	[sflag:s13] =	ssyncadd.s32 $0xFFFFFF80  }
0xa1: {  	_ =	swait.ge [sflag:s13], $0x80  }
0xa2: {  	[sflag:s13] =	ssyncset.done $0x0  }
0xa3: {  	[sflag:s13] =	ssyncadd.s32 $0xFFFFFF80  }
0xa4: {  	_ =	swait.ge [sflag:s13], $0x80  }
0xa5: {  	[sflag:s13] =	ssyncset.done $0x0  }
0xa6: {  	[sflag:s13] =	ssyncadd.s32 $0xFFFFFF80  }
0xa7: {  	_ =	swait.ge [sflag:s13], $0x80  }
0xa8: {  	[sflag:s13] =	ssyncset.done $0x0  }
0xa9: {  	[sflag:s13] =	ssyncadd.s32 $0xFFFFFF80  }
0xaa: {  	_ =	swait.ge [sflag:s13], $0x80  }
0xab: {  	[sflag:s13] =	ssyncset.done $0x0  }
0xac: {  	[sflag:s13] =	ssyncadd.s32 $0xFFFFFF80  }
0xad: {  	_ =	swait.ge [sflag:s13], $0x80  }
0xae: {  	[sflag:s13] =	ssyncset.done $0x0  }
0xaf: {  	[sflag:s13] =	ssyncadd.s32 $0xFFFFFF80  }
0xb0: {  	_ =	swait.ge [sflag:s13], $0x80  }
0xb1: {  	[sflag:s13] =	ssyncset.done $0x0  }
0xb2: {  	[sflag:s13] =	ssyncadd.s32 $0xFFFFFF80  }
0xb3: {  	_ =	swait.ge [sflag:s13], $0x80  }
0xb4: {  	[sflag:s13] =	ssyncset.done $0x0  }
0xb5: {  	[sflag:s13] =	ssyncadd.s32 $0xFFFFFF80  }
0xb6: {  	_ =	swait.ge [sflag:s13], $0x80  }
0xb7: {  	[sflag:s13] =	ssyncset.done $0x0  }
0xb8: {  	[sflag:s13] =	ssyncadd.s32 $0xFFFFFF80  }
0xb9: {  	_ =	swait.ge [sflag:s13], $0x80  }
0xba: {  	[sflag:s13] =	ssyncset.done $0x0  }
0xbb: {  	[sflag:s13] =	ssyncadd.s32 $0xFFFFFF80  }
0xbc: {  	_ =	swait.ge [sflag:s13], $0x80  }
0xbd: {  	[sflag:s13] =	ssyncset.done $0x0  }
0xbe: {  	[sflag:s13] =	ssyncadd.s32 $0xFFFFFF80  }
0xbf: {  	_ =	swait.ge [sflag:s13], $0x80  }
0xc0: {  	[sflag:s13] =	ssyncset.done $0x0  }
0xc1: {  	[sflag:s13] =	ssyncadd.s32 $0xFFFFFF80  }
0xc2: {  	_ =	swait.ge [sflag:s13], $0x80  }
0xc3: {  	[sflag:s13] =	ssyncset.done $0x0  }
0xc4: {  	[sflag:s13] =	ssyncadd.s32 $0xFFFFFF80  }
0xc5: {  	_ =	swait.ge [sflag:s13], $0x80  }
0xc6: {  	[sflag:s13] =	ssyncset.done $0x0  }
0xc7: {  	[sflag:s13] =	ssyncadd.s32 $0xFFFFFF80  }
0xc8: {  	_ =	swait.ge [sflag:s13], $0x80  }
0xc9: {  	[sflag:s13] =	ssyncset.done $0x0  }
0xca: {  	[sflag:s13] =	ssyncadd.s32 $0xFFFFFF80  }
0xcb: {  	_ =	swait.ge [sflag:s13], $0x80  }
0xcc: {  	[sflag:s13] =	ssyncset.done $0x0  }
0xcd: {  	[sflag:s13] =	ssyncadd.s32 $0xFFFFFF80  }
0xce: {  	_ =	swait.ge [sflag:s13], $0x80  }
0xcf: {  	[sflag:s13] =	ssyncset.done $0x0  }
0xd0: {  	[sflag:s13] =	ssyncadd.s32 $0xFFFFFF80  }
0xd1: {  	_ =	swait.ge [sflag:s13], $0x80  }
0xd2: {  	[sflag:s13] =	ssyncset.done $0x0  }
0xd3: {  	[sflag:s13] =	ssyncadd.s32 $0xFFFFFF80  }
0xd4: {  	_ =	swait.ge [sflag:s13], $0x80  }
0xd5: {  	[sflag:s13] =	ssyncset.done $0x0  }
0xd6: {  	[sflag:s13] =	ssyncadd.s32 $0xFFFFFF80  }
0xd7: {  	_ =	swait.ge [sflag:s13], $0x80  }
0xd8: {  	[sflag:s13] =	ssyncset.done $0x0  }
0xd9: {  	[sflag:s13] =	ssyncadd.s32 $0xFFFFFF80  }
0xda: {  	_ =	swait.ge [sflag:s13], $0x80  }
0xdb: {  	[sflag:s13] =	ssyncset.done $0x0  }
0xdc: {  	[sflag:s13] =	ssyncadd.s32 $0xFFFFFF80  }
0xdd: {  	_ =	swait.ge [sflag:s13], $0x80  }
0xde: {  	[sflag:s13] =	ssyncset.done $0x0  }
0xdf: {  	[sflag:s13] =	ssyncadd.s32 $0xFFFFFF80  }
0xe0: {  	_ =	swait.ge [sflag:s13], $0x80  }
0xe1: {  	[sflag:s13] =	ssyncset.done $0x0  }
0xe2: {  	[sflag:s13] =	ssyncadd.s32 $0xFFFFFF80  }
0xe3: {  	_ =	swait.ge [sflag:s13], $0x80  }
0xe4: {  	[sflag:s13] =	ssyncset.done $0x0  }
0xe5: {  	[sflag:s13] =	ssyncadd.s32 $0xFFFFFF80  }
0xe6: {  	_ =	swait.ge [sflag:s13], $0x80  }
0xe7: {  	[sflag:s13] =	ssyncset.done $0x0  }
0xe8: {  	[sflag:s13] =	ssyncadd.s32 $0xFFFFFF80  }
0xe9: {  	p2 =	por p1, p1;
	_ =	swait.ge [sflag:s13], $0x80  }
.Ltmp1:
0xea: {  	[sflag:s13] =	ssyncset.done $0x0;
	(pc) =	sbr.rel @p2 .LBB2_4-.Ltmp1, $4  }
0xeb: {  	[sflag:s13] =	ssyncadd.s32 $0xFFFFFF80  }
0xec: {  	_ =	swait.ge [sflag:s13], $0x80  }
0xed: {  	[sflag:s13] =	ssyncset.done $0x0  }
0xee: {  	p1 =	por $0x0, $0x0;
	s14 =	simm.s32 $0x5000;
	[sflag:s13] =	ssyncadd.s32 $0xFFFFFF80  }
0xef: {  	[bflag:$0x0] =	sbarrier.arrive $0xFFFF;
	s14 =	simm.s32 @!p0 $0x2AF8;
	s15 =	simm.s32 @!p0 $0x2  }
0xf0: {  	[tilespmem:s14], [sflag:$0x2] =	stream.linear.gather @!p0 [spmem:s6], $0x3E8, $0x38;
	[tilespmem:$0x2EE8] =	vst v63  }
0xf1: {  	s3 =	sadd.s32 $0x1, s3;
	_ =	swait.ge @!p0 [sflag:s15], $0x3E8  }
0xf2: {  	p1 =	sne.s32 s3, s8;
	[sflag:s15] =	ssyncset.done @!p0 $0x0  }
.Ltmp2:
0xf3: {  	s16 =	simm.s32 @!p0 $0x0;
	[sflag:s15] =	ssyncadd.s32 @!p0 $0xFFFFFC18;
	(pc) =	sbr.rel @p1 .LBB2_1-.Ltmp2, $4  }
0xf4: {  	[hbm4b:s7+s16] =	stream.linear.scatter @!p0 [tilespmem:s14], [sflag:$0x2], $0x3E8, $0x38;
	[tilespmem:$0x2EE8] =	vst v63  }
0xf5: {  	_ =	swait.ge @!p0 [sflag:s15], $0x3E8  }
0xf6: {  	[sflag:s15] =	ssyncset.done @!p0 $0x0  }
0xf7: {  	[sflag:s15] =	ssyncadd.s32 @!p0 $0xFFFFFC18  }
0xf8: {  	_ =	sfence.sel $0x180000  }
0xf9: {  	[bflag:$0x0] =	sbarrier.arrive $0xFFFF  }
0xfa: {  	p0 =	sne.s32 s0, $0x0;
	_ =	strace $0x90000047  }
0xfb: {  	s0 =	sadd.s32 @!p0 $0x100000, s1;
	[bflag:$0x2] =	sbarrier.arrive $0xFFFF  }
0xfc: {  	[sflag:s0] =	ssyncadd.tile.s32 @!p0 $0x1;
	_ =	shalt  }
.Lfunc_end2:
_tile_overlayer_lowered:
.L_overlay_start_2:
0xfd: {  	(tag) =	ssettag $0x2  }
0xfe: {  	s0 =	rddreg [dreg:$0x0];
	s2 =	stileid.u32  }
0xff: {  	s1 =	rddreg [dreg:$0x1];
	p0 =	sne.s32 s2, $0x0  }
0x100: {  	s3 =	rddreg [dreg:$0x2];
	[bflag:$0x3] =	sbarrier.arrive $0xFFFF;
	s2 =	simm.s32 @!p0 $0x1C02  }
0x101: {  	[timem:s3], [sflag:s2] =	dma.local @!p0 [hbm:s0], s1  }
0x102: {  	s0 =	simm.s32 @!p0 $0x2  }
0x103: {  	_ =	swait.ge @!p0 [sflag:s0], s1  }
0x104: {  	s1 =	ssub.s32 @!p0 $0x0, s1;
	[sflag:s0] =	ssyncset.done @!p0 $0x0  }
0x105: {  	[sflag:s0] =	ssyncadd.s32 @!p0 s1  }
0x106: {  	[bflag:$0x3] =	sbarrier.arrive $0xFFFF  }
0x107: {  	_ =	shalt  }

</sc_bundles>
